<compile_context>
chip_gen: v7x
topology: tpu7x:2x2x1
jax: 0.10.2.dev20260603
libtpu: 0.0.44.dev20260713+nightly
codegen_flags: <defaults>
</compile_context>

<pallas_src>
import functools

import jax
import jax.numpy as jnp
from jax import lax
from jax.experimental import pallas as pl
from jax.experimental.pallas import tpu as pltpu
from jax.experimental.pallas import tpu_sc as plsc

_CROP_RATIO = 0.6
_MIN_LENGTH = 3
_MASK_RATIO = 0.3
_REORDER_RATIO = 0.5
_MIN_W = 2
_MAX_W = 5
_COLS = 1024
_CHUNK = 128


def _splat(v, i):
    idx = jnp.full((16, 1), i, jnp.int32)
    dn = lax.GatherDimensionNumbers(
        offset_dims=(), collapsed_slice_dims=(0,), start_index_map=(0,))
    return lax.gather(v, idx, dn, slice_sizes=(1,),
                      mode=lax.GatherScatterMode.PROMISE_IN_BOUNDS)


def _crop_sc_body(seq_hbm, start_hbm, clen_hbm, out_hbm,
                  inbuf, outbuf, startv, clenv):
    B, L = seq_hbm.shape
    nw = 32
    rows_pw = B // nw
    wid = lax.axis_index("s") * 2 + lax.axis_index("c")
    wbase = wid * rows_pw
    pltpu.sync_copy(start_hbm.at[pl.ds(wbase, rows_pw)], startv)
    pltpu.sync_copy(clen_hbm.at[pl.ds(wbase, rows_pw)], clenv)
    lane0 = lax.iota(jnp.int32, 16)
    nsteps = (L + 15) // 16

    def do_chunk(ci, _):
        cbase = wbase + ci * _CHUNK
        pltpu.sync_copy(seq_hbm.at[pl.ds(cbase, _CHUNK)], inbuf)

        def do_group(gi, __):
            st16 = startv[pl.ds(ci * _CHUNK + gi * 16, 16)]
            cl16 = clenv[pl.ds(ci * _CHUNK + gi * 16, 16)]
            for rr in range(16):
                sv = _splat(st16, rr)
                cv = _splat(cl16, rr)
                rv = jnp.full((16,), gi * 16 + rr, jnp.int32)
                for i in range(nsteps):
                    lane = lane0 + 16 * i
                    col = jnp.minimum(sv + lane, L - 1)
                    g = plsc.load_gather(inbuf, [rv, col])
                    outv = jnp.where(lane < cv, g, 0)
                    if 16 * (i + 1) <= L:
                        plsc.store_scatter(outbuf, [rv, lane], outv)
                    else:
                        plsc.store_scatter(outbuf, [rv, lane], outv,
                                           mask=lane < L)
            return __

        lax.fori_loop(0, _CHUNK // 16, do_group, 0)
        pltpu.sync_copy(outbuf, out_hbm.at[pl.ds(cbase, _CHUNK)])
        return _

    lax.fori_loop(0, rows_pw // _CHUNK, do_chunk, 0)


def _crop_sc(item_seq, start_eff, clen_eff):
    B, L = item_seq.shape
    mesh = plsc.VectorSubcoreMesh(core_axis_name="c", subcore_axis_name="s")
    f = functools.partial(
        pl.kernel,
        mesh=mesh,
        compiler_params=pltpu.CompilerParams(needs_layout_passes=False),
        out_type=jax.ShapeDtypeStruct((B, L), jnp.int32),
        scratch_types=[
            pltpu.VMEM((_CHUNK, L), jnp.int32),
            pltpu.VMEM((_CHUNK, L), jnp.int32),
            pltpu.VMEM((B // 32,), jnp.int32),
            pltpu.VMEM((B // 32,), jnp.int32),
        ],
    )(_crop_sc_body)
    return f(item_seq, start_eff, clen_eff)


def _aug_body(seq_ref, len_ref, sc_ref, uw_ref, us_ref, r8_ref,
              ua_ref, mask_ref, reord_ref):
    seq = seq_ref[...]
    lens = len_ref[...]
    L, C = seq.shape
    pos = lax.broadcasted_iota(jnp.int32, (L, C), 0)
    zero = jnp.zeros_like(seq)

    valid = (seq != 0) & (pos < lens)
    vi = valid.astype(jnp.int32)
    n_valid = jnp.sum(vi, axis=0, keepdims=True)
    num_to_mask = jnp.minimum(
        jnp.maximum(1, (n_valid.astype(jnp.float32) * _MASK_RATIO).astype(jnp.int32)),
        n_valid)
    sc = jnp.where(valid, sc_ref[...], 2.0)
    kp1 = jnp.clip(num_to_mask - 1, 0, L - 1) + 1
    lo = jnp.zeros_like(lens)
    hi = jnp.full_like(lens, 1 << 23)
    for _ in range(24):
        mid = (lo + hi) >> 1
        t = lax.bitcast_convert_type(mid + 0x3F800000, jnp.float32) - 1.0
        cnt = jnp.sum((sc <= t).astype(jnp.int32), axis=0, keepdims=True)
        ge = cnt >= kp1
        hi = jnp.where(ge, mid, hi)
        lo = jnp.where(ge, lo, mid + 1)
    thresh = lax.bitcast_convert_type(hi + 0x3F800000, jnp.float32) - 1.0
    apply_m = (lens > 1) & (n_valid > 0)
    to_mask = valid & (sc <= thresh)
    mask_ref[...] = jnp.where(apply_m & to_mask, zero, seq)

    max_possible = jnp.minimum(n_valid, _MAX_W)
    w = _MIN_W + jnp.floor(
        uw_ref[...] * jnp.maximum(max_possible - _MIN_W + 1, 1).astype(jnp.float32)
    ).astype(jnp.int32)
    w = jnp.clip(w, _MIN_W, jnp.maximum(max_possible, _MIN_W))
    max_start2 = jnp.maximum(n_valid - w + 1, 1)
    s = jnp.minimum(
        jnp.floor(us_ref[...] * max_start2.astype(jnp.float32)).astype(jnp.int32),
        max_start2 - 1)
    applied = (ua_ref[...] <= _REORDER_RATIO) & (lens > _MIN_W) & (n_valid >= _MIN_W)

    c = vi
    sh = 1
    while sh < L:
        moved = jnp.concatenate(
            [jnp.zeros((sh, C), jnp.int32), c[:L - sh, :]], axis=0)
        c = c + moved
        sh <<= 1
    excl = c - vi

    posk, valk = [], []
    for k in range(_MAX_W):
        hit = valid & (excl == s + k)
        posk.append(jnp.sum(jnp.where(hit, pos, 0), axis=0, keepdims=True))
        valk.append(jnp.sum(jnp.where(hit, seq, 0), axis=0, keepdims=True))

    r8 = r8_ref[...]
    rk = [jnp.where(k < w, r8[k:k + 1, :], 2.0) for k in range(_MAX_W)]
    ranks = []
    for i in range(_MAX_W):
        acc = jnp.zeros_like(lens)
        for j in range(_MAX_W):
            if j == i:
                continue
            cmp = (rk[j] <= rk[i]) if j < i else (rk[j] < rk[i])
            acc = acc + cmp.astype(jnp.int32)
        ranks.append(acc)

    out_r = seq
    for p in range(_MAX_W):
        vsrc = jnp.zeros_like(lens)
        for i in range(_MAX_W):
            vsrc = vsrc + jnp.where(ranks[i] == p, valk[i], 0)
        cond = applied & (p < w) & (pos == posk[p])
        out_r = jnp.where(cond, vsrc, out_r)
    reord_ref[...] = out_r


def kernel(item_seq, item_seq_len):
    B, L = item_seq.shape
    C = _COLS

    key = jax.random.key(42)
    kc, km, kr = jax.random.split(key, 3)
    u_crop = jax.random.uniform(kc, (B,))
    scores = jax.random.uniform(km, (B, L))
    k1, k2, k3, k4 = jax.random.split(kr, 4)
    u_w = jax.random.uniform(k1, (B,))
    u_s = jax.random.uniform(k2, (B,))
    r = jax.random.uniform(k3, (B, _MAX_W))
    u_apply = jax.random.uniform(k4, (B,))
    r8 = jnp.pad(r.T, ((0, 8 - _MAX_W), (0, 0)), constant_values=2.0)

    lens1 = item_seq_len.astype(jnp.int32)
    crop_len = jnp.maximum(_MIN_LENGTH, (lens1.astype(jnp.float32) * _CROP_RATIO)
                           .astype(jnp.int32))
    crop_len = jnp.minimum(crop_len, lens1)
    max_start = jnp.maximum(lens1 - crop_len + 1, 1)
    start = jnp.minimum(
        jnp.floor(u_crop * max_start.astype(jnp.float32)).astype(jnp.int32),
        max_start - 1)
    apply_c = lens1 > _MIN_LENGTH
    start_eff = jnp.where(apply_c, start, 0)
    clen_eff = jnp.where(apply_c, crop_len, L)
    cl = jnp.where(apply_c, crop_len, lens1)

    cs = _crop_sc(item_seq, start_eff, clen_eff)

    seq_t = item_seq.T
    scores_t = scores.T
    lens = lens1.reshape(1, B)
    row = lambda x: x.reshape(1, B)

    big_spec = pl.BlockSpec((L, C), lambda i: (0, i))
    one_spec = pl.BlockSpec((1, C), lambda i: (0, i))
    r8_spec = pl.BlockSpec((8, C), lambda i: (0, i))

    ms, rs = pl.pallas_call(
        _aug_body,
        grid=(B // C,),
        in_specs=[big_spec, one_spec, big_spec, one_spec,
                  one_spec, r8_spec, one_spec],
        out_specs=[big_spec, big_spec],
        out_shape=[
            jax.ShapeDtypeStruct((L, B), jnp.int32),
            jax.ShapeDtypeStruct((L, B), jnp.int32),
        ],
        compiler_params=pltpu.CompilerParams(
            dimension_semantics=("parallel",)),
    )(seq_t, lens, scores_t, row(u_w), row(u_s), r8, row(u_apply))

    cs, _ = lax.optimization_barrier((cs, ms[0, 0]))

    return cs, cl, ms.T, lens1, rs.T, lens1

# --- scband reference (transcript-rebuilt; emitter-appended) ---
"""Pipeline reference for scband-augmentation-pipeline-58308476010521 (READ-ONLY COPY).

The authoritative reference and input builder live on the scoring server;
editing this copy changes nothing except your own understanding.
"""

import jax, jax.numpy as jnp
import numpy as np

B, L, VOCAB = 16384, 200, 100000
CROP_RATIO, MIN_LENGTH = 0.6, 3
MASK_RATIO, MASK_TOKEN = 0.3, 0
REORDER_RATIO, MIN_W, MAX_W = 0.5, 2, 5


def _crop(key, seq, lens, crop_ratio, min_length):
    Bb, Ll = seq.shape
    lens = lens.astype(jnp.int32)
    crop_len = jnp.maximum(min_length, (lens.astype(jnp.float32) * crop_ratio).astype(jnp.int32))
    crop_len = jnp.minimum(crop_len, lens)
    max_start = jnp.maximum(lens - crop_len + 1, 1)
    u = jax.random.uniform(key, (Bb,))
    start = jnp.minimum(jnp.floor(u * max_start.astype(jnp.float32)).astype(jnp.int32), max_start - 1)
    pos = jnp.arange(Ll)[None, :]
    gidx = jnp.clip(start[:, None] + pos, 0, Ll - 1)
    gathered = jnp.take_along_axis(seq, gidx, axis=1)
    keep = pos < crop_len[:, None]
    out = jnp.where(keep, gathered, jnp.zeros_like(seq))
    apply = lens > min_length
    out = jnp.where(apply[:, None], out, seq)
    new_len = jnp.where(apply, crop_len, lens)
    return out, new_len


def _mask(key, seq, lens, mask_ratio, mask_token):
    Bb, Ll = seq.shape
    lens = lens.astype(jnp.int32)
    pos = jnp.arange(Ll)[None, :]
    valid = (seq != 0) & (pos < lens[:, None])
    n_valid = valid.sum(axis=1).astype(jnp.int32)
    num_to_mask = jnp.minimum(jnp.maximum(1, (n_valid.astype(jnp.float32) * mask_ratio).astype(jnp.int32)), n_valid)
    scores = jax.random.uniform(key, (Bb, Ll))
    scores = jnp.where(valid, scores, 2.0)
    kidx = jnp.clip(num_to_mask - 1, 0, Ll - 1)
    thresh = jnp.take_along_axis(jnp.sort(scores, axis=1), kidx[:, None], axis=1)
    to_mask = valid & (scores <= thresh)
    apply = (lens > 1) & (n_valid > 0)
    out = jnp.where(apply[:, None] & to_mask, jnp.full_like(seq, mask_token), seq)
    return out, lens


def _reorder(key, seq, lens, reorder_ratio, min_w, max_w):
    Bb, Ll = seq.shape
    lens = lens.astype(jnp.int32)
    pos = jnp.broadcast_to(jnp.arange(Ll)[None, :], seq.shape)
    valid = (seq != 0) & (pos < lens[:, None])
    n_valid = valid.sum(axis=1).astype(jnp.int32)
    order = jnp.argsort(jnp.where(valid, pos, Ll + pos), axis=1)
    k1, k2, k3, k4 = jax.random.split(key, 4)
    max_possible = jnp.minimum(n_valid, max_w)
    u_w = jax.random.uniform(k1, (Bb,))
    w = min_w + jnp.floor(u_w * jnp.maximum(max_possible - min_w + 1, 1).astype(jnp.float32)).astype(jnp.int32)
    w = jnp.clip(w, min_w, jnp.maximum(max_possible, min_w))
    max_start = jnp.maximum(n_valid - w + 1, 1)
    u_s = jax.random.uniform(k2, (Bb,))
    s = jnp.minimum(jnp.floor(u_s * max_start.astype(jnp.float32)).astype(jnp.int32), max_start - 1)
    karr = jnp.arange(max_w)[None, :]
    within = karr < w[:, None]
    idx_in_valid = jnp.clip(s[:, None] + karr, 0, Ll - 1)
    pos_k = jnp.take_along_axis(order, idx_in_valid, axis=1)
    r = jnp.where(within, jax.random.uniform(k3, (Bb, max_w)), 2.0)
    perm = jnp.argsort(r, axis=1)
    src_pos = jnp.take_along_axis(pos_k, perm, axis=1)
    vals = jnp.take_along_axis(seq, src_pos, axis=1)
    u_apply = jax.random.uniform(k4, (Bb,))
    applied = (u_apply <= reorder_ratio) & (lens > min_w) & (n_valid >= min_w)
    target = jnp.where(within & applied[:, None], pos_k, Ll)
    rows = jnp.broadcast_to(jnp.arange(Bb)[:, None], target.shape)
    out = seq.at[rows, target].set(vals, mode='drop')
    return out, lens


def setup_inputs(seed: int = 0):
    key = jax.random.key(seed)
    k1, k2 = jax.random.split(key)
    item_seq = jax.random.randint(k1, (B, L), 0, VOCAB, dtype=jnp.int32)
    item_seq_len = jax.random.randint(k2, (B,), 0, L, dtype=jnp.int32)
    return {"item_seq": item_seq, "item_seq_len": item_seq_len}


def reference(item_seq, item_seq_len):
    key = jax.random.key(42)
    kc, km, kr = jax.random.split(key, 3)
    cs, cl = _crop(kc, item_seq, item_seq_len, CROP_RATIO, MIN_LENGTH)
    ms, ml = _mask(km, item_seq, item_seq_len, MASK_RATIO, MASK_TOKEN)
    rs, rl = _reorder(kr, item_seq, item_seq_len, REORDER_RATIO, MIN_W, MAX_W)
    return (cs, cl, ms, ml, rs, rl)

if __name__ == "__main__":
    import jax
    _d = setup_inputs()
    print(jax.jit(kernel)(*tuple(_d.values())))

</pallas_src>

<mosaic_0001>
#map = affine_map<(d0, d1) -> (0, 0)>
#map1 = affine_map<(d0, d1) -> (0)>
module attributes {stable_mosaic.version = 14 : i64} {
  func.func @_crop_sc_body(%arg0: i32, %arg1: i32, %arg2: memref<16384x200xi32, #tpu.memory_space<hbm>>, %arg3: memref<16384xi32, #tpu.memory_space<hbm>>, %arg4: memref<16384xi32, #tpu.memory_space<hbm>>, %arg5: memref<16384x200xi32, #tpu.memory_space<hbm>>, %arg6: memref<128x200xi32, #tpu.memory_space<vmem>>, %arg7: memref<128x200xi32, #tpu.memory_space<vmem>>, %arg8: memref<512xi32, #tpu.memory_space<vmem>>, %arg9: memref<512xi32, #tpu.memory_space<vmem>>) attributes {dimension_semantics = [#tpu.dimension_semantics<core_parallel>, #tpu.dimension_semantics<subcore_parallel>], iteration_bounds = array<i64: 2, 16>, scalar_prefetch = 0 : i64, scratch_operands = 4 : i64, tpu.core_type = #tpu.core_type<sc_vector_subcore>, window_params = [{transform_indices = #map}, {transform_indices = #map1}, {transform_indices = #map1}, {transform_indices = #map}]} {
    %mul3A = arith.constant 2 : i32
    %mul3A_0 = arith.muli %arg1, %mul3A : i32
    %add3A = arith.addi %mul3A_0, %arg0 : i32
    %mul3A_1 = arith.constant 512 : i32
    %mul3A_2 = arith.muli %add3A, %mul3A_1 : i32
    "tpu.region"() ({
      %run_scoped3A = tpu.sem_alloc : memref<!tpu.dma_semaphore, #tpu.memory_space<semaphore_mem>>
      %dma_start3A = tpu.memref_slice %arg3[%mul3A_2] : memref<16384xi32, #tpu.memory_space<hbm>> -> memref<512xi32, #tpu.memory_space<hbm>>
      %dma_start3A_8 = tpu.memref_slice %arg3[%mul3A_2] : memref<16384xi32, #tpu.memory_space<hbm>> -> memref<512xi32, #tpu.memory_space<hbm>>
      tpu.enqueue_dma source(%dma_start3A_8 : memref<512xi32, #tpu.memory_space<hbm>>) target(%arg8 : memref<512xi32, #tpu.memory_space<vmem>>) target_semaphore(%run_scoped3A : memref<!tpu.dma_semaphore, #tpu.memory_space<semaphore_mem>>)
      %dma_wait3A = tpu.memref_slice %arg3[%mul3A_2] : memref<16384xi32, #tpu.memory_space<hbm>> -> memref<512xi32, #tpu.memory_space<hbm>>
      %dma_wait3A_9 = tpu.memref_slice %arg3[%mul3A_2] : memref<16384xi32, #tpu.memory_space<hbm>> -> memref<512xi32, #tpu.memory_space<hbm>>
      tpu.wait_dma2 semaphore(%run_scoped3A : memref<!tpu.dma_semaphore, #tpu.memory_space<semaphore_mem>>) src(%dma_wait3A_9 : memref<512xi32, #tpu.memory_space<hbm>>) dst(%arg8 : memref<512xi32, #tpu.memory_space<vmem>>)
      tpu.yield
    }) : () -> ()
    "tpu.region"() ({
      %run_scoped3A = tpu.sem_alloc : memref<!tpu.dma_semaphore, #tpu.memory_space<semaphore_mem>>
      %dma_start3A = tpu.memref_slice %arg4[%mul3A_2] : memref<16384xi32, #tpu.memory_space<hbm>> -> memref<512xi32, #tpu.memory_space<hbm>>
      %dma_start3A_8 = tpu.memref_slice %arg4[%mul3A_2] : memref<16384xi32, #tpu.memory_space<hbm>> -> memref<512xi32, #tpu.memory_space<hbm>>
      tpu.enqueue_dma source(%dma_start3A_8 : memref<512xi32, #tpu.memory_space<hbm>>) target(%arg9 : memref<512xi32, #tpu.memory_space<vmem>>) target_semaphore(%run_scoped3A : memref<!tpu.dma_semaphore, #tpu.memory_space<semaphore_mem>>)
      %dma_wait3A = tpu.memref_slice %arg4[%mul3A_2] : memref<16384xi32, #tpu.memory_space<hbm>> -> memref<512xi32, #tpu.memory_space<hbm>>
      %dma_wait3A_9 = tpu.memref_slice %arg4[%mul3A_2] : memref<16384xi32, #tpu.memory_space<hbm>> -> memref<512xi32, #tpu.memory_space<hbm>>
      tpu.wait_dma2 semaphore(%run_scoped3A : memref<!tpu.dma_semaphore, #tpu.memory_space<semaphore_mem>>) src(%dma_wait3A_9 : memref<512xi32, #tpu.memory_space<hbm>>) dst(%arg9 : memref<512xi32, #tpu.memory_space<vmem>>)
      tpu.yield
    }) : () -> ()
    %iota3A = tpu.iota {dimensions = array<i32: 0>} : vector<16xi32>
    %scan3A = arith.constant 0 : i32
    %scan3A_3 = arith.constant 0 : i32
    %scan3A_4 = arith.constant 4 : i32
    %scan3A_5 = arith.addi %scan3A_3, %scan3A_4 : i32
    %scan3A_6 = arith.constant 1 : i32
    scf.for %scan3A_8 = %scan3A_3 to %scan3A_5 step %scan3A_6  : i32 {
      %mul3A_9 = arith.constant 128 : i32
      %mul3A_10 = arith.muli %scan3A_8, %mul3A_9 : i32
      %add3A_11 = arith.addi %mul3A_2, %mul3A_10 : i32
      "tpu.region"() ({
        %run_scoped3A = tpu.sem_alloc : memref<!tpu.dma_semaphore, #tpu.memory_space<semaphore_mem>>
        %dma_start3A = arith.constant 0 : i32
        %dma_start3A_18 = tpu.memref_slice %arg2[%add3A_11, %dma_start3A] : memref<16384x200xi32, #tpu.memory_space<hbm>> -> memref<128x200xi32, #tpu.memory_space<hbm>>
        %dma_start3A_19 = arith.constant 0 : i32
        %dma_start3A_20 = tpu.memref_slice %arg2[%add3A_11, %dma_start3A_19] : memref<16384x200xi32, #tpu.memory_space<hbm>> -> memref<128x200xi32, #tpu.memory_space<hbm>>
        tpu.enqueue_dma source(%dma_start3A_20 : memref<128x200xi32, #tpu.memory_space<hbm>>) target(%arg6 : memref<128x200xi32, #tpu.memory_space<vmem>>) target_semaphore(%run_scoped3A : memref<!tpu.dma_semaphore, #tpu.memory_space<semaphore_mem>>)
        %dma_wait3A = arith.constant 0 : i32
        %dma_wait3A_21 = tpu.memref_slice %arg2[%add3A_11, %dma_wait3A] : memref<16384x200xi32, #tpu.memory_space<hbm>> -> memref<128x200xi32, #tpu.memory_space<hbm>>
        %dma_wait3A_22 = arith.constant 0 : i32
        %dma_wait3A_23 = tpu.memref_slice %arg2[%add3A_11, %dma_wait3A_22] : memref<16384x200xi32, #tpu.memory_space<hbm>> -> memref<128x200xi32, #tpu.memory_space<hbm>>
        tpu.wait_dma2 semaphore(%run_scoped3A : memref<!tpu.dma_semaphore, #tpu.memory_space<semaphore_mem>>) src(%dma_wait3A_23 : memref<128x200xi32, #tpu.memory_space<hbm>>) dst(%arg6 : memref<128x200xi32, #tpu.memory_space<vmem>>)
        tpu.yield
      }) : () -> ()
      %scan3A_12 = arith.constant 0 : i32
      %scan3A_13 = arith.constant 0 : i32
      %scan3A_14 = arith.constant 8 : i32
      %scan3A_15 = arith.addi %scan3A_13, %scan3A_14 : i32
      %scan3A_16 = arith.constant 1 : i32
      scf.for %scan3A_18 = %scan3A_13 to %scan3A_15 step %scan3A_16  : i32 {
        %mul3A_19 = arith.constant 128 : i32
        %mul3A_20 = arith.muli %scan3A_8, %mul3A_19 : i32
        %mul3A_21 = arith.constant 16 : i32
        %mul3A_22 = arith.muli %scan3A_18, %mul3A_21 : i32
        %add3A_23 = arith.addi %mul3A_20, %mul3A_22 : i32
        %get3A = arith.index_cast %add3A_23 : i32 to index
        %get3A_24 = tpu.vector_load %arg8[%get3A] {strides = array<i32>} : memref<512xi32, #tpu.memory_space<vmem>>, vector<16xi32>,
        %mul3A_25 = arith.constant 128 : i32
        %mul3A_26 = arith.muli %scan3A_8, %mul3A_25 : i32
        %mul3A_27 = arith.constant 16 : i32
        %mul3A_28 = arith.muli %scan3A_18, %mul3A_27 : i32
        %add3A_29 = arith.addi %mul3A_26, %mul3A_28 : i32
        %get3A_30 = arith.index_cast %add3A_29 : i32 to index
        %get3A_31 = tpu.vector_load %arg9[%get3A_30] {strides = array<i32>} : memref<512xi32, #tpu.memory_space<vmem>>, vector<16xi32>,
        %broadcast_in_dim3A = arith.constant 0 : i32
        %broadcast_in_dim3A_32 = vector.broadcast %broadcast_in_dim3A : i32 to vector<16x1xi32>
        %gather3A = vector.shape_cast %broadcast_in_dim3A_32 : vector<16x1xi32> to vector<16xi32>
        %gather3A_33 = tpu.dynamic_gather %get3A_24[%gather3A] in [0] : vector<16xi32>, vector<16xi32> -> vector<16xi32>
        %broadcast_in_dim3A_34 = arith.constant 0 : i32
        %broadcast_in_dim3A_35 = vector.broadcast %broadcast_in_dim3A_34 : i32 to vector<16x1xi32>
        %gather3A_36 = vector.shape_cast %broadcast_in_dim3A_35 : vector<16x1xi32> to vector<16xi32>
        %gather3A_37 = tpu.dynamic_gather %get3A_31[%gather3A_36] in [0] : vector<16xi32>, vector<16xi32> -> vector<16xi32>
        %mul3A_38 = arith.constant 16 : i32
        %mul3A_39 = arith.muli %scan3A_18, %mul3A_38 : i32
        %add3A_40 = arith.constant 0 : i32
        %add3A_41 = arith.addi %mul3A_39, %add3A_40 : i32
        %broadcast_in_dim3A_42 = vector.broadcast %add3A_41 : i32 to vector<16xi32>
        %add3A_43 = arith.constant 0 : i32
        %add3A_44 = vector.broadcast %add3A_43 : i32 to vector<16xi32>
        %add3A_45 = arith.addi %iota3A, %add3A_44 : vector<16xi32>
        %add3A_46 = arith.addi %gather3A_33, %add3A_45 : vector<16xi32>
        %min3A = arith.constant 199 : i32
        %min3A_47 = vector.broadcast %min3A : i32 to vector<16xi32>
        %min3A_48 = arith.minsi %add3A_46, %min3A_47 : vector<16xi32>
        %gather3A_49 = tpu.vector_load_idx %arg6[%broadcast_in_dim3A_42, %min3A_48] : memref<128x200xi32, #tpu.memory_space<vmem>>[vector<16xi32>, vector<16xi32>], vector<16xi32>,
        %lt3A = arith.cmpi slt, %add3A_45, %gather3A_37 : vector<16xi32>
        %jit3A = arith.constant 0 : i32
        %broadcast_in_dim3A_50 = vector.broadcast %jit3A : i32 to vector<16xi32>
        %select_n3A = arith.select %lt3A, %gather3A_49, %broadcast_in_dim3A_50 : vector<16xi1>, vector<16xi32>
        tpu.vector_store_idx %arg7[%broadcast_in_dim3A_42, %add3A_45], %select_n3A : memref<128x200xi32, #tpu.memory_space<vmem>>[vector<16xi32>, vector<16xi32>], vector<16xi32>,
        %add3A_51 = arith.constant 16 : i32
        %add3A_52 = vector.broadcast %add3A_51 : i32 to vector<16xi32>
        %add3A_53 = arith.addi %iota3A, %add3A_52 : vector<16xi32>
        %add3A_54 = arith.addi %gather3A_33, %add3A_53 : vector<16xi32>
        %min3A_55 = arith.constant 199 : i32
        %min3A_56 = vector.broadcast %min3A_55 : i32 to vector<16xi32>
        %min3A_57 = arith.minsi %add3A_54, %min3A_56 : vector<16xi32>
        %gather3A_58 = tpu.vector_load_idx %arg6[%broadcast_in_dim3A_42, %min3A_57] : memref<128x200xi32, #tpu.memory_space<vmem>>[vector<16xi32>, vector<16xi32>], vector<16xi32>,
        %lt3A_59 = arith.cmpi slt, %add3A_53, %gather3A_37 : vector<16xi32>
        %jit3A_60 = arith.constant 0 : i32
        %broadcast_in_dim3A_61 = vector.broadcast %jit3A_60 : i32 to vector<16xi32>
        %select_n3A_62 = arith.select %lt3A_59, %gather3A_58, %broadcast_in_dim3A_61 : vector<16xi1>, vector<16xi32>
        tpu.vector_store_idx %arg7[%broadcast_in_dim3A_42, %add3A_53], %select_n3A_62 : memref<128x200xi32, #tpu.memory_space<vmem>>[vector<16xi32>, vector<16xi32>], vector<16xi32>,
        %add3A_63 = arith.constant 32 : i32
        %add3A_64 = vector.broadcast %add3A_63 : i32 to vector<16xi32>
        %add3A_65 = arith.addi %iota3A, %add3A_64 : vector<16xi32>
        %add3A_66 = arith.addi %gather3A_33, %add3A_65 : vector<16xi32>
        %min3A_67 = arith.constant 199 : i32
        %min3A_68 = vector.broadcast %min3A_67 : i32 to vector<16xi32>
        %min3A_69 = arith.minsi %add3A_66, %min3A_68 : vector<16xi32>
        %gather3A_70 = tpu.vector_load_idx %arg6[%broadcast_in_dim3A_42, %min3A_69] : memref<128x200xi32, #tpu.memory_space<vmem>>[vector<16xi32>, vector<16xi32>], vector<16xi32>,
        %lt3A_71 = arith.cmpi slt, %add3A_65, %gather3A_37 : vector<16xi32>
        %jit3A_72 = arith.constant 0 : i32
        %broadcast_in_dim3A_73 = vector.broadcast %jit3A_72 : i32 to vector<16xi32>
        %select_n3A_74 = arith.select %lt3A_71, %gather3A_70, %broadcast_in_dim3A_73 : vector<16xi1>, vector<16xi32>
        tpu.vector_store_idx %arg7[%broadcast_in_dim3A_42, %add3A_65], %select_n3A_74 : memref<128x200xi32, #tpu.memory_space<vmem>>[vector<16xi32>, vector<16xi32>], vector<16xi32>,
        %add3A_75 = arith.constant 48 : i32
        %add3A_76 = vector.broadcast %add3A_75 : i32 to vector<16xi32>
        %add3A_77 = arith.addi %iota3A, %add3A_76 : vector<16xi32>
        %add3A_78 = arith.addi %gather3A_33, %add3A_77 : vector<16xi32>
        %min3A_79 = arith.constant 199 : i32
        %min3A_80 = vector.broadcast %min3A_79 : i32 to vector<16xi32>
        %min3A_81 = arith.minsi %add3A_78, %min3A_80 : vector<16xi32>
        %gather3A_82 = tpu.vector_load_idx %arg6[%broadcast_in_dim3A_42, %min3A_81] : memref<128x200xi32, #tpu.memory_space<vmem>>[vector<16xi32>, vector<16xi32>], vector<16xi32>,
        %lt3A_83 = arith.cmpi slt, %add3A_77, %gather3A_37 : vector<16xi32>
        %jit3A_84 = arith.constant 0 : i32
        %broadcast_in_dim3A_85 = vector.broadcast %jit3A_84 : i32 to vector<16xi32>
        %select_n3A_86 = arith.select %lt3A_83, %gather3A_82, %broadcast_in_dim3A_85 : vector<16xi1>, vector<16xi32>
        tpu.vector_store_idx %arg7[%broadcast_in_dim3A_42, %add3A_77], %select_n3A_86 : memref<128x200xi32, #tpu.memory_space<vmem>>[vector<16xi32>, vector<16xi32>], vector<16xi32>,
        %add3A_87 = arith.constant 64 : i32
        %add3A_88 = vector.broadcast %add3A_87 : i32 to vector<16xi32>
        %add3A_89 = arith.addi %iota3A, %add3A_88 : vector<16xi32>
        %add3A_90 = arith.addi %gather3A_33, %add3A_89 : vector<16xi32>
        %min3A_91 = arith.constant 199 : i32
        %min3A_92 = vector.broadcast %min3A_91 : i32 to vector<16xi32>
        %min3A_93 = arith.minsi %add3A_90, %min3A_92 : vector<16xi32>
        %gather3A_94 = tpu.vector_load_idx %arg6[%broadcast_in_dim3A_42, %min3A_93] : memref<128x200xi32, #tpu.memory_space<vmem>>[vector<16xi32>, vector<16xi32>], vector<16xi32>,
        %lt3A_95 = arith.cmpi slt, %add3A_89, %gather3A_37 : vector<16xi32>
        %jit3A_96 = arith.constant 0 : i32
        %broadcast_in_dim3A_97 = vector.broadcast %jit3A_96 : i32 to vector<16xi32>
        %select_n3A_98 = arith.select %lt3A_95, %gather3A_94, %broadcast_in_dim3A_97 : vector<16xi1>, vector<16xi32>
        tpu.vector_store_idx %arg7[%broadcast_in_dim3A_42, %add3A_89], %select_n3A_98 : memref<128x200xi32, #tpu.memory_space<vmem>>[vector<16xi32>, vector<16xi32>], vector<16xi32>,
        %add3A_99 = arith.constant 80 : i32
        %add3A_100 = vector.broadcast %add3A_99 : i32 to vector<16xi32>
        %add3A_101 = arith.addi %iota3A, %add3A_100 : vector<16xi32>
        %add3A_102 = arith.addi %gather3A_33, %add3A_101 : vector<16xi32>
        %min3A_103 = arith.constant 199 : i32
        %min3A_104 = vector.broadcast %min3A_103 : i32 to vector<16xi32>
        %min3A_105 = arith.minsi %add3A_102, %min3A_104 : vector<16xi32>
        %gather3A_106 = tpu.vector_load_idx %arg6[%broadcast_in_dim3A_42, %min3A_105] : memref<128x200xi32, #tpu.memory_space<vmem>>[vector<16xi32>, vector<16xi32>], vector<16xi32>,
        %lt3A_107 = arith.cmpi slt, %add3A_101, %gather3A_37 : vector<16xi32>
        %jit3A_108 = arith.constant 0 : i32
        %broadcast_in_dim3A_109 = vector.broadcast %jit3A_108 : i32 to vector<16xi32>
        %select_n3A_110 = arith.select %lt3A_107, %gather3A_106, %broadcast_in_dim3A_109 : vector<16xi1>, vector<16xi32>
        tpu.vector_store_idx %arg7[%broadcast_in_dim3A_42, %add3A_101], %select_n3A_110 : memref<128x200xi32, #tpu.memory_space<vmem>>[vector<16xi32>, vector<16xi32>], vector<16xi32>,
        %add3A_111 = arith.constant 96 : i32
        %add3A_112 = vector.broadcast %add3A_111 : i32 to vector<16xi32>
        %add3A_113 = arith.addi %iota3A, %add3A_112 : vector<16xi32>
        %add3A_114 = arith.addi %gather3A_33, %add3A_113 : vector<16xi32>
        %min3A_115 = arith.constant 199 : i32
        %min3A_116 = vector.broadcast %min3A_115 : i32 to vector<16xi32>
        %min3A_117 = arith.minsi %add3A_114, %min3A_116 : vector<16xi32>
        %gather3A_118 = tpu.vector_load_idx %arg6[%broadcast_in_dim3A_42, %min3A_117] : memref<128x200xi32, #tpu.memory_space<vmem>>[vector<16xi32>, vector<16xi32>], vector<16xi32>,
        %lt3A_119 = arith.cmpi slt, %add3A_113, %gather3A_37 : vector<16xi32>
        %jit3A_120 = arith.constant 0 : i32
        %broadcast_in_dim3A_121 = vector.broadcast %jit3A_120 : i32 to vector<16xi32>
        %select_n3A_122 = arith.select %lt3A_119, %gather3A_118, %broadcast_in_dim3A_121 : vector<16xi1>, vector<16xi32>
        tpu.vector_store_idx %arg7[%broadcast_in_dim3A_42, %add3A_113], %select_n3A_122 : memref<128x200xi32, #tpu.memory_space<vmem>>[vector<16xi32>, vector<16xi32>], vector<16xi32>,
        %add3A_123 = arith.constant 112 : i32
        %add3A_124 = vector.broadcast %add3A_123 : i32 to vector<16xi32>
        %add3A_125 = arith.addi %iota3A, %add3A_124 : vector<16xi32>
        %add3A_126 = arith.addi %gather3A_33, %add3A_125 : vector<16xi32>
        %min3A_127 = arith.constant 199 : i32
        %min3A_128 = vector.broadcast %min3A_127 : i32 to vector<16xi32>
        %min3A_129 = arith.minsi %add3A_126, %min3A_128 : vector<16xi32>
        %gather3A_130 = tpu.vector_load_idx %arg6[%broadcast_in_dim3A_42, %min3A_129] : memref<128x200xi32, #tpu.memory_space<vmem>>[vector<16xi32>, vector<16xi32>], vector<16xi32>,
        %lt3A_131 = arith.cmpi slt, %add3A_125, %gather3A_37 : vector<16xi32>
        %jit3A_132 = arith.constant 0 : i32
        %broadcast_in_dim3A_133 = vector.broadcast %jit3A_132 : i32 to vector<16xi32>
        %select_n3A_134 = arith.select %lt3A_131, %gather3A_130, %broadcast_in_dim3A_133 : vector<16xi1>, vector<16xi32>
        tpu.vector_store_idx %arg7[%broadcast_in_dim3A_42, %add3A_125], %select_n3A_134 : memref<128x200xi32, #tpu.memory_space<vmem>>[vector<16xi32>, vector<16xi32>], vector<16xi32>,
        %add3A_135 = arith.constant 128 : i32
        %add3A_136 = vector.broadcast %add3A_135 : i32 to vector<16xi32>
        %add3A_137 = arith.addi %iota3A, %add3A_136 : vector<16xi32>
        %add3A_138 = arith.addi %gather3A_33, %add3A_137 : vector<16xi32>
        %min3A_139 = arith.constant 199 : i32
        %min3A_140 = vector.broadcast %min3A_139 : i32 to vector<16xi32>
        %min3A_141 = arith.minsi %add3A_138, %min3A_140 : vector<16xi32>
        %gather3A_142 = tpu.vector_load_idx %arg6[%broadcast_in_dim3A_42, %min3A_141] : memref<128x200xi32, #tpu.memory_space<vmem>>[vector<16xi32>, vector<16xi32>], vector<16xi32>,
        %lt3A_143 = arith.cmpi slt, %add3A_137, %gather3A_37 : vector<16xi32>
        %jit3A_144 = arith.constant 0 : i32
        %broadcast_in_dim3A_145 = vector.broadcast %jit3A_144 : i32 to vector<16xi32>
        %select_n3A_146 = arith.select %lt3A_143, %gather3A_142, %broadcast_in_dim3A_145 : vector<16xi1>, vector<16xi32>
        tpu.vector_store_idx %arg7[%broadcast_in_dim3A_42, %add3A_137], %select_n3A_146 : memref<128x200xi32, #tpu.memory_space<vmem>>[vector<16xi32>, vector<16xi32>], vector<16xi32>,
        %add3A_147 = arith.constant 144 : i32
        %add3A_148 = vector.broadcast %add3A_147 : i32 to vector<16xi32>
        %add3A_149 = arith.addi %iota3A, %add3A_148 : vector<16xi32>
        %add3A_150 = arith.addi %gather3A_33, %add3A_149 : vector<16xi32>
        %min3A_151 = arith.constant 199 : i32
        %min3A_152 = vector.broadcast %min3A_151 : i32 to vector<16xi32>
        %min3A_153 = arith.minsi %add3A_150, %min3A_152 : vector<16xi32>
        %gather3A_154 = tpu.vector_load_idx %arg6[%broadcast_in_dim3A_42, %min3A_153] : memref<128x200xi32, #tpu.memory_space<vmem>>[vector<16xi32>, vector<16xi32>], vector<16xi32>,
        %lt3A_155 = arith.cmpi slt, %add3A_149, %gather3A_37 : vector<16xi32>
        %jit3A_156 = arith.constant 0 : i32
        %broadcast_in_dim3A_157 = vector.broadcast %jit3A_156 : i32 to vector<16xi32>
        %select_n3A_158 = arith.select %lt3A_155, %gather3A_154, %broadcast_in_dim3A_157 : vector<16xi1>, vector<16xi32>
        tpu.vector_store_idx %arg7[%broadcast_in_dim3A_42, %add3A_149], %select_n3A_158 : memref<128x200xi32, #tpu.memory_space<vmem>>[vector<16xi32>, vector<16xi32>], vector<16xi32>,
        %add3A_159 = arith.constant 160 : i32
        %add3A_160 = vector.broadcast %add3A_159 : i32 to vector<16xi32>
        %add3A_161 = arith.addi %iota3A, %add3A_160 : vector<16xi32>
        %add3A_162 = arith.addi %gather3A_33, %add3A_161 : vector<16xi32>
        %min3A_163 = arith.constant 199 : i32
        %min3A_164 = vector.broadcast %min3A_163 : i32 to vector<16xi32>
        %min3A_165 = arith.minsi %add3A_162, %min3A_164 : vector<16xi32>
        %gather3A_166 = tpu.vector_load_idx %arg6[%broadcast_in_dim3A_42, %min3A_165] : memref<128x200xi32, #tpu.memory_space<vmem>>[vector<16xi32>, vector<16xi32>], vector<16xi32>,
        %lt3A_167 = arith.cmpi slt, %add3A_161, %gather3A_37 : vector<16xi32>
        %jit3A_168 = arith.constant 0 : i32
        %broadcast_in_dim3A_169 = vector.broadcast %jit3A_168 : i32 to vector<16xi32>
        %select_n3A_170 = arith.select %lt3A_167, %gather3A_166, %broadcast_in_dim3A_169 : vector<16xi1>, vector<16xi32>
        tpu.vector_store_idx %arg7[%broadcast_in_dim3A_42, %add3A_161], %select_n3A_170 : memref<128x200xi32, #tpu.memory_space<vmem>>[vector<16xi32>, vector<16xi32>], vector<16xi32>,
        %add3A_171 = arith.constant 176 : i32
        %add3A_172 = vector.broadcast %add3A_171 : i32 to vector<16xi32>
        %add3A_173 = arith.addi %iota3A, %add3A_172 : vector<16xi32>
        %add3A_174 = arith.addi %gather3A_33, %add3A_173 : vector<16xi32>
        %min3A_175 = arith.constant 199 : i32
        %min3A_176 = vector.broadcast %min3A_175 : i32 to vector<16xi32>
        %min3A_177 = arith.minsi %add3A_174, %min3A_176 : vector<16xi32>
        %gather3A_178 = tpu.vector_load_idx %arg6[%broadcast_in_dim3A_42, %min3A_177] : memref<128x200xi32, #tpu.memory_space<vmem>>[vector<16xi32>, vector<16xi32>], vector<16xi32>,
        %lt3A_179 = arith.cmpi slt, %add3A_173, %gather3A_37 : vector<16xi32>
        %jit3A_180 = arith.constant 0 : i32
        %broadcast_in_dim3A_181 = vector.broadcast %jit3A_180 : i32 to vector<16xi32>
        %select_n3A_182 = arith.select %lt3A_179, %gather3A_178, %broadcast_in_dim3A_181 : vector<16xi1>, vector<16xi32>
        tpu.vector_store_idx %arg7[%broadcast_in_dim3A_42, %add3A_173], %select_n3A_182 : memref<128x200xi32, #tpu.memory_space<vmem>>[vector<16xi32>, vector<16xi32>], vector<16xi32>,
        %add3A_183 = arith.constant 192 : i32
        %add3A_184 = vector.broadcast %add3A_183 : i32 to vector<16xi32>
        %add3A_185 = arith.addi %iota3A, %add3A_184 : vector<16xi32>
        %add3A_186 = arith.addi %gather3A_33, %add3A_185 : vector<16xi32>
        %min3A_187 = arith.constant 199 : i32
        %min3A_188 = vector.broadcast %min3A_187 : i32 to vector<16xi32>
        %min3A_189 = arith.minsi %add3A_186, %min3A_188 : vector<16xi32>
        %gather3A_190 = tpu.vector_load_idx %arg6[%broadcast_in_dim3A_42, %min3A_189] : memref<128x200xi32, #tpu.memory_space<vmem>>[vector<16xi32>, vector<16xi32>], vector<16xi32>,
        %lt3A_191 = arith.cmpi slt, %add3A_185, %gather3A_37 : vector<16xi32>
        %jit3A_192 = arith.constant 0 : i32
        %broadcast_in_dim3A_193 = vector.broadcast %jit3A_192 : i32 to vector<16xi32>
        %select_n3A_194 = arith.select %lt3A_191, %gather3A_190, %broadcast_in_dim3A_193 : vector<16xi1>, vector<16xi32>
        %lt3A_195 = arith.constant 200 : i32
        %lt3A_196 = vector.broadcast %lt3A_195 : i32 to vector<16xi32>
        %lt3A_197 = arith.cmpi slt, %add3A_185, %lt3A_196 : vector<16xi32>
        tpu.vector_store_idx %arg7[%broadcast_in_dim3A_42, %add3A_185], %select_n3A_194 masked %lt3A_197 : memref<128x200xi32, #tpu.memory_space<vmem>>[vector<16xi32>, vector<16xi32>], vector<16xi32>, vector<16xi1>
        %broadcast_in_dim3A_198 = arith.constant 1 : i32
        %broadcast_in_dim3A_199 = vector.broadcast %broadcast_in_dim3A_198 : i32 to vector<16x1xi32>
        %gather3A_200 = vector.shape_cast %broadcast_in_dim3A_199 : vector<16x1xi32> to vector<16xi32>
        %gather3A_201 = tpu.dynamic_gather %get3A_24[%gather3A_200] in [0] : vector<16xi32>, vector<16xi32> -> vector<16xi32>
        %broadcast_in_dim3A_202 = arith.constant 1 : i32
        %broadcast_in_dim3A_203 = vector.broadcast %broadcast_in_dim3A_202 : i32 to vector<16x1xi32>
        %gather3A_204 = vector.shape_cast %broadcast_in_dim3A_203 : vector<16x1xi32> to vector<16xi32>
        %gather3A_205 = tpu.dynamic_gather %get3A_31[%gather3A_204] in [0] : vector<16xi32>, vector<16xi32> -> vector<16xi32>
        %mul3A_206 = arith.constant 16 : i32
        %mul3A_207 = arith.muli %scan3A_18, %mul3A_206 : i32
        %add3A_208 = arith.constant 1 : i32
        %add3A_209 = arith.addi %mul3A_207, %add3A_208 : i32
        %broadcast_in_dim3A_210 = vector.broadcast %add3A_209 : i32 to vector<16xi32>
        %add3A_211 = arith.constant 0 : i32
        %add3A_212 = vector.broadcast %add3A_211 : i32 to vector<16xi32>
        %add3A_213 = arith.addi %iota3A, %add3A_212 : vector<16xi32>
        %add3A_214 = arith.addi %gather3A_201, %add3A_213 : vector<16xi32>
        %min3A_215 = arith.constant 199 : i32
        %min3A_216 = vector.broadcast %min3A_215 : i32 to vector<16xi32>
        %min3A_217 = arith.minsi %add3A_214, %min3A_216 : vector<16xi32>
        %gather3A_218 = tpu.vector_load_idx %arg6[%broadcast_in_dim3A_210, %min3A_217] : memref<128x200xi32, #tpu.memory_space<vmem>>[vector<16xi32>, vector<16xi32>], vector<16xi32>,
        %lt3A_219 = arith.cmpi slt, %add3A_213, %gather3A_205 : vector<16xi32>
        %jit3A_220 = arith.constant 0 : i32
        %broadcast_in_dim3A_221 = vector.broadcast %jit3A_220 : i32 to vector<16xi32>
        %select_n3A_222 = arith.select %lt3A_219, %gather3A_218, %broadcast_in_dim3A_221 : vector<16xi1>, vector<16xi32>
        tpu.vector_store_idx %arg7[%broadcast_in_dim3A_210, %add3A_213], %select_n3A_222 : memref<128x200xi32, #tpu.memory_space<vmem>>[vector<16xi32>, vector<16xi32>], vector<16xi32>,
        %add3A_223 = arith.constant 16 : i32
        %add3A_224 = vector.broadcast %add3A_223 : i32 to vector<16xi32>
        %add3A_225 = arith.addi %iota3A, %add3A_224 : vector<16xi32>
        %add3A_226 = arith.addi %gather3A_201, %add3A_225 : vector<16xi32>
        %min3A_227 = arith.constant 199 : i32
        %min3A_228 = vector.broadcast %min3A_227 : i32 to vector<16xi32>
        %min3A_229 = arith.minsi %add3A_226, %min3A_228 : vector<16xi32>
        %gather3A_230 = tpu.vector_load_idx %arg6[%broadcast_in_dim3A_210, %min3A_229] : memref<128x200xi32, #tpu.memory_space<vmem>>[vector<16xi32>, vector<16xi32>], vector<16xi32>,
        %lt3A_231 = arith.cmpi slt, %add3A_225, %gather3A_205 : vector<16xi32>
        %jit3A_232 = arith.constant 0 : i32
        %broadcast_in_dim3A_233 = vector.broadcast %jit3A_232 : i32 to vector<16xi32>
        %select_n3A_234 = arith.select %lt3A_231, %gather3A_230, %broadcast_in_dim3A_233 : vector<16xi1>, vector<16xi32>
        tpu.vector_store_idx %arg7[%broadcast_in_dim3A_210, %add3A_225], %select_n3A_234 : memref<128x200xi32, #tpu.memory_space<vmem>>[vector<16xi32>, vector<16xi32>], vector<16xi32>,
        %add3A_235 = arith.constant 32 : i32
        %add3A_236 = vector.broadcast %add3A_235 : i32 to vector<16xi32>
        %add3A_237 = arith.addi %iota3A, %add3A_236 : vector<16xi32>
        %add3A_238 = arith.addi %gather3A_201, %add3A_237 : vector<16xi32>
        %min3A_239 = arith.constant 199 : i32
        %min3A_240 = vector.broadcast %min3A_239 : i32 to vector<16xi32>
        %min3A_241 = arith.minsi %add3A_238, %min3A_240 : vector<16xi32>
        %gather3A_242 = tpu.vector_load_idx %arg6[%broadcast_in_dim3A_210, %min3A_241] : memref<128x200xi32, #tpu.memory_space<vmem>>[vector<16xi32>, vector<16xi32>], vector<16xi32>,
        %lt3A_243 = arith.cmpi slt, %add3A_237, %gather3A_205 : vector<16xi32>
        %jit3A_244 = arith.constant 0 : i32
        %broadcast_in_dim3A_245 = vector.broadcast %jit3A_244 : i32 to vector<16xi32>
        %select_n3A_246 = arith.select %lt3A_243, %gather3A_242, %broadcast_in_dim3A_245 : vector<16xi1>, vector<16xi32>
        tpu.vector_store_idx %arg7[%broadcast_in_dim3A_210, %add3A_237], %select_n3A_246 : memref<128x200xi32, #tpu.memory_space<vmem>>[vector<16xi32>, vector<16xi32>], vector<16xi32>,
        %add3A_247 = arith.constant 48 : i32
        %add3A_248 = vector.broadcast %add3A_247 : i32 to vector<16xi32>
        %add3A_249 = arith.addi %iota3A, %add3A_248 : vector<16xi32>
        %add3A_250 = arith.addi %gather3A_201, %add3A_249 : vector<16xi32>
        %min3A_251 = arith.constant 199 : i32
        %min3A_252 = vector.broadcast %min3A_251 : i32 to vector<16xi32>
        %min3A_253 = arith.minsi %add3A_250, %min3A_252 : vector<16xi32>
        %gather3A_254 = tpu.vector_load_idx %arg6[%broadcast_in_dim3A_210, %min3A_253] : memref<128x200xi32, #tpu.memory_space<vmem>>[vector<16xi32>, vector<16xi32>], vector<16xi32>,
        %lt3A_255 = arith.cmpi slt, %add3A_249, %gather3A_205 : vector<16xi32>
        %jit3A_256 = arith.constant 0 : i32
        %broadcast_in_dim3A_257 = vector.broadcast %jit3A_256 : i32 to vector<16xi32>
        %select_n3A_258 = arith.select %lt3A_255, %gather3A_254, %broadcast_in_dim3A_257 : vector<16xi1>, vector<16xi32>
        tpu.vector_store_idx %arg7[%broadcast_in_dim3A_210, %add3A_249], %select_n3A_258 : memref<128x200xi32, #tpu.memory_space<vmem>>[vector<16xi32>, vector<16xi32>], vector<16xi32>,
        %add3A_259 = arith.constant 64 : i32
        %add3A_260 = vector.broadcast %add3A_259 : i32 to vector<16xi32>
        %add3A_261 = arith.addi %iota3A, %add3A_260 : vector<16xi32>
        %add3A_262 = arith.addi %gather3A_201, %add3A_261 : vector<16xi32>
        %min3A_263 = arith.constant 199 : i32
        %min3A_264 = vector.broadcast %min3A_263 : i32 to vector<16xi32>
        %min3A_265 = arith.minsi %add3A_262, %min3A_264 : vector<16xi32>
        %gather3A_266 = tpu.vector_load_idx %arg6[%broadcast_in_dim3A_210, %min3A_265] : memref<128x200xi32, #tpu.memory_space<vmem>>[vector<16xi32>, vector<16xi32>], vector<16xi32>,
        %lt3A_267 = arith.cmpi slt, %add3A_261, %gather3A_205 : vector<16xi32>
        %jit3A_268 = arith.constant 0 : i32
        %broadcast_in_dim3A_269 = vector.broadcast %jit3A_268 : i32 to vector<16xi32>
        %select_n3A_270 = arith.select %lt3A_267, %gather3A_266, %broadcast_in_dim3A_269 : vector<16xi1>, vector<16xi32>
        tpu.vector_store_idx %arg7[%broadcast_in_dim3A_210, %add3A_261], %select_n3A_270 : memref<128x200xi32, #tpu.memory_space<vmem>>[vector<16xi32>, vector<16xi32>], vector<16xi32>,
        %add3A_271 = arith.constant 80 : i32
        %add3A_272 = vector.broadcast %add3A_271 : i32 to vector<16xi32>
        %add3A_273 = arith.addi %iota3A, %add3A_272 : vector<16xi32>
        %add3A_274 = arith.addi %gather3A_201, %add3A_273 : vector<16xi32>
        %min3A_275 = arith.constant 199 : i32
        %min3A_276 = vector.broadcast %min3A_275 : i32 to vector<16xi32>
        %min3A_277 = arith.minsi %add3A_274, %min3A_276 : vector<16xi32>
        %gather3A_278 = tpu.vector_load_idx %arg6[%broadcast_in_dim3A_210, %min3A_277] : memref<128x200xi32, #tpu.memory_space<vmem>>[vector<16xi32>, vector<16xi32>], vector<16xi32>,
        %lt3A_279 = arith.cmpi slt, %add3A_273, %gather3A_205 : vector<16xi32>
        %jit3A_280 = arith.constant 0 : i32
        %broadcast_in_dim3A_281 = vector.broadcast %jit3A_280 : i32 to vector<16xi32>
        %select_n3A_282 = arith.select %lt3A_279, %gather3A_278, %broadcast_in_dim3A_281 : vector<16xi1>, vector<16xi32>
        tpu.vector_store_idx %arg7[%broadcast_in_dim3A_210, %add3A_273], %select_n3A_282 : memref<128x200xi32, #tpu.memory_space<vmem>>[vector<16xi32>, vector<16xi32>], vector<16xi32>,
        %add3A_283 = arith.constant 96 : i32
        %add3A_284 = vector.broadcast %add3A_283 : i32 to vector<16xi32>
        %add3A_285 = arith.addi %iota3A, %add3A_284 : vector<16xi32>
        %add3A_286 = arith.addi %gather3A_201, %add3A_285 : vector<16xi32>
        %min3A_287 = arith.constant 199 : i32
        %min3A_288 = vector.broadcast %min3A_287 : i32 to vector<16xi32>
        %min3A_289 = arith.minsi %add3A_286, %min3A_288 : vector<16xi32>
        %gather3A_290 = tpu.vector_load_idx %arg6[%broadcast_in_dim3A_210, %min3A_289] : memref<128x200xi32, #tpu.memory_space<vmem>>[vector<16xi32>, vector<16xi32>], vector<16xi32>,
        %lt3A_291 = arith.cmpi slt, %add3A_285, %gather3A_205 : vector<16xi32>
        %jit3A_292 = arith.constant 0 : i32
        %broadcast_in_dim3A_293 = vector.broadcast %jit3A_292 : i32 to vector<16xi32>
        %select_n3A_294 = arith.select %lt3A_291, %gather3A_290, %broadcast_in_dim3A_293 : vector<16xi1>, vector<16xi32>
        tpu.vector_store_idx %arg7[%broadcast_in_dim3A_210, %add3A_285], %select_n3A_294 : memref<128x200xi32, #tpu.memory_space<vmem>>[vector<16xi32>, vector<16xi32>], vector<16xi32>,
        %add3A_295 = arith.constant 112 : i32
        %add3A_296 = vector.broadcast %add3A_295 : i32 to vector<16xi32>
        %add3A_297 = arith.addi %iota3A, %add3A_296 : vector<16xi32>
        %add3A_298 = arith.addi %gather3A_201, %add3A_297 : vector<16xi32>
        %min3A_299 = arith.constant 199 : i32
        %min3A_300 = vector.broadcast %min3A_299 : i32 to vector<16xi32>
        %min3A_301 = arith.minsi %add3A_298, %min3A_300 : vector<16xi32>
        %gather3A_302 = tpu.vector_load_idx %arg6[%broadcast_in_dim3A_210, %min3A_301] : memref<128x200xi32, #tpu.memory_space<vmem>>[vector<16xi32>, vector<16xi32>], vector<16xi32>,
        %lt3A_303 = arith.cmpi slt, %add3A_297, %gather3A_205 : vector<16xi32>
        %jit3A_304 = arith.constant 0 : i32
        %broadcast_in_dim3A_305 = vector.broadcast %jit3A_304 : i32 to vector<16xi32>
        %select_n3A_306 = arith.select %lt3A_303, %gather3A_302, %broadcast_in_dim3A_305 : vector<16xi1>, vector<16xi32>
        tpu.vector_store_idx %arg7[%broadcast_in_dim3A_210, %add3A_297], %select_n3A_306 : memref<128x200xi32, #tpu.memory_space<vmem>>[vector<16xi32>, vector<16xi32>], vector<16xi32>,
        %add3A_307 = arith.constant 128 : i32
        %add3A_308 = vector.broadcast %add3A_307 : i32 to vector<16xi32>
        %add3A_309 = arith.addi %iota3A, %add3A_308 : vector<16xi32>
        %add3A_310 = arith.addi %gather3A_201, %add3A_309 : vector<16xi32>
        %min3A_311 = arith.constant 199 : i32
        %min3A_312 = vector.broadcast %min3A_311 : i32 to vector<16xi32>
        %min3A_313 = arith.minsi %add3A_310, %min3A_312 : vector<16xi32>
        %gather3A_314 = tpu.vector_load_idx %arg6[%broadcast_in_dim3A_210, %min3A_313] : memref<128x200xi32, #tpu.memory_space<vmem>>[vector<16xi32>, vector<16xi32>], vector<16xi32>,
        %lt3A_315 = arith.cmpi slt, %add3A_309, %gather3A_205 : vector<16xi32>
        %jit3A_316 = arith.constant 0 : i32
        %broadcast_in_dim3A_317 = vector.broadcast %jit3A_316 : i32 to vector<16xi32>
        %select_n3A_318 = arith.select %lt3A_315, %gather3A_314, %broadcast_in_dim3A_317 : vector<16xi1>, vector<16xi32>
        tpu.vector_store_idx %arg7[%broadcast_in_dim3A_210, %add3A_309], %select_n3A_318 : memref<128x200xi32, #tpu.memory_space<vmem>>[vector<16xi32>, vector<16xi32>], vector<16xi32>,
        %add3A_319 = arith.constant 144 : i32
        %add3A_320 = vector.broadcast %add3A_319 : i32 to vector<16xi32>
        %add3A_321 = arith.addi %iota3A, %add3A_320 : vector<16xi32>
        %add3A_322 = arith.addi %gather3A_201, %add3A_321 : vector<16xi32>
        %min3A_323 = arith.constant 199 : i32
        %min3A_324 = vector.broadcast %min3A_323 : i32 to vector<16xi32>
        %min3A_325 = arith.minsi %add3A_322, %min3A_324 : vector<16xi32>
        %gather3A_326 = tpu.vector_load_idx %arg6[%broadcast_in_dim3A_210, %min3A_325] : memref<128x200xi32, #tpu.memory_space<vmem>>[vector<16xi32>, vector<16xi32>], vector<16xi32>,
        %lt3A_327 = arith.cmpi slt, %add3A_321, %gather3A_205 : vector<16xi32>
        %jit3A_328 = arith.constant 0 : i32
        %broadcast_in_dim3A_329 = vector.broadcast %jit3A_328 : i32 to vector<16xi32>
        %select_n3A_330 = arith.select %lt3A_327, %gather3A_326, %broadcast_in_dim3A_329 : vector<16xi1>, vector<16xi32>
        tpu.vector_store_idx %arg7[%broadcast_in_dim3A_210, %add3A_321], %select_n3A_330 : memref<128x200xi32, #tpu.memory_space<vmem>>[vector<16xi32>, vector<16xi32>], vector<16xi32>,
        %add3A_331 = arith.constant 160 : i32
        %add3A_332 = vector.broadcast %add3A_331 : i32 to vector<16xi32>
        %add3A_333 = arith.addi %iota3A, %add3A_332 : vector<16xi32>
        %add3A_334 = arith.addi %gather3A_201, %add3A_333 : vector<16xi32>
        %min3A_335 = arith.constant 199 : i32
        %min3A_336 = vector.broadcast %min3A_335 : i32 to vector<16xi32>
        %min3A_337 = arith.minsi %add3A_334, %min3A_336 : vector<16xi32>
        %gather3A_338 = tpu.vector_load_idx %arg6[%broadcast_in_dim3A_210, %min3A_337] : memref<128x200xi32, #tpu.memory_space<vmem>>[vector<16xi32>, vector<16xi32>], vector<16xi32>,
        %lt3A_339 = arith.cmpi slt, %add3A_333, %gather3A_205 : vector<16xi32>
        %jit3A_340 = arith.constant 0 : i32
        %broadcast_in_dim3A_341 = vector.broadcast %jit3A_340 : i32 to vector<16xi32>
        %select_n3A_342 = arith.select %lt3A_339, %gather3A_338, %broadcast_in_dim3A_341 : vector<16xi1>, vector<16xi32>
        tpu.vector_store_idx %arg7[%broadcast_in_dim3A_210, %add3A_333], %select_n3A_342 : memref<128x200xi32, #tpu.memory_space<vmem>>[vector<16xi32>, vector<16xi32>], vector<16xi32>,
        %add3A_343 = arith.constant 176 : i32
        %add3A_344 = vector.broadcast %add3A_343 : i32 to vector<16xi32>
        %add3A_345 = arith.addi %iota3A, %add3A_344 : vector<16xi32>
        %add3A_346 = arith.addi %gather3A_201, %add3A_345 : vector<16xi32>
        %min3A_347 = arith.constant 199 : i32
        %min3A_348 = vector.broadcast %min3A_347 : i32 to vector<16xi32>
        %min3A_349 = arith.minsi %add3A_346, %min3A_348 : vector<16xi32>
        %gather3A_350 = tpu.vector_load_idx %arg6[%broadcast_in_dim3A_210, %min3A_349] : memref<128x200xi32, #tpu.memory_space<vmem>>[vector<16xi32>, vector<16xi32>], vector<16xi32>,
        %lt3A_351 = arith.cmpi slt, %add3A_345, %gather3A_205 : vector<16xi32>
        %jit3A_352 = arith.constant 0 : i32
        %broadcast_in_dim3A_353 = vector.broadcast %jit3A_352 : i32 to vector<16xi32>
        %select_n3A_354 = arith.select %lt3A_351, %gather3A_350, %broadcast_in_dim3A_353 : vector<16xi1>, vector<16xi32>
        tpu.vector_store_idx %arg7[%broadcast_in_dim3A_210, %add3A_345], %select_n3A_354 : memref<128x200xi32, #tpu.memory_space<vmem>>[vector<16xi32>, vector<16xi32>], vector<16xi32>,
        %add3A_355 = arith.constant 192 : i32
        %add3A_356 = vector.broadcast %add3A_355 : i32 to vector<16xi32>
        %add3A_357 = arith.addi %iota3A, %add3A_356 : vector<16xi32>
        %add3A_358 = arith.addi %gather3A_201, %add3A_357 : vector<16xi32>
        %min3A_359 = arith.constant 199 : i32
        %min3A_360 = vector.broadcast %min3A_359 : i32 to vector<16xi32>
        %min3A_361 = arith.minsi %add3A_358, %min3A_360 : vector<16xi32>
        %gather3A_362 = tpu.vector_load_idx %arg6[%broadcast_in_dim3A_210, %min3A_361] : memref<128x200xi32, #tpu.memory_space<vmem>>[vector<16xi32>, vector<16xi32>], vector<16xi32>,
        %lt3A_363 = arith.cmpi slt, %add3A_357, %gather3A_205 : vector<16xi32>
        %jit3A_364 = arith.constant 0 : i32
        %broadcast_in_dim3A_365 = vector.broadcast %jit3A_364 : i32 to vector<16xi32>
        %select_n3A_366 = arith.select %lt3A_363, %gather3A_362, %broadcast_in_dim3A_365 : vector<16xi1>, vector<16xi32>
        %lt3A_367 = arith.constant 200 : i32
        %lt3A_368 = vector.broadcast %lt3A_367 : i32 to vector<16xi32>
        %lt3A_369 = arith.cmpi slt, %add3A_357, %lt3A_368 : vector<16xi32>
        tpu.vector_store_idx %arg7[%broadcast_in_dim3A_210, %add3A_357], %select_n3A_366 masked %lt3A_369 : memref<128x200xi32, #tpu.memory_space<vmem>>[vector<16xi32>, vector<16xi32>], vector<16xi32>, vector<16xi1>
        %broadcast_in_dim3A_370 = arith.constant 2 : i32
        %broadcast_in_dim3A_371 = vector.broadcast %broadcast_in_dim3A_370 : i32 to vector<16x1xi32>
        %gather3A_372 = vector.shape_cast %broadcast_in_dim3A_371 : vector<16x1xi32> to vector<16xi32>
        %gather3A_373 = tpu.dynamic_gather %get3A_24[%gather3A_372] in [0] : vector<16xi32>, vector<16xi32> -> vector<16xi32>
        %broadcast_in_dim3A_374 = arith.constant 2 : i32
        %broadcast_in_dim3A_375 = vector.broadcast %broadcast_in_dim3A_374 : i32 to vector<16x1xi32>
        %gather3A_376 = vector.shape_cast %broadcast_in_dim3A_375 : vector<16x1xi32> to vector<16xi32>
        %gather3A_377 = tpu.dynamic_gather %get3A_31[%gather3A_376] in [0] : vector<16xi32>, vector<16xi32> -> vector<16xi32>
        %mul3A_378 = arith.constant 16 : i32
        %mul3A_379 = arith.muli %scan3A_18, %mul3A_378 : i32
        %add3A_380 = arith.constant 2 : i32
        %add3A_381 = arith.addi %mul3A_379, %add3A_380 : i32
        %broadcast_in_dim3A_382 = vector.broadcast %add3A_381 : i32 to vector<16xi32>
        %add3A_383 = arith.constant 0 : i32
        %add3A_384 = vector.broadcast %add3A_383 : i32 to vector<16xi32>
        %add3A_385 = arith.addi %iota3A, %add3A_384 : vector<16xi32>
        %add3A_386 = arith.addi %gather3A_373, %add3A_385 : vector<16xi32>
        %min3A_387 = arith.constant 199 : i32
        %min3A_388 = vector.broadcast %min3A_387 : i32 to vector<16xi32>
        %min3A_389 = arith.minsi %add3A_386, %min3A_388 : vector<16xi32>
        %gather3A_390 = tpu.vector_load_idx %arg6[%broadcast_in_dim3A_382, %min3A_389] : memref<128x200xi32, #tpu.memory_space<vmem>>[vector<16xi32>, vector<16xi32>], vector<16xi32>,
        %lt3A_391 = arith.cmpi slt, %add3A_385, %gather3A_377 : vector<16xi32>
        %jit3A_392 = arith.constant 0 : i32
        %broadcast_in_dim3A_393 = vector.broadcast %jit3A_392 : i32 to vector<16xi32>
        %select_n3A_394 = arith.select %lt3A_391, %gather3A_390, %broadcast_in_dim3A_393 : vector<16xi1>, vector<16xi32>
        tpu.vector_store_idx %arg7[%broadcast_in_dim3A_382, %add3A_385], %select_n3A_394 : memref<128x200xi32, #tpu.memory_space<vmem>>[vector<16xi32>, vector<16xi32>], vector<16xi32>,
        %add3A_395 = arith.constant 16 : i32
        %add3A_396 = vector.broadcast %add3A_395 : i32 to vector<16xi32>
        %add3A_397 = arith.addi %iota3A, %add3A_396 : vector<16xi32>
        %add3A_398 = arith.addi %gather3A_373, %add3A_397 : vector<16xi32>
        %min3A_399 = arith.constant 199 : i32
        %min3A_400 = vector.broadcast %min3A_399 : i32 to vector<16xi32>
        %min3A_401 = arith.minsi %add3A_398, %min3A_400 : vector<16xi32>
        %gather3A_402 = tpu.vector_load_idx %arg6[%broadcast_in_dim3A_382, %min3A_401] : memref<128x200xi32, #tpu.memory_space<vmem>>[vector<16xi32>, vector<16xi32>], vector<16xi32>,
        %lt3A_403 = arith.cmpi slt, %add3A_397, %gather3A_377 : vector<16xi32>
        %jit3A_404 = arith.constant 0 : i32
        %broadcast_in_dim3A_405 = vector.broadcast %jit3A_404 : i32 to vector<16xi32>
        %select_n3A_406 = arith.select %lt3A_403, %gather3A_402, %broadcast_in_dim3A_405 : vector<16xi1>, vector<16xi32>
        tpu.vector_store_idx %arg7[%broadcast_in_dim3A_382, %add3A_397], %select_n3A_406 : memref<128x200xi32, #tpu.memory_space<vmem>>[vector<16xi32>, vector<16xi32>], vector<16xi32>,
        %add3A_407 = arith.constant 32 : i32
        %add3A_408 = vector.broadcast %add3A_407 : i32 to vector<16xi32>
        %add3A_409 = arith.addi %iota3A, %add3A_408 : vector<16xi32>
        %add3A_410 = arith.addi %gather3A_373, %add3A_409 : vector<16xi32>
        %min3A_411 = arith.constant 199 : i32
        %min3A_412 = vector.broadcast %min3A_411 : i32 to vector<16xi32>
        %min3A_413 = arith.minsi %add3A_410, %min3A_412 : vector<16xi32>
        %gather3A_414 = tpu.vector_load_idx %arg6[%broadcast_in_dim3A_382, %min3A_413] : memref<128x200xi32, #tpu.memory_space<vmem>>[vector<16xi32>, vector<16xi32>], vector<16xi32>,
        %lt3A_415 = arith.cmpi slt, %add3A_409, %gather3A_377 : vector<16xi32>
        %jit3A_416 = arith.constant 0 : i32
        %broadcast_in_dim3A_417 = vector.broadcast %jit3A_416 : i32 to vector<16xi32>
        %select_n3A_418 = arith.select %lt3A_415, %gather3A_414, %broadcast_in_dim3A_417 : vector<16xi1>, vector<16xi32>
        tpu.vector_store_idx %arg7[%broadcast_in_dim3A_382, %add3A_409], %select_n3A_418 : memref<128x200xi32, #tpu.memory_space<vmem>>[vector<16xi32>, vector<16xi32>], vector<16xi32>,
        %add3A_419 = arith.constant 48 : i32
        %add3A_420 = vector.broadcast %add3A_419 : i32 to vector<16xi32>
        %add3A_421 = arith.addi %iota3A, %add3A_420 : vector<16xi32>
        %add3A_422 = arith.addi %gather3A_373, %add3A_421 : vector<16xi32>
        %min3A_423 = arith.constant 199 : i32
        %min3A_424 = vector.broadcast %min3A_423 : i32 to vector<16xi32>
        %min3A_425 = arith.minsi %add3A_422, %min3A_424 : vector<16xi32>
        %gather3A_426 = tpu.vector_load_idx %arg6[%broadcast_in_dim3A_382, %min3A_425] : memref<128x200xi32, #tpu.memory_space<vmem>>[vector<16xi32>, vector<16xi32>], vector<16xi32>,
        %lt3A_427 = arith.cmpi slt, %add3A_421, %gather3A_377 : vector<16xi32>
        %jit3A_428 = arith.constant 0 : i32
        %broadcast_in_dim3A_429 = vector.broadcast %jit3A_428 : i32 to vector<16xi32>
        %select_n3A_430 = arith.select %lt3A_427, %gather3A_426, %broadcast_in_dim3A_429 : vector<16xi1>, vector<16xi32>
        tpu.vector_store_idx %arg7[%broadcast_in_dim3A_382, %add3A_421], %select_n3A_430 : memref<128x200xi32, #tpu.memory_space<vmem>>[vector<16xi32>, vector<16xi32>], vector<16xi32>,
        %add3A_431 = arith.constant 64 : i32
        %add3A_432 = vector.broadcast %add3A_431 : i32 to vector<16xi32>
        %add3A_433 = arith.addi %iota3A, %add3A_432 : vector<16xi32>
        %add3A_434 = arith.addi %gather3A_373, %add3A_433 : vector<16xi32>
        %min3A_435 = arith.constant 199 : i32
        %min3A_436 = vector.broadcast %min3A_435 : i32 to vector<16xi32>
        %min3A_437 = arith.minsi %add3A_434, %min3A_436 : vector<16xi32>
        %gather3A_438 = tpu.vector_load_idx %arg6[%broadcast_in_dim3A_382, %min3A_437] : memref<128x200xi32, #tpu.memory_space<vmem>>[vector<16xi32>, vector<16xi32>], vector<16xi32>,
        %lt3A_439 = arith.cmpi slt, %add3A_433, %gather3A_377 : vector<16xi32>
        %jit3A_440 = arith.constant 0 : i32
        %broadcast_in_dim3A_441 = vector.broadcast %jit3A_440 : i32 to vector<16xi32>
        %select_n3A_442 = arith.select %lt3A_439, %gather3A_438, %broadcast_in_dim3A_441 : vector<16xi1>, vector<16xi32>
        tpu.vector_store_idx %arg7[%broadcast_in_dim3A_382, %add3A_433], %select_n3A_442 : memref<128x200xi32, #tpu.memory_space<vmem>>[vector<16xi32>, vector<16xi32>], vector<16xi32>,
        %add3A_443 = arith.constant 80 : i32
        %add3A_444 = vector.broadcast %add3A_443 : i32 to vector<16xi32>
        %add3A_445 = arith.addi %iota3A, %add3A_444 : vector<16xi32>
        %add3A_446 = arith.addi %gather3A_373, %add3A_445 : vector<16xi32>
        %min3A_447 = arith.constant 199 : i32
        %min3A_448 = vector.broadcast %min3A_447 : i32 to vector<16xi32>
        %min3A_449 = arith.minsi %add3A_446, %min3A_448 : vector<16xi32>
        %gather3A_450 = tpu.vector_load_idx %arg6[%broadcast_in_dim3A_382, %min3A_449] : memref<128x200xi32, #tpu.memory_space<vmem>>[vector<16xi32>, vector<16xi32>], vector<16xi32>,
        %lt3A_451 = arith.cmpi slt, %add3A_445, %gather3A_377 : vector<16xi32>
        %jit3A_452 = arith.constant 0 : i32
        %broadcast_in_dim3A_453 = vector.broadcast %jit3A_452 : i32 to vector<16xi32>
        %select_n3A_454 = arith.select %lt3A_451, %gather3A_450, %broadcast_in_dim3A_453 : vector<16xi1>, vector<16xi32>
        tpu.vector_store_idx %arg7[%broadcast_in_dim3A_382, %add3A_445], %select_n3A_454 : memref<128x200xi32, #tpu.memory_space<vmem>>[vector<16xi32>, vector<16xi32>], vector<16xi32>,
        %add3A_455 = arith.constant 96 : i32
        %add3A_456 = vector.broadcast %add3A_455 : i32 to vector<16xi32>
        %add3A_457 = arith.addi %iota3A, %add3A_456 : vector<16xi32>
        %add3A_458 = arith.addi %gather3A_373, %add3A_457 : vector<16xi32>
        %min3A_459 = arith.constant 199 : i32
        %min3A_460 = vector.broadcast %min3A_459 : i32 to vector<16xi32>
        %min3A_461 = arith.minsi %add3A_458, %min3A_460 : vector<16xi32>
        %gather3A_462 = tpu.vector_load_idx %arg6[%broadcast_in_dim3A_382, %min3A_461] : memref<128x200xi32, #tpu.memory_space<vmem>>[vector<16xi32>, vector<16xi32>], vector<16xi32>,
        %lt3A_463 = arith.cmpi slt, %add3A_457, %gather3A_377 : vector<16xi32>
        %jit3A_464 = arith.constant 0 : i32
        %broadcast_in_dim3A_465 = vector.broadcast %jit3A_464 : i32 to vector<16xi32>
        %select_n3A_466 = arith.select %lt3A_463, %gather3A_462, %broadcast_in_dim3A_465 : vector<16xi1>, vector<16xi32>
        tpu.vector_store_idx %arg7[%broadcast_in_dim3A_382, %add3A_457], %select_n3A_466 : memref<128x200xi32, #tpu.memory_space<vmem>>[vector<16xi32>, vector<16xi32>], vector<16xi32>,
        %add3A_467 = arith.constant 112 : i32
        %add3A_468 = vector.broadcast %add3A_467 : i32 to vector<16xi32>
        %add3A_469 = arith.addi %iota3A, %add3A_468 : vector<16xi32>
        %add3A_470 = arith.addi %gather3A_373, %add3A_469 : vector<16xi32>
        %min3A_471 = arith.constant 199 : i32
        %min3A_472 = vector.broadcast %min3A_471 : i32 to vector<16xi32>
        %min3A_473 = arith.minsi %add3A_470, %min3A_472 : vector<16xi32>
        %gather3A_474 = tpu.vector_load_idx %arg6[%broadcast_in_dim3A_382, %min3A_473] : memref<128x200xi32, #tpu.memory_space<vmem>>[vector<16xi32>, vector<16xi32>], vector<16xi32>,
        %lt3A_475 = arith.cmpi slt, %add3A_469, %gather3A_377 : vector<16xi32>
        %jit3A_476 = arith.constant 0 : i32
        %broadcast_in_dim3A_477 = vector.broadcast %jit3A_476 : i32 to vector<16xi32>
        %select_n3A_478 = arith.select %lt3A_475, %gather3A_474, %broadcast_in_dim3A_477 : vector<16xi1>, vector<16xi32>
        tpu.vector_store_idx %arg7[%broadcast_in_dim3A_382, %add3A_469], %select_n3A_478 : memref<128x200xi32, #tpu.memory_space<vmem>>[vector<16xi32>, vector<16xi32>], vector<16xi32>,
        %add3A_479 = arith.constant 128 : i32
        %add3A_480 = vector.broadcast %add3A_479 : i32 to vector<16xi32>
        %add3A_481 = arith.addi %iota3A, %add3A_480 : vector<16xi32>
        %add3A_482 = arith.addi %gather3A_373, %add3A_481 : vector<16xi32>
        %min3A_483 = arith.constant 199 : i32
        %min3A_484 = vector.broadcast %min3A_483 : i32 to vector<16xi32>
        %min3A_485 = arith.minsi %add3A_482, %min3A_484 : vector<16xi32>
        %gather3A_486 = tpu.vector_load_idx %arg6[%broadcast_in_dim3A_382, %min3A_485] : memref<128x200xi32, #tpu.memory_space<vmem>>[vector<16xi32>, vector<16xi32>], vector<16xi32>,
        %lt3A_487 = arith.cmpi slt, %add3A_481, %gather3A_377 : vector<16xi32>
        %jit3A_488 = arith.constant 0 : i32
        %broadcast_in_dim3A_489 = vector.broadcast %jit3A_488 : i32 to vector<16xi32>
        %select_n3A_490 = arith.select %lt3A_487, %gather3A_486, %broadcast_in_dim3A_489 : vector<16xi1>, vector<16xi32>
        tpu.vector_store_idx %arg7[%broadcast_in_dim3A_382, %add3A_481], %select_n3A_490 : memref<128x200xi32, #tpu.memory_space<vmem>>[vector<16xi32>, vector<16xi32>], vector<16xi32>,
        %add3A_491 = arith.constant 144 : i32
        %add3A_492 = vector.broadcast %add3A_491 : i32 to vector<16xi32>
        %add3A_493 = arith.addi %iota3A, %add3A_492 : vector<16xi32>
        %add3A_494 = arith.addi %gather3A_373, %add3A_493 : vector<16xi32>
        %min3A_495 = arith.constant 199 : i32
        %min3A_496 = vector.broadcast %min3A_495 : i32 to vector<16xi32>
        %min3A_497 = arith.minsi %add3A_494, %min3A_496 : vector<16xi32>
        %gather3A_498 = tpu.vector_load_idx %arg6[%broadcast_in_dim3A_382, %min3A_497] : memref<128x200xi32, #tpu.memory_space<vmem>>[vector<16xi32>, vector<16xi32>], vector<16xi32>,
        %lt3A_499 = arith.cmpi slt, %add3A_493, %gather3A_377 : vector<16xi32>
        %jit3A_500 = arith.constant 0 : i32
        %broadcast_in_dim3A_501 = vector.broadcast %jit3A_500 : i32 to vector<16xi32>
        %select_n3A_502 = arith.select %lt3A_499, %gather3A_498, %broadcast_in_dim3A_501 : vector<16xi1>, vector<16xi32>
        tpu.vector_store_idx %arg7[%broadcast_in_dim3A_382, %add3A_493], %select_n3A_502 : memref<128x200xi32, #tpu.memory_space<vmem>>[vector<16xi32>, vector<16xi32>], vector<16xi32>,
        %add3A_503 = arith.constant 160 : i32
        %add3A_504 = vector.broadcast %add3A_503 : i32 to vector<16xi32>
        %add3A_505 = arith.addi %iota3A, %add3A_504 : vector<16xi32>
        %add3A_506 = arith.addi %gather3A_373, %add3A_505 : vector<16xi32>
        %min3A_507 = arith.constant 199 : i32
        %min3A_508 = vector.broadcast %min3A_507 : i32 to vector<16xi32>
        %min3A_509 = arith.minsi %add3A_506, %min3A_508 : vector<16xi32>
        %gather3A_510 = tpu.vector_load_idx %arg6[%broadcast_in_dim3A_382, %min3A_509] : memref<128x200xi32, #tpu.memory_space<vmem>>[vector<16xi32>, vector<16xi32>], vector<16xi32>,
        %lt3A_511 = arith.cmpi slt, %add3A_505, %gather3A_377 : vector<16xi32>
        %jit3A_512 = arith.constant 0 : i32
        %broadcast_in_dim3A_513 = vector.broadcast %jit3A_512 : i32 to vector<16xi32>
        %select_n3A_514 = arith.select %lt3A_511, %gather3A_510, %broadcast_in_dim3A_513 : vector<16xi1>, vector<16xi32>
        tpu.vector_store_idx %arg7[%broadcast_in_dim3A_382, %add3A_505], %select_n3A_514 : memref<128x200xi32, #tpu.memory_space<vmem>>[vector<16xi32>, vector<16xi32>], vector<16xi32>,
        %add3A_515 = arith.constant 176 : i32
        %add3A_516 = vector.broadcast %add3A_515 : i32 to vector<16xi32>
        %add3A_517 = arith.addi %iota3A, %add3A_516 : vector<16xi32>
        %add3A_518 = arith.addi %gather3A_373, %add3A_517 : vector<16xi32>
        %min3A_519 = arith.constant 199 : i32
        %min3A_520 = vector.broadcast %min3A_519 : i32 to vector<16xi32>
        %min3A_521 = arith.minsi %add3A_518, %min3A_520 : vector<16xi32>
        %gather3A_522 = tpu.vector_load_idx %arg6[%broadcast_in_dim3A_382, %min3A_521] : memref<128x200xi32, #tpu.memory_space<vmem>>[vector<16xi32>, vector<16xi32>], vector<16xi32>,
        %lt3A_523 = arith.cmpi slt, %add3A_517, %gather3A_377 : vector<16xi32>
        %jit3A_524 = arith.constant 0 : i32
        %broadcast_in_dim3A_525 = vector.broadcast %jit3A_524 : i32 to vector<16xi32>
        %select_n3A_526 = arith.select %lt3A_523, %gather3A_522, %broadcast_in_dim3A_525 : vector<16xi1>, vector<16xi32>
        tpu.vector_store_idx %arg7[%broadcast_in_dim3A_382, %add3A_517], %select_n3A_526 : memref<128x200xi32, #tpu.memory_space<vmem>>[vector<16xi32>, vector<16xi32>], vector<16xi32>,
        %add3A_527 = arith.constant 192 : i32
        %add3A_528 = vector.broadcast %add3A_527 : i32 to vector<16xi32>
        %add3A_529 = arith.addi %iota3A, %add3A_528 : vector<16xi32>
        %add3A_530 = arith.addi %gather3A_373, %add3A_529 : vector<16xi32>
        %min3A_531 = arith.constant 199 : i32
        %min3A_532 = vector.broadcast %min3A_531 : i32 to vector<16xi32>
        %min3A_533 = arith.minsi %add3A_530, %min3A_532 : vector<16xi32>
        %gather3A_534 = tpu.vector_load_idx %arg6[%broadcast_in_dim3A_382, %min3A_533] : memref<128x200xi32, #tpu.memory_space<vmem>>[vector<16xi32>, vector<16xi32>], vector<16xi32>,
        %lt3A_535 = arith.cmpi slt, %add3A_529, %gather3A_377 : vector<16xi32>
        %jit3A_536 = arith.constant 0 : i32
        %broadcast_in_dim3A_537 = vector.broadcast %jit3A_536 : i32 to vector<16xi32>
        %select_n3A_538 = arith.select %lt3A_535, %gather3A_534, %broadcast_in_dim3A_537 : vector<16xi1>, vector<16xi32>
        %lt3A_539 = arith.constant 200 : i32
        %lt3A_540 = vector.broadcast %lt3A_539 : i32 to vector<16xi32>
        %lt3A_541 = arith.cmpi slt, %add3A_529, %lt3A_540 : vector<16xi32>
        tpu.vector_store_idx %arg7[%broadcast_in_dim3A_382, %add3A_529], %select_n3A_538 masked %lt3A_541 : memref<128x200xi32, #tpu.memory_space<vmem>>[vector<16xi32>, vector<16xi32>], vector<16xi32>, vector<16xi1>
        %broadcast_in_dim3A_542 = arith.constant 3 : i32
        %broadcast_in_dim3A_543 = vector.broadcast %broadcast_in_dim3A_542 : i32 to vector<16x1xi32>
        %gather3A_544 = vector.shape_cast %broadcast_in_dim3A_543 : vector<16x1xi32> to vector<16xi32>
        %gather3A_545 = tpu.dynamic_gather %get3A_24[%gather3A_544] in [0] : vector<16xi32>, vector<16xi32> -> vector<16xi32>
        %broadcast_in_dim3A_546 = arith.constant 3 : i32
        %broadcast_in_dim3A_547 = vector.broadcast %broadcast_in_dim3A_546 : i32 to vector<16x1xi32>
        %gather3A_548 = vector.shape_cast %broadcast_in_dim3A_547 : vector<16x1xi32> to vector<16xi32>
        %gather3A_549 = tpu.dynamic_gather %get3A_31[%gather3A_548] in [0] : vector<16xi32>, vector<16xi32> -> vector<16xi32>
        %mul3A_550 = arith.constant 16 : i32
        %mul3A_551 = arith.muli %scan3A_18, %mul3A_550 : i32
        %add3A_552 = arith.constant 3 : i32
        %add3A_553 = arith.addi %mul3A_551, %add3A_552 : i32
        %broadcast_in_dim3A_554 = vector.broadcast %add3A_553 : i32 to vector<16xi32>
        %add3A_555 = arith.constant 0 : i32
        %add3A_556 = vector.broadcast %add3A_555 : i32 to vector<16xi32>
        %add3A_557 = arith.addi %iota3A, %add3A_556 : vector<16xi32>
        %add3A_558 = arith.addi %gather3A_545, %add3A_557 : vector<16xi32>
        %min3A_559 = arith.constant 199 : i32
        %min3A_560 = vector.broadcast %min3A_559 : i32 to vector<16xi32>
        %min3A_561 = arith.minsi %add3A_558, %min3A_560 : vector<16xi32>
        %gather3A_562 = tpu.vector_load_idx %arg6[%broadcast_in_dim3A_554, %min3A_561] : memref<128x200xi32, #tpu.memory_space<vmem>>[vector<16xi32>, vector<16xi32>], vector<16xi32>,
        %lt3A_563 = arith.cmpi slt, %add3A_557, %gather3A_549 : vector<16xi32>
        %jit3A_564 = arith.constant 0 : i32
        %broadcast_in_dim3A_565 = vector.broadcast %jit3A_564 : i32 to vector<16xi32>
        %select_n3A_566 = arith.select %lt3A_563, %gather3A_562, %broadcast_in_dim3A_565 : vector<16xi1>, vector<16xi32>
        tpu.vector_store_idx %arg7[%broadcast_in_dim3A_554, %add3A_557], %select_n3A_566 : memref<128x200xi32, #tpu.memory_space<vmem>>[vector<16xi32>, vector<16xi32>], vector<16xi32>,
        %add3A_567 = arith.constant 16 : i32
        %add3A_568 = vector.broadcast %add3A_567 : i32 to vector<16xi32>
        %add3A_569 = arith.addi %iota3A, %add3A_568 : vector<16xi32>
        %add3A_570 = arith.addi %gather3A_545, %add3A_569 : vector<16xi32>
        %min3A_571 = arith.constant 199 : i32
        %min3A_572 = vector.broadcast %min3A_571 : i32 to vector<16xi32>
        %min3A_573 = arith.minsi %add3A_570, %min3A_572 : vector<16xi32>
        %gather3A_574 = tpu.vector_load_idx %arg6[%broadcast_in_dim3A_554, %min3A_573] : memref<128x200xi32, #tpu.memory_space<vmem>>[vector<16xi32>, vector<16xi32>], vector<16xi32>,
        %lt3A_575 = arith.cmpi slt, %add3A_569, %gather3A_549 : vector<16xi32>
        %jit3A_576 = arith.constant 0 : i32
        %broadcast_in_dim3A_577 = vector.broadcast %jit3A_576 : i32 to vector<16xi32>
        %select_n3A_578 = arith.select %lt3A_575, %gather3A_574, %broadcast_in_dim3A_577 : vector<16xi1>, vector<16xi32>
        tpu.vector_store_idx %arg7[%broadcast_in_dim3A_554, %add3A_569], %select_n3A_578 : memref<128x200xi32, #tpu.memory_space<vmem>>[vector<16xi32>, vector<16xi32>], vector<16xi32>,
        %add3A_579 = arith.constant 32 : i32
        %add3A_580 = vector.broadcast %add3A_579 : i32 to vector<16xi32>
        %add3A_581 = arith.addi %iota3A, %add3A_580 : vector<16xi32>
        %add3A_582 = arith.addi %gather3A_545, %add3A_581 : vector<16xi32>
        %min3A_583 = arith.constant 199 : i32
        %min3A_584 = vector.broadcast %min3A_583 : i32 to vector<16xi32>
        %min3A_585 = arith.minsi %add3A_582, %min3A_584 : vector<16xi32>
        %gather3A_586 = tpu.vector_load_idx %arg6[%broadcast_in_dim3A_554, %min3A_585] : memref<128x200xi32, #tpu.memory_space<vmem>>[vector<16xi32>, vector<16xi32>], vector<16xi32>,
        %lt3A_587 = arith.cmpi slt, %add3A_581, %gather3A_549 : vector<16xi32>
        %jit3A_588 = arith.constant 0 : i32
        %broadcast_in_dim3A_589 = vector.broadcast %jit3A_588 : i32 to vector<16xi32>
        %select_n3A_590 = arith.select %lt3A_587, %gather3A_586, %broadcast_in_dim3A_589 : vector<16xi1>, vector<16xi32>
        tpu.vector_store_idx %arg7[%broadcast_in_dim3A_554, %add3A_581], %select_n3A_590 : memref<128x200xi32, #tpu.memory_space<vmem>>[vector<16xi32>, vector<16xi32>], vector<16xi32>,
        %add3A_591 = arith.constant 48 : i32
        %add3A_592 = vector.broadcast %add3A_591 : i32 to vector<16xi32>
        %add3A_593 = arith.addi %iota3A, %add3A_592 : vector<16xi32>
        %add3A_594 = arith.addi %gather3A_545, %add3A_593 : vector<16xi32>
        %min3A_595 = arith.constant 199 : i32
        %min3A_596 = vector.broadcast %min3A_595 : i32 to vector<16xi32>
        %min3A_597 = arith.minsi %add3A_594, %min3A_596 : vector<16xi32>
        %gather3A_598 = tpu.vector_load_idx %arg6[%broadcast_in_dim3A_554, %min3A_597] : memref<128x200xi32, #tpu.memory_space<vmem>>[vector<16xi32>, vector<16xi32>], vector<16xi32>,
        %lt3A_599 = arith.cmpi slt, %add3A_593, %gather3A_549 : vector<16xi32>
        %jit3A_600 = arith.constant 0 : i32
        %broadcast_in_dim3A_601 = vector.broadcast %jit3A_600 : i32 to vector<16xi32>
        %select_n3A_602 = arith.select %lt3A_599, %gather3A_598, %broadcast_in_dim3A_601 : vector<16xi1>, vector<16xi32>
        tpu.vector_store_idx %arg7[%broadcast_in_dim3A_554, %add3A_593], %select_n3A_602 : memref<128x200xi32, #tpu.memory_space<vmem>>[vector<16xi32>, vector<16xi32>], vector<16xi32>,
        %add3A_603 = arith.constant 64 : i32
        %add3A_604 = vector.broadcast %add3A_603 : i32 to vector<16xi32>
        %add3A_605 = arith.addi %iota3A, %add3A_604 : vector<16xi32>
        %add3A_606 = arith.addi %gather3A_545, %add3A_605 : vector<16xi32>
        %min3A_607 = arith.constant 199 : i32
        %min3A_608 = vector.broadcast %min3A_607 : i32 to vector<16xi32>
        %min3A_609 = arith.minsi %add3A_606, %min3A_608 : vector<16xi32>
        %gather3A_610 = tpu.vector_load_idx %arg6[%broadcast_in_dim3A_554, %min3A_609] : memref<128x200xi32, #tpu.memory_space<vmem>>[vector<16xi32>, vector<16xi32>], vector<16xi32>,
        %lt3A_611 = arith.cmpi slt, %add3A_605, %gather3A_549 : vector<16xi32>
        %jit3A_612 = arith.constant 0 : i32
        %broadcast_in_dim3A_613 = vector.broadcast %jit3A_612 : i32 to vector<16xi32>
        %select_n3A_614 = arith.select %lt3A_611, %gather3A_610, %broadcast_in_dim3A_613 : vector<16xi1>, vector<16xi32>
        tpu.vector_store_idx %arg7[%broadcast_in_dim3A_554, %add3A_605], %select_n3A_614 : memref<128x200xi32, #tpu.memory_space<vmem>>[vector<16xi32>, vector<16xi32>], vector<16xi32>,
        %add3A_615 = arith.constant 80 : i32
        %add3A_616 = vector.broadcast %add3A_615 : i32 to vector<16xi32>
        %add3A_617 = arith.addi %iota3A, %add3A_616 : vector<16xi32>
        %add3A_618 = arith.addi %gather3A_545, %add3A_617 : vector<16xi32>
        %min3A_619 = arith.constant 199 : i32
        %min3A_620 = vector.broadcast %min3A_619 : i32 to vector<16xi32>
        %min3A_621 = arith.minsi %add3A_618, %min3A_620 : vector<16xi32>
        %gather3A_622 = tpu.vector_load_idx %arg6[%broadcast_in_dim3A_554, %min3A_621] : memref<128x200xi32, #tpu.memory_space<vmem>>[vector<16xi32>, vector<16xi32>], vector<16xi32>,
        %lt3A_623 = arith.cmpi slt, %add3A_617, %gather3A_549 : vector<16xi32>
        %jit3A_624 = arith.constant 0 : i32
        %broadcast_in_dim3A_625 = vector.broadcast %jit3A_624 : i32 to vector<16xi32>
        %select_n3A_626 = arith.select %lt3A_623, %gather3A_622, %broadcast_in_dim3A_625 : vector<16xi1>, vector<16xi32>
        tpu.vector_store_idx %arg7[%broadcast_in_dim3A_554, %add3A_617], %select_n3A_626 : memref<128x200xi32, #tpu.memory_space<vmem>>[vector<16xi32>, vector<16xi32>], vector<16xi32>,
        %add3A_627 = arith.constant 96 : i32
        %add3A_628 = vector.broadcast %add3A_627 : i32 to vector<16xi32>
        %add3A_629 = arith.addi %iota3A, %add3A_628 : vector<16xi32>
        %add3A_630 = arith.addi %gather3A_545, %add3A_629 : vector<16xi32>
        %min3A_631 = arith.constant 199 : i32
        %min3A_632 = vector.broadcast %min3A_631 : i32 to vector<16xi32>
        %min3A_633 = arith.minsi %add3A_630, %min3A_632 : vector<16xi32>
        %gather3A_634 = tpu.vector_load_idx %arg6[%broadcast_in_dim3A_554, %min3A_633] : memref<128x200xi32, #tpu.memory_space<vmem>>[vector<16xi32>, vector<16xi32>], vector<16xi32>,
        %lt3A_635 = arith.cmpi slt, %add3A_629, %gather3A_549 : vector<16xi32>
        %jit3A_636 = arith.constant 0 : i32
        %broadcast_in_dim3A_637 = vector.broadcast %jit3A_636 : i32 to vector<16xi32>
        %select_n3A_638 = arith.select %lt3A_635, %gather3A_634, %broadcast_in_dim3A_637 : vector<16xi1>, vector<16xi32>
        tpu.vector_store_idx %arg7[%broadcast_in_dim3A_554, %add3A_629], %select_n3A_638 : memref<128x200xi32, #tpu.memory_space<vmem>>[vector<16xi32>, vector<16xi32>], vector<16xi32>,
        %add3A_639 = arith.constant 112 : i32
        %add3A_640 = vector.broadcast %add3A_639 : i32 to vector<16xi32>
        %add3A_641 = arith.addi %iota3A, %add3A_640 : vector<16xi32>
        %add3A_642 = arith.addi %gather3A_545, %add3A_641 : vector<16xi32>
        %min3A_643 = arith.constant 199 : i32
        %min3A_644 = vector.broadcast %min3A_643 : i32 to vector<16xi32>
        %min3A_645 = arith.minsi %add3A_642, %min3A_644 : vector<16xi32>
        %gather3A_646 = tpu.vector_load_idx %arg6[%broadcast_in_dim3A_554, %min3A_645] : memref<128x200xi32, #tpu.memory_space<vmem>>[vector<16xi32>, vector<16xi32>], vector<16xi32>,
        %lt3A_647 = arith.cmpi slt, %add3A_641, %gather3A_549 : vector<16xi32>
        %jit3A_648 = arith.constant 0 : i32
        %broadcast_in_dim3A_649 = vector.broadcast %jit3A_648 : i32 to vector<16xi32>
        %select_n3A_650 = arith.select %lt3A_647, %gather3A_646, %broadcast_in_dim3A_649 : vector<16xi1>, vector<16xi32>
        tpu.vector_store_idx %arg7[%broadcast_in_dim3A_554, %add3A_641], %select_n3A_650 : memref<128x200xi32, #tpu.memory_space<vmem>>[vector<16xi32>, vector<16xi32>], vector<16xi32>,
        %add3A_651 = arith.constant 128 : i32
        %add3A_652 = vector.broadcast %add3A_651 : i32 to vector<16xi32>
        %add3A_653 = arith.addi %iota3A, %add3A_652 : vector<16xi32>
        %add3A_654 = arith.addi %gather3A_545, %add3A_653 : vector<16xi32>
        %min3A_655 = arith.constant 199 : i32
        %min3A_656 = vector.broadcast %min3A_655 : i32 to vector<16xi32>
        %min3A_657 = arith.minsi %add3A_654, %min3A_656 : vector<16xi32>
        %gather3A_658 = tpu.vector_load_idx %arg6[%broadcast_in_dim3A_554, %min3A_657] : memref<128x200xi32, #tpu.memory_space<vmem>>[vector<16xi32>, vector<16xi32>], vector<16xi32>,
        %lt3A_659 = arith.cmpi slt, %add3A_653, %gather3A_549 : vector<16xi32>
        %jit3A_660 = arith.constant 0 : i32
        %broadcast_in_dim3A_661 = vector.broadcast %jit3A_660 : i32 to vector<16xi32>
        %select_n3A_662 = arith.select %lt3A_659, %gather3A_658, %broadcast_in_dim3A_661 : vector<16xi1>, vector<16xi32>
        tpu.vector_store_idx %arg7[%broadcast_in_dim3A_554, %add3A_653], %select_n3A_662 : memref<128x200xi32, #tpu.memory_space<vmem>>[vector<16xi32>, vector<16xi32>], vector<16xi32>,
        %add3A_663 = arith.constant 144 : i32
        %add3A_664 = vector.broadcast %add3A_663 : i32 to vector<16xi32>
        %add3A_665 = arith.addi %iota3A, %add3A_664 : vector<16xi32>
        %add3A_666 = arith.addi %gather3A_545, %add3A_665 : vector<16xi32>
        %min3A_667 = arith.constant 199 : i32
        %min3A_668 = vector.broadcast %min3A_667 : i32 to vector<16xi32>
        %min3A_669 = arith.minsi %add3A_666, %min3A_668 : vector<16xi32>
        %gather3A_670 = tpu.vector_load_idx %arg6[%broadcast_in_dim3A_554, %min3A_669] : memref<128x200xi32, #tpu.memory_space<vmem>>[vector<16xi32>, vector<16xi32>], vector<16xi32>,
        %lt3A_671 = arith.cmpi slt, %add3A_665, %gather3A_549 : vector<16xi32>
        %jit3A_672 = arith.constant 0 : i32
        %broadcast_in_dim3A_673 = vector.broadcast %jit3A_672 : i32 to vector<16xi32>
        %select_n3A_674 = arith.select %lt3A_671, %gather3A_670, %broadcast_in_dim3A_673 : vector<16xi1>, vector<16xi32>
        tpu.vector_store_idx %arg7[%broadcast_in_dim3A_554, %add3A_665], %select_n3A_674 : memref<128x200xi32, #tpu.memory_space<vmem>>[vector<16xi32>, vector<16xi32>], vector<16xi32>,
        %add3A_675 = arith.constant 160 : i32
        %add3A_676 = vector.broadcast %add3A_675 : i32 to vector<16xi32>
        %add3A_677 = arith.addi %iota3A, %add3A_676 : vector<16xi32>
        %add3A_678 = arith.addi %gather3A_545, %add3A_677 : vector<16xi32>
        %min3A_679 = arith.constant 199 : i32
        %min3A_680 = vector.broadcast %min3A_679 : i32 to vector<16xi32>
        %min3A_681 = arith.minsi %add3A_678, %min3A_680 : vector<16xi32>
        %gather3A_682 = tpu.vector_load_idx %arg6[%broadcast_in_dim3A_554, %min3A_681] : memref<128x200xi32, #tpu.memory_space<vmem>>[vector<16xi32>, vector<16xi32>], vector<16xi32>,
        %lt3A_683 = arith.cmpi slt, %add3A_677, %gather3A_549 : vector<16xi32>
        %jit3A_684 = arith.constant 0 : i32
        %broadcast_in_dim3A_685 = vector.broadcast %jit3A_684 : i32 to vector<16xi32>
        %select_n3A_686 = arith.select %lt3A_683, %gather3A_682, %broadcast_in_dim3A_685 : vector<16xi1>, vector<16xi32>
        tpu.vector_store_idx %arg7[%broadcast_in_dim3A_554, %add3A_677], %select_n3A_686 : memref<128x200xi32, #tpu.memory_space<vmem>>[vector<16xi32>, vector<16xi32>], vector<16xi32>,
        %add3A_687 = arith.constant 176 : i32
        %add3A_688 = vector.broadcast %add3A_687 : i32 to vector<16xi32>
        %add3A_689 = arith.addi %iota3A, %add3A_688 : vector<16xi32>
        %add3A_690 = arith.addi %gather3A_545, %add3A_689 : vector<16xi32>
        %min3A_691 = arith.constant 199 : i32
        %min3A_692 = vector.broadcast %min3A_691 : i32 to vector<16xi32>
        %min3A_693 = arith.minsi %add3A_690, %min3A_692 : vector<16xi32>
        %gather3A_694 = tpu.vector_load_idx %arg6[%broadcast_in_dim3A_554, %min3A_693] : memref<128x200xi32, #tpu.memory_space<vmem>>[vector<16xi32>, vector<16xi32>], vector<16xi32>,
        %lt3A_695 = arith.cmpi slt, %add3A_689, %gather3A_549 : vector<16xi32>
        %jit3A_696 = arith.constant 0 : i32
        %broadcast_in_dim3A_697 = vector.broadcast %jit3A_696 : i32 to vector<16xi32>
        %select_n3A_698 = arith.select %lt3A_695, %gather3A_694, %broadcast_in_dim3A_697 : vector<16xi1>, vector<16xi32>
        tpu.vector_store_idx %arg7[%broadcast_in_dim3A_554, %add3A_689], %select_n3A_698 : memref<128x200xi32, #tpu.memory_space<vmem>>[vector<16xi32>, vector<16xi32>], vector<16xi32>,
        %add3A_699 = arith.constant 192 : i32
        %add3A_700 = vector.broadcast %add3A_699 : i32 to vector<16xi32>
        %add3A_701 = arith.addi %iota3A, %add3A_700 : vector<16xi32>
        %add3A_702 = arith.addi %gather3A_545, %add3A_701 : vector<16xi32>
        %min3A_703 = arith.constant 199 : i32
        %min3A_704 = vector.broadcast %min3A_703 : i32 to vector<16xi32>
        %min3A_705 = arith.minsi %add3A_702, %min3A_704 : vector<16xi32>
        %gather3A_706 = tpu.vector_load_idx %arg6[%broadcast_in_dim3A_554, %min3A_705] : memref<128x200xi32, #tpu.memory_space<vmem>>[vector<16xi32>, vector<16xi32>], vector<16xi32>,
        %lt3A_707 = arith.cmpi slt, %add3A_701, %gather3A_549 : vector<16xi32>
        %jit3A_708 = arith.constant 0 : i32
        %broadcast_in_dim3A_709 = vector.broadcast %jit3A_708 : i32 to vector<16xi32>
        %select_n3A_710 = arith.select %lt3A_707, %gather3A_706, %broadcast_in_dim3A_709 : vector<16xi1>, vector<16xi32>
        %lt3A_711 = arith.constant 200 : i32
        %lt3A_712 = vector.broadcast %lt3A_711 : i32 to vector<16xi32>
        %lt3A_713 = arith.cmpi slt, %add3A_701, %lt3A_712 : vector<16xi32>
        tpu.vector_store_idx %arg7[%broadcast_in_dim3A_554, %add3A_701], %select_n3A_710 masked %lt3A_713 : memref<128x200xi32, #tpu.memory_space<vmem>>[vector<16xi32>, vector<16xi32>], vector<16xi32>, vector<16xi1>
        %broadcast_in_dim3A_714 = arith.constant 4 : i32
        %broadcast_in_dim3A_715 = vector.broadcast %broadcast_in_dim3A_714 : i32 to vector<16x1xi32>
        %gather3A_716 = vector.shape_cast %broadcast_in_dim3A_715 : vector<16x1xi32> to vector<16xi32>
        %gather3A_717 = tpu.dynamic_gather %get3A_24[%gather3A_716] in [0] : vector<16xi32>, vector<16xi32> -> vector<16xi32>
        %broadcast_in_dim3A_718 = arith.constant 4 : i32
        %broadcast_in_dim3A_719 = vector.broadcast %broadcast_in_dim3A_718 : i32 to vector<16x1xi32>
        %gather3A_720 = vector.shape_cast %broadcast_in_dim3A_719 : vector<16x1xi32> to vector<16xi32>
        %gather3A_721 = tpu.dynamic_gather %get3A_31[%gather3A_720] in [0] : vector<16xi32>, vector<16xi32> -> vector<16xi32>
        %mul3A_722 = arith.constant 16 : i32
        %mul3A_723 = arith.muli %scan3A_18, %mul3A_722 : i32
        %add3A_724 = arith.constant 4 : i32
        %add3A_725 = arith.addi %mul3A_723, %add3A_724 : i32
        %broadcast_in_dim3A_726 = vector.broadcast %add3A_725 : i32 to vector<16xi32>
        %add3A_727 = arith.constant 0 : i32
        %add3A_728 = vector.broadcast %add3A_727 : i32 to vector<16xi32>
        %add3A_729 = arith.addi %iota3A, %add3A_728 : vector<16xi32>
        %add3A_730 = arith.addi %gather3A_717, %add3A_729 : vector<16xi32>
        %min3A_731 = arith.constant 199 : i32
        %min3A_732 = vector.broadcast %min3A_731 : i32 to vector<16xi32>
        %min3A_733 = arith.minsi %add3A_730, %min3A_732 : vector<16xi32>
        %gather3A_734 = tpu.vector_load_idx %arg6[%broadcast_in_dim3A_726, %min3A_733] : memref<128x200xi32, #tpu.memory_space<vmem>>[vector<16xi32>, vector<16xi32>], vector<16xi32>,
        %lt3A_735 = arith.cmpi slt, %add3A_729, %gather3A_721 : vector<16xi32>
        %jit3A_736 = arith.constant 0 : i32
        %broadcast_in_dim3A_737 = vector.broadcast %jit3A_736 : i32 to vector<16xi32>
        %select_n3A_738 = arith.select %lt3A_735, %gather3A_734, %broadcast_in_dim3A_737 : vector<16xi1>, vector<16xi32>
        tpu.vector_store_idx %arg7[%broadcast_in_dim3A_726, %add3A_729], %select_n3A_738 : memref<128x200xi32, #tpu.memory_space<vmem>>[vector<16xi32>, vector<16xi32>], vector<16xi32>,
        %add3A_739 = arith.constant 16 : i32
        %add3A_740 = vector.broadcast %add3A_739 : i32 to vector<16xi32>
        %add3A_741 = arith.addi %iota3A, %add3A_740 : vector<16xi32>
        %add3A_742 = arith.addi %gather3A_717, %add3A_741 : vector<16xi32>
        %min3A_743 = arith.constant 199 : i32
        %min3A_744 = vector.broadcast %min3A_743 : i32 to vector<16xi32>
        %min3A_745 = arith.minsi %add3A_742, %min3A_744 : vector<16xi32>
        %gather3A_746 = tpu.vector_load_idx %arg6[%broadcast_in_dim3A_726, %min3A_745] : memref<128x200xi32, #tpu.memory_space<vmem>>[vector<16xi32>, vector<16xi32>], vector<16xi32>,
        %lt3A_747 = arith.cmpi slt, %add3A_741, %gather3A_721 : vector<16xi32>
        %jit3A_748 = arith.constant 0 : i32
        %broadcast_in_dim3A_749 = vector.broadcast %jit3A_748 : i32 to vector<16xi32>
        %select_n3A_750 = arith.select %lt3A_747, %gather3A_746, %broadcast_in_dim3A_749 : vector<16xi1>, vector<16xi32>
        tpu.vector_store_idx %arg7[%broadcast_in_dim3A_726, %add3A_741], %select_n3A_750 : memref<128x200xi32, #tpu.memory_space<vmem>>[vector<16xi32>, vector<16xi32>], vector<16xi32>,
        %add3A_751 = arith.constant 32 : i32
        %add3A_752 = vector.broadcast %add3A_751 : i32 to vector<16xi32>
        %add3A_753 = arith.addi %iota3A, %add3A_752 : vector<16xi32>
        %add3A_754 = arith.addi %gather3A_717, %add3A_753 : vector<16xi32>
        %min3A_755 = arith.constant 199 : i32
        %min3A_756 = vector.broadcast %min3A_755 : i32 to vector<16xi32>
        %min3A_757 = arith.minsi %add3A_754, %min3A_756 : vector<16xi32>
        %gather3A_758 = tpu.vector_load_idx %arg6[%broadcast_in_dim3A_726, %min3A_757] : memref<128x200xi32, #tpu.memory_space<vmem>>[vector<16xi32>, vector<16xi32>], vector<16xi32>,
        %lt3A_759 = arith.cmpi slt, %add3A_753, %gather3A_721 : vector<16xi32>
        %jit3A_760 = arith.constant 0 : i32
        %broadcast_in_dim3A_761 = vector.broadcast %jit3A_760 : i32 to vector<16xi32>
        %select_n3A_762 = arith.select %lt3A_759, %gather3A_758, %broadcast_in_dim3A_761 : vector<16xi1>, vector<16xi32>
        tpu.vector_store_idx %arg7[%broadcast_in_dim3A_726, %add3A_753], %select_n3A_762 : memref<128x200xi32, #tpu.memory_space<vmem>>[vector<16xi32>, vector<16xi32>], vector<16xi32>,
        %add3A_763 = arith.constant 48 : i32
        %add3A_764 = vector.broadcast %add3A_763 : i32 to vector<16xi32>
        %add3A_765 = arith.addi %iota3A, %add3A_764 : vector<16xi32>
        %add3A_766 = arith.addi %gather3A_717, %add3A_765 : vector<16xi32>
        %min3A_767 = arith.constant 199 : i32
        %min3A_768 = vector.broadcast %min3A_767 : i32 to vector<16xi32>
        %min3A_769 = arith.minsi %add3A_766, %min3A_768 : vector<16xi32>
        %gather3A_770 = tpu.vector_load_idx %arg6[%broadcast_in_dim3A_726, %min3A_769] : memref<128x200xi32, #tpu.memory_space<vmem>>[vector<16xi32>, vector<16xi32>], vector<16xi32>,
        %lt3A_771 = arith.cmpi slt, %add3A_765, %gather3A_721 : vector<16xi32>
        %jit3A_772 = arith.constant 0 : i32
        %broadcast_in_dim3A_773 = vector.broadcast %jit3A_772 : i32 to vector<16xi32>
        %select_n3A_774 = arith.select %lt3A_771, %gather3A_770, %broadcast_in_dim3A_773 : vector<16xi1>, vector<16xi32>
        tpu.vector_store_idx %arg7[%broadcast_in_dim3A_726, %add3A_765], %select_n3A_774 : memref<128x200xi32, #tpu.memory_space<vmem>>[vector<16xi32>, vector<16xi32>], vector<16xi32>,
        %add3A_775 = arith.constant 64 : i32
        %add3A_776 = vector.broadcast %add3A_775 : i32 to vector<16xi32>
        %add3A_777 = arith.addi %iota3A, %add3A_776 : vector<16xi32>
        %add3A_778 = arith.addi %gather3A_717, %add3A_777 : vector<16xi32>
        %min3A_779 = arith.constant 199 : i32
        %min3A_780 = vector.broadcast %min3A_779 : i32 to vector<16xi32>
        %min3A_781 = arith.minsi %add3A_778, %min3A_780 : vector<16xi32>
        %gather3A_782 = tpu.vector_load_idx %arg6[%broadcast_in_dim3A_726, %min3A_781] : memref<128x200xi32, #tpu.memory_space<vmem>>[vector<16xi32>, vector<16xi32>], vector<16xi32>,
        %lt3A_783 = arith.cmpi slt, %add3A_777, %gather3A_721 : vector<16xi32>
        %jit3A_784 = arith.constant 0 : i32
        %broadcast_in_dim3A_785 = vector.broadcast %jit3A_784 : i32 to vector<16xi32>
        %select_n3A_786 = arith.select %lt3A_783, %gather3A_782, %broadcast_in_dim3A_785 : vector<16xi1>, vector<16xi32>
        tpu.vector_store_idx %arg7[%broadcast_in_dim3A_726, %add3A_777], %select_n3A_786 : memref<128x200xi32, #tpu.memory_space<vmem>>[vector<16xi32>, vector<16xi32>], vector<16xi32>,
        %add3A_787 = arith.constant 80 : i32
        %add3A_788 = vector.broadcast %add3A_787 : i32 to vector<16xi32>
        %add3A_789 = arith.addi %iota3A, %add3A_788 : vector<16xi32>
        %add3A_790 = arith.addi %gather3A_717, %add3A_789 : vector<16xi32>
        %min3A_791 = arith.constant 199 : i32
        %min3A_792 = vector.broadcast %min3A_791 : i32 to vector<16xi32>
        %min3A_793 = arith.minsi %add3A_790, %min3A_792 : vector<16xi32>
        %gather3A_794 = tpu.vector_load_idx %arg6[%broadcast_in_dim3A_726, %min3A_793] : memref<128x200xi32, #tpu.memory_space<vmem>>[vector<16xi32>, vector<16xi32>], vector<16xi32>,
        %lt3A_795 = arith.cmpi slt, %add3A_789, %gather3A_721 : vector<16xi32>
        %jit3A_796 = arith.constant 0 : i32
        %broadcast_in_dim3A_797 = vector.broadcast %jit3A_796 : i32 to vector<16xi32>
        %select_n3A_798 = arith.select %lt3A_795, %gather3A_794, %broadcast_in_dim3A_797 : vector<16xi1>, vector<16xi32>
        tpu.vector_store_idx %arg7[%broadcast_in_dim3A_726, %add3A_789], %select_n3A_798 : memref<128x200xi32, #tpu.memory_space<vmem>>[vector<16xi32>, vector<16xi32>], vector<16xi32>,
        %add3A_799 = arith.constant 96 : i32
        %add3A_800 = vector.broadcast %add3A_799 : i32 to vector<16xi32>
        %add3A_801 = arith.addi %iota3A, %add3A_800 : vector<16xi32>
        %add3A_802 = arith.addi %gather3A_717, %add3A_801 : vector<16xi32>
        %min3A_803 = arith.constant 199 : i32
        %min3A_804 = vector.broadcast %min3A_803 : i32 to vector<16xi32>
        %min3A_805 = arith.minsi %add3A_802, %min3A_804 : vector<16xi32>
        %gather3A_806 = tpu.vector_load_idx %arg6[%broadcast_in_dim3A_726, %min3A_805] : memref<128x200xi32, #tpu.memory_space<vmem>>[vector<16xi32>, vector<16xi32>], vector<16xi32>,
        %lt3A_807 = arith.cmpi slt, %add3A_801, %gather3A_721 : vector<16xi32>
        %jit3A_808 = arith.constant 0 : i32
        %broadcast_in_dim3A_809 = vector.broadcast %jit3A_808 : i32 to vector<16xi32>
        %select_n3A_810 = arith.select %lt3A_807, %gather3A_806, %broadcast_in_dim3A_809 : vector<16xi1>, vector<16xi32>
        tpu.vector_store_idx %arg7[%broadcast_in_dim3A_726, %add3A_801], %select_n3A_810 : memref<128x200xi32, #tpu.memory_space<vmem>>[vector<16xi32>, vector<16xi32>], vector<16xi32>,
        %add3A_811 = arith.constant 112 : i32
        %add3A_812 = vector.broadcast %add3A_811 : i32 to vector<16xi32>
        %add3A_813 = arith.addi %iota3A, %add3A_812 : vector<16xi32>
        %add3A_814 = arith.addi %gather3A_717, %add3A_813 : vector<16xi32>
        %min3A_815 = arith.constant 199 : i32
        %min3A_816 = vector.broadcast %min3A_815 : i32 to vector<16xi32>
        %min3A_817 = arith.minsi %add3A_814, %min3A_816 : vector<16xi32>
        %gather3A_818 = tpu.vector_load_idx %arg6[%broadcast_in_dim3A_726, %min3A_817] : memref<128x200xi32, #tpu.memory_space<vmem>>[vector<16xi32>, vector<16xi32>], vector<16xi32>,
        %lt3A_819 = arith.cmpi slt, %add3A_813, %gather3A_721 : vector<16xi32>
        %jit3A_820 = arith.constant 0 : i32
        %broadcast_in_dim3A_821 = vector.broadcast %jit3A_820 : i32 to vector<16xi32>
        %select_n3A_822 = arith.select %lt3A_819, %gather3A_818, %broadcast_in_dim3A_821 : vector<16xi1>, vector<16xi32>
        tpu.vector_store_idx %arg7[%broadcast_in_dim3A_726, %add3A_813], %select_n3A_822 : memref<128x200xi32, #tpu.memory_space<vmem>>[vector<16xi32>, vector<16xi32>], vector<16xi32>,
        %add3A_823 = arith.constant 128 : i32
        %add3A_824 = vector.broadcast %add3A_823 : i32 to vector<16xi32>
        %add3A_825 = arith.addi %iota3A, %add3A_824 : vector<16xi32>
        %add3A_826 = arith.addi %gather3A_717, %add3A_825 : vector<16xi32>
        %min3A_827 = arith.constant 199 : i32
        %min3A_828 = vector.broadcast %min3A_827 : i32 to vector<16xi32>
        %min3A_829 = arith.minsi %add3A_826, %min3A_828 : vector<16xi32>
        %gather3A_830 = tpu.vector_load_idx %arg6[%broadcast_in_dim3A_726, %min3A_829] : memref<128x200xi32, #tpu.memory_space<vmem>>[vector<16xi32>, vector<16xi32>], vector<16xi32>,
        %lt3A_831 = arith.cmpi slt, %add3A_825, %gather3A_721 : vector<16xi32>
        %jit3A_832 = arith.constant 0 : i32
        %broadcast_in_dim3A_833 = vector.broadcast %jit3A_832 : i32 to vector<16xi32>
        %select_n3A_834 = arith.select %lt3A_831, %gather3A_830, %broadcast_in_dim3A_833 : vector<16xi1>, vector<16xi32>
        tpu.vector_store_idx %arg7[%broadcast_in_dim3A_726, %add3A_825], %select_n3A_834 : memref<128x200xi32, #tpu.memory_space<vmem>>[vector<16xi32>, vector<16xi32>], vector<16xi32>,
        %add3A_835 = arith.constant 144 : i32
        %add3A_836 = vector.broadcast %add3A_835 : i32 to vector<16xi32>
        %add3A_837 = arith.addi %iota3A, %add3A_836 : vector<16xi32>
        %add3A_838 = arith.addi %gather3A_717, %add3A_837 : vector<16xi32>
        %min3A_839 = arith.constant 199 : i32
        %min3A_840 = vector.broadcast %min3A_839 : i32 to vector<16xi32>
        %min3A_841 = arith.minsi %add3A_838, %min3A_840 : vector<16xi32>
        %gather3A_842 = tpu.vector_load_idx %arg6[%broadcast_in_dim3A_726, %min3A_841] : memref<128x200xi32, #tpu.memory_space<vmem>>[vector<16xi32>, vector<16xi32>], vector<16xi32>,
        %lt3A_843 = arith.cmpi slt, %add3A_837, %gather3A_721 : vector<16xi32>
        %jit3A_844 = arith.constant 0 : i32
        %broadcast_in_dim3A_845 = vector.broadcast %jit3A_844 : i32 to vector<16xi32>
        %select_n3A_846 = arith.select %lt3A_843, %gather3A_842, %broadcast_in_dim3A_845 : vector<16xi1>, vector<16xi32>
        tpu.vector_store_idx %arg7[%broadcast_in_dim3A_726, %add3A_837], %select_n3A_846 : memref<128x200xi32, #tpu.memory_space<vmem>>[vector<16xi32>, vector<16xi32>], vector<16xi32>,
        %add3A_847 = arith.constant 160 : i32
        %add3A_848 = vector.broadcast %add3A_847 : i32 to vector<16xi32>
        %add3A_849 = arith.addi %iota3A, %add3A_848 : vector<16xi32>
        %add3A_850 = arith.addi %gather3A_717, %add3A_849 : vector<16xi32>
        %min3A_851 = arith.constant 199 : i32
        %min3A_852 = vector.broadcast %min3A_851 : i32 to vector<16xi32>
        %min3A_853 = arith.minsi %add3A_850, %min3A_852 : vector<16xi32>
        %gather3A_854 = tpu.vector_load_idx %arg6[%broadcast_in_dim3A_726, %min3A_853] : memref<128x200xi32, #tpu.memory_space<vmem>>[vector<16xi32>, vector<16xi32>], vector<16xi32>,
        %lt3A_855 = arith.cmpi slt, %add3A_849, %gather3A_721 : vector<16xi32>
        %jit3A_856 = arith.constant 0 : i32
        %broadcast_in_dim3A_857 = vector.broadcast %jit3A_856 : i32 to vector<16xi32>
        %select_n3A_858 = arith.select %lt3A_855, %gather3A_854, %broadcast_in_dim3A_857 : vector<16xi1>, vector<16xi32>
        tpu.vector_store_idx %arg7[%broadcast_in_dim3A_726, %add3A_849], %select_n3A_858 : memref<128x200xi32, #tpu.memory_space<vmem>>[vector<16xi32>, vector<16xi32>], vector<16xi32>,
        %add3A_859 = arith.constant 176 : i32
        %add3A_860 = vector.broadcast %add3A_859 : i32 to vector<16xi32>
        %add3A_861 = arith.addi %iota3A, %add3A_860 : vector<16xi32>
        %add3A_862 = arith.addi %gather3A_717, %add3A_861 : vector<16xi32>
        %min3A_863 = arith.constant 199 : i32
        %min3A_864 = vector.broadcast %min3A_863 : i32 to vector<16xi32>
        %min3A_865 = arith.minsi %add3A_862, %min3A_864 : vector<16xi32>
        %gather3A_866 = tpu.vector_load_idx %arg6[%broadcast_in_dim3A_726, %min3A_865] : memref<128x200xi32, #tpu.memory_space<vmem>>[vector<16xi32>, vector<16xi32>], vector<16xi32>,
        %lt3A_867 = arith.cmpi slt, %add3A_861, %gather3A_721 : vector<16xi32>
        %jit3A_868 = arith.constant 0 : i32
        %broadcast_in_dim3A_869 = vector.broadcast %jit3A_868 : i32 to vector<16xi32>
        %select_n3A_870 = arith.select %lt3A_867, %gather3A_866, %broadcast_in_dim3A_869 : vector<16xi1>, vector<16xi32>
        tpu.vector_store_idx %arg7[%broadcast_in_dim3A_726, %add3A_861], %select_n3A_870 : memref<128x200xi32, #tpu.memory_space<vmem>>[vector<16xi32>, vector<16xi32>], vector<16xi32>,
        %add3A_871 = arith.constant 192 : i32
        %add3A_872 = vector.broadcast %add3A_871 : i32 to vector<16xi32>
        %add3A_873 = arith.addi %iota3A, %add3A_872 : vector<16xi32>
        %add3A_874 = arith.addi %gather3A_717, %add3A_873 : vector<16xi32>
        %min3A_875 = arith.constant 199 : i32
        %min3A_876 = vector.broadcast %min3A_875 : i32 to vector<16xi32>
        %min3A_877 = arith.minsi %add3A_874, %min3A_876 : vector<16xi32>
        %gather3A_878 = tpu.vector_load_idx %arg6[%broadcast_in_dim3A_726, %min3A_877] : memref<128x200xi32, #tpu.memory_space<vmem>>[vector<16xi32>, vector<16xi32>], vector<16xi32>,
        %lt3A_879 = arith.cmpi slt, %add3A_873, %gather3A_721 : vector<16xi32>
        %jit3A_880 = arith.constant 0 : i32
        %broadcast_in_dim3A_881 = vector.broadcast %jit3A_880 : i32 to vector<16xi32>
        %select_n3A_882 = arith.select %lt3A_879, %gather3A_878, %broadcast_in_dim3A_881 : vector<16xi1>, vector<16xi32>
        %lt3A_883 = arith.constant 200 : i32
        %lt3A_884 = vector.broadcast %lt3A_883 : i32 to vector<16xi32>
        %lt3A_885 = arith.cmpi slt, %add3A_873, %lt3A_884 : vector<16xi32>
        tpu.vector_store_idx %arg7[%broadcast_in_dim3A_726, %add3A_873], %select_n3A_882 masked %lt3A_885 : memref<128x200xi32, #tpu.memory_space<vmem>>[vector<16xi32>, vector<16xi32>], vector<16xi32>, vector<16xi1>
        %broadcast_in_dim3A_886 = arith.constant 5 : i32
        %broadcast_in_dim3A_887 = vector.broadcast %broadcast_in_dim3A_886 : i32 to vector<16x1xi32>
        %gather3A_888 = vector.shape_cast %broadcast_in_dim3A_887 : vector<16x1xi32> to vector<16xi32>
        %gather3A_889 = tpu.dynamic_gather %get3A_24[%gather3A_888] in [0] : vector<16xi32>, vector<16xi32> -> vector<16xi32>
        %broadcast_in_dim3A_890 = arith.constant 5 : i32
        %broadcast_in_dim3A_891 = vector.broadcast %broadcast_in_dim3A_890 : i32 to vector<16x1xi32>
        %gather3A_892 = vector.shape_cast %broadcast_in_dim3A_891 : vector<16x1xi32> to vector<16xi32>
        %gather3A_893 = tpu.dynamic_gather %get3A_31[%gather3A_892] in [0] : vector<16xi32>, vector<16xi32> -> vector<16xi32>
        %mul3A_894 = arith.constant 16 : i32
        %mul3A_895 = arith.muli %scan3A_18, %mul3A_894 : i32
        %add3A_896 = arith.constant 5 : i32
        %add3A_897 = arith.addi %mul3A_895, %add3A_896 : i32
        %broadcast_in_dim3A_898 = vector.broadcast %add3A_897 : i32 to vector<16xi32>
        %add3A_899 = arith.constant 0 : i32
        %add3A_900 = vector.broadcast %add3A_899 : i32 to vector<16xi32>
        %add3A_901 = arith.addi %iota3A, %add3A_900 : vector<16xi32>
        %add3A_902 = arith.addi %gather3A_889, %add3A_901 : vector<16xi32>
        %min3A_903 = arith.constant 199 : i32
        %min3A_904 = vector.broadcast %min3A_903 : i32 to vector<16xi32>
        %min3A_905 = arith.minsi %add3A_902, %min3A_904 : vector<16xi32>
        %gather3A_906 = tpu.vector_load_idx %arg6[%broadcast_in_dim3A_898, %min3A_905] : memref<128x200xi32, #tpu.memory_space<vmem>>[vector<16xi32>, vector<16xi32>], vector<16xi32>,
        %lt3A_907 = arith.cmpi slt, %add3A_901, %gather3A_893 : vector<16xi32>
        %jit3A_908 = arith.constant 0 : i32
        %broadcast_in_dim3A_909 = vector.broadcast %jit3A_908 : i32 to vector<16xi32>
        %select_n3A_910 = arith.select %lt3A_907, %gather3A_906, %broadcast_in_dim3A_909 : vector<16xi1>, vector<16xi32>
        tpu.vector_store_idx %arg7[%broadcast_in_dim3A_898, %add3A_901], %select_n3A_910 : memref<128x200xi32, #tpu.memory_space<vmem>>[vector<16xi32>, vector<16xi32>], vector<16xi32>,
        %add3A_911 = arith.constant 16 : i32
        %add3A_912 = vector.broadcast %add3A_911 : i32 to vector<16xi32>
        %add3A_913 = arith.addi %iota3A, %add3A_912 : vector<16xi32>
        %add3A_914 = arith.addi %gather3A_889, %add3A_913 : vector<16xi32>
        %min3A_915 = arith.constant 199 : i32
        %min3A_916 = vector.broadcast %min3A_915 : i32 to vector<16xi32>
        %min3A_917 = arith.minsi %add3A_914, %min3A_916 : vector<16xi32>
        %gather3A_918 = tpu.vector_load_idx %arg6[%broadcast_in_dim3A_898, %min3A_917] : memref<128x200xi32, #tpu.memory_space<vmem>>[vector<16xi32>, vector<16xi32>], vector<16xi32>,
        %lt3A_919 = arith.cmpi slt, %add3A_913, %gather3A_893 : vector<16xi32>
        %jit3A_920 = arith.constant 0 : i32
        %broadcast_in_dim3A_921 = vector.broadcast %jit3A_920 : i32 to vector<16xi32>
        %select_n3A_922 = arith.select %lt3A_919, %gather3A_918, %broadcast_in_dim3A_921 : vector<16xi1>, vector<16xi32>
        tpu.vector_store_idx %arg7[%broadcast_in_dim3A_898, %add3A_913], %select_n3A_922 : memref<128x200xi32, #tpu.memory_space<vmem>>[vector<16xi32>, vector<16xi32>], vector<16xi32>,
        %add3A_923 = arith.constant 32 : i32
        %add3A_924 = vector.broadcast %add3A_923 : i32 to vector<16xi32>
        %add3A_925 = arith.addi %iota3A, %add3A_924 : vector<16xi32>
        %add3A_926 = arith.addi %gather3A_889, %add3A_925 : vector<16xi32>
        %min3A_927 = arith.constant 199 : i32
        %min3A_928 = vector.broadcast %min3A_927 : i32 to vector<16xi32>
        %min3A_929 = arith.minsi %add3A_926, %min3A_928 : vector<16xi32>
        %gather3A_930 = tpu.vector_load_idx %arg6[%broadcast_in_dim3A_898, %min3A_929] : memref<128x200xi32, #tpu.memory_space<vmem>>[vector<16xi32>, vector<16xi32>], vector<16xi32>,
        %lt3A_931 = arith.cmpi slt, %add3A_925, %gather3A_893 : vector<16xi32>
        %jit3A_932 = arith.constant 0 : i32
        %broadcast_in_dim3A_933 = vector.broadcast %jit3A_932 : i32 to vector<16xi32>
        %select_n3A_934 = arith.select %lt3A_931, %gather3A_930, %broadcast_in_dim3A_933 : vector<16xi1>, vector<16xi32>
        tpu.vector_store_idx %arg7[%broadcast_in_dim3A_898, %add3A_925], %select_n3A_934 : memref<128x200xi32, #tpu.memory_space<vmem>>[vector<16xi32>, vector<16xi32>], vector<16xi32>,
        %add3A_935 = arith.constant 48 : i32
        %add3A_936 = vector.broadcast %add3A_935 : i32 to vector<16xi32>
        %add3A_937 = arith.addi %iota3A, %add3A_936 : vector<16xi32>
        %add3A_938 = arith.addi %gather3A_889, %add3A_937 : vector<16xi32>
        %min3A_939 = arith.constant 199 : i32
        %min3A_940 = vector.broadcast %min3A_939 : i32 to vector<16xi32>
        %min3A_941 = arith.minsi %add3A_938, %min3A_940 : vector<16xi32>
        %gather3A_942 = tpu.vector_load_idx %arg6[%broadcast_in_dim3A_898, %min3A_941] : memref<128x200xi32, #tpu.memory_space<vmem>>[vector<16xi32>, vector<16xi32>], vector<16xi32>,
        %lt3A_943 = arith.cmpi slt, %add3A_937, %gather3A_893 : vector<16xi32>
        %jit3A_944 = arith.constant 0 : i32
        %broadcast_in_dim3A_945 = vector.broadcast %jit3A_944 : i32 to vector<16xi32>
        %select_n3A_946 = arith.select %lt3A_943, %gather3A_942, %broadcast_in_dim3A_945 : vector<16xi1>, vector<16xi32>
        tpu.vector_store_idx %arg7[%broadcast_in_dim3A_898, %add3A_937], %select_n3A_946 : memref<128x200xi32, #tpu.memory_space<vmem>>[vector<16xi32>, vector<16xi32>], vector<16xi32>,
        %add3A_947 = arith.constant 64 : i32
        %add3A_948 = vector.broadcast %add3A_947 : i32 to vector<16xi32>
        %add3A_949 = arith.addi %iota3A, %add3A_948 : vector<16xi32>
        %add3A_950 = arith.addi %gather3A_889, %add3A_949 : vector<16xi32>
        %min3A_951 = arith.constant 199 : i32
        %min3A_952 = vector.broadcast %min3A_951 : i32 to vector<16xi32>
        %min3A_953 = arith.minsi %add3A_950, %min3A_952 : vector<16xi32>
        %gather3A_954 = tpu.vector_load_idx %arg6[%broadcast_in_dim3A_898, %min3A_953] : memref<128x200xi32, #tpu.memory_space<vmem>>[vector<16xi32>, vector<16xi32>], vector<16xi32>,
        %lt3A_955 = arith.cmpi slt, %add3A_949, %gather3A_893 : vector<16xi32>
        %jit3A_956 = arith.constant 0 : i32
        %broadcast_in_dim3A_957 = vector.broadcast %jit3A_956 : i32 to vector<16xi32>
        %select_n3A_958 = arith.select %lt3A_955, %gather3A_954, %broadcast_in_dim3A_957 : vector<16xi1>, vector<16xi32>
        tpu.vector_store_idx %arg7[%broadcast_in_dim3A_898, %add3A_949], %select_n3A_958 : memref<128x200xi32, #tpu.memory_space<vmem>>[vector<16xi32>, vector<16xi32>], vector<16xi32>,
        %add3A_959 = arith.constant 80 : i32
        %add3A_960 = vector.broadcast %add3A_959 : i32 to vector<16xi32>
        %add3A_961 = arith.addi %iota3A, %add3A_960 : vector<16xi32>
        %add3A_962 = arith.addi %gather3A_889, %add3A_961 : vector<16xi32>
        %min3A_963 = arith.constant 199 : i32
        %min3A_964 = vector.broadcast %min3A_963 : i32 to vector<16xi32>
        %min3A_965 = arith.minsi %add3A_962, %min3A_964 : vector<16xi32>
        %gather3A_966 = tpu.vector_load_idx %arg6[%broadcast_in_dim3A_898, %min3A_965] : memref<128x200xi32, #tpu.memory_space<vmem>>[vector<16xi32>, vector<16xi32>], vector<16xi32>,
        %lt3A_967 = arith.cmpi slt, %add3A_961, %gather3A_893 : vector<16xi32>
        %jit3A_968 = arith.constant 0 : i32
        %broadcast_in_dim3A_969 = vector.broadcast %jit3A_968 : i32 to vector<16xi32>
        %select_n3A_970 = arith.select %lt3A_967, %gather3A_966, %broadcast_in_dim3A_969 : vector<16xi1>, vector<16xi32>
        tpu.vector_store_idx %arg7[%broadcast_in_dim3A_898, %add3A_961], %select_n3A_970 : memref<128x200xi32, #tpu.memory_space<vmem>>[vector<16xi32>, vector<16xi32>], vector<16xi32>,
        %add3A_971 = arith.constant 96 : i32
        %add3A_972 = vector.broadcast %add3A_971 : i32 to vector<16xi32>
        %add3A_973 = arith.addi %iota3A, %add3A_972 : vector<16xi32>
        %add3A_974 = arith.addi %gather3A_889, %add3A_973 : vector<16xi32>
        %min3A_975 = arith.constant 199 : i32
        %min3A_976 = vector.broadcast %min3A_975 : i32 to vector<16xi32>
        %min3A_977 = arith.minsi %add3A_974, %min3A_976 : vector<16xi32>
        %gather3A_978 = tpu.vector_load_idx %arg6[%broadcast_in_dim3A_898, %min3A_977] : memref<128x200xi32, #tpu.memory_space<vmem>>[vector<16xi32>, vector<16xi32>], vector<16xi32>,
        %lt3A_979 = arith.cmpi slt, %add3A_973, %gather3A_893 : vector<16xi32>
        %jit3A_980 = arith.constant 0 : i32
        %broadcast_in_dim3A_981 = vector.broadcast %jit3A_980 : i32 to vector<16xi32>
        %select_n3A_982 = arith.select %lt3A_979, %gather3A_978, %broadcast_in_dim3A_981 : vector<16xi1>, vector<16xi32>
        tpu.vector_store_idx %arg7[%broadcast_in_dim3A_898, %add3A_973], %select_n3A_982 : memref<128x200xi32, #tpu.memory_space<vmem>>[vector<16xi32>, vector<16xi32>], vector<16xi32>,
        %add3A_983 = arith.constant 112 : i32
        %add3A_984 = vector.broadcast %add3A_983 : i32 to vector<16xi32>
        %add3A_985 = arith.addi %iota3A, %add3A_984 : vector<16xi32>
        %add3A_986 = arith.addi %gather3A_889, %add3A_985 : vector<16xi32>
        %min3A_987 = arith.constant 199 : i32
        %min3A_988 = vector.broadcast %min3A_987 : i32 to vector<16xi32>
        %min3A_989 = arith.minsi %add3A_986, %min3A_988 : vector<16xi32>
        %gather3A_990 = tpu.vector_load_idx %arg6[%broadcast_in_dim3A_898, %min3A_989] : memref<128x200xi32, #tpu.memory_space<vmem>>[vector<16xi32>, vector<16xi32>], vector<16xi32>,
        %lt3A_991 = arith.cmpi slt, %add3A_985, %gather3A_893 : vector<16xi32>
        %jit3A_992 = arith.constant 0 : i32
        %broadcast_in_dim3A_993 = vector.broadcast %jit3A_992 : i32 to vector<16xi32>
        %select_n3A_994 = arith.select %lt3A_991, %gather3A_990, %broadcast_in_dim3A_993 : vector<16xi1>, vector<16xi32>
        tpu.vector_store_idx %arg7[%broadcast_in_dim3A_898, %add3A_985], %select_n3A_994 : memref<128x200xi32, #tpu.memory_space<vmem>>[vector<16xi32>, vector<16xi32>], vector<16xi32>,
        %add3A_995 = arith.constant 128 : i32
        %add3A_996 = vector.broadcast %add3A_995 : i32 to vector<16xi32>
        %add3A_997 = arith.addi %iota3A, %add3A_996 : vector<16xi32>
        %add3A_998 = arith.addi %gather3A_889, %add3A_997 : vector<16xi32>
        %min3A_999 = arith.constant 199 : i32
        %min3A_1000 = vector.broadcast %min3A_999 : i32 to vector<16xi32>
        %min3A_1001 = arith.minsi %add3A_998, %min3A_1000 : vector<16xi32>
        %gather3A_1002 = tpu.vector_load_idx %arg6[%broadcast_in_dim3A_898, %min3A_1001] : memref<128x200xi32, #tpu.memory_space<vmem>>[vector<16xi32>, vector<16xi32>], vector<16xi32>,
        %lt3A_1003 = arith.cmpi slt, %add3A_997, %gather3A_893 : vector<16xi32>
        %jit3A_1004 = arith.constant 0 : i32
        %broadcast_in_dim3A_1005 = vector.broadcast %jit3A_1004 : i32 to vector<16xi32>
        %select_n3A_1006 = arith.select %lt3A_1003, %gather3A_1002, %broadcast_in_dim3A_1005 : vector<16xi1>, vector<16xi32>
        tpu.vector_store_idx %arg7[%broadcast_in_dim3A_898, %add3A_997], %select_n3A_1006 : memref<128x200xi32, #tpu.memory_space<vmem>>[vector<16xi32>, vector<16xi32>], vector<16xi32>,
        %add3A_1007 = arith.constant 144 : i32
        %add3A_1008 = vector.broadcast %add3A_1007 : i32 to vector<16xi32>
        %add3A_1009 = arith.addi %iota3A, %add3A_1008 : vector<16xi32>
        %add3A_1010 = arith.addi %gather3A_889, %add3A_1009 : vector<16xi32>
        %min3A_1011 = arith.constant 199 : i32
        %min3A_1012 = vector.broadcast %min3A_1011 : i32 to vector<16xi32>
        %min3A_1013 = arith.minsi %add3A_1010, %min3A_1012 : vector<16xi32>
        %gather3A_1014 = tpu.vector_load_idx %arg6[%broadcast_in_dim3A_898, %min3A_1013] : memref<128x200xi32, #tpu.memory_space<vmem>>[vector<16xi32>, vector<16xi32>], vector<16xi32>,
        %lt3A_1015 = arith.cmpi slt, %add3A_1009, %gather3A_893 : vector<16xi32>
        %jit3A_1016 = arith.constant 0 : i32
        %broadcast_in_dim3A_1017 = vector.broadcast %jit3A_1016 : i32 to vector<16xi32>
        %select_n3A_1018 = arith.select %lt3A_1015, %gather3A_1014, %broadcast_in_dim3A_1017 : vector<16xi1>, vector<16xi32>
        tpu.vector_store_idx %arg7[%broadcast_in_dim3A_898, %add3A_1009], %select_n3A_1018 : memref<128x200xi32, #tpu.memory_space<vmem>>[vector<16xi32>, vector<16xi32>], vector<16xi32>,
        %add3A_1019 = arith.constant 160 : i32
        %add3A_1020 = vector.broadcast %add3A_1019 : i32 to vector<16xi32>
        %add3A_1021 = arith.addi %iota3A, %add3A_1020 : vector<16xi32>
        %add3A_1022 = arith.addi %gather3A_889, %add3A_1021 : vector<16xi32>
        %min3A_1023 = arith.constant 199 : i32
        %min3A_1024 = vector.broadcast %min3A_1023 : i32 to vector<16xi32>
        %min3A_1025 = arith.minsi %add3A_1022, %min3A_1024 : vector<16xi32>
        %gather3A_1026 = tpu.vector_load_idx %arg6[%broadcast_in_dim3A_898, %min3A_1025] : memref<128x200xi32, #tpu.memory_space<vmem>>[vector<16xi32>, vector<16xi32>], vector<16xi32>,
        %lt3A_1027 = arith.cmpi slt, %add3A_1021, %gather3A_893 : vector<16xi32>
        %jit3A_1028 = arith.constant 0 : i32
        %broadcast_in_dim3A_1029 = vector.broadcast %jit3A_1028 : i32 to vector<16xi32>
        %select_n3A_1030 = arith.select %lt3A_1027, %gather3A_1026, %broadcast_in_dim3A_1029 : vector<16xi1>, vector<16xi32>
        tpu.vector_store_idx %arg7[%broadcast_in_dim3A_898, %add3A_1021], %select_n3A_1030 : memref<128x200xi32, #tpu.memory_space<vmem>>[vector<16xi32>, vector<16xi32>], vector<16xi32>,
        %add3A_1031 = arith.constant 176 : i32
        %add3A_1032 = vector.broadcast %add3A_1031 : i32 to vector<16xi32>
        %add3A_1033 = arith.addi %iota3A, %add3A_1032 : vector<16xi32>
        %add3A_1034 = arith.addi %gather3A_889, %add3A_1033 : vector<16xi32>
        %min3A_1035 = arith.constant 199 : i32
        %min3A_1036 = vector.broadcast %min3A_1035 : i32 to vector<16xi32>
        %min3A_1037 = arith.minsi %add3A_1034, %min3A_1036 : vector<16xi32>
        %gather3A_1038 = tpu.vector_load_idx %arg6[%broadcast_in_dim3A_898, %min3A_1037] : memref<128x200xi32, #tpu.memory_space<vmem>>[vector<16xi32>, vector<16xi32>], vector<16xi32>,
        %lt3A_1039 = arith.cmpi slt, %add3A_1033, %gather3A_893 : vector<16xi32>
        %jit3A_1040 = arith.constant 0 : i32
        %broadcast_in_dim3A_1041 = vector.broadcast %jit3A_1040 : i32 to vector<16xi32>
        %select_n3A_1042 = arith.select %lt3A_1039, %gather3A_1038, %broadcast_in_dim3A_1041 : vector<16xi1>, vector<16xi32>
        tpu.vector_store_idx %arg7[%broadcast_in_dim3A_898, %add3A_1033], %select_n3A_1042 : memref<128x200xi32, #tpu.memory_space<vmem>>[vector<16xi32>, vector<16xi32>], vector<16xi32>,
        %add3A_1043 = arith.constant 192 : i32
        %add3A_1044 = vector.broadcast %add3A_1043 : i32 to vector<16xi32>
        %add3A_1045 = arith.addi %iota3A, %add3A_1044 : vector<16xi32>
        %add3A_1046 = arith.addi %gather3A_889, %add3A_1045 : vector<16xi32>
        %min3A_1047 = arith.constant 199 : i32
        %min3A_1048 = vector.broadcast %min3A_1047 : i32 to vector<16xi32>
        %min3A_1049 = arith.minsi %add3A_1046, %min3A_1048 : vector<16xi32>
        %gather3A_1050 = tpu.vector_load_idx %arg6[%broadcast_in_dim3A_898, %min3A_1049] : memref<128x200xi32, #tpu.memory_space<vmem>>[vector<16xi32>, vector<16xi32>], vector<16xi32>,
        %lt3A_1051 = arith.cmpi slt, %add3A_1045, %gather3A_893 : vector<16xi32>
        %jit3A_1052 = arith.constant 0 : i32
        %broadcast_in_dim3A_1053 = vector.broadcast %jit3A_1052 : i32 to vector<16xi32>
        %select_n3A_1054 = arith.select %lt3A_1051, %gather3A_1050, %broadcast_in_dim3A_1053 : vector<16xi1>, vector<16xi32>
        %lt3A_1055 = arith.constant 200 : i32
        %lt3A_1056 = vector.broadcast %lt3A_1055 : i32 to vector<16xi32>
        %lt3A_1057 = arith.cmpi slt, %add3A_1045, %lt3A_1056 : vector<16xi32>
        tpu.vector_store_idx %arg7[%broadcast_in_dim3A_898, %add3A_1045], %select_n3A_1054 masked %lt3A_1057 : memref<128x200xi32, #tpu.memory_space<vmem>>[vector<16xi32>, vector<16xi32>], vector<16xi32>, vector<16xi1>
        %broadcast_in_dim3A_1058 = arith.constant 6 : i32
        %broadcast_in_dim3A_1059 = vector.broadcast %broadcast_in_dim3A_1058 : i32 to vector<16x1xi32>
        %gather3A_1060 = vector.shape_cast %broadcast_in_dim3A_1059 : vector<16x1xi32> to vector<16xi32>
        %gather3A_1061 = tpu.dynamic_gather %get3A_24[%gather3A_1060] in [0] : vector<16xi32>, vector<16xi32> -> vector<16xi32>
        %broadcast_in_dim3A_1062 = arith.constant 6 : i32
        %broadcast_in_dim3A_1063 = vector.broadcast %broadcast_in_dim3A_1062 : i32 to vector<16x1xi32>
        %gather3A_1064 = vector.shape_cast %broadcast_in_dim3A_1063 : vector<16x1xi32> to vector<16xi32>
        %gather3A_1065 = tpu.dynamic_gather %get3A_31[%gather3A_1064] in [0] : vector<16xi32>, vector<16xi32> -> vector<16xi32>
        %mul3A_1066 = arith.constant 16 : i32
        %mul3A_1067 = arith.muli %scan3A_18, %mul3A_1066 : i32
        %add3A_1068 = arith.constant 6 : i32
        %add3A_1069 = arith.addi %mul3A_1067, %add3A_1068 : i32
        %broadcast_in_dim3A_1070 = vector.broadcast %add3A_1069 : i32 to vector<16xi32>
        %add3A_1071 = arith.constant 0 : i32
        %add3A_1072 = vector.broadcast %add3A_1071 : i32 to vector<16xi32>
        %add3A_1073 = arith.addi %iota3A, %add3A_1072 : vector<16xi32>
        %add3A_1074 = arith.addi %gather3A_1061, %add3A_1073 : vector<16xi32>
        %min3A_1075 = arith.constant 199 : i32
        %min3A_1076 = vector.broadcast %min3A_1075 : i32 to vector<16xi32>
        %min3A_1077 = arith.minsi %add3A_1074, %min3A_1076 : vector<16xi32>
        %gather3A_1078 = tpu.vector_load_idx %arg6[%broadcast_in_dim3A_1070, %min3A_1077] : memref<128x200xi32, #tpu.memory_space<vmem>>[vector<16xi32>, vector<16xi32>], vector<16xi32>,
        %lt3A_1079 = arith.cmpi slt, %add3A_1073, %gather3A_1065 : vector<16xi32>
        %jit3A_1080 = arith.constant 0 : i32
        %broadcast_in_dim3A_1081 = vector.broadcast %jit3A_1080 : i32 to vector<16xi32>
        %select_n3A_1082 = arith.select %lt3A_1079, %gather3A_1078, %broadcast_in_dim3A_1081 : vector<16xi1>, vector<16xi32>
        tpu.vector_store_idx %arg7[%broadcast_in_dim3A_1070, %add3A_1073], %select_n3A_1082 : memref<128x200xi32, #tpu.memory_space<vmem>>[vector<16xi32>, vector<16xi32>], vector<16xi32>,
        %add3A_1083 = arith.constant 16 : i32
        %add3A_1084 = vector.broadcast %add3A_1083 : i32 to vector<16xi32>
        %add3A_1085 = arith.addi %iota3A, %add3A_1084 : vector<16xi32>
        %add3A_1086 = arith.addi %gather3A_1061, %add3A_1085 : vector<16xi32>
        %min3A_1087 = arith.constant 199 : i32
        %min3A_1088 = vector.broadcast %min3A_1087 : i32 to vector<16xi32>
        %min3A_1089 = arith.minsi %add3A_1086, %min3A_1088 : vector<16xi32>
        %gather3A_1090 = tpu.vector_load_idx %arg6[%broadcast_in_dim3A_1070, %min3A_1089] : memref<128x200xi32, #tpu.memory_space<vmem>>[vector<16xi32>, vector<16xi32>], vector<16xi32>,
        %lt3A_1091 = arith.cmpi slt, %add3A_1085, %gather3A_1065 : vector<16xi32>
        %jit3A_1092 = arith.constant 0 : i32
        %broadcast_in_dim3A_1093 = vector.broadcast %jit3A_1092 : i32 to vector<16xi32>
        %select_n3A_1094 = arith.select %lt3A_1091, %gather3A_1090, %broadcast_in_dim3A_1093 : vector<16xi1>, vector<16xi32>
        tpu.vector_store_idx %arg7[%broadcast_in_dim3A_1070, %add3A_1085], %select_n3A_1094 : memref<128x200xi32, #tpu.memory_space<vmem>>[vector<16xi32>, vector<16xi32>], vector<16xi32>,
        %add3A_1095 = arith.constant 32 : i32
        %add3A_1096 = vector.broadcast %add3A_1095 : i32 to vector<16xi32>
        %add3A_1097 = arith.addi %iota3A, %add3A_1096 : vector<16xi32>
        %add3A_1098 = arith.addi %gather3A_1061, %add3A_1097 : vector<16xi32>
        %min3A_1099 = arith.constant 199 : i32
        %min3A_1100 = vector.broadcast %min3A_1099 : i32 to vector<16xi32>
        %min3A_1101 = arith.minsi %add3A_1098, %min3A_1100 : vector<16xi32>
        %gather3A_1102 = tpu.vector_load_idx %arg6[%broadcast_in_dim3A_1070, %min3A_1101] : memref<128x200xi32, #tpu.memory_space<vmem>>[vector<16xi32>, vector<16xi32>], vector<16xi32>,
        %lt3A_1103 = arith.cmpi slt, %add3A_1097, %gather3A_1065 : vector<16xi32>
        %jit3A_1104 = arith.constant 0 : i32
        %broadcast_in_dim3A_1105 = vector.broadcast %jit3A_1104 : i32 to vector<16xi32>
        %select_n3A_1106 = arith.select %lt3A_1103, %gather3A_1102, %broadcast_in_dim3A_1105 : vector<16xi1>, vector<16xi32>
        tpu.vector_store_idx %arg7[%broadcast_in_dim3A_1070, %add3A_1097], %select_n3A_1106 : memref<128x200xi32, #tpu.memory_space<vmem>>[vector<16xi32>, vector<16xi32>], vector<16xi32>,
        %add3A_1107 = arith.constant 48 : i32
        %add3A_1108 = vector.broadcast %add3A_1107 : i32 to vector<16xi32>
        %add3A_1109 = arith.addi %iota3A, %add3A_1108 : vector<16xi32>
        %add3A_1110 = arith.addi %gather3A_1061, %add3A_1109 : vector<16xi32>
        %min3A_1111 = arith.constant 199 : i32
        %min3A_1112 = vector.broadcast %min3A_1111 : i32 to vector<16xi32>
        %min3A_1113 = arith.minsi %add3A_1110, %min3A_1112 : vector<16xi32>
        %gather3A_1114 = tpu.vector_load_idx %arg6[%broadcast_in_dim3A_1070, %min3A_1113] : memref<128x200xi32, #tpu.memory_space<vmem>>[vector<16xi32>, vector<16xi32>], vector<16xi32>,
        %lt3A_1115 = arith.cmpi slt, %add3A_1109, %gather3A_1065 : vector<16xi32>
        %jit3A_1116 = arith.constant 0 : i32
        %broadcast_in_dim3A_1117 = vector.broadcast %jit3A_1116 : i32 to vector<16xi32>
        %select_n3A_1118 = arith.select %lt3A_1115, %gather3A_1114, %broadcast_in_dim3A_1117 : vector<16xi1>, vector<16xi32>
        tpu.vector_store_idx %arg7[%broadcast_in_dim3A_1070, %add3A_1109], %select_n3A_1118 : memref<128x200xi32, #tpu.memory_space<vmem>>[vector<16xi32>, vector<16xi32>], vector<16xi32>,
        %add3A_1119 = arith.constant 64 : i32
        %add3A_1120 = vector.broadcast %add3A_1119 : i32 to vector<16xi32>
        %add3A_1121 = arith.addi %iota3A, %add3A_1120 : vector<16xi32>
        %add3A_1122 = arith.addi %gather3A_1061, %add3A_1121 : vector<16xi32>
        %min3A_1123 = arith.constant 199 : i32
        %min3A_1124 = vector.broadcast %min3A_1123 : i32 to vector<16xi32>
        %min3A_1125 = arith.minsi %add3A_1122, %min3A_1124 : vector<16xi32>
        %gather3A_1126 = tpu.vector_load_idx %arg6[%broadcast_in_dim3A_1070, %min3A_1125] : memref<128x200xi32, #tpu.memory_space<vmem>>[vector<16xi32>, vector<16xi32>], vector<16xi32>,
        %lt3A_1127 = arith.cmpi slt, %add3A_1121, %gather3A_1065 : vector<16xi32>
        %jit3A_1128 = arith.constant 0 : i32
        %broadcast_in_dim3A_1129 = vector.broadcast %jit3A_1128 : i32 to vector<16xi32>
        %select_n3A_1130 = arith.select %lt3A_1127, %gather3A_1126, %broadcast_in_dim3A_1129 : vector<16xi1>, vector<16xi32>
        tpu.vector_store_idx %arg7[%broadcast_in_dim3A_1070, %add3A_1121], %select_n3A_1130 : memref<128x200xi32, #tpu.memory_space<vmem>>[vector<16xi32>, vector<16xi32>], vector<16xi32>,
        %add3A_1131 = arith.constant 80 : i32
        %add3A_1132 = vector.broadcast %add3A_1131 : i32 to vector<16xi32>
        %add3A_1133 = arith.addi %iota3A, %add3A_1132 : vector<16xi32>
        %add3A_1134 = arith.addi %gather3A_1061, %add3A_1133 : vector<16xi32>
        %min3A_1135 = arith.constant 199 : i32
        %min3A_1136 = vector.broadcast %min3A_1135 : i32 to vector<16xi32>
        %min3A_1137 = arith.minsi %add3A_1134, %min3A_1136 : vector<16xi32>
        %gather3A_1138 = tpu.vector_load_idx %arg6[%broadcast_in_dim3A_1070, %min3A_1137] : memref<128x200xi32, #tpu.memory_space<vmem>>[vector<16xi32>, vector<16xi32>], vector<16xi32>,
        %lt3A_1139 = arith.cmpi slt, %add3A_1133, %gather3A_1065 : vector<16xi32>
        %jit3A_1140 = arith.constant 0 : i32
        %broadcast_in_dim3A_1141 = vector.broadcast %jit3A_1140 : i32 to vector<16xi32>
        %select_n3A_1142 = arith.select %lt3A_1139, %gather3A_1138, %broadcast_in_dim3A_1141 : vector<16xi1>, vector<16xi32>
        tpu.vector_store_idx %arg7[%broadcast_in_dim3A_1070, %add3A_1133], %select_n3A_1142 : memref<128x200xi32, #tpu.memory_space<vmem>>[vector<16xi32>, vector<16xi32>], vector<16xi32>,
        %add3A_1143 = arith.constant 96 : i32
        %add3A_1144 = vector.broadcast %add3A_1143 : i32 to vector<16xi32>
        %add3A_1145 = arith.addi %iota3A, %add3A_1144 : vector<16xi32>
        %add3A_1146 = arith.addi %gather3A_1061, %add3A_1145 : vector<16xi32>
        %min3A_1147 = arith.constant 199 : i32
        %min3A_1148 = vector.broadcast %min3A_1147 : i32 to vector<16xi32>
        %min3A_1149 = arith.minsi %add3A_1146, %min3A_1148 : vector<16xi32>
        %gather3A_1150 = tpu.vector_load_idx %arg6[%broadcast_in_dim3A_1070, %min3A_1149] : memref<128x200xi32, #tpu.memory_space<vmem>>[vector<16xi32>, vector<16xi32>], vector<16xi32>,
        %lt3A_1151 = arith.cmpi slt, %add3A_1145, %gather3A_1065 : vector<16xi32>
        %jit3A_1152 = arith.constant 0 : i32
        %broadcast_in_dim3A_1153 = vector.broadcast %jit3A_1152 : i32 to vector<16xi32>
        %select_n3A_1154 = arith.select %lt3A_1151, %gather3A_1150, %broadcast_in_dim3A_1153 : vector<16xi1>, vector<16xi32>
        tpu.vector_store_idx %arg7[%broadcast_in_dim3A_1070, %add3A_1145], %select_n3A_1154 : memref<128x200xi32, #tpu.memory_space<vmem>>[vector<16xi32>, vector<16xi32>], vector<16xi32>,
        %add3A_1155 = arith.constant 112 : i32
        %add3A_1156 = vector.broadcast %add3A_1155 : i32 to vector<16xi32>
        %add3A_1157 = arith.addi %iota3A, %add3A_1156 : vector<16xi32>
        %add3A_1158 = arith.addi %gather3A_1061, %add3A_1157 : vector<16xi32>
        %min3A_1159 = arith.constant 199 : i32
        %min3A_1160 = vector.broadcast %min3A_1159 : i32 to vector<16xi32>
        %min3A_1161 = arith.minsi %add3A_1158, %min3A_1160 : vector<16xi32>
        %gather3A_1162 = tpu.vector_load_idx %arg6[%broadcast_in_dim3A_1070, %min3A_1161] : memref<128x200xi32, #tpu.memory_space<vmem>>[vector<16xi32>, vector<16xi32>], vector<16xi32>,
        %lt3A_1163 = arith.cmpi slt, %add3A_1157, %gather3A_1065 : vector<16xi32>
        %jit3A_1164 = arith.constant 0 : i32
        %broadcast_in_dim3A_1165 = vector.broadcast %jit3A_1164 : i32 to vector<16xi32>
        %select_n3A_1166 = arith.select %lt3A_1163, %gather3A_1162, %broadcast_in_dim3A_1165 : vector<16xi1>, vector<16xi32>
        tpu.vector_store_idx %arg7[%broadcast_in_dim3A_1070, %add3A_1157], %select_n3A_1166 : memref<128x200xi32, #tpu.memory_space<vmem>>[vector<16xi32>, vector<16xi32>], vector<16xi32>,
        %add3A_1167 = arith.constant 128 : i32
        %add3A_1168 = vector.broadcast %add3A_1167 : i32 to vector<16xi32>
        %add3A_1169 = arith.addi %iota3A, %add3A_1168 : vector<16xi32>
        %add3A_1170 = arith.addi %gather3A_1061, %add3A_1169 : vector<16xi32>
        %min3A_1171 = arith.constant 199 : i32
        %min3A_1172 = vector.broadcast %min3A_1171 : i32 to vector<16xi32>
        %min3A_1173 = arith.minsi %add3A_1170, %min3A_1172 : vector<16xi32>
        %gather3A_1174 = tpu.vector_load_idx %arg6[%broadcast_in_dim3A_1070, %min3A_1173] : memref<128x200xi32, #tpu.memory_space<vmem>>[vector<16xi32>, vector<16xi32>], vector<16xi32>,
        %lt3A_1175 = arith.cmpi slt, %add3A_1169, %gather3A_1065 : vector<16xi32>
        %jit3A_1176 = arith.constant 0 : i32
        %broadcast_in_dim3A_1177 = vector.broadcast %jit3A_1176 : i32 to vector<16xi32>
        %select_n3A_1178 = arith.select %lt3A_1175, %gather3A_1174, %broadcast_in_dim3A_1177 : vector<16xi1>, vector<16xi32>
        tpu.vector_store_idx %arg7[%broadcast_in_dim3A_1070, %add3A_1169], %select_n3A_1178 : memref<128x200xi32, #tpu.memory_space<vmem>>[vector<16xi32>, vector<16xi32>], vector<16xi32>,
        %add3A_1179 = arith.constant 144 : i32
        %add3A_1180 = vector.broadcast %add3A_1179 : i32 to vector<16xi32>
        %add3A_1181 = arith.addi %iota3A, %add3A_1180 : vector<16xi32>
        %add3A_1182 = arith.addi %gather3A_1061, %add3A_1181 : vector<16xi32>
        %min3A_1183 = arith.constant 199 : i32
        %min3A_1184 = vector.broadcast %min3A_1183 : i32 to vector<16xi32>
        %min3A_1185 = arith.minsi %add3A_1182, %min3A_1184 : vector<16xi32>
        %gather3A_1186 = tpu.vector_load_idx %arg6[%broadcast_in_dim3A_1070, %min3A_1185] : memref<128x200xi32, #tpu.memory_space<vmem>>[vector<16xi32>, vector<16xi32>], vector<16xi32>,
        %lt3A_1187 = arith.cmpi slt, %add3A_1181, %gather3A_1065 : vector<16xi32>
        %jit3A_1188 = arith.constant 0 : i32
        %broadcast_in_dim3A_1189 = vector.broadcast %jit3A_1188 : i32 to vector<16xi32>
        %select_n3A_1190 = arith.select %lt3A_1187, %gather3A_1186, %broadcast_in_dim3A_1189 : vector<16xi1>, vector<16xi32>
        tpu.vector_store_idx %arg7[%broadcast_in_dim3A_1070, %add3A_1181], %select_n3A_1190 : memref<128x200xi32, #tpu.memory_space<vmem>>[vector<16xi32>, vector<16xi32>], vector<16xi32>,
        %add3A_1191 = arith.constant 160 : i32
        %add3A_1192 = vector.broadcast %add3A_1191 : i32 to vector<16xi32>
        %add3A_1193 = arith.addi %iota3A, %add3A_1192 : vector<16xi32>
        %add3A_1194 = arith.addi %gather3A_1061, %add3A_1193 : vector<16xi32>
        %min3A_1195 = arith.constant 199 : i32
        %min3A_1196 = vector.broadcast %min3A_1195 : i32 to vector<16xi32>
        %min3A_1197 = arith.minsi %add3A_1194, %min3A_1196 : vector<16xi32>
        %gather3A_1198 = tpu.vector_load_idx %arg6[%broadcast_in_dim3A_1070, %min3A_1197] : memref<128x200xi32, #tpu.memory_space<vmem>>[vector<16xi32>, vector<16xi32>], vector<16xi32>,
        %lt3A_1199 = arith.cmpi slt, %add3A_1193, %gather3A_1065 : vector<16xi32>
        %jit3A_1200 = arith.constant 0 : i32
        %broadcast_in_dim3A_1201 = vector.broadcast %jit3A_1200 : i32 to vector<16xi32>
        %select_n3A_1202 = arith.select %lt3A_1199, %gather3A_1198, %broadcast_in_dim3A_1201 : vector<16xi1>, vector<16xi32>
        tpu.vector_store_idx %arg7[%broadcast_in_dim3A_1070, %add3A_1193], %select_n3A_1202 : memref<128x200xi32, #tpu.memory_space<vmem>>[vector<16xi32>, vector<16xi32>], vector<16xi32>,
        %add3A_1203 = arith.constant 176 : i32
        %add3A_1204 = vector.broadcast %add3A_1203 : i32 to vector<16xi32>
        %add3A_1205 = arith.addi %iota3A, %add3A_1204 : vector<16xi32>
        %add3A_1206 = arith.addi %gather3A_1061, %add3A_1205 : vector<16xi32>
        %min3A_1207 = arith.constant 199 : i32
        %min3A_1208 = vector.broadcast %min3A_1207 : i32 to vector<16xi32>
        %min3A_1209 = arith.minsi %add3A_1206, %min3A_1208 : vector<16xi32>
        %gather3A_1210 = tpu.vector_load_idx %arg6[%broadcast_in_dim3A_1070, %min3A_1209] : memref<128x200xi32, #tpu.memory_space<vmem>>[vector<16xi32>, vector<16xi32>], vector<16xi32>,
        %lt3A_1211 = arith.cmpi slt, %add3A_1205, %gather3A_1065 : vector<16xi32>
        %jit3A_1212 = arith.constant 0 : i32
        %broadcast_in_dim3A_1213 = vector.broadcast %jit3A_1212 : i32 to vector<16xi32>
        %select_n3A_1214 = arith.select %lt3A_1211, %gather3A_1210, %broadcast_in_dim3A_1213 : vector<16xi1>, vector<16xi32>
        tpu.vector_store_idx %arg7[%broadcast_in_dim3A_1070, %add3A_1205], %select_n3A_1214 : memref<128x200xi32, #tpu.memory_space<vmem>>[vector<16xi32>, vector<16xi32>], vector<16xi32>,
        %add3A_1215 = arith.constant 192 : i32
        %add3A_1216 = vector.broadcast %add3A_1215 : i32 to vector<16xi32>
        %add3A_1217 = arith.addi %iota3A, %add3A_1216 : vector<16xi32>
        %add3A_1218 = arith.addi %gather3A_1061, %add3A_1217 : vector<16xi32>
        %min3A_1219 = arith.constant 199 : i32
        %min3A_1220 = vector.broadcast %min3A_1219 : i32 to vector<16xi32>
        %min3A_1221 = arith.minsi %add3A_1218, %min3A_1220 : vector<16xi32>
        %gather3A_1222 = tpu.vector_load_idx %arg6[%broadcast_in_dim3A_1070, %min3A_1221] : memref<128x200xi32, #tpu.memory_space<vmem>>[vector<16xi32>, vector<16xi32>], vector<16xi32>,
        %lt3A_1223 = arith.cmpi slt, %add3A_1217, %gather3A_1065 : vector<16xi32>
        %jit3A_1224 = arith.constant 0 : i32
        %broadcast_in_dim3A_1225 = vector.broadcast %jit3A_1224 : i32 to vector<16xi32>
        %select_n3A_1226 = arith.select %lt3A_1223, %gather3A_1222, %broadcast_in_dim3A_1225 : vector<16xi1>, vector<16xi32>
        %lt3A_1227 = arith.constant 200 : i32
        %lt3A_1228 = vector.broadcast %lt3A_1227 : i32 to vector<16xi32>
        %lt3A_1229 = arith.cmpi slt, %add3A_1217, %lt3A_1228 : vector<16xi32>
        tpu.vector_store_idx %arg7[%broadcast_in_dim3A_1070, %add3A_1217], %select_n3A_1226 masked %lt3A_1229 : memref<128x200xi32, #tpu.memory_space<vmem>>[vector<16xi32>, vector<16xi32>], vector<16xi32>, vector<16xi1>
        %broadcast_in_dim3A_1230 = arith.constant 7 : i32
        %broadcast_in_dim3A_1231 = vector.broadcast %broadcast_in_dim3A_1230 : i32 to vector<16x1xi32>
        %gather3A_1232 = vector.shape_cast %broadcast_in_dim3A_1231 : vector<16x1xi32> to vector<16xi32>
        %gather3A_1233 = tpu.dynamic_gather %get3A_24[%gather3A_1232] in [0] : vector<16xi32>, vector<16xi32> -> vector<16xi32>
        %broadcast_in_dim3A_1234 = arith.constant 7 : i32
        %broadcast_in_dim3A_1235 = vector.broadcast %broadcast_in_dim3A_1234 : i32 to vector<16x1xi32>
        %gather3A_1236 = vector.shape_cast %broadcast_in_dim3A_1235 : vector<16x1xi32> to vector<16xi32>
        %gather3A_1237 = tpu.dynamic_gather %get3A_31[%gather3A_1236] in [0] : vector<16xi32>, vector<16xi32> -> vector<16xi32>
        %mul3A_1238 = arith.constant 16 : i32
        %mul3A_1239 = arith.muli %scan3A_18, %mul3A_1238 : i32
        %add3A_1240 = arith.constant 7 : i32
        %add3A_1241 = arith.addi %mul3A_1239, %add3A_1240 : i32
        %broadcast_in_dim3A_1242 = vector.broadcast %add3A_1241 : i32 to vector<16xi32>
        %add3A_1243 = arith.constant 0 : i32
        %add3A_1244 = vector.broadcast %add3A_1243 : i32 to vector<16xi32>
        %add3A_1245 = arith.addi %iota3A, %add3A_1244 : vector<16xi32>
        %add3A_1246 = arith.addi %gather3A_1233, %add3A_1245 : vector<16xi32>
        %min3A_1247 = arith.constant 199 : i32
        %min3A_1248 = vector.broadcast %min3A_1247 : i32 to vector<16xi32>
        %min3A_1249 = arith.minsi %add3A_1246, %min3A_1248 : vector<16xi32>
        %gather3A_1250 = tpu.vector_load_idx %arg6[%broadcast_in_dim3A_1242, %min3A_1249] : memref<128x200xi32, #tpu.memory_space<vmem>>[vector<16xi32>, vector<16xi32>], vector<16xi32>,
        %lt3A_1251 = arith.cmpi slt, %add3A_1245, %gather3A_1237 : vector<16xi32>
        %jit3A_1252 = arith.constant 0 : i32
        %broadcast_in_dim3A_1253 = vector.broadcast %jit3A_1252 : i32 to vector<16xi32>
        %select_n3A_1254 = arith.select %lt3A_1251, %gather3A_1250, %broadcast_in_dim3A_1253 : vector<16xi1>, vector<16xi32>
        tpu.vector_store_idx %arg7[%broadcast_in_dim3A_1242, %add3A_1245], %select_n3A_1254 : memref<128x200xi32, #tpu.memory_space<vmem>>[vector<16xi32>, vector<16xi32>], vector<16xi32>,
        %add3A_1255 = arith.constant 16 : i32
        %add3A_1256 = vector.broadcast %add3A_1255 : i32 to vector<16xi32>
        %add3A_1257 = arith.addi %iota3A, %add3A_1256 : vector<16xi32>
        %add3A_1258 = arith.addi %gather3A_1233, %add3A_1257 : vector<16xi32>
        %min3A_1259 = arith.constant 199 : i32
        %min3A_1260 = vector.broadcast %min3A_1259 : i32 to vector<16xi32>
        %min3A_1261 = arith.minsi %add3A_1258, %min3A_1260 : vector<16xi32>
        %gather3A_1262 = tpu.vector_load_idx %arg6[%broadcast_in_dim3A_1242, %min3A_1261] : memref<128x200xi32, #tpu.memory_space<vmem>>[vector<16xi32>, vector<16xi32>], vector<16xi32>,
        %lt3A_1263 = arith.cmpi slt, %add3A_1257, %gather3A_1237 : vector<16xi32>
        %jit3A_1264 = arith.constant 0 : i32
        %broadcast_in_dim3A_1265 = vector.broadcast %jit3A_1264 : i32 to vector<16xi32>
        %select_n3A_1266 = arith.select %lt3A_1263, %gather3A_1262, %broadcast_in_dim3A_1265 : vector<16xi1>, vector<16xi32>
        tpu.vector_store_idx %arg7[%broadcast_in_dim3A_1242, %add3A_1257], %select_n3A_1266 : memref<128x200xi32, #tpu.memory_space<vmem>>[vector<16xi32>, vector<16xi32>], vector<16xi32>,
        %add3A_1267 = arith.constant 32 : i32
        %add3A_1268 = vector.broadcast %add3A_1267 : i32 to vector<16xi32>
        %add3A_1269 = arith.addi %iota3A, %add3A_1268 : vector<16xi32>
        %add3A_1270 = arith.addi %gather3A_1233, %add3A_1269 : vector<16xi32>
        %min3A_1271 = arith.constant 199 : i32
        %min3A_1272 = vector.broadcast %min3A_1271 : i32 to vector<16xi32>
        %min3A_1273 = arith.minsi %add3A_1270, %min3A_1272 : vector<16xi32>
        %gather3A_1274 = tpu.vector_load_idx %arg6[%broadcast_in_dim3A_1242, %min3A_1273] : memref<128x200xi32, #tpu.memory_space<vmem>>[vector<16xi32>, vector<16xi32>], vector<16xi32>,
        %lt3A_1275 = arith.cmpi slt, %add3A_1269, %gather3A_1237 : vector<16xi32>
        %jit3A_1276 = arith.constant 0 : i32
        %broadcast_in_dim3A_1277 = vector.broadcast %jit3A_1276 : i32 to vector<16xi32>
        %select_n3A_1278 = arith.select %lt3A_1275, %gather3A_1274, %broadcast_in_dim3A_1277 : vector<16xi1>, vector<16xi32>
        tpu.vector_store_idx %arg7[%broadcast_in_dim3A_1242, %add3A_1269], %select_n3A_1278 : memref<128x200xi32, #tpu.memory_space<vmem>>[vector<16xi32>, vector<16xi32>], vector<16xi32>,
        %add3A_1279 = arith.constant 48 : i32
        %add3A_1280 = vector.broadcast %add3A_1279 : i32 to vector<16xi32>
        %add3A_1281 = arith.addi %iota3A, %add3A_1280 : vector<16xi32>
        %add3A_1282 = arith.addi %gather3A_1233, %add3A_1281 : vector<16xi32>
        %min3A_1283 = arith.constant 199 : i32
        %min3A_1284 = vector.broadcast %min3A_1283 : i32 to vector<16xi32>
        %min3A_1285 = arith.minsi %add3A_1282, %min3A_1284 : vector<16xi32>
        %gather3A_1286 = tpu.vector_load_idx %arg6[%broadcast_in_dim3A_1242, %min3A_1285] : memref<128x200xi32, #tpu.memory_space<vmem>>[vector<16xi32>, vector<16xi32>], vector<16xi32>,
        %lt3A_1287 = arith.cmpi slt, %add3A_1281, %gather3A_1237 : vector<16xi32>
        %jit3A_1288 = arith.constant 0 : i32
        %broadcast_in_dim3A_1289 = vector.broadcast %jit3A_1288 : i32 to vector<16xi32>
        %select_n3A_1290 = arith.select %lt3A_1287, %gather3A_1286, %broadcast_in_dim3A_1289 : vector<16xi1>, vector<16xi32>
        tpu.vector_store_idx %arg7[%broadcast_in_dim3A_1242, %add3A_1281], %select_n3A_1290 : memref<128x200xi32, #tpu.memory_space<vmem>>[vector<16xi32>, vector<16xi32>], vector<16xi32>,
        %add3A_1291 = arith.constant 64 : i32
        %add3A_1292 = vector.broadcast %add3A_1291 : i32 to vector<16xi32>
        %add3A_1293 = arith.addi %iota3A, %add3A_1292 : vector<16xi32>
        %add3A_1294 = arith.addi %gather3A_1233, %add3A_1293 : vector<16xi32>
        %min3A_1295 = arith.constant 199 : i32
        %min3A_1296 = vector.broadcast %min3A_1295 : i32 to vector<16xi32>
        %min3A_1297 = arith.minsi %add3A_1294, %min3A_1296 : vector<16xi32>
        %gather3A_1298 = tpu.vector_load_idx %arg6[%broadcast_in_dim3A_1242, %min3A_1297] : memref<128x200xi32, #tpu.memory_space<vmem>>[vector<16xi32>, vector<16xi32>], vector<16xi32>,
        %lt3A_1299 = arith.cmpi slt, %add3A_1293, %gather3A_1237 : vector<16xi32>
        %jit3A_1300 = arith.constant 0 : i32
        %broadcast_in_dim3A_1301 = vector.broadcast %jit3A_1300 : i32 to vector<16xi32>
        %select_n3A_1302 = arith.select %lt3A_1299, %gather3A_1298, %broadcast_in_dim3A_1301 : vector<16xi1>, vector<16xi32>
        tpu.vector_store_idx %arg7[%broadcast_in_dim3A_1242, %add3A_1293], %select_n3A_1302 : memref<128x200xi32, #tpu.memory_space<vmem>>[vector<16xi32>, vector<16xi32>], vector<16xi32>,
        %add3A_1303 = arith.constant 80 : i32
        %add3A_1304 = vector.broadcast %add3A_1303 : i32 to vector<16xi32>
        %add3A_1305 = arith.addi %iota3A, %add3A_1304 : vector<16xi32>
        %add3A_1306 = arith.addi %gather3A_1233, %add3A_1305 : vector<16xi32>
        %min3A_1307 = arith.constant 199 : i32
        %min3A_1308 = vector.broadcast %min3A_1307 : i32 to vector<16xi32>
        %min3A_1309 = arith.minsi %add3A_1306, %min3A_1308 : vector<16xi32>
        %gather3A_1310 = tpu.vector_load_idx %arg6[%broadcast_in_dim3A_1242, %min3A_1309] : memref<128x200xi32, #tpu.memory_space<vmem>>[vector<16xi32>, vector<16xi32>], vector<16xi32>,
        %lt3A_1311 = arith.cmpi slt, %add3A_1305, %gather3A_1237 : vector<16xi32>
        %jit3A_1312 = arith.constant 0 : i32
        %broadcast_in_dim3A_1313 = vector.broadcast %jit3A_1312 : i32 to vector<16xi32>
        %select_n3A_1314 = arith.select %lt3A_1311, %gather3A_1310, %broadcast_in_dim3A_1313 : vector<16xi1>, vector<16xi32>
        tpu.vector_store_idx %arg7[%broadcast_in_dim3A_1242, %add3A_1305], %select_n3A_1314 : memref<128x200xi32, #tpu.memory_space<vmem>>[vector<16xi32>, vector<16xi32>], vector<16xi32>,
        %add3A_1315 = arith.constant 96 : i32
        %add3A_1316 = vector.broadcast %add3A_1315 : i32 to vector<16xi32>
        %add3A_1317 = arith.addi %iota3A, %add3A_1316 : vector<16xi32>
        %add3A_1318 = arith.addi %gather3A_1233, %add3A_1317 : vector<16xi32>
        %min3A_1319 = arith.constant 199 : i32
        %min3A_1320 = vector.broadcast %min3A_1319 : i32 to vector<16xi32>
        %min3A_1321 = arith.minsi %add3A_1318, %min3A_1320 : vector<16xi32>
        %gather3A_1322 = tpu.vector_load_idx %arg6[%broadcast_in_dim3A_1242, %min3A_1321] : memref<128x200xi32, #tpu.memory_space<vmem>>[vector<16xi32>, vector<16xi32>], vector<16xi32>,
        %lt3A_1323 = arith.cmpi slt, %add3A_1317, %gather3A_1237 : vector<16xi32>
        %jit3A_1324 = arith.constant 0 : i32
        %broadcast_in_dim3A_1325 = vector.broadcast %jit3A_1324 : i32 to vector<16xi32>
        %select_n3A_1326 = arith.select %lt3A_1323, %gather3A_1322, %broadcast_in_dim3A_1325 : vector<16xi1>, vector<16xi32>
        tpu.vector_store_idx %arg7[%broadcast_in_dim3A_1242, %add3A_1317], %select_n3A_1326 : memref<128x200xi32, #tpu.memory_space<vmem>>[vector<16xi32>, vector<16xi32>], vector<16xi32>,
        %add3A_1327 = arith.constant 112 : i32
        %add3A_1328 = vector.broadcast %add3A_1327 : i32 to vector<16xi32>
        %add3A_1329 = arith.addi %iota3A, %add3A_1328 : vector<16xi32>
        %add3A_1330 = arith.addi %gather3A_1233, %add3A_1329 : vector<16xi32>
        %min3A_1331 = arith.constant 199 : i32
        %min3A_1332 = vector.broadcast %min3A_1331 : i32 to vector<16xi32>
        %min3A_1333 = arith.minsi %add3A_1330, %min3A_1332 : vector<16xi32>
        %gather3A_1334 = tpu.vector_load_idx %arg6[%broadcast_in_dim3A_1242, %min3A_1333] : memref<128x200xi32, #tpu.memory_space<vmem>>[vector<16xi32>, vector<16xi32>], vector<16xi32>,
        %lt3A_1335 = arith.cmpi slt, %add3A_1329, %gather3A_1237 : vector<16xi32>
        %jit3A_1336 = arith.constant 0 : i32
        %broadcast_in_dim3A_1337 = vector.broadcast %jit3A_1336 : i32 to vector<16xi32>
        %select_n3A_1338 = arith.select %lt3A_1335, %gather3A_1334, %broadcast_in_dim3A_1337 : vector<16xi1>, vector<16xi32>
        tpu.vector_store_idx %arg7[%broadcast_in_dim3A_1242, %add3A_1329], %select_n3A_1338 : memref<128x200xi32, #tpu.memory_space<vmem>>[vector<16xi32>, vector<16xi32>], vector<16xi32>,
        %add3A_1339 = arith.constant 128 : i32
        %add3A_1340 = vector.broadcast %add3A_1339 : i32 to vector<16xi32>
        %add3A_1341 = arith.addi %iota3A, %add3A_1340 : vector<16xi32>
        %add3A_1342 = arith.addi %gather3A_1233, %add3A_1341 : vector<16xi32>
        %min3A_1343 = arith.constant 199 : i32
        %min3A_1344 = vector.broadcast %min3A_1343 : i32 to vector<16xi32>
        %min3A_1345 = arith.minsi %add3A_1342, %min3A_1344 : vector<16xi32>
        %gather3A_1346 = tpu.vector_load_idx %arg6[%broadcast_in_dim3A_1242, %min3A_1345] : memref<128x200xi32, #tpu.memory_space<vmem>>[vector<16xi32>, vector<16xi32>], vector<16xi32>,
        %lt3A_1347 = arith.cmpi slt, %add3A_1341, %gather3A_1237 : vector<16xi32>
        %jit3A_1348 = arith.constant 0 : i32
        %broadcast_in_dim3A_1349 = vector.broadcast %jit3A_1348 : i32 to vector<16xi32>
        %select_n3A_1350 = arith.select %lt3A_1347, %gather3A_1346, %broadcast_in_dim3A_1349 : vector<16xi1>, vector<16xi32>
        tpu.vector_store_idx %arg7[%broadcast_in_dim3A_1242, %add3A_1341], %select_n3A_1350 : memref<128x200xi32, #tpu.memory_space<vmem>>[vector<16xi32>, vector<16xi32>], vector<16xi32>,
        %add3A_1351 = arith.constant 144 : i32
        %add3A_1352 = vector.broadcast %add3A_1351 : i32 to vector<16xi32>
        %add3A_1353 = arith.addi %iota3A, %add3A_1352 : vector<16xi32>
        %add3A_1354 = arith.addi %gather3A_1233, %add3A_1353 : vector<16xi32>
        %min3A_1355 = arith.constant 199 : i32
        %min3A_1356 = vector.broadcast %min3A_1355 : i32 to vector<16xi32>
        %min3A_1357 = arith.minsi %add3A_1354, %min3A_1356 : vector<16xi32>
        %gather3A_1358 = tpu.vector_load_idx %arg6[%broadcast_in_dim3A_1242, %min3A_1357] : memref<128x200xi32, #tpu.memory_space<vmem>>[vector<16xi32>, vector<16xi32>], vector<16xi32>,
        %lt3A_1359 = arith.cmpi slt, %add3A_1353, %gather3A_1237 : vector<16xi32>
        %jit3A_1360 = arith.constant 0 : i32
        %broadcast_in_dim3A_1361 = vector.broadcast %jit3A_1360 : i32 to vector<16xi32>
        %select_n3A_1362 = arith.select %lt3A_1359, %gather3A_1358, %broadcast_in_dim3A_1361 : vector<16xi1>, vector<16xi32>
        tpu.vector_store_idx %arg7[%broadcast_in_dim3A_1242, %add3A_1353], %select_n3A_1362 : memref<128x200xi32, #tpu.memory_space<vmem>>[vector<16xi32>, vector<16xi32>], vector<16xi32>,
        %add3A_1363 = arith.constant 160 : i32
        %add3A_1364 = vector.broadcast %add3A_1363 : i32 to vector<16xi32>
        %add3A_1365 = arith.addi %iota3A, %add3A_1364 : vector<16xi32>
        %add3A_1366 = arith.addi %gather3A_1233, %add3A_1365 : vector<16xi32>
        %min3A_1367 = arith.constant 199 : i32
        %min3A_1368 = vector.broadcast %min3A_1367 : i32 to vector<16xi32>
        %min3A_1369 = arith.minsi %add3A_1366, %min3A_1368 : vector<16xi32>
        %gather3A_1370 = tpu.vector_load_idx %arg6[%broadcast_in_dim3A_1242, %min3A_1369] : memref<128x200xi32, #tpu.memory_space<vmem>>[vector<16xi32>, vector<16xi32>], vector<16xi32>,
        %lt3A_1371 = arith.cmpi slt, %add3A_1365, %gather3A_1237 : vector<16xi32>
        %jit3A_1372 = arith.constant 0 : i32
        %broadcast_in_dim3A_1373 = vector.broadcast %jit3A_1372 : i32 to vector<16xi32>
        %select_n3A_1374 = arith.select %lt3A_1371, %gather3A_1370, %broadcast_in_dim3A_1373 : vector<16xi1>, vector<16xi32>
        tpu.vector_store_idx %arg7[%broadcast_in_dim3A_1242, %add3A_1365], %select_n3A_1374 : memref<128x200xi32, #tpu.memory_space<vmem>>[vector<16xi32>, vector<16xi32>], vector<16xi32>,
        %add3A_1375 = arith.constant 176 : i32
        %add3A_1376 = vector.broadcast %add3A_1375 : i32 to vector<16xi32>
        %add3A_1377 = arith.addi %iota3A, %add3A_1376 : vector<16xi32>
        %add3A_1378 = arith.addi %gather3A_1233, %add3A_1377 : vector<16xi32>
        %min3A_1379 = arith.constant 199 : i32
        %min3A_1380 = vector.broadcast %min3A_1379 : i32 to vector<16xi32>
        %min3A_1381 = arith.minsi %add3A_1378, %min3A_1380 : vector<16xi32>
        %gather3A_1382 = tpu.vector_load_idx %arg6[%broadcast_in_dim3A_1242, %min3A_1381] : memref<128x200xi32, #tpu.memory_space<vmem>>[vector<16xi32>, vector<16xi32>], vector<16xi32>,
        %lt3A_1383 = arith.cmpi slt, %add3A_1377, %gather3A_1237 : vector<16xi32>
        %jit3A_1384 = arith.constant 0 : i32
        %broadcast_in_dim3A_1385 = vector.broadcast %jit3A_1384 : i32 to vector<16xi32>
        %select_n3A_1386 = arith.select %lt3A_1383, %gather3A_1382, %broadcast_in_dim3A_1385 : vector<16xi1>, vector<16xi32>
        tpu.vector_store_idx %arg7[%broadcast_in_dim3A_1242, %add3A_1377], %select_n3A_1386 : memref<128x200xi32, #tpu.memory_space<vmem>>[vector<16xi32>, vector<16xi32>], vector<16xi32>,
        %add3A_1387 = arith.constant 192 : i32
        %add3A_1388 = vector.broadcast %add3A_1387 : i32 to vector<16xi32>
        %add3A_1389 = arith.addi %iota3A, %add3A_1388 : vector<16xi32>
        %add3A_1390 = arith.addi %gather3A_1233, %add3A_1389 : vector<16xi32>
        %min3A_1391 = arith.constant 199 : i32
        %min3A_1392 = vector.broadcast %min3A_1391 : i32 to vector<16xi32>
        %min3A_1393 = arith.minsi %add3A_1390, %min3A_1392 : vector<16xi32>
        %gather3A_1394 = tpu.vector_load_idx %arg6[%broadcast_in_dim3A_1242, %min3A_1393] : memref<128x200xi32, #tpu.memory_space<vmem>>[vector<16xi32>, vector<16xi32>], vector<16xi32>,
        %lt3A_1395 = arith.cmpi slt, %add3A_1389, %gather3A_1237 : vector<16xi32>
        %jit3A_1396 = arith.constant 0 : i32
        %broadcast_in_dim3A_1397 = vector.broadcast %jit3A_1396 : i32 to vector<16xi32>
        %select_n3A_1398 = arith.select %lt3A_1395, %gather3A_1394, %broadcast_in_dim3A_1397 : vector<16xi1>, vector<16xi32>
        %lt3A_1399 = arith.constant 200 : i32
        %lt3A_1400 = vector.broadcast %lt3A_1399 : i32 to vector<16xi32>
        %lt3A_1401 = arith.cmpi slt, %add3A_1389, %lt3A_1400 : vector<16xi32>
        tpu.vector_store_idx %arg7[%broadcast_in_dim3A_1242, %add3A_1389], %select_n3A_1398 masked %lt3A_1401 : memref<128x200xi32, #tpu.memory_space<vmem>>[vector<16xi32>, vector<16xi32>], vector<16xi32>, vector<16xi1>
        %broadcast_in_dim3A_1402 = arith.constant 8 : i32
        %broadcast_in_dim3A_1403 = vector.broadcast %broadcast_in_dim3A_1402 : i32 to vector<16x1xi32>
        %gather3A_1404 = vector.shape_cast %broadcast_in_dim3A_1403 : vector<16x1xi32> to vector<16xi32>
        %gather3A_1405 = tpu.dynamic_gather %get3A_24[%gather3A_1404] in [0] : vector<16xi32>, vector<16xi32> -> vector<16xi32>
        %broadcast_in_dim3A_1406 = arith.constant 8 : i32
        %broadcast_in_dim3A_1407 = vector.broadcast %broadcast_in_dim3A_1406 : i32 to vector<16x1xi32>
        %gather3A_1408 = vector.shape_cast %broadcast_in_dim3A_1407 : vector<16x1xi32> to vector<16xi32>
        %gather3A_1409 = tpu.dynamic_gather %get3A_31[%gather3A_1408] in [0] : vector<16xi32>, vector<16xi32> -> vector<16xi32>
        %mul3A_1410 = arith.constant 16 : i32
        %mul3A_1411 = arith.muli %scan3A_18, %mul3A_1410 : i32
        %add3A_1412 = arith.constant 8 : i32
        %add3A_1413 = arith.addi %mul3A_1411, %add3A_1412 : i32
        %broadcast_in_dim3A_1414 = vector.broadcast %add3A_1413 : i32 to vector<16xi32>
        %add3A_1415 = arith.constant 0 : i32
        %add3A_1416 = vector.broadcast %add3A_1415 : i32 to vector<16xi32>
        %add3A_1417 = arith.addi %iota3A, %add3A_1416 : vector<16xi32>
        %add3A_1418 = arith.addi %gather3A_1405, %add3A_1417 : vector<16xi32>
        %min3A_1419 = arith.constant 199 : i32
        %min3A_1420 = vector.broadcast %min3A_1419 : i32 to vector<16xi32>
        %min3A_1421 = arith.minsi %add3A_1418, %min3A_1420 : vector<16xi32>
        %gather3A_1422 = tpu.vector_load_idx %arg6[%broadcast_in_dim3A_1414, %min3A_1421] : memref<128x200xi32, #tpu.memory_space<vmem>>[vector<16xi32>, vector<16xi32>], vector<16xi32>,
        %lt3A_1423 = arith.cmpi slt, %add3A_1417, %gather3A_1409 : vector<16xi32>
        %jit3A_1424 = arith.constant 0 : i32
        %broadcast_in_dim3A_1425 = vector.broadcast %jit3A_1424 : i32 to vector<16xi32>
        %select_n3A_1426 = arith.select %lt3A_1423, %gather3A_1422, %broadcast_in_dim3A_1425 : vector<16xi1>, vector<16xi32>
        tpu.vector_store_idx %arg7[%broadcast_in_dim3A_1414, %add3A_1417], %select_n3A_1426 : memref<128x200xi32, #tpu.memory_space<vmem>>[vector<16xi32>, vector<16xi32>], vector<16xi32>,
        %add3A_1427 = arith.constant 16 : i32
        %add3A_1428 = vector.broadcast %add3A_1427 : i32 to vector<16xi32>
        %add3A_1429 = arith.addi %iota3A, %add3A_1428 : vector<16xi32>
        %add3A_1430 = arith.addi %gather3A_1405, %add3A_1429 : vector<16xi32>
        %min3A_1431 = arith.constant 199 : i32
        %min3A_1432 = vector.broadcast %min3A_1431 : i32 to vector<16xi32>
        %min3A_1433 = arith.minsi %add3A_1430, %min3A_1432 : vector<16xi32>
        %gather3A_1434 = tpu.vector_load_idx %arg6[%broadcast_in_dim3A_1414, %min3A_1433] : memref<128x200xi32, #tpu.memory_space<vmem>>[vector<16xi32>, vector<16xi32>], vector<16xi32>,
        %lt3A_1435 = arith.cmpi slt, %add3A_1429, %gather3A_1409 : vector<16xi32>
        %jit3A_1436 = arith.constant 0 : i32
        %broadcast_in_dim3A_1437 = vector.broadcast %jit3A_1436 : i32 to vector<16xi32>
        %select_n3A_1438 = arith.select %lt3A_1435, %gather3A_1434, %broadcast_in_dim3A_1437 : vector<16xi1>, vector<16xi32>
        tpu.vector_store_idx %arg7[%broadcast_in_dim3A_1414, %add3A_1429], %select_n3A_1438 : memref<128x200xi32, #tpu.memory_space<vmem>>[vector<16xi32>, vector<16xi32>], vector<16xi32>,
        %add3A_1439 = arith.constant 32 : i32
        %add3A_1440 = vector.broadcast %add3A_1439 : i32 to vector<16xi32>
        %add3A_1441 = arith.addi %iota3A, %add3A_1440 : vector<16xi32>
        %add3A_1442 = arith.addi %gather3A_1405, %add3A_1441 : vector<16xi32>
        %min3A_1443 = arith.constant 199 : i32
        %min3A_1444 = vector.broadcast %min3A_1443 : i32 to vector<16xi32>
        %min3A_1445 = arith.minsi %add3A_1442, %min3A_1444 : vector<16xi32>
        %gather3A_1446 = tpu.vector_load_idx %arg6[%broadcast_in_dim3A_1414, %min3A_1445] : memref<128x200xi32, #tpu.memory_space<vmem>>[vector<16xi32>, vector<16xi32>], vector<16xi32>,
        %lt3A_1447 = arith.cmpi slt, %add3A_1441, %gather3A_1409 : vector<16xi32>
        %jit3A_1448 = arith.constant 0 : i32
        %broadcast_in_dim3A_1449 = vector.broadcast %jit3A_1448 : i32 to vector<16xi32>
        %select_n3A_1450 = arith.select %lt3A_1447, %gather3A_1446, %broadcast_in_dim3A_1449 : vector<16xi1>, vector<16xi32>
        tpu.vector_store_idx %arg7[%broadcast_in_dim3A_1414, %add3A_1441], %select_n3A_1450 : memref<128x200xi32, #tpu.memory_space<vmem>>[vector<16xi32>, vector<16xi32>], vector<16xi32>,
        %add3A_1451 = arith.constant 48 : i32
        %add3A_1452 = vector.broadcast %add3A_1451 : i32 to vector<16xi32>
        %add3A_1453 = arith.addi %iota3A, %add3A_1452 : vector<16xi32>
        %add3A_1454 = arith.addi %gather3A_1405, %add3A_1453 : vector<16xi32>
        %min3A_1455 = arith.constant 199 : i32
        %min3A_1456 = vector.broadcast %min3A_1455 : i32 to vector<16xi32>
        %min3A_1457 = arith.minsi %add3A_1454, %min3A_1456 : vector<16xi32>
        %gather3A_1458 = tpu.vector_load_idx %arg6[%broadcast_in_dim3A_1414, %min3A_1457] : memref<128x200xi32, #tpu.memory_space<vmem>>[vector<16xi32>, vector<16xi32>], vector<16xi32>,
        %lt3A_1459 = arith.cmpi slt, %add3A_1453, %gather3A_1409 : vector<16xi32>
        %jit3A_1460 = arith.constant 0 : i32
        %broadcast_in_dim3A_1461 = vector.broadcast %jit3A_1460 : i32 to vector<16xi32>
        %select_n3A_1462 = arith.select %lt3A_1459, %gather3A_1458, %broadcast_in_dim3A_1461 : vector<16xi1>, vector<16xi32>
        tpu.vector_store_idx %arg7[%broadcast_in_dim3A_1414, %add3A_1453], %select_n3A_1462 : memref<128x200xi32, #tpu.memory_space<vmem>>[vector<16xi32>, vector<16xi32>], vector<16xi32>,
        %add3A_1463 = arith.constant 64 : i32
        %add3A_1464 = vector.broadcast %add3A_1463 : i32 to vector<16xi32>
        %add3A_1465 = arith.addi %iota3A, %add3A_1464 : vector<16xi32>
        %add3A_1466 = arith.addi %gather3A_1405, %add3A_1465 : vector<16xi32>
        %min3A_1467 = arith.constant 199 : i32
        %min3A_1468 = vector.broadcast %min3A_1467 : i32 to vector<16xi32>
        %min3A_1469 = arith.minsi %add3A_1466, %min3A_1468 : vector<16xi32>
        %gather3A_1470 = tpu.vector_load_idx %arg6[%broadcast_in_dim3A_1414, %min3A_1469] : memref<128x200xi32, #tpu.memory_space<vmem>>[vector<16xi32>, vector<16xi32>], vector<16xi32>,
        %lt3A_1471 = arith.cmpi slt, %add3A_1465, %gather3A_1409 : vector<16xi32>
        %jit3A_1472 = arith.constant 0 : i32
        %broadcast_in_dim3A_1473 = vector.broadcast %jit3A_1472 : i32 to vector<16xi32>
        %select_n3A_1474 = arith.select %lt3A_1471, %gather3A_1470, %broadcast_in_dim3A_1473 : vector<16xi1>, vector<16xi32>
        tpu.vector_store_idx %arg7[%broadcast_in_dim3A_1414, %add3A_1465], %select_n3A_1474 : memref<128x200xi32, #tpu.memory_space<vmem>>[vector<16xi32>, vector<16xi32>], vector<16xi32>,
        %add3A_1475 = arith.constant 80 : i32
        %add3A_1476 = vector.broadcast %add3A_1475 : i32 to vector<16xi32>
        %add3A_1477 = arith.addi %iota3A, %add3A_1476 : vector<16xi32>
        %add3A_1478 = arith.addi %gather3A_1405, %add3A_1477 : vector<16xi32>
        %min3A_1479 = arith.constant 199 : i32
        %min3A_1480 = vector.broadcast %min3A_1479 : i32 to vector<16xi32>
        %min3A_1481 = arith.minsi %add3A_1478, %min3A_1480 : vector<16xi32>
        %gather3A_1482 = tpu.vector_load_idx %arg6[%broadcast_in_dim3A_1414, %min3A_1481] : memref<128x200xi32, #tpu.memory_space<vmem>>[vector<16xi32>, vector<16xi32>], vector<16xi32>,
        %lt3A_1483 = arith.cmpi slt, %add3A_1477, %gather3A_1409 : vector<16xi32>
        %jit3A_1484 = arith.constant 0 : i32
        %broadcast_in_dim3A_1485 = vector.broadcast %jit3A_1484 : i32 to vector<16xi32>
        %select_n3A_1486 = arith.select %lt3A_1483, %gather3A_1482, %broadcast_in_dim3A_1485 : vector<16xi1>, vector<16xi32>
        tpu.vector_store_idx %arg7[%broadcast_in_dim3A_1414, %add3A_1477], %select_n3A_1486 : memref<128x200xi32, #tpu.memory_space<vmem>>[vector<16xi32>, vector<16xi32>], vector<16xi32>,
        %add3A_1487 = arith.constant 96 : i32
        %add3A_1488 = vector.broadcast %add3A_1487 : i32 to vector<16xi32>
        %add3A_1489 = arith.addi %iota3A, %add3A_1488 : vector<16xi32>
        %add3A_1490 = arith.addi %gather3A_1405, %add3A_1489 : vector<16xi32>
        %min3A_1491 = arith.constant 199 : i32
        %min3A_1492 = vector.broadcast %min3A_1491 : i32 to vector<16xi32>
        %min3A_1493 = arith.minsi %add3A_1490, %min3A_1492 : vector<16xi32>
        %gather3A_1494 = tpu.vector_load_idx %arg6[%broadcast_in_dim3A_1414, %min3A_1493] : memref<128x200xi32, #tpu.memory_space<vmem>>[vector<16xi32>, vector<16xi32>], vector<16xi32>,
        %lt3A_1495 = arith.cmpi slt, %add3A_1489, %gather3A_1409 : vector<16xi32>
        %jit3A_1496 = arith.constant 0 : i32
        %broadcast_in_dim3A_1497 = vector.broadcast %jit3A_1496 : i32 to vector<16xi32>
        %select_n3A_1498 = arith.select %lt3A_1495, %gather3A_1494, %broadcast_in_dim3A_1497 : vector<16xi1>, vector<16xi32>
        tpu.vector_store_idx %arg7[%broadcast_in_dim3A_1414, %add3A_1489], %select_n3A_1498 : memref<128x200xi32, #tpu.memory_space<vmem>>[vector<16xi32>, vector<16xi32>], vector<16xi32>,
        %add3A_1499 = arith.constant 112 : i32
        %add3A_1500 = vector.broadcast %add3A_1499 : i32 to vector<16xi32>
        %add3A_1501 = arith.addi %iota3A, %add3A_1500 : vector<16xi32>
        %add3A_1502 = arith.addi %gather3A_1405, %add3A_1501 : vector<16xi32>
        %min3A_1503 = arith.constant 199 : i32
        %min3A_1504 = vector.broadcast %min3A_1503 : i32 to vector<16xi32>
        %min3A_1505 = arith.minsi %add3A_1502, %min3A_1504 : vector<16xi32>
        %gather3A_1506 = tpu.vector_load_idx %arg6[%broadcast_in_dim3A_1414, %min3A_1505] : memref<128x200xi32, #tpu.memory_space<vmem>>[vector<16xi32>, vector<16xi32>], vector<16xi32>,
        %lt3A_1507 = arith.cmpi slt, %add3A_1501, %gather3A_1409 : vector<16xi32>
        %jit3A_1508 = arith.constant 0 : i32
        %broadcast_in_dim3A_1509 = vector.broadcast %jit3A_1508 : i32 to vector<16xi32>
        %select_n3A_1510 = arith.select %lt3A_1507, %gather3A_1506, %broadcast_in_dim3A_1509 : vector<16xi1>, vector<16xi32>
        tpu.vector_store_idx %arg7[%broadcast_in_dim3A_1414, %add3A_1501], %select_n3A_1510 : memref<128x200xi32, #tpu.memory_space<vmem>>[vector<16xi32>, vector<16xi32>], vector<16xi32>,
        %add3A_1511 = arith.constant 128 : i32
        %add3A_1512 = vector.broadcast %add3A_1511 : i32 to vector<16xi32>
        %add3A_1513 = arith.addi %iota3A, %add3A_1512 : vector<16xi32>
        %add3A_1514 = arith.addi %gather3A_1405, %add3A_1513 : vector<16xi32>
        %min3A_1515 = arith.constant 199 : i32
        %min3A_1516 = vector.broadcast %min3A_1515 : i32 to vector<16xi32>
        %min3A_1517 = arith.minsi %add3A_1514, %min3A_1516 : vector<16xi32>
        %gather3A_1518 = tpu.vector_load_idx %arg6[%broadcast_in_dim3A_1414, %min3A_1517] : memref<128x200xi32, #tpu.memory_space<vmem>>[vector<16xi32>, vector<16xi32>], vector<16xi32>,
        %lt3A_1519 = arith.cmpi slt, %add3A_1513, %gather3A_1409 : vector<16xi32>
        %jit3A_1520 = arith.constant 0 : i32
        %broadcast_in_dim3A_1521 = vector.broadcast %jit3A_1520 : i32 to vector<16xi32>
        %select_n3A_1522 = arith.select %lt3A_1519, %gather3A_1518, %broadcast_in_dim3A_1521 : vector<16xi1>, vector<16xi32>
        tpu.vector_store_idx %arg7[%broadcast_in_dim3A_1414, %add3A_1513], %select_n3A_1522 : memref<128x200xi32, #tpu.memory_space<vmem>>[vector<16xi32>, vector<16xi32>], vector<16xi32>,
        %add3A_1523 = arith.constant 144 : i32
        %add3A_1524 = vector.broadcast %add3A_1523 : i32 to vector<16xi32>
        %add3A_1525 = arith.addi %iota3A, %add3A_1524 : vector<16xi32>
        %add3A_1526 = arith.addi %gather3A_1405, %add3A_1525 : vector<16xi32>
        %min3A_1527 = arith.constant 199 : i32
        %min3A_1528 = vector.broadcast %min3A_1527 : i32 to vector<16xi32>
        %min3A_1529 = arith.minsi %add3A_1526, %min3A_1528 : vector<16xi32>
        %gather3A_1530 = tpu.vector_load_idx %arg6[%broadcast_in_dim3A_1414, %min3A_1529] : memref<128x200xi32, #tpu.memory_space<vmem>>[vector<16xi32>, vector<16xi32>], vector<16xi32>,
        %lt3A_1531 = arith.cmpi slt, %add3A_1525, %gather3A_1409 : vector<16xi32>
        %jit3A_1532 = arith.constant 0 : i32
        %broadcast_in_dim3A_1533 = vector.broadcast %jit3A_1532 : i32 to vector<16xi32>
        %select_n3A_1534 = arith.select %lt3A_1531, %gather3A_1530, %broadcast_in_dim3A_1533 : vector<16xi1>, vector<16xi32>
        tpu.vector_store_idx %arg7[%broadcast_in_dim3A_1414, %add3A_1525], %select_n3A_1534 : memref<128x200xi32, #tpu.memory_space<vmem>>[vector<16xi32>, vector<16xi32>], vector<16xi32>,
        %add3A_1535 = arith.constant 160 : i32
        %add3A_1536 = vector.broadcast %add3A_1535 : i32 to vector<16xi32>
        %add3A_1537 = arith.addi %iota3A, %add3A_1536 : vector<16xi32>
        %add3A_1538 = arith.addi %gather3A_1405, %add3A_1537 : vector<16xi32>
        %min3A_1539 = arith.constant 199 : i32
        %min3A_1540 = vector.broadcast %min3A_1539 : i32 to vector<16xi32>
        %min3A_1541 = arith.minsi %add3A_1538, %min3A_1540 : vector<16xi32>
        %gather3A_1542 = tpu.vector_load_idx %arg6[%broadcast_in_dim3A_1414, %min3A_1541] : memref<128x200xi32, #tpu.memory_space<vmem>>[vector<16xi32>, vector<16xi32>], vector<16xi32>,
        %lt3A_1543 = arith.cmpi slt, %add3A_1537, %gather3A_1409 : vector<16xi32>
        %jit3A_1544 = arith.constant 0 : i32
        %broadcast_in_dim3A_1545 = vector.broadcast %jit3A_1544 : i32 to vector<16xi32>
        %select_n3A_1546 = arith.select %lt3A_1543, %gather3A_1542, %broadcast_in_dim3A_1545 : vector<16xi1>, vector<16xi32>
        tpu.vector_store_idx %arg7[%broadcast_in_dim3A_1414, %add3A_1537], %select_n3A_1546 : memref<128x200xi32, #tpu.memory_space<vmem>>[vector<16xi32>, vector<16xi32>], vector<16xi32>,
        %add3A_1547 = arith.constant 176 : i32
        %add3A_1548 = vector.broadcast %add3A_1547 : i32 to vector<16xi32>
        %add3A_1549 = arith.addi %iota3A, %add3A_1548 : vector<16xi32>
        %add3A_1550 = arith.addi %gather3A_1405, %add3A_1549 : vector<16xi32>
        %min3A_1551 = arith.constant 199 : i32
        %min3A_1552 = vector.broadcast %min3A_1551 : i32 to vector<16xi32>
        %min3A_1553 = arith.minsi %add3A_1550, %min3A_1552 : vector<16xi32>
        %gather3A_1554 = tpu.vector_load_idx %arg6[%broadcast_in_dim3A_1414, %min3A_1553] : memref<128x200xi32, #tpu.memory_space<vmem>>[vector<16xi32>, vector<16xi32>], vector<16xi32>,
        %lt3A_1555 = arith.cmpi slt, %add3A_1549, %gather3A_1409 : vector<16xi32>
        %jit3A_1556 = arith.constant 0 : i32
        %broadcast_in_dim3A_1557 = vector.broadcast %jit3A_1556 : i32 to vector<16xi32>
        %select_n3A_1558 = arith.select %lt3A_1555, %gather3A_1554, %broadcast_in_dim3A_1557 : vector<16xi1>, vector<16xi32>
        tpu.vector_store_idx %arg7[%broadcast_in_dim3A_1414, %add3A_1549], %select_n3A_1558 : memref<128x200xi32, #tpu.memory_space<vmem>>[vector<16xi32>, vector<16xi32>], vector<16xi32>,
        %add3A_1559 = arith.constant 192 : i32
        %add3A_1560 = vector.broadcast %add3A_1559 : i32 to vector<16xi32>
        %add3A_1561 = arith.addi %iota3A, %add3A_1560 : vector<16xi32>
        %add3A_1562 = arith.addi %gather3A_1405, %add3A_1561 : vector<16xi32>
        %min3A_1563 = arith.constant 199 : i32
        %min3A_1564 = vector.broadcast %min3A_1563 : i32 to vector<16xi32>
        %min3A_1565 = arith.minsi %add3A_1562, %min3A_1564 : vector<16xi32>
        %gather3A_1566 = tpu.vector_load_idx %arg6[%broadcast_in_dim3A_1414, %min3A_1565] : memref<128x200xi32, #tpu.memory_space<vmem>>[vector<16xi32>, vector<16xi32>], vector<16xi32>,
        %lt3A_1567 = arith.cmpi slt, %add3A_1561, %gather3A_1409 : vector<16xi32>
        %jit3A_1568 = arith.constant 0 : i32
        %broadcast_in_dim3A_1569 = vector.broadcast %jit3A_1568 : i32 to vector<16xi32>
        %select_n3A_1570 = arith.select %lt3A_1567, %gather3A_1566, %broadcast_in_dim3A_1569 : vector<16xi1>, vector<16xi32>
        %lt3A_1571 = arith.constant 200 : i32
        %lt3A_1572 = vector.broadcast %lt3A_1571 : i32 to vector<16xi32>
        %lt3A_1573 = arith.cmpi slt, %add3A_1561, %lt3A_1572 : vector<16xi32>
        tpu.vector_store_idx %arg7[%broadcast_in_dim3A_1414, %add3A_1561], %select_n3A_1570 masked %lt3A_1573 : memref<128x200xi32, #tpu.memory_space<vmem>>[vector<16xi32>, vector<16xi32>], vector<16xi32>, vector<16xi1>
        %broadcast_in_dim3A_1574 = arith.constant 9 : i32
        %broadcast_in_dim3A_1575 = vector.broadcast %broadcast_in_dim3A_1574 : i32 to vector<16x1xi32>
        %gather3A_1576 = vector.shape_cast %broadcast_in_dim3A_1575 : vector<16x1xi32> to vector<16xi32>
        %gather3A_1577 = tpu.dynamic_gather %get3A_24[%gather3A_1576] in [0] : vector<16xi32>, vector<16xi32> -> vector<16xi32>
        %broadcast_in_dim3A_1578 = arith.constant 9 : i32
        %broadcast_in_dim3A_1579 = vector.broadcast %broadcast_in_dim3A_1578 : i32 to vector<16x1xi32>
        %gather3A_1580 = vector.shape_cast %broadcast_in_dim3A_1579 : vector<16x1xi32> to vector<16xi32>
        %gather3A_1581 = tpu.dynamic_gather %get3A_31[%gather3A_1580] in [0] : vector<16xi32>, vector<16xi32> -> vector<16xi32>
        %mul3A_1582 = arith.constant 16 : i32
        %mul3A_1583 = arith.muli %scan3A_18, %mul3A_1582 : i32
        %add3A_1584 = arith.constant 9 : i32
        %add3A_1585 = arith.addi %mul3A_1583, %add3A_1584 : i32
        %broadcast_in_dim3A_1586 = vector.broadcast %add3A_1585 : i32 to vector<16xi32>
        %add3A_1587 = arith.constant 0 : i32
        %add3A_1588 = vector.broadcast %add3A_1587 : i32 to vector<16xi32>
        %add3A_1589 = arith.addi %iota3A, %add3A_1588 : vector<16xi32>
        %add3A_1590 = arith.addi %gather3A_1577, %add3A_1589 : vector<16xi32>
        %min3A_1591 = arith.constant 199 : i32
        %min3A_1592 = vector.broadcast %min3A_1591 : i32 to vector<16xi32>
        %min3A_1593 = arith.minsi %add3A_1590, %min3A_1592 : vector<16xi32>
        %gather3A_1594 = tpu.vector_load_idx %arg6[%broadcast_in_dim3A_1586, %min3A_1593] : memref<128x200xi32, #tpu.memory_space<vmem>>[vector<16xi32>, vector<16xi32>], vector<16xi32>,
        %lt3A_1595 = arith.cmpi slt, %add3A_1589, %gather3A_1581 : vector<16xi32>
        %jit3A_1596 = arith.constant 0 : i32
        %broadcast_in_dim3A_1597 = vector.broadcast %jit3A_1596 : i32 to vector<16xi32>
        %select_n3A_1598 = arith.select %lt3A_1595, %gather3A_1594, %broadcast_in_dim3A_1597 : vector<16xi1>, vector<16xi32>
        tpu.vector_store_idx %arg7[%broadcast_in_dim3A_1586, %add3A_1589], %select_n3A_1598 : memref<128x200xi32, #tpu.memory_space<vmem>>[vector<16xi32>, vector<16xi32>], vector<16xi32>,
        %add3A_1599 = arith.constant 16 : i32
        %add3A_1600 = vector.broadcast %add3A_1599 : i32 to vector<16xi32>
        %add3A_1601 = arith.addi %iota3A, %add3A_1600 : vector<16xi32>
        %add3A_1602 = arith.addi %gather3A_1577, %add3A_1601 : vector<16xi32>
        %min3A_1603 = arith.constant 199 : i32
        %min3A_1604 = vector.broadcast %min3A_1603 : i32 to vector<16xi32>
        %min3A_1605 = arith.minsi %add3A_1602, %min3A_1604 : vector<16xi32>
        %gather3A_1606 = tpu.vector_load_idx %arg6[%broadcast_in_dim3A_1586, %min3A_1605] : memref<128x200xi32, #tpu.memory_space<vmem>>[vector<16xi32>, vector<16xi32>], vector<16xi32>,
        %lt3A_1607 = arith.cmpi slt, %add3A_1601, %gather3A_1581 : vector<16xi32>
        %jit3A_1608 = arith.constant 0 : i32
        %broadcast_in_dim3A_1609 = vector.broadcast %jit3A_1608 : i32 to vector<16xi32>
        %select_n3A_1610 = arith.select %lt3A_1607, %gather3A_1606, %broadcast_in_dim3A_1609 : vector<16xi1>, vector<16xi32>
        tpu.vector_store_idx %arg7[%broadcast_in_dim3A_1586, %add3A_1601], %select_n3A_1610 : memref<128x200xi32, #tpu.memory_space<vmem>>[vector<16xi32>, vector<16xi32>], vector<16xi32>,
        %add3A_1611 = arith.constant 32 : i32
        %add3A_1612 = vector.broadcast %add3A_1611 : i32 to vector<16xi32>
        %add3A_1613 = arith.addi %iota3A, %add3A_1612 : vector<16xi32>
        %add3A_1614 = arith.addi %gather3A_1577, %add3A_1613 : vector<16xi32>
        %min3A_1615 = arith.constant 199 : i32
        %min3A_1616 = vector.broadcast %min3A_1615 : i32 to vector<16xi32>
        %min3A_1617 = arith.minsi %add3A_1614, %min3A_1616 : vector<16xi32>
        %gather3A_1618 = tpu.vector_load_idx %arg6[%broadcast_in_dim3A_1586, %min3A_1617] : memref<128x200xi32, #tpu.memory_space<vmem>>[vector<16xi32>, vector<16xi32>], vector<16xi32>,
        %lt3A_1619 = arith.cmpi slt, %add3A_1613, %gather3A_1581 : vector<16xi32>
        %jit3A_1620 = arith.constant 0 : i32
        %broadcast_in_dim3A_1621 = vector.broadcast %jit3A_1620 : i32 to vector<16xi32>
        %select_n3A_1622 = arith.select %lt3A_1619, %gather3A_1618, %broadcast_in_dim3A_1621 : vector<16xi1>, vector<16xi32>
        tpu.vector_store_idx %arg7[%broadcast_in_dim3A_1586, %add3A_1613], %select_n3A_1622 : memref<128x200xi32, #tpu.memory_space<vmem>>[vector<16xi32>, vector<16xi32>], vector<16xi32>,
        %add3A_1623 = arith.constant 48 : i32
        %add3A_1624 = vector.broadcast %add3A_1623 : i32 to vector<16xi32>
        %add3A_1625 = arith.addi %iota3A, %add3A_1624 : vector<16xi32>
        %add3A_1626 = arith.addi %gather3A_1577, %add3A_1625 : vector<16xi32>
        %min3A_1627 = arith.constant 199 : i32
        %min3A_1628 = vector.broadcast %min3A_1627 : i32 to vector<16xi32>
        %min3A_1629 = arith.minsi %add3A_1626, %min3A_1628 : vector<16xi32>
        %gather3A_1630 = tpu.vector_load_idx %arg6[%broadcast_in_dim3A_1586, %min3A_1629] : memref<128x200xi32, #tpu.memory_space<vmem>>[vector<16xi32>, vector<16xi32>], vector<16xi32>,
        %lt3A_1631 = arith.cmpi slt, %add3A_1625, %gather3A_1581 : vector<16xi32>
        %jit3A_1632 = arith.constant 0 : i32
        %broadcast_in_dim3A_1633 = vector.broadcast %jit3A_1632 : i32 to vector<16xi32>
        %select_n3A_1634 = arith.select %lt3A_1631, %gather3A_1630, %broadcast_in_dim3A_1633 : vector<16xi1>, vector<16xi32>
        tpu.vector_store_idx %arg7[%broadcast_in_dim3A_1586, %add3A_1625], %select_n3A_1634 : memref<128x200xi32, #tpu.memory_space<vmem>>[vector<16xi32>, vector<16xi32>], vector<16xi32>,
        %add3A_1635 = arith.constant 64 : i32
        %add3A_1636 = vector.broadcast %add3A_1635 : i32 to vector<16xi32>
        %add3A_1637 = arith.addi %iota3A, %add3A_1636 : vector<16xi32>
        %add3A_1638 = arith.addi %gather3A_1577, %add3A_1637 : vector<16xi32>
        %min3A_1639 = arith.constant 199 : i32
        %min3A_1640 = vector.broadcast %min3A_1639 : i32 to vector<16xi32>
        %min3A_1641 = arith.minsi %add3A_1638, %min3A_1640 : vector<16xi32>
        %gather3A_1642 = tpu.vector_load_idx %arg6[%broadcast_in_dim3A_1586, %min3A_1641] : memref<128x200xi32, #tpu.memory_space<vmem>>[vector<16xi32>, vector<16xi32>], vector<16xi32>,
        %lt3A_1643 = arith.cmpi slt, %add3A_1637, %gather3A_1581 : vector<16xi32>
        %jit3A_1644 = arith.constant 0 : i32
        %broadcast_in_dim3A_1645 = vector.broadcast %jit3A_1644 : i32 to vector<16xi32>
        %select_n3A_1646 = arith.select %lt3A_1643, %gather3A_1642, %broadcast_in_dim3A_1645 : vector<16xi1>, vector<16xi32>
        tpu.vector_store_idx %arg7[%broadcast_in_dim3A_1586, %add3A_1637], %select_n3A_1646 : memref<128x200xi32, #tpu.memory_space<vmem>>[vector<16xi32>, vector<16xi32>], vector<16xi32>,
        %add3A_1647 = arith.constant 80 : i32
        %add3A_1648 = vector.broadcast %add3A_1647 : i32 to vector<16xi32>
        %add3A_1649 = arith.addi %iota3A, %add3A_1648 : vector<16xi32>
        %add3A_1650 = arith.addi %gather3A_1577, %add3A_1649 : vector<16xi32>
        %min3A_1651 = arith.constant 199 : i32
        %min3A_1652 = vector.broadcast %min3A_1651 : i32 to vector<16xi32>
        %min3A_1653 = arith.minsi %add3A_1650, %min3A_1652 : vector<16xi32>
        %gather3A_1654 = tpu.vector_load_idx %arg6[%broadcast_in_dim3A_1586, %min3A_1653] : memref<128x200xi32, #tpu.memory_space<vmem>>[vector<16xi32>, vector<16xi32>], vector<16xi32>,
        %lt3A_1655 = arith.cmpi slt, %add3A_1649, %gather3A_1581 : vector<16xi32>
        %jit3A_1656 = arith.constant 0 : i32
        %broadcast_in_dim3A_1657 = vector.broadcast %jit3A_1656 : i32 to vector<16xi32>
        %select_n3A_1658 = arith.select %lt3A_1655, %gather3A_1654, %broadcast_in_dim3A_1657 : vector<16xi1>, vector<16xi32>
        tpu.vector_store_idx %arg7[%broadcast_in_dim3A_1586, %add3A_1649], %select_n3A_1658 : memref<128x200xi32, #tpu.memory_space<vmem>>[vector<16xi32>, vector<16xi32>], vector<16xi32>,
        %add3A_1659 = arith.constant 96 : i32
        %add3A_1660 = vector.broadcast %add3A_1659 : i32 to vector<16xi32>
        %add3A_1661 = arith.addi %iota3A, %add3A_1660 : vector<16xi32>
        %add3A_1662 = arith.addi %gather3A_1577, %add3A_1661 : vector<16xi32>
        %min3A_1663 = arith.constant 199 : i32
        %min3A_1664 = vector.broadcast %min3A_1663 : i32 to vector<16xi32>
        %min3A_1665 = arith.minsi %add3A_1662, %min3A_1664 : vector<16xi32>
        %gather3A_1666 = tpu.vector_load_idx %arg6[%broadcast_in_dim3A_1586, %min3A_1665] : memref<128x200xi32, #tpu.memory_space<vmem>>[vector<16xi32>, vector<16xi32>], vector<16xi32>,
        %lt3A_1667 = arith.cmpi slt, %add3A_1661, %gather3A_1581 : vector<16xi32>
        %jit3A_1668 = arith.constant 0 : i32
        %broadcast_in_dim3A_1669 = vector.broadcast %jit3A_1668 : i32 to vector<16xi32>
        %select_n3A_1670 = arith.select %lt3A_1667, %gather3A_1666, %broadcast_in_dim3A_1669 : vector<16xi1>, vector<16xi32>
        tpu.vector_store_idx %arg7[%broadcast_in_dim3A_1586, %add3A_1661], %select_n3A_1670 : memref<128x200xi32, #tpu.memory_space<vmem>>[vector<16xi32>, vector<16xi32>], vector<16xi32>,
        %add3A_1671 = arith.constant 112 : i32
        %add3A_1672 = vector.broadcast %add3A_1671 : i32 to vector<16xi32>
        %add3A_1673 = arith.addi %iota3A, %add3A_1672 : vector<16xi32>
        %add3A_1674 = arith.addi %gather3A_1577, %add3A_1673 : vector<16xi32>
        %min3A_1675 = arith.constant 199 : i32
        %min3A_1676 = vector.broadcast %min3A_1675 : i32 to vector<16xi32>
        %min3A_1677 = arith.minsi %add3A_1674, %min3A_1676 : vector<16xi32>
        %gather3A_1678 = tpu.vector_load_idx %arg6[%broadcast_in_dim3A_1586, %min3A_1677] : memref<128x200xi32, #tpu.memory_space<vmem>>[vector<16xi32>, vector<16xi32>], vector<16xi32>,
        %lt3A_1679 = arith.cmpi slt, %add3A_1673, %gather3A_1581 : vector<16xi32>
        %jit3A_1680 = arith.constant 0 : i32
        %broadcast_in_dim3A_1681 = vector.broadcast %jit3A_1680 : i32 to vector<16xi32>
        %select_n3A_1682 = arith.select %lt3A_1679, %gather3A_1678, %broadcast_in_dim3A_1681 : vector<16xi1>, vector<16xi32>
        tpu.vector_store_idx %arg7[%broadcast_in_dim3A_1586, %add3A_1673], %select_n3A_1682 : memref<128x200xi32, #tpu.memory_space<vmem>>[vector<16xi32>, vector<16xi32>], vector<16xi32>,
        %add3A_1683 = arith.constant 128 : i32
        %add3A_1684 = vector.broadcast %add3A_1683 : i32 to vector<16xi32>
        %add3A_1685 = arith.addi %iota3A, %add3A_1684 : vector<16xi32>
        %add3A_1686 = arith.addi %gather3A_1577, %add3A_1685 : vector<16xi32>
        %min3A_1687 = arith.constant 199 : i32
        %min3A_1688 = vector.broadcast %min3A_1687 : i32 to vector<16xi32>
        %min3A_1689 = arith.minsi %add3A_1686, %min3A_1688 : vector<16xi32>
        %gather3A_1690 = tpu.vector_load_idx %arg6[%broadcast_in_dim3A_1586, %min3A_1689] : memref<128x200xi32, #tpu.memory_space<vmem>>[vector<16xi32>, vector<16xi32>], vector<16xi32>,
        %lt3A_1691 = arith.cmpi slt, %add3A_1685, %gather3A_1581 : vector<16xi32>
        %jit3A_1692 = arith.constant 0 : i32
        %broadcast_in_dim3A_1693 = vector.broadcast %jit3A_1692 : i32 to vector<16xi32>
        %select_n3A_1694 = arith.select %lt3A_1691, %gather3A_1690, %broadcast_in_dim3A_1693 : vector<16xi1>, vector<16xi32>
        tpu.vector_store_idx %arg7[%broadcast_in_dim3A_1586, %add3A_1685], %select_n3A_1694 : memref<128x200xi32, #tpu.memory_space<vmem>>[vector<16xi32>, vector<16xi32>], vector<16xi32>,
        %add3A_1695 = arith.constant 144 : i32
        %add3A_1696 = vector.broadcast %add3A_1695 : i32 to vector<16xi32>
        %add3A_1697 = arith.addi %iota3A, %add3A_1696 : vector<16xi32>
        %add3A_1698 = arith.addi %gather3A_1577, %add3A_1697 : vector<16xi32>
        %min3A_1699 = arith.constant 199 : i32
        %min3A_1700 = vector.broadcast %min3A_1699 : i32 to vector<16xi32>
        %min3A_1701 = arith.minsi %add3A_1698, %min3A_1700 : vector<16xi32>
        %gather3A_1702 = tpu.vector_load_idx %arg6[%broadcast_in_dim3A_1586, %min3A_1701] : memref<128x200xi32, #tpu.memory_space<vmem>>[vector<16xi32>, vector<16xi32>], vector<16xi32>,
        %lt3A_1703 = arith.cmpi slt, %add3A_1697, %gather3A_1581 : vector<16xi32>
        %jit3A_1704 = arith.constant 0 : i32
        %broadcast_in_dim3A_1705 = vector.broadcast %jit3A_1704 : i32 to vector<16xi32>
        %select_n3A_1706 = arith.select %lt3A_1703, %gather3A_1702, %broadcast_in_dim3A_1705 : vector<16xi1>, vector<16xi32>
        tpu.vector_store_idx %arg7[%broadcast_in_dim3A_1586, %add3A_1697], %select_n3A_1706 : memref<128x200xi32, #tpu.memory_space<vmem>>[vector<16xi32>, vector<16xi32>], vector<16xi32>,
        %add3A_1707 = arith.constant 160 : i32
        %add3A_1708 = vector.broadcast %add3A_1707 : i32 to vector<16xi32>
        %add3A_1709 = arith.addi %iota3A, %add3A_1708 : vector<16xi32>
        %add3A_1710 = arith.addi %gather3A_1577, %add3A_1709 : vector<16xi32>
        %min3A_1711 = arith.constant 199 : i32
        %min3A_1712 = vector.broadcast %min3A_1711 : i32 to vector<16xi32>
        %min3A_1713 = arith.minsi %add3A_1710, %min3A_1712 : vector<16xi32>
        %gather3A_1714 = tpu.vector_load_idx %arg6[%broadcast_in_dim3A_1586, %min3A_1713] : memref<128x200xi32, #tpu.memory_space<vmem>>[vector<16xi32>, vector<16xi32>], vector<16xi32>,
        %lt3A_1715 = arith.cmpi slt, %add3A_1709, %gather3A_1581 : vector<16xi32>
        %jit3A_1716 = arith.constant 0 : i32
        %broadcast_in_dim3A_1717 = vector.broadcast %jit3A_1716 : i32 to vector<16xi32>
        %select_n3A_1718 = arith.select %lt3A_1715, %gather3A_1714, %broadcast_in_dim3A_1717 : vector<16xi1>, vector<16xi32>
        tpu.vector_store_idx %arg7[%broadcast_in_dim3A_1586, %add3A_1709], %select_n3A_1718 : memref<128x200xi32, #tpu.memory_space<vmem>>[vector<16xi32>, vector<16xi32>], vector<16xi32>,
        %add3A_1719 = arith.constant 176 : i32
        %add3A_1720 = vector.broadcast %add3A_1719 : i32 to vector<16xi32>
        %add3A_1721 = arith.addi %iota3A, %add3A_1720 : vector<16xi32>
        %add3A_1722 = arith.addi %gather3A_1577, %add3A_1721 : vector<16xi32>
        %min3A_1723 = arith.constant 199 : i32
        %min3A_1724 = vector.broadcast %min3A_1723 : i32 to vector<16xi32>
        %min3A_1725 = arith.minsi %add3A_1722, %min3A_1724 : vector<16xi32>
        %gather3A_1726 = tpu.vector_load_idx %arg6[%broadcast_in_dim3A_1586, %min3A_1725] : memref<128x200xi32, #tpu.memory_space<vmem>>[vector<16xi32>, vector<16xi32>], vector<16xi32>,
        %lt3A_1727 = arith.cmpi slt, %add3A_1721, %gather3A_1581 : vector<16xi32>
        %jit3A_1728 = arith.constant 0 : i32
        %broadcast_in_dim3A_1729 = vector.broadcast %jit3A_1728 : i32 to vector<16xi32>
        %select_n3A_1730 = arith.select %lt3A_1727, %gather3A_1726, %broadcast_in_dim3A_1729 : vector<16xi1>, vector<16xi32>
        tpu.vector_store_idx %arg7[%broadcast_in_dim3A_1586, %add3A_1721], %select_n3A_1730 : memref<128x200xi32, #tpu.memory_space<vmem>>[vector<16xi32>, vector<16xi32>], vector<16xi32>,
        %add3A_1731 = arith.constant 192 : i32
        %add3A_1732 = vector.broadcast %add3A_1731 : i32 to vector<16xi32>
        %add3A_1733 = arith.addi %iota3A, %add3A_1732 : vector<16xi32>
        %add3A_1734 = arith.addi %gather3A_1577, %add3A_1733 : vector<16xi32>
        %min3A_1735 = arith.constant 199 : i32
        %min3A_1736 = vector.broadcast %min3A_1735 : i32 to vector<16xi32>
        %min3A_1737 = arith.minsi %add3A_1734, %min3A_1736 : vector<16xi32>
        %gather3A_1738 = tpu.vector_load_idx %arg6[%broadcast_in_dim3A_1586, %min3A_1737] : memref<128x200xi32, #tpu.memory_space<vmem>>[vector<16xi32>, vector<16xi32>], vector<16xi32>,
        %lt3A_1739 = arith.cmpi slt, %add3A_1733, %gather3A_1581 : vector<16xi32>
        %jit3A_1740 = arith.constant 0 : i32
        %broadcast_in_dim3A_1741 = vector.broadcast %jit3A_1740 : i32 to vector<16xi32>
        %select_n3A_1742 = arith.select %lt3A_1739, %gather3A_1738, %broadcast_in_dim3A_1741 : vector<16xi1>, vector<16xi32>
        %lt3A_1743 = arith.constant 200 : i32
        %lt3A_1744 = vector.broadcast %lt3A_1743 : i32 to vector<16xi32>
        %lt3A_1745 = arith.cmpi slt, %add3A_1733, %lt3A_1744 : vector<16xi32>
        tpu.vector_store_idx %arg7[%broadcast_in_dim3A_1586, %add3A_1733], %select_n3A_1742 masked %lt3A_1745 : memref<128x200xi32, #tpu.memory_space<vmem>>[vector<16xi32>, vector<16xi32>], vector<16xi32>, vector<16xi1>
        %broadcast_in_dim3A_1746 = arith.constant 10 : i32
        %broadcast_in_dim3A_1747 = vector.broadcast %broadcast_in_dim3A_1746 : i32 to vector<16x1xi32>
        %gather3A_1748 = vector.shape_cast %broadcast_in_dim3A_1747 : vector<16x1xi32> to vector<16xi32>
        %gather3A_1749 = tpu.dynamic_gather %get3A_24[%gather3A_1748] in [0] : vector<16xi32>, vector<16xi32> -> vector<16xi32>
        %broadcast_in_dim3A_1750 = arith.constant 10 : i32
        %broadcast_in_dim3A_1751 = vector.broadcast %broadcast_in_dim3A_1750 : i32 to vector<16x1xi32>
        %gather3A_1752 = vector.shape_cast %broadcast_in_dim3A_1751 : vector<16x1xi32> to vector<16xi32>
        %gather3A_1753 = tpu.dynamic_gather %get3A_31[%gather3A_1752] in [0] : vector<16xi32>, vector<16xi32> -> vector<16xi32>
        %mul3A_1754 = arith.constant 16 : i32
        %mul3A_1755 = arith.muli %scan3A_18, %mul3A_1754 : i32
        %add3A_1756 = arith.constant 10 : i32
        %add3A_1757 = arith.addi %mul3A_1755, %add3A_1756 : i32
        %broadcast_in_dim3A_1758 = vector.broadcast %add3A_1757 : i32 to vector<16xi32>
        %add3A_1759 = arith.constant 0 : i32
        %add3A_1760 = vector.broadcast %add3A_1759 : i32 to vector<16xi32>
        %add3A_1761 = arith.addi %iota3A, %add3A_1760 : vector<16xi32>
        %add3A_1762 = arith.addi %gather3A_1749, %add3A_1761 : vector<16xi32>
        %min3A_1763 = arith.constant 199 : i32
        %min3A_1764 = vector.broadcast %min3A_1763 : i32 to vector<16xi32>
        %min3A_1765 = arith.minsi %add3A_1762, %min3A_1764 : vector<16xi32>
        %gather3A_1766 = tpu.vector_load_idx %arg6[%broadcast_in_dim3A_1758, %min3A_1765] : memref<128x200xi32, #tpu.memory_space<vmem>>[vector<16xi32>, vector<16xi32>], vector<16xi32>,
        %lt3A_1767 = arith.cmpi slt, %add3A_1761, %gather3A_1753 : vector<16xi32>
        %jit3A_1768 = arith.constant 0 : i32
        %broadcast_in_dim3A_1769 = vector.broadcast %jit3A_1768 : i32 to vector<16xi32>
        %select_n3A_1770 = arith.select %lt3A_1767, %gather3A_1766, %broadcast_in_dim3A_1769 : vector<16xi1>, vector<16xi32>
        tpu.vector_store_idx %arg7[%broadcast_in_dim3A_1758, %add3A_1761], %select_n3A_1770 : memref<128x200xi32, #tpu.memory_space<vmem>>[vector<16xi32>, vector<16xi32>], vector<16xi32>,
        %add3A_1771 = arith.constant 16 : i32
        %add3A_1772 = vector.broadcast %add3A_1771 : i32 to vector<16xi32>
        %add3A_1773 = arith.addi %iota3A, %add3A_1772 : vector<16xi32>
        %add3A_1774 = arith.addi %gather3A_1749, %add3A_1773 : vector<16xi32>
        %min3A_1775 = arith.constant 199 : i32
        %min3A_1776 = vector.broadcast %min3A_1775 : i32 to vector<16xi32>
        %min3A_1777 = arith.minsi %add3A_1774, %min3A_1776 : vector<16xi32>
        %gather3A_1778 = tpu.vector_load_idx %arg6[%broadcast_in_dim3A_1758, %min3A_1777] : memref<128x200xi32, #tpu.memory_space<vmem>>[vector<16xi32>, vector<16xi32>], vector<16xi32>,
        %lt3A_1779 = arith.cmpi slt, %add3A_1773, %gather3A_1753 : vector<16xi32>
        %jit3A_1780 = arith.constant 0 : i32
        %broadcast_in_dim3A_1781 = vector.broadcast %jit3A_1780 : i32 to vector<16xi32>
        %select_n3A_1782 = arith.select %lt3A_1779, %gather3A_1778, %broadcast_in_dim3A_1781 : vector<16xi1>, vector<16xi32>
        tpu.vector_store_idx %arg7[%broadcast_in_dim3A_1758, %add3A_1773], %select_n3A_1782 : memref<128x200xi32, #tpu.memory_space<vmem>>[vector<16xi32>, vector<16xi32>], vector<16xi32>,
        %add3A_1783 = arith.constant 32 : i32
        %add3A_1784 = vector.broadcast %add3A_1783 : i32 to vector<16xi32>
        %add3A_1785 = arith.addi %iota3A, %add3A_1784 : vector<16xi32>
        %add3A_1786 = arith.addi %gather3A_1749, %add3A_1785 : vector<16xi32>
        %min3A_1787 = arith.constant 199 : i32
        %min3A_1788 = vector.broadcast %min3A_1787 : i32 to vector<16xi32>
        %min3A_1789 = arith.minsi %add3A_1786, %min3A_1788 : vector<16xi32>
        %gather3A_1790 = tpu.vector_load_idx %arg6[%broadcast_in_dim3A_1758, %min3A_1789] : memref<128x200xi32, #tpu.memory_space<vmem>>[vector<16xi32>, vector<16xi32>], vector<16xi32>,
        %lt3A_1791 = arith.cmpi slt, %add3A_1785, %gather3A_1753 : vector<16xi32>
        %jit3A_1792 = arith.constant 0 : i32
        %broadcast_in_dim3A_1793 = vector.broadcast %jit3A_1792 : i32 to vector<16xi32>
        %select_n3A_1794 = arith.select %lt3A_1791, %gather3A_1790, %broadcast_in_dim3A_1793 : vector<16xi1>, vector<16xi32>
        tpu.vector_store_idx %arg7[%broadcast_in_dim3A_1758, %add3A_1785], %select_n3A_1794 : memref<128x200xi32, #tpu.memory_space<vmem>>[vector<16xi32>, vector<16xi32>], vector<16xi32>,
        %add3A_1795 = arith.constant 48 : i32
        %add3A_1796 = vector.broadcast %add3A_1795 : i32 to vector<16xi32>
        %add3A_1797 = arith.addi %iota3A, %add3A_1796 : vector<16xi32>
        %add3A_1798 = arith.addi %gather3A_1749, %add3A_1797 : vector<16xi32>
        %min3A_1799 = arith.constant 199 : i32
        %min3A_1800 = vector.broadcast %min3A_1799 : i32 to vector<16xi32>
        %min3A_1801 = arith.minsi %add3A_1798, %min3A_1800 : vector<16xi32>
        %gather3A_1802 = tpu.vector_load_idx %arg6[%broadcast_in_dim3A_1758, %min3A_1801] : memref<128x200xi32, #tpu.memory_space<vmem>>[vector<16xi32>, vector<16xi32>], vector<16xi32>,
        %lt3A_1803 = arith.cmpi slt, %add3A_1797, %gather3A_1753 : vector<16xi32>
        %jit3A_1804 = arith.constant 0 : i32
        %broadcast_in_dim3A_1805 = vector.broadcast %jit3A_1804 : i32 to vector<16xi32>
        %select_n3A_1806 = arith.select %lt3A_1803, %gather3A_1802, %broadcast_in_dim3A_1805 : vector<16xi1>, vector<16xi32>
        tpu.vector_store_idx %arg7[%broadcast_in_dim3A_1758, %add3A_1797], %select_n3A_1806 : memref<128x200xi32, #tpu.memory_space<vmem>>[vector<16xi32>, vector<16xi32>], vector<16xi32>,
        %add3A_1807 = arith.constant 64 : i32
        %add3A_1808 = vector.broadcast %add3A_1807 : i32 to vector<16xi32>
        %add3A_1809 = arith.addi %iota3A, %add3A_1808 : vector<16xi32>
        %add3A_1810 = arith.addi %gather3A_1749, %add3A_1809 : vector<16xi32>
        %min3A_1811 = arith.constant 199 : i32
        %min3A_1812 = vector.broadcast %min3A_1811 : i32 to vector<16xi32>
        %min3A_1813 = arith.minsi %add3A_1810, %min3A_1812 : vector<16xi32>
        %gather3A_1814 = tpu.vector_load_idx %arg6[%broadcast_in_dim3A_1758, %min3A_1813] : memref<128x200xi32, #tpu.memory_space<vmem>>[vector<16xi32>, vector<16xi32>], vector<16xi32>,
        %lt3A_1815 = arith.cmpi slt, %add3A_1809, %gather3A_1753 : vector<16xi32>
        %jit3A_1816 = arith.constant 0 : i32
        %broadcast_in_dim3A_1817 = vector.broadcast %jit3A_1816 : i32 to vector<16xi32>
        %select_n3A_1818 = arith.select %lt3A_1815, %gather3A_1814, %broadcast_in_dim3A_1817 : vector<16xi1>, vector<16xi32>
        tpu.vector_store_idx %arg7[%broadcast_in_dim3A_1758, %add3A_1809], %select_n3A_1818 : memref<128x200xi32, #tpu.memory_space<vmem>>[vector<16xi32>, vector<16xi32>], vector<16xi32>,
        %add3A_1819 = arith.constant 80 : i32
        %add3A_1820 = vector.broadcast %add3A_1819 : i32 to vector<16xi32>
        %add3A_1821 = arith.addi %iota3A, %add3A_1820 : vector<16xi32>
        %add3A_1822 = arith.addi %gather3A_1749, %add3A_1821 : vector<16xi32>
        %min3A_1823 = arith.constant 199 : i32
        %min3A_1824 = vector.broadcast %min3A_1823 : i32 to vector<16xi32>
        %min3A_1825 = arith.minsi %add3A_1822, %min3A_1824 : vector<16xi32>
        %gather3A_1826 = tpu.vector_load_idx %arg6[%broadcast_in_dim3A_1758, %min3A_1825] : memref<128x200xi32, #tpu.memory_space<vmem>>[vector<16xi32>, vector<16xi32>], vector<16xi32>,
        %lt3A_1827 = arith.cmpi slt, %add3A_1821, %gather3A_1753 : vector<16xi32>
        %jit3A_1828 = arith.constant 0 : i32
        %broadcast_in_dim3A_1829 = vector.broadcast %jit3A_1828 : i32 to vector<16xi32>
        %select_n3A_1830 = arith.select %lt3A_1827, %gather3A_1826, %broadcast_in_dim3A_1829 : vector<16xi1>, vector<16xi32>
        tpu.vector_store_idx %arg7[%broadcast_in_dim3A_1758, %add3A_1821], %select_n3A_1830 : memref<128x200xi32, #tpu.memory_space<vmem>>[vector<16xi32>, vector<16xi32>], vector<16xi32>,
        %add3A_1831 = arith.constant 96 : i32
        %add3A_1832 = vector.broadcast %add3A_1831 : i32 to vector<16xi32>
        %add3A_1833 = arith.addi %iota3A, %add3A_1832 : vector<16xi32>
        %add3A_1834 = arith.addi %gather3A_1749, %add3A_1833 : vector<16xi32>
        %min3A_1835 = arith.constant 199 : i32
        %min3A_1836 = vector.broadcast %min3A_1835 : i32 to vector<16xi32>
        %min3A_1837 = arith.minsi %add3A_1834, %min3A_1836 : vector<16xi32>
        %gather3A_1838 = tpu.vector_load_idx %arg6[%broadcast_in_dim3A_1758, %min3A_1837] : memref<128x200xi32, #tpu.memory_space<vmem>>[vector<16xi32>, vector<16xi32>], vector<16xi32>,
        %lt3A_1839 = arith.cmpi slt, %add3A_1833, %gather3A_1753 : vector<16xi32>
        %jit3A_1840 = arith.constant 0 : i32
        %broadcast_in_dim3A_1841 = vector.broadcast %jit3A_1840 : i32 to vector<16xi32>
        %select_n3A_1842 = arith.select %lt3A_1839, %gather3A_1838, %broadcast_in_dim3A_1841 : vector<16xi1>, vector<16xi32>
        tpu.vector_store_idx %arg7[%broadcast_in_dim3A_1758, %add3A_1833], %select_n3A_1842 : memref<128x200xi32, #tpu.memory_space<vmem>>[vector<16xi32>, vector<16xi32>], vector<16xi32>,
        %add3A_1843 = arith.constant 112 : i32
        %add3A_1844 = vector.broadcast %add3A_1843 : i32 to vector<16xi32>
        %add3A_1845 = arith.addi %iota3A, %add3A_1844 : vector<16xi32>
        %add3A_1846 = arith.addi %gather3A_1749, %add3A_1845 : vector<16xi32>
        %min3A_1847 = arith.constant 199 : i32
        %min3A_1848 = vector.broadcast %min3A_1847 : i32 to vector<16xi32>
        %min3A_1849 = arith.minsi %add3A_1846, %min3A_1848 : vector<16xi32>
        %gather3A_1850 = tpu.vector_load_idx %arg6[%broadcast_in_dim3A_1758, %min3A_1849] : memref<128x200xi32, #tpu.memory_space<vmem>>[vector<16xi32>, vector<16xi32>], vector<16xi32>,
        %lt3A_1851 = arith.cmpi slt, %add3A_1845, %gather3A_1753 : vector<16xi32>
        %jit3A_1852 = arith.constant 0 : i32
        %broadcast_in_dim3A_1853 = vector.broadcast %jit3A_1852 : i32 to vector<16xi32>
        %select_n3A_1854 = arith.select %lt3A_1851, %gather3A_1850, %broadcast_in_dim3A_1853 : vector<16xi1>, vector<16xi32>
        tpu.vector_store_idx %arg7[%broadcast_in_dim3A_1758, %add3A_1845], %select_n3A_1854 : memref<128x200xi32, #tpu.memory_space<vmem>>[vector<16xi32>, vector<16xi32>], vector<16xi32>,
        %add3A_1855 = arith.constant 128 : i32
        %add3A_1856 = vector.broadcast %add3A_1855 : i32 to vector<16xi32>
        %add3A_1857 = arith.addi %iota3A, %add3A_1856 : vector<16xi32>
        %add3A_1858 = arith.addi %gather3A_1749, %add3A_1857 : vector<16xi32>
        %min3A_1859 = arith.constant 199 : i32
        %min3A_1860 = vector.broadcast %min3A_1859 : i32 to vector<16xi32>
        %min3A_1861 = arith.minsi %add3A_1858, %min3A_1860 : vector<16xi32>
        %gather3A_1862 = tpu.vector_load_idx %arg6[%broadcast_in_dim3A_1758, %min3A_1861] : memref<128x200xi32, #tpu.memory_space<vmem>>[vector<16xi32>, vector<16xi32>], vector<16xi32>,
        %lt3A_1863 = arith.cmpi slt, %add3A_1857, %gather3A_1753 : vector<16xi32>
        %jit3A_1864 = arith.constant 0 : i32
        %broadcast_in_dim3A_1865 = vector.broadcast %jit3A_1864 : i32 to vector<16xi32>
        %select_n3A_1866 = arith.select %lt3A_1863, %gather3A_1862, %broadcast_in_dim3A_1865 : vector<16xi1>, vector<16xi32>
        tpu.vector_store_idx %arg7[%broadcast_in_dim3A_1758, %add3A_1857], %select_n3A_1866 : memref<128x200xi32, #tpu.memory_space<vmem>>[vector<16xi32>, vector<16xi32>], vector<16xi32>,
        %add3A_1867 = arith.constant 144 : i32
        %add3A_1868 = vector.broadcast %add3A_1867 : i32 to vector<16xi32>
        %add3A_1869 = arith.addi %iota3A, %add3A_1868 : vector<16xi32>
        %add3A_1870 = arith.addi %gather3A_1749, %add3A_1869 : vector<16xi32>
        %min3A_1871 = arith.constant 199 : i32
        %min3A_1872 = vector.broadcast %min3A_1871 : i32 to vector<16xi32>
        %min3A_1873 = arith.minsi %add3A_1870, %min3A_1872 : vector<16xi32>
        %gather3A_1874 = tpu.vector_load_idx %arg6[%broadcast_in_dim3A_1758, %min3A_1873] : memref<128x200xi32, #tpu.memory_space<vmem>>[vector<16xi32>, vector<16xi32>], vector<16xi32>,
        %lt3A_1875 = arith.cmpi slt, %add3A_1869, %gather3A_1753 : vector<16xi32>
        %jit3A_1876 = arith.constant 0 : i32
        %broadcast_in_dim3A_1877 = vector.broadcast %jit3A_1876 : i32 to vector<16xi32>
        %select_n3A_1878 = arith.select %lt3A_1875, %gather3A_1874, %broadcast_in_dim3A_1877 : vector<16xi1>, vector<16xi32>
        tpu.vector_store_idx %arg7[%broadcast_in_dim3A_1758, %add3A_1869], %select_n3A_1878 : memref<128x200xi32, #tpu.memory_space<vmem>>[vector<16xi32>, vector<16xi32>], vector<16xi32>,
        %add3A_1879 = arith.constant 160 : i32
        %add3A_1880 = vector.broadcast %add3A_1879 : i32 to vector<16xi32>
        %add3A_1881 = arith.addi %iota3A, %add3A_1880 : vector<16xi32>
        %add3A_1882 = arith.addi %gather3A_1749, %add3A_1881 : vector<16xi32>
        %min3A_1883 = arith.constant 199 : i32
        %min3A_1884 = vector.broadcast %min3A_1883 : i32 to vector<16xi32>
        %min3A_1885 = arith.minsi %add3A_1882, %min3A_1884 : vector<16xi32>
        %gather3A_1886 = tpu.vector_load_idx %arg6[%broadcast_in_dim3A_1758, %min3A_1885] : memref<128x200xi32, #tpu.memory_space<vmem>>[vector<16xi32>, vector<16xi32>], vector<16xi32>,
        %lt3A_1887 = arith.cmpi slt, %add3A_1881, %gather3A_1753 : vector<16xi32>
        %jit3A_1888 = arith.constant 0 : i32
        %broadcast_in_dim3A_1889 = vector.broadcast %jit3A_1888 : i32 to vector<16xi32>
        %select_n3A_1890 = arith.select %lt3A_1887, %gather3A_1886, %broadcast_in_dim3A_1889 : vector<16xi1>, vector<16xi32>
        tpu.vector_store_idx %arg7[%broadcast_in_dim3A_1758, %add3A_1881], %select_n3A_1890 : memref<128x200xi32, #tpu.memory_space<vmem>>[vector<16xi32>, vector<16xi32>], vector<16xi32>,
        %add3A_1891 = arith.constant 176 : i32
        %add3A_1892 = vector.broadcast %add3A_1891 : i32 to vector<16xi32>
        %add3A_1893 = arith.addi %iota3A, %add3A_1892 : vector<16xi32>
        %add3A_1894 = arith.addi %gather3A_1749, %add3A_1893 : vector<16xi32>
        %min3A_1895 = arith.constant 199 : i32
        %min3A_1896 = vector.broadcast %min3A_1895 : i32 to vector<16xi32>
        %min3A_1897 = arith.minsi %add3A_1894, %min3A_1896 : vector<16xi32>
        %gather3A_1898 = tpu.vector_load_idx %arg6[%broadcast_in_dim3A_1758, %min3A_1897] : memref<128x200xi32, #tpu.memory_space<vmem>>[vector<16xi32>, vector<16xi32>], vector<16xi32>,
        %lt3A_1899 = arith.cmpi slt, %add3A_1893, %gather3A_1753 : vector<16xi32>
        %jit3A_1900 = arith.constant 0 : i32
        %broadcast_in_dim3A_1901 = vector.broadcast %jit3A_1900 : i32 to vector<16xi32>
        %select_n3A_1902 = arith.select %lt3A_1899, %gather3A_1898, %broadcast_in_dim3A_1901 : vector<16xi1>, vector<16xi32>
        tpu.vector_store_idx %arg7[%broadcast_in_dim3A_1758, %add3A_1893], %select_n3A_1902 : memref<128x200xi32, #tpu.memory_space<vmem>>[vector<16xi32>, vector<16xi32>], vector<16xi32>,
        %add3A_1903 = arith.constant 192 : i32
        %add3A_1904 = vector.broadcast %add3A_1903 : i32 to vector<16xi32>
        %add3A_1905 = arith.addi %iota3A, %add3A_1904 : vector<16xi32>
        %add3A_1906 = arith.addi %gather3A_1749, %add3A_1905 : vector<16xi32>
        %min3A_1907 = arith.constant 199 : i32
        %min3A_1908 = vector.broadcast %min3A_1907 : i32 to vector<16xi32>
        %min3A_1909 = arith.minsi %add3A_1906, %min3A_1908 : vector<16xi32>
        %gather3A_1910 = tpu.vector_load_idx %arg6[%broadcast_in_dim3A_1758, %min3A_1909] : memref<128x200xi32, #tpu.memory_space<vmem>>[vector<16xi32>, vector<16xi32>], vector<16xi32>,
        %lt3A_1911 = arith.cmpi slt, %add3A_1905, %gather3A_1753 : vector<16xi32>
        %jit3A_1912 = arith.constant 0 : i32
        %broadcast_in_dim3A_1913 = vector.broadcast %jit3A_1912 : i32 to vector<16xi32>
        %select_n3A_1914 = arith.select %lt3A_1911, %gather3A_1910, %broadcast_in_dim3A_1913 : vector<16xi1>, vector<16xi32>
        %lt3A_1915 = arith.constant 200 : i32
        %lt3A_1916 = vector.broadcast %lt3A_1915 : i32 to vector<16xi32>
        %lt3A_1917 = arith.cmpi slt, %add3A_1905, %lt3A_1916 : vector<16xi32>
        tpu.vector_store_idx %arg7[%broadcast_in_dim3A_1758, %add3A_1905], %select_n3A_1914 masked %lt3A_1917 : memref<128x200xi32, #tpu.memory_space<vmem>>[vector<16xi32>, vector<16xi32>], vector<16xi32>, vector<16xi1>
        %broadcast_in_dim3A_1918 = arith.constant 11 : i32
        %broadcast_in_dim3A_1919 = vector.broadcast %broadcast_in_dim3A_1918 : i32 to vector<16x1xi32>
        %gather3A_1920 = vector.shape_cast %broadcast_in_dim3A_1919 : vector<16x1xi32> to vector<16xi32>
        %gather3A_1921 = tpu.dynamic_gather %get3A_24[%gather3A_1920] in [0] : vector<16xi32>, vector<16xi32> -> vector<16xi32>
        %broadcast_in_dim3A_1922 = arith.constant 11 : i32
        %broadcast_in_dim3A_1923 = vector.broadcast %broadcast_in_dim3A_1922 : i32 to vector<16x1xi32>
        %gather3A_1924 = vector.shape_cast %broadcast_in_dim3A_1923 : vector<16x1xi32> to vector<16xi32>
        %gather3A_1925 = tpu.dynamic_gather %get3A_31[%gather3A_1924] in [0] : vector<16xi32>, vector<16xi32> -> vector<16xi32>
        %mul3A_1926 = arith.constant 16 : i32
        %mul3A_1927 = arith.muli %scan3A_18, %mul3A_1926 : i32
        %add3A_1928 = arith.constant 11 : i32
        %add3A_1929 = arith.addi %mul3A_1927, %add3A_1928 : i32
        %broadcast_in_dim3A_1930 = vector.broadcast %add3A_1929 : i32 to vector<16xi32>
        %add3A_1931 = arith.constant 0 : i32
        %add3A_1932 = vector.broadcast %add3A_1931 : i32 to vector<16xi32>
        %add3A_1933 = arith.addi %iota3A, %add3A_1932 : vector<16xi32>
        %add3A_1934 = arith.addi %gather3A_1921, %add3A_1933 : vector<16xi32>
        %min3A_1935 = arith.constant 199 : i32
        %min3A_1936 = vector.broadcast %min3A_1935 : i32 to vector<16xi32>
        %min3A_1937 = arith.minsi %add3A_1934, %min3A_1936 : vector<16xi32>
        %gather3A_1938 = tpu.vector_load_idx %arg6[%broadcast_in_dim3A_1930, %min3A_1937] : memref<128x200xi32, #tpu.memory_space<vmem>>[vector<16xi32>, vector<16xi32>], vector<16xi32>,
        %lt3A_1939 = arith.cmpi slt, %add3A_1933, %gather3A_1925 : vector<16xi32>
        %jit3A_1940 = arith.constant 0 : i32
        %broadcast_in_dim3A_1941 = vector.broadcast %jit3A_1940 : i32 to vector<16xi32>
        %select_n3A_1942 = arith.select %lt3A_1939, %gather3A_1938, %broadcast_in_dim3A_1941 : vector<16xi1>, vector<16xi32>
        tpu.vector_store_idx %arg7[%broadcast_in_dim3A_1930, %add3A_1933], %select_n3A_1942 : memref<128x200xi32, #tpu.memory_space<vmem>>[vector<16xi32>, vector<16xi32>], vector<16xi32>,
        %add3A_1943 = arith.constant 16 : i32
        %add3A_1944 = vector.broadcast %add3A_1943 : i32 to vector<16xi32>
        %add3A_1945 = arith.addi %iota3A, %add3A_1944 : vector<16xi32>
        %add3A_1946 = arith.addi %gather3A_1921, %add3A_1945 : vector<16xi32>
        %min3A_1947 = arith.constant 199 : i32
        %min3A_1948 = vector.broadcast %min3A_1947 : i32 to vector<16xi32>
        %min3A_1949 = arith.minsi %add3A_1946, %min3A_1948 : vector<16xi32>
        %gather3A_1950 = tpu.vector_load_idx %arg6[%broadcast_in_dim3A_1930, %min3A_1949] : memref<128x200xi32, #tpu.memory_space<vmem>>[vector<16xi32>, vector<16xi32>], vector<16xi32>,
        %lt3A_1951 = arith.cmpi slt, %add3A_1945, %gather3A_1925 : vector<16xi32>
        %jit3A_1952 = arith.constant 0 : i32
        %broadcast_in_dim3A_1953 = vector.broadcast %jit3A_1952 : i32 to vector<16xi32>
        %select_n3A_1954 = arith.select %lt3A_1951, %gather3A_1950, %broadcast_in_dim3A_1953 : vector<16xi1>, vector<16xi32>
        tpu.vector_store_idx %arg7[%broadcast_in_dim3A_1930, %add3A_1945], %select_n3A_1954 : memref<128x200xi32, #tpu.memory_space<vmem>>[vector<16xi32>, vector<16xi32>], vector<16xi32>,
        %add3A_1955 = arith.constant 32 : i32
        %add3A_1956 = vector.broadcast %add3A_1955 : i32 to vector<16xi32>
        %add3A_1957 = arith.addi %iota3A, %add3A_1956 : vector<16xi32>
        %add3A_1958 = arith.addi %gather3A_1921, %add3A_1957 : vector<16xi32>
        %min3A_1959 = arith.constant 199 : i32
        %min3A_1960 = vector.broadcast %min3A_1959 : i32 to vector<16xi32>
        %min3A_1961 = arith.minsi %add3A_1958, %min3A_1960 : vector<16xi32>
        %gather3A_1962 = tpu.vector_load_idx %arg6[%broadcast_in_dim3A_1930, %min3A_1961] : memref<128x200xi32, #tpu.memory_space<vmem>>[vector<16xi32>, vector<16xi32>], vector<16xi32>,
        %lt3A_1963 = arith.cmpi slt, %add3A_1957, %gather3A_1925 : vector<16xi32>
        %jit3A_1964 = arith.constant 0 : i32
        %broadcast_in_dim3A_1965 = vector.broadcast %jit3A_1964 : i32 to vector<16xi32>
        %select_n3A_1966 = arith.select %lt3A_1963, %gather3A_1962, %broadcast_in_dim3A_1965 : vector<16xi1>, vector<16xi32>
        tpu.vector_store_idx %arg7[%broadcast_in_dim3A_1930, %add3A_1957], %select_n3A_1966 : memref<128x200xi32, #tpu.memory_space<vmem>>[vector<16xi32>, vector<16xi32>], vector<16xi32>,
        %add3A_1967 = arith.constant 48 : i32
        %add3A_1968 = vector.broadcast %add3A_1967 : i32 to vector<16xi32>
        %add3A_1969 = arith.addi %iota3A, %add3A_1968 : vector<16xi32>
        %add3A_1970 = arith.addi %gather3A_1921, %add3A_1969 : vector<16xi32>
        %min3A_1971 = arith.constant 199 : i32
        %min3A_1972 = vector.broadcast %min3A_1971 : i32 to vector<16xi32>
        %min3A_1973 = arith.minsi %add3A_1970, %min3A_1972 : vector<16xi32>
        %gather3A_1974 = tpu.vector_load_idx %arg6[%broadcast_in_dim3A_1930, %min3A_1973] : memref<128x200xi32, #tpu.memory_space<vmem>>[vector<16xi32>, vector<16xi32>], vector<16xi32>,
        %lt3A_1975 = arith.cmpi slt, %add3A_1969, %gather3A_1925 : vector<16xi32>
        %jit3A_1976 = arith.constant 0 : i32
        %broadcast_in_dim3A_1977 = vector.broadcast %jit3A_1976 : i32 to vector<16xi32>
        %select_n3A_1978 = arith.select %lt3A_1975, %gather3A_1974, %broadcast_in_dim3A_1977 : vector<16xi1>, vector<16xi32>
        tpu.vector_store_idx %arg7[%broadcast_in_dim3A_1930, %add3A_1969], %select_n3A_1978 : memref<128x200xi32, #tpu.memory_space<vmem>>[vector<16xi32>, vector<16xi32>], vector<16xi32>,
        %add3A_1979 = arith.constant 64 : i32
        %add3A_1980 = vector.broadcast %add3A_1979 : i32 to vector<16xi32>
        %add3A_1981 = arith.addi %iota3A, %add3A_1980 : vector<16xi32>
        %add3A_1982 = arith.addi %gather3A_1921, %add3A_1981 : vector<16xi32>
        %min3A_1983 = arith.constant 199 : i32
        %min3A_1984 = vector.broadcast %min3A_1983 : i32 to vector<16xi32>
        %min3A_1985 = arith.minsi %add3A_1982, %min3A_1984 : vector<16xi32>
        %gather3A_1986 = tpu.vector_load_idx %arg6[%broadcast_in_dim3A_1930, %min3A_1985] : memref<128x200xi32, #tpu.memory_space<vmem>>[vector<16xi32>, vector<16xi32>], vector<16xi32>,
        %lt3A_1987 = arith.cmpi slt, %add3A_1981, %gather3A_1925 : vector<16xi32>
        %jit3A_1988 = arith.constant 0 : i32
        %broadcast_in_dim3A_1989 = vector.broadcast %jit3A_1988 : i32 to vector<16xi32>
        %select_n3A_1990 = arith.select %lt3A_1987, %gather3A_1986, %broadcast_in_dim3A_1989 : vector<16xi1>, vector<16xi32>
        tpu.vector_store_idx %arg7[%broadcast_in_dim3A_1930, %add3A_1981], %select_n3A_1990 : memref<128x200xi32, #tpu.memory_space<vmem>>[vector<16xi32>, vector<16xi32>], vector<16xi32>,
        %add3A_1991 = arith.constant 80 : i32
        %add3A_1992 = vector.broadcast %add3A_1991 : i32 to vector<16xi32>
        %add3A_1993 = arith.addi %iota3A, %add3A_1992 : vector<16xi32>
        %add3A_1994 = arith.addi %gather3A_1921, %add3A_1993 : vector<16xi32>
        %min3A_1995 = arith.constant 199 : i32
        %min3A_1996 = vector.broadcast %min3A_1995 : i32 to vector<16xi32>
        %min3A_1997 = arith.minsi %add3A_1994, %min3A_1996 : vector<16xi32>
        %gather3A_1998 = tpu.vector_load_idx %arg6[%broadcast_in_dim3A_1930, %min3A_1997] : memref<128x200xi32, #tpu.memory_space<vmem>>[vector<16xi32>, vector<16xi32>], vector<16xi32>,
        %lt3A_1999 = arith.cmpi slt, %add3A_1993, %gather3A_1925 : vector<16xi32>
        %jit3A_2000 = arith.constant 0 : i32
        %broadcast_in_dim3A_2001 = vector.broadcast %jit3A_2000 : i32 to vector<16xi32>
        %select_n3A_2002 = arith.select %lt3A_1999, %gather3A_1998, %broadcast_in_dim3A_2001 : vector<16xi1>, vector<16xi32>
        tpu.vector_store_idx %arg7[%broadcast_in_dim3A_1930, %add3A_1993], %select_n3A_2002 : memref<128x200xi32, #tpu.memory_space<vmem>>[vector<16xi32>, vector<16xi32>], vector<16xi32>,
        %add3A_2003 = arith.constant 96 : i32
        %add3A_2004 = vector.broadcast %add3A_2003 : i32 to vector<16xi32>
        %add3A_2005 = arith.addi %iota3A, %add3A_2004 : vector<16xi32>
        %add3A_2006 = arith.addi %gather3A_1921, %add3A_2005 : vector<16xi32>
        %min3A_2007 = arith.constant 199 : i32
        %min3A_2008 = vector.broadcast %min3A_2007 : i32 to vector<16xi32>
        %min3A_2009 = arith.minsi %add3A_2006, %min3A_2008 : vector<16xi32>
        %gather3A_2010 = tpu.vector_load_idx %arg6[%broadcast_in_dim3A_1930, %min3A_2009] : memref<128x200xi32, #tpu.memory_space<vmem>>[vector<16xi32>, vector<16xi32>], vector<16xi32>,
        %lt3A_2011 = arith.cmpi slt, %add3A_2005, %gather3A_1925 : vector<16xi32>
        %jit3A_2012 = arith.constant 0 : i32
        %broadcast_in_dim3A_2013 = vector.broadcast %jit3A_2012 : i32 to vector<16xi32>
        %select_n3A_2014 = arith.select %lt3A_2011, %gather3A_2010, %broadcast_in_dim3A_2013 : vector<16xi1>, vector<16xi32>
        tpu.vector_store_idx %arg7[%broadcast_in_dim3A_1930, %add3A_2005], %select_n3A_2014 : memref<128x200xi32, #tpu.memory_space<vmem>>[vector<16xi32>, vector<16xi32>], vector<16xi32>,
        %add3A_2015 = arith.constant 112 : i32
        %add3A_2016 = vector.broadcast %add3A_2015 : i32 to vector<16xi32>
        %add3A_2017 = arith.addi %iota3A, %add3A_2016 : vector<16xi32>
        %add3A_2018 = arith.addi %gather3A_1921, %add3A_2017 : vector<16xi32>
        %min3A_2019 = arith.constant 199 : i32
        %min3A_2020 = vector.broadcast %min3A_2019 : i32 to vector<16xi32>
        %min3A_2021 = arith.minsi %add3A_2018, %min3A_2020 : vector<16xi32>
        %gather3A_2022 = tpu.vector_load_idx %arg6[%broadcast_in_dim3A_1930, %min3A_2021] : memref<128x200xi32, #tpu.memory_space<vmem>>[vector<16xi32>, vector<16xi32>], vector<16xi32>,
        %lt3A_2023 = arith.cmpi slt, %add3A_2017, %gather3A_1925 : vector<16xi32>
        %jit3A_2024 = arith.constant 0 : i32
        %broadcast_in_dim3A_2025 = vector.broadcast %jit3A_2024 : i32 to vector<16xi32>
        %select_n3A_2026 = arith.select %lt3A_2023, %gather3A_2022, %broadcast_in_dim3A_2025 : vector<16xi1>, vector<16xi32>
        tpu.vector_store_idx %arg7[%broadcast_in_dim3A_1930, %add3A_2017], %select_n3A_2026 : memref<128x200xi32, #tpu.memory_space<vmem>>[vector<16xi32>, vector<16xi32>], vector<16xi32>,
        %add3A_2027 = arith.constant 128 : i32
        %add3A_2028 = vector.broadcast %add3A_2027 : i32 to vector<16xi32>
        %add3A_2029 = arith.addi %iota3A, %add3A_2028 : vector<16xi32>
        %add3A_2030 = arith.addi %gather3A_1921, %add3A_2029 : vector<16xi32>
        %min3A_2031 = arith.constant 199 : i32
        %min3A_2032 = vector.broadcast %min3A_2031 : i32 to vector<16xi32>
        %min3A_2033 = arith.minsi %add3A_2030, %min3A_2032 : vector<16xi32>
        %gather3A_2034 = tpu.vector_load_idx %arg6[%broadcast_in_dim3A_1930, %min3A_2033] : memref<128x200xi32, #tpu.memory_space<vmem>>[vector<16xi32>, vector<16xi32>], vector<16xi32>,
        %lt3A_2035 = arith.cmpi slt, %add3A_2029, %gather3A_1925 : vector<16xi32>
        %jit3A_2036 = arith.constant 0 : i32
        %broadcast_in_dim3A_2037 = vector.broadcast %jit3A_2036 : i32 to vector<16xi32>
        %select_n3A_2038 = arith.select %lt3A_2035, %gather3A_2034, %broadcast_in_dim3A_2037 : vector<16xi1>, vector<16xi32>
        tpu.vector_store_idx %arg7[%broadcast_in_dim3A_1930, %add3A_2029], %select_n3A_2038 : memref<128x200xi32, #tpu.memory_space<vmem>>[vector<16xi32>, vector<16xi32>], vector<16xi32>,
        %add3A_2039 = arith.constant 144 : i32
        %add3A_2040 = vector.broadcast %add3A_2039 : i32 to vector<16xi32>
        %add3A_2041 = arith.addi %iota3A, %add3A_2040 : vector<16xi32>
        %add3A_2042 = arith.addi %gather3A_1921, %add3A_2041 : vector<16xi32>
        %min3A_2043 = arith.constant 199 : i32
        %min3A_2044 = vector.broadcast %min3A_2043 : i32 to vector<16xi32>
        %min3A_2045 = arith.minsi %add3A_2042, %min3A_2044 : vector<16xi32>
        %gather3A_2046 = tpu.vector_load_idx %arg6[%broadcast_in_dim3A_1930, %min3A_2045] : memref<128x200xi32, #tpu.memory_space<vmem>>[vector<16xi32>, vector<16xi32>], vector<16xi32>,
        %lt3A_2047 = arith.cmpi slt, %add3A_2041, %gather3A_1925 : vector<16xi32>
        %jit3A_2048 = arith.constant 0 : i32
        %broadcast_in_dim3A_2049 = vector.broadcast %jit3A_2048 : i32 to vector<16xi32>
        %select_n3A_2050 = arith.select %lt3A_2047, %gather3A_2046, %broadcast_in_dim3A_2049 : vector<16xi1>, vector<16xi32>
        tpu.vector_store_idx %arg7[%broadcast_in_dim3A_1930, %add3A_2041], %select_n3A_2050 : memref<128x200xi32, #tpu.memory_space<vmem>>[vector<16xi32>, vector<16xi32>], vector<16xi32>,
        %add3A_2051 = arith.constant 160 : i32
        %add3A_2052 = vector.broadcast %add3A_2051 : i32 to vector<16xi32>
        %add3A_2053 = arith.addi %iota3A, %add3A_2052 : vector<16xi32>
        %add3A_2054 = arith.addi %gather3A_1921, %add3A_2053 : vector<16xi32>
        %min3A_2055 = arith.constant 199 : i32
        %min3A_2056 = vector.broadcast %min3A_2055 : i32 to vector<16xi32>
        %min3A_2057 = arith.minsi %add3A_2054, %min3A_2056 : vector<16xi32>
        %gather3A_2058 = tpu.vector_load_idx %arg6[%broadcast_in_dim3A_1930, %min3A_2057] : memref<128x200xi32, #tpu.memory_space<vmem>>[vector<16xi32>, vector<16xi32>], vector<16xi32>,
        %lt3A_2059 = arith.cmpi slt, %add3A_2053, %gather3A_1925 : vector<16xi32>
        %jit3A_2060 = arith.constant 0 : i32
        %broadcast_in_dim3A_2061 = vector.broadcast %jit3A_2060 : i32 to vector<16xi32>
        %select_n3A_2062 = arith.select %lt3A_2059, %gather3A_2058, %broadcast_in_dim3A_2061 : vector<16xi1>, vector<16xi32>
        tpu.vector_store_idx %arg7[%broadcast_in_dim3A_1930, %add3A_2053], %select_n3A_2062 : memref<128x200xi32, #tpu.memory_space<vmem>>[vector<16xi32>, vector<16xi32>], vector<16xi32>,
        %add3A_2063 = arith.constant 176 : i32
        %add3A_2064 = vector.broadcast %add3A_2063 : i32 to vector<16xi32>
        %add3A_2065 = arith.addi %iota3A, %add3A_2064 : vector<16xi32>
        %add3A_2066 = arith.addi %gather3A_1921, %add3A_2065 : vector<16xi32>
        %min3A_2067 = arith.constant 199 : i32
        %min3A_2068 = vector.broadcast %min3A_2067 : i32 to vector<16xi32>
        %min3A_2069 = arith.minsi %add3A_2066, %min3A_2068 : vector<16xi32>
        %gather3A_2070 = tpu.vector_load_idx %arg6[%broadcast_in_dim3A_1930, %min3A_2069] : memref<128x200xi32, #tpu.memory_space<vmem>>[vector<16xi32>, vector<16xi32>], vector<16xi32>,
        %lt3A_2071 = arith.cmpi slt, %add3A_2065, %gather3A_1925 : vector<16xi32>
        %jit3A_2072 = arith.constant 0 : i32
        %broadcast_in_dim3A_2073 = vector.broadcast %jit3A_2072 : i32 to vector<16xi32>
        %select_n3A_2074 = arith.select %lt3A_2071, %gather3A_2070, %broadcast_in_dim3A_2073 : vector<16xi1>, vector<16xi32>
        tpu.vector_store_idx %arg7[%broadcast_in_dim3A_1930, %add3A_2065], %select_n3A_2074 : memref<128x200xi32, #tpu.memory_space<vmem>>[vector<16xi32>, vector<16xi32>], vector<16xi32>,
        %add3A_2075 = arith.constant 192 : i32
        %add3A_2076 = vector.broadcast %add3A_2075 : i32 to vector<16xi32>
        %add3A_2077 = arith.addi %iota3A, %add3A_2076 : vector<16xi32>
        %add3A_2078 = arith.addi %gather3A_1921, %add3A_2077 : vector<16xi32>
        %min3A_2079 = arith.constant 199 : i32
        %min3A_2080 = vector.broadcast %min3A_2079 : i32 to vector<16xi32>
        %min3A_2081 = arith.minsi %add3A_2078, %min3A_2080 : vector<16xi32>
        %gather3A_2082 = tpu.vector_load_idx %arg6[%broadcast_in_dim3A_1930, %min3A_2081] : memref<128x200xi32, #tpu.memory_space<vmem>>[vector<16xi32>, vector<16xi32>], vector<16xi32>,
        %lt3A_2083 = arith.cmpi slt, %add3A_2077, %gather3A_1925 : vector<16xi32>
        %jit3A_2084 = arith.constant 0 : i32
        %broadcast_in_dim3A_2085 = vector.broadcast %jit3A_2084 : i32 to vector<16xi32>
        %select_n3A_2086 = arith.select %lt3A_2083, %gather3A_2082, %broadcast_in_dim3A_2085 : vector<16xi1>, vector<16xi32>
        %lt3A_2087 = arith.constant 200 : i32
        %lt3A_2088 = vector.broadcast %lt3A_2087 : i32 to vector<16xi32>
        %lt3A_2089 = arith.cmpi slt, %add3A_2077, %lt3A_2088 : vector<16xi32>
        tpu.vector_store_idx %arg7[%broadcast_in_dim3A_1930, %add3A_2077], %select_n3A_2086 masked %lt3A_2089 : memref<128x200xi32, #tpu.memory_space<vmem>>[vector<16xi32>, vector<16xi32>], vector<16xi32>, vector<16xi1>
        %broadcast_in_dim3A_2090 = arith.constant 12 : i32
        %broadcast_in_dim3A_2091 = vector.broadcast %broadcast_in_dim3A_2090 : i32 to vector<16x1xi32>
        %gather3A_2092 = vector.shape_cast %broadcast_in_dim3A_2091 : vector<16x1xi32> to vector<16xi32>
        %gather3A_2093 = tpu.dynamic_gather %get3A_24[%gather3A_2092] in [0] : vector<16xi32>, vector<16xi32> -> vector<16xi32>
        %broadcast_in_dim3A_2094 = arith.constant 12 : i32
        %broadcast_in_dim3A_2095 = vector.broadcast %broadcast_in_dim3A_2094 : i32 to vector<16x1xi32>
        %gather3A_2096 = vector.shape_cast %broadcast_in_dim3A_2095 : vector<16x1xi32> to vector<16xi32>
        %gather3A_2097 = tpu.dynamic_gather %get3A_31[%gather3A_2096] in [0] : vector<16xi32>, vector<16xi32> -> vector<16xi32>
        %mul3A_2098 = arith.constant 16 : i32
        %mul3A_2099 = arith.muli %scan3A_18, %mul3A_2098 : i32
        %add3A_2100 = arith.constant 12 : i32
        %add3A_2101 = arith.addi %mul3A_2099, %add3A_2100 : i32
        %broadcast_in_dim3A_2102 = vector.broadcast %add3A_2101 : i32 to vector<16xi32>
        %add3A_2103 = arith.constant 0 : i32
        %add3A_2104 = vector.broadcast %add3A_2103 : i32 to vector<16xi32>
        %add3A_2105 = arith.addi %iota3A, %add3A_2104 : vector<16xi32>
        %add3A_2106 = arith.addi %gather3A_2093, %add3A_2105 : vector<16xi32>
        %min3A_2107 = arith.constant 199 : i32
        %min3A_2108 = vector.broadcast %min3A_2107 : i32 to vector<16xi32>
        %min3A_2109 = arith.minsi %add3A_2106, %min3A_2108 : vector<16xi32>
        %gather3A_2110 = tpu.vector_load_idx %arg6[%broadcast_in_dim3A_2102, %min3A_2109] : memref<128x200xi32, #tpu.memory_space<vmem>>[vector<16xi32>, vector<16xi32>], vector<16xi32>,
        %lt3A_2111 = arith.cmpi slt, %add3A_2105, %gather3A_2097 : vector<16xi32>
        %jit3A_2112 = arith.constant 0 : i32
        %broadcast_in_dim3A_2113 = vector.broadcast %jit3A_2112 : i32 to vector<16xi32>
        %select_n3A_2114 = arith.select %lt3A_2111, %gather3A_2110, %broadcast_in_dim3A_2113 : vector<16xi1>, vector<16xi32>
        tpu.vector_store_idx %arg7[%broadcast_in_dim3A_2102, %add3A_2105], %select_n3A_2114 : memref<128x200xi32, #tpu.memory_space<vmem>>[vector<16xi32>, vector<16xi32>], vector<16xi32>,
        %add3A_2115 = arith.constant 16 : i32
        %add3A_2116 = vector.broadcast %add3A_2115 : i32 to vector<16xi32>
        %add3A_2117 = arith.addi %iota3A, %add3A_2116 : vector<16xi32>
        %add3A_2118 = arith.addi %gather3A_2093, %add3A_2117 : vector<16xi32>
        %min3A_2119 = arith.constant 199 : i32
        %min3A_2120 = vector.broadcast %min3A_2119 : i32 to vector<16xi32>
        %min3A_2121 = arith.minsi %add3A_2118, %min3A_2120 : vector<16xi32>
        %gather3A_2122 = tpu.vector_load_idx %arg6[%broadcast_in_dim3A_2102, %min3A_2121] : memref<128x200xi32, #tpu.memory_space<vmem>>[vector<16xi32>, vector<16xi32>], vector<16xi32>,
        %lt3A_2123 = arith.cmpi slt, %add3A_2117, %gather3A_2097 : vector<16xi32>
        %jit3A_2124 = arith.constant 0 : i32
        %broadcast_in_dim3A_2125 = vector.broadcast %jit3A_2124 : i32 to vector<16xi32>
        %select_n3A_2126 = arith.select %lt3A_2123, %gather3A_2122, %broadcast_in_dim3A_2125 : vector<16xi1>, vector<16xi32>
        tpu.vector_store_idx %arg7[%broadcast_in_dim3A_2102, %add3A_2117], %select_n3A_2126 : memref<128x200xi32, #tpu.memory_space<vmem>>[vector<16xi32>, vector<16xi32>], vector<16xi32>,
        %add3A_2127 = arith.constant 32 : i32
        %add3A_2128 = vector.broadcast %add3A_2127 : i32 to vector<16xi32>
        %add3A_2129 = arith.addi %iota3A, %add3A_2128 : vector<16xi32>
        %add3A_2130 = arith.addi %gather3A_2093, %add3A_2129 : vector<16xi32>
        %min3A_2131 = arith.constant 199 : i32
        %min3A_2132 = vector.broadcast %min3A_2131 : i32 to vector<16xi32>
        %min3A_2133 = arith.minsi %add3A_2130, %min3A_2132 : vector<16xi32>
        %gather3A_2134 = tpu.vector_load_idx %arg6[%broadcast_in_dim3A_2102, %min3A_2133] : memref<128x200xi32, #tpu.memory_space<vmem>>[vector<16xi32>, vector<16xi32>], vector<16xi32>,
        %lt3A_2135 = arith.cmpi slt, %add3A_2129, %gather3A_2097 : vector<16xi32>
        %jit3A_2136 = arith.constant 0 : i32
        %broadcast_in_dim3A_2137 = vector.broadcast %jit3A_2136 : i32 to vector<16xi32>
        %select_n3A_2138 = arith.select %lt3A_2135, %gather3A_2134, %broadcast_in_dim3A_2137 : vector<16xi1>, vector<16xi32>
        tpu.vector_store_idx %arg7[%broadcast_in_dim3A_2102, %add3A_2129], %select_n3A_2138 : memref<128x200xi32, #tpu.memory_space<vmem>>[vector<16xi32>, vector<16xi32>], vector<16xi32>,
        %add3A_2139 = arith.constant 48 : i32
        %add3A_2140 = vector.broadcast %add3A_2139 : i32 to vector<16xi32>
        %add3A_2141 = arith.addi %iota3A, %add3A_2140 : vector<16xi32>
        %add3A_2142 = arith.addi %gather3A_2093, %add3A_2141 : vector<16xi32>
        %min3A_2143 = arith.constant 199 : i32
        %min3A_2144 = vector.broadcast %min3A_2143 : i32 to vector<16xi32>
        %min3A_2145 = arith.minsi %add3A_2142, %min3A_2144 : vector<16xi32>
        %gather3A_2146 = tpu.vector_load_idx %arg6[%broadcast_in_dim3A_2102, %min3A_2145] : memref<128x200xi32, #tpu.memory_space<vmem>>[vector<16xi32>, vector<16xi32>], vector<16xi32>,
        %lt3A_2147 = arith.cmpi slt, %add3A_2141, %gather3A_2097 : vector<16xi32>
        %jit3A_2148 = arith.constant 0 : i32
        %broadcast_in_dim3A_2149 = vector.broadcast %jit3A_2148 : i32 to vector<16xi32>
        %select_n3A_2150 = arith.select %lt3A_2147, %gather3A_2146, %broadcast_in_dim3A_2149 : vector<16xi1>, vector<16xi32>
        tpu.vector_store_idx %arg7[%broadcast_in_dim3A_2102, %add3A_2141], %select_n3A_2150 : memref<128x200xi32, #tpu.memory_space<vmem>>[vector<16xi32>, vector<16xi32>], vector<16xi32>,
        %add3A_2151 = arith.constant 64 : i32
        %add3A_2152 = vector.broadcast %add3A_2151 : i32 to vector<16xi32>
        %add3A_2153 = arith.addi %iota3A, %add3A_2152 : vector<16xi32>
        %add3A_2154 = arith.addi %gather3A_2093, %add3A_2153 : vector<16xi32>
        %min3A_2155 = arith.constant 199 : i32
        %min3A_2156 = vector.broadcast %min3A_2155 : i32 to vector<16xi32>
        %min3A_2157 = arith.minsi %add3A_2154, %min3A_2156 : vector<16xi32>
        %gather3A_2158 = tpu.vector_load_idx %arg6[%broadcast_in_dim3A_2102, %min3A_2157] : memref<128x200xi32, #tpu.memory_space<vmem>>[vector<16xi32>, vector<16xi32>], vector<16xi32>,
        %lt3A_2159 = arith.cmpi slt, %add3A_2153, %gather3A_2097 : vector<16xi32>
        %jit3A_2160 = arith.constant 0 : i32
        %broadcast_in_dim3A_2161 = vector.broadcast %jit3A_2160 : i32 to vector<16xi32>
        %select_n3A_2162 = arith.select %lt3A_2159, %gather3A_2158, %broadcast_in_dim3A_2161 : vector<16xi1>, vector<16xi32>
        tpu.vector_store_idx %arg7[%broadcast_in_dim3A_2102, %add3A_2153], %select_n3A_2162 : memref<128x200xi32, #tpu.memory_space<vmem>>[vector<16xi32>, vector<16xi32>], vector<16xi32>,
        %add3A_2163 = arith.constant 80 : i32
        %add3A_2164 = vector.broadcast %add3A_2163 : i32 to vector<16xi32>
        %add3A_2165 = arith.addi %iota3A, %add3A_2164 : vector<16xi32>
        %add3A_2166 = arith.addi %gather3A_2093, %add3A_2165 : vector<16xi32>
        %min3A_2167 = arith.constant 199 : i32
        %min3A_2168 = vector.broadcast %min3A_2167 : i32 to vector<16xi32>
        %min3A_2169 = arith.minsi %add3A_2166, %min3A_2168 : vector<16xi32>
        %gather3A_2170 = tpu.vector_load_idx %arg6[%broadcast_in_dim3A_2102, %min3A_2169] : memref<128x200xi32, #tpu.memory_space<vmem>>[vector<16xi32>, vector<16xi32>], vector<16xi32>,
        %lt3A_2171 = arith.cmpi slt, %add3A_2165, %gather3A_2097 : vector<16xi32>
        %jit3A_2172 = arith.constant 0 : i32
        %broadcast_in_dim3A_2173 = vector.broadcast %jit3A_2172 : i32 to vector<16xi32>
        %select_n3A_2174 = arith.select %lt3A_2171, %gather3A_2170, %broadcast_in_dim3A_2173 : vector<16xi1>, vector<16xi32>
        tpu.vector_store_idx %arg7[%broadcast_in_dim3A_2102, %add3A_2165], %select_n3A_2174 : memref<128x200xi32, #tpu.memory_space<vmem>>[vector<16xi32>, vector<16xi32>], vector<16xi32>,
        %add3A_2175 = arith.constant 96 : i32
        %add3A_2176 = vector.broadcast %add3A_2175 : i32 to vector<16xi32>
        %add3A_2177 = arith.addi %iota3A, %add3A_2176 : vector<16xi32>
        %add3A_2178 = arith.addi %gather3A_2093, %add3A_2177 : vector<16xi32>
        %min3A_2179 = arith.constant 199 : i32
        %min3A_2180 = vector.broadcast %min3A_2179 : i32 to vector<16xi32>
        %min3A_2181 = arith.minsi %add3A_2178, %min3A_2180 : vector<16xi32>
        %gather3A_2182 = tpu.vector_load_idx %arg6[%broadcast_in_dim3A_2102, %min3A_2181] : memref<128x200xi32, #tpu.memory_space<vmem>>[vector<16xi32>, vector<16xi32>], vector<16xi32>,
        %lt3A_2183 = arith.cmpi slt, %add3A_2177, %gather3A_2097 : vector<16xi32>
        %jit3A_2184 = arith.constant 0 : i32
        %broadcast_in_dim3A_2185 = vector.broadcast %jit3A_2184 : i32 to vector<16xi32>
        %select_n3A_2186 = arith.select %lt3A_2183, %gather3A_2182, %broadcast_in_dim3A_2185 : vector<16xi1>, vector<16xi32>
        tpu.vector_store_idx %arg7[%broadcast_in_dim3A_2102, %add3A_2177], %select_n3A_2186 : memref<128x200xi32, #tpu.memory_space<vmem>>[vector<16xi32>, vector<16xi32>], vector<16xi32>,
        %add3A_2187 = arith.constant 112 : i32
        %add3A_2188 = vector.broadcast %add3A_2187 : i32 to vector<16xi32>
        %add3A_2189 = arith.addi %iota3A, %add3A_2188 : vector<16xi32>
        %add3A_2190 = arith.addi %gather3A_2093, %add3A_2189 : vector<16xi32>
        %min3A_2191 = arith.constant 199 : i32
        %min3A_2192 = vector.broadcast %min3A_2191 : i32 to vector<16xi32>
        %min3A_2193 = arith.minsi %add3A_2190, %min3A_2192 : vector<16xi32>
        %gather3A_2194 = tpu.vector_load_idx %arg6[%broadcast_in_dim3A_2102, %min3A_2193] : memref<128x200xi32, #tpu.memory_space<vmem>>[vector<16xi32>, vector<16xi32>], vector<16xi32>,
        %lt3A_2195 = arith.cmpi slt, %add3A_2189, %gather3A_2097 : vector<16xi32>
        %jit3A_2196 = arith.constant 0 : i32
        %broadcast_in_dim3A_2197 = vector.broadcast %jit3A_2196 : i32 to vector<16xi32>
        %select_n3A_2198 = arith.select %lt3A_2195, %gather3A_2194, %broadcast_in_dim3A_2197 : vector<16xi1>, vector<16xi32>
        tpu.vector_store_idx %arg7[%broadcast_in_dim3A_2102, %add3A_2189], %select_n3A_2198 : memref<128x200xi32, #tpu.memory_space<vmem>>[vector<16xi32>, vector<16xi32>], vector<16xi32>,
        %add3A_2199 = arith.constant 128 : i32
        %add3A_2200 = vector.broadcast %add3A_2199 : i32 to vector<16xi32>
        %add3A_2201 = arith.addi %iota3A, %add3A_2200 : vector<16xi32>
        %add3A_2202 = arith.addi %gather3A_2093, %add3A_2201 : vector<16xi32>
        %min3A_2203 = arith.constant 199 : i32
        %min3A_2204 = vector.broadcast %min3A_2203 : i32 to vector<16xi32>
        %min3A_2205 = arith.minsi %add3A_2202, %min3A_2204 : vector<16xi32>
        %gather3A_2206 = tpu.vector_load_idx %arg6[%broadcast_in_dim3A_2102, %min3A_2205] : memref<128x200xi32, #tpu.memory_space<vmem>>[vector<16xi32>, vector<16xi32>], vector<16xi32>,
        %lt3A_2207 = arith.cmpi slt, %add3A_2201, %gather3A_2097 : vector<16xi32>
        %jit3A_2208 = arith.constant 0 : i32
        %broadcast_in_dim3A_2209 = vector.broadcast %jit3A_2208 : i32 to vector<16xi32>
        %select_n3A_2210 = arith.select %lt3A_2207, %gather3A_2206, %broadcast_in_dim3A_2209 : vector<16xi1>, vector<16xi32>
        tpu.vector_store_idx %arg7[%broadcast_in_dim3A_2102, %add3A_2201], %select_n3A_2210 : memref<128x200xi32, #tpu.memory_space<vmem>>[vector<16xi32>, vector<16xi32>], vector<16xi32>,
        %add3A_2211 = arith.constant 144 : i32
        %add3A_2212 = vector.broadcast %add3A_2211 : i32 to vector<16xi32>
        %add3A_2213 = arith.addi %iota3A, %add3A_2212 : vector<16xi32>
        %add3A_2214 = arith.addi %gather3A_2093, %add3A_2213 : vector<16xi32>
        %min3A_2215 = arith.constant 199 : i32
        %min3A_2216 = vector.broadcast %min3A_2215 : i32 to vector<16xi32>
        %min3A_2217 = arith.minsi %add3A_2214, %min3A_2216 : vector<16xi32>
        %gather3A_2218 = tpu.vector_load_idx %arg6[%broadcast_in_dim3A_2102, %min3A_2217] : memref<128x200xi32, #tpu.memory_space<vmem>>[vector<16xi32>, vector<16xi32>], vector<16xi32>,
        %lt3A_2219 = arith.cmpi slt, %add3A_2213, %gather3A_2097 : vector<16xi32>
        %jit3A_2220 = arith.constant 0 : i32
        %broadcast_in_dim3A_2221 = vector.broadcast %jit3A_2220 : i32 to vector<16xi32>
        %select_n3A_2222 = arith.select %lt3A_2219, %gather3A_2218, %broadcast_in_dim3A_2221 : vector<16xi1>, vector<16xi32>
        tpu.vector_store_idx %arg7[%broadcast_in_dim3A_2102, %add3A_2213], %select_n3A_2222 : memref<128x200xi32, #tpu.memory_space<vmem>>[vector<16xi32>, vector<16xi32>], vector<16xi32>,
        %add3A_2223 = arith.constant 160 : i32
        %add3A_2224 = vector.broadcast %add3A_2223 : i32 to vector<16xi32>
        %add3A_2225 = arith.addi %iota3A, %add3A_2224 : vector<16xi32>
        %add3A_2226 = arith.addi %gather3A_2093, %add3A_2225 : vector<16xi32>
        %min3A_2227 = arith.constant 199 : i32
        %min3A_2228 = vector.broadcast %min3A_2227 : i32 to vector<16xi32>
        %min3A_2229 = arith.minsi %add3A_2226, %min3A_2228 : vector<16xi32>
        %gather3A_2230 = tpu.vector_load_idx %arg6[%broadcast_in_dim3A_2102, %min3A_2229] : memref<128x200xi32, #tpu.memory_space<vmem>>[vector<16xi32>, vector<16xi32>], vector<16xi32>,
        %lt3A_2231 = arith.cmpi slt, %add3A_2225, %gather3A_2097 : vector<16xi32>
        %jit3A_2232 = arith.constant 0 : i32
        %broadcast_in_dim3A_2233 = vector.broadcast %jit3A_2232 : i32 to vector<16xi32>
        %select_n3A_2234 = arith.select %lt3A_2231, %gather3A_2230, %broadcast_in_dim3A_2233 : vector<16xi1>, vector<16xi32>
        tpu.vector_store_idx %arg7[%broadcast_in_dim3A_2102, %add3A_2225], %select_n3A_2234 : memref<128x200xi32, #tpu.memory_space<vmem>>[vector<16xi32>, vector<16xi32>], vector<16xi32>,
        %add3A_2235 = arith.constant 176 : i32
        %add3A_2236 = vector.broadcast %add3A_2235 : i32 to vector<16xi32>
        %add3A_2237 = arith.addi %iota3A, %add3A_2236 : vector<16xi32>
        %add3A_2238 = arith.addi %gather3A_2093, %add3A_2237 : vector<16xi32>
        %min3A_2239 = arith.constant 199 : i32
        %min3A_2240 = vector.broadcast %min3A_2239 : i32 to vector<16xi32>
        %min3A_2241 = arith.minsi %add3A_2238, %min3A_2240 : vector<16xi32>
        %gather3A_2242 = tpu.vector_load_idx %arg6[%broadcast_in_dim3A_2102, %min3A_2241] : memref<128x200xi32, #tpu.memory_space<vmem>>[vector<16xi32>, vector<16xi32>], vector<16xi32>,
        %lt3A_2243 = arith.cmpi slt, %add3A_2237, %gather3A_2097 : vector<16xi32>
        %jit3A_2244 = arith.constant 0 : i32
        %broadcast_in_dim3A_2245 = vector.broadcast %jit3A_2244 : i32 to vector<16xi32>
        %select_n3A_2246 = arith.select %lt3A_2243, %gather3A_2242, %broadcast_in_dim3A_2245 : vector<16xi1>, vector<16xi32>
        tpu.vector_store_idx %arg7[%broadcast_in_dim3A_2102, %add3A_2237], %select_n3A_2246 : memref<128x200xi32, #tpu.memory_space<vmem>>[vector<16xi32>, vector<16xi32>], vector<16xi32>,
        %add3A_2247 = arith.constant 192 : i32
        %add3A_2248 = vector.broadcast %add3A_2247 : i32 to vector<16xi32>
        %add3A_2249 = arith.addi %iota3A, %add3A_2248 : vector<16xi32>
        %add3A_2250 = arith.addi %gather3A_2093, %add3A_2249 : vector<16xi32>
        %min3A_2251 = arith.constant 199 : i32
        %min3A_2252 = vector.broadcast %min3A_2251 : i32 to vector<16xi32>
        %min3A_2253 = arith.minsi %add3A_2250, %min3A_2252 : vector<16xi32>
        %gather3A_2254 = tpu.vector_load_idx %arg6[%broadcast_in_dim3A_2102, %min3A_2253] : memref<128x200xi32, #tpu.memory_space<vmem>>[vector<16xi32>, vector<16xi32>], vector<16xi32>,
        %lt3A_2255 = arith.cmpi slt, %add3A_2249, %gather3A_2097 : vector<16xi32>
        %jit3A_2256 = arith.constant 0 : i32
        %broadcast_in_dim3A_2257 = vector.broadcast %jit3A_2256 : i32 to vector<16xi32>
        %select_n3A_2258 = arith.select %lt3A_2255, %gather3A_2254, %broadcast_in_dim3A_2257 : vector<16xi1>, vector<16xi32>
        %lt3A_2259 = arith.constant 200 : i32
        %lt3A_2260 = vector.broadcast %lt3A_2259 : i32 to vector<16xi32>
        %lt3A_2261 = arith.cmpi slt, %add3A_2249, %lt3A_2260 : vector<16xi32>
        tpu.vector_store_idx %arg7[%broadcast_in_dim3A_2102, %add3A_2249], %select_n3A_2258 masked %lt3A_2261 : memref<128x200xi32, #tpu.memory_space<vmem>>[vector<16xi32>, vector<16xi32>], vector<16xi32>, vector<16xi1>
        %broadcast_in_dim3A_2262 = arith.constant 13 : i32
        %broadcast_in_dim3A_2263 = vector.broadcast %broadcast_in_dim3A_2262 : i32 to vector<16x1xi32>
        %gather3A_2264 = vector.shape_cast %broadcast_in_dim3A_2263 : vector<16x1xi32> to vector<16xi32>
        %gather3A_2265 = tpu.dynamic_gather %get3A_24[%gather3A_2264] in [0] : vector<16xi32>, vector<16xi32> -> vector<16xi32>
        %broadcast_in_dim3A_2266 = arith.constant 13 : i32
        %broadcast_in_dim3A_2267 = vector.broadcast %broadcast_in_dim3A_2266 : i32 to vector<16x1xi32>
        %gather3A_2268 = vector.shape_cast %broadcast_in_dim3A_2267 : vector<16x1xi32> to vector<16xi32>
        %gather3A_2269 = tpu.dynamic_gather %get3A_31[%gather3A_2268] in [0] : vector<16xi32>, vector<16xi32> -> vector<16xi32>
        %mul3A_2270 = arith.constant 16 : i32
        %mul3A_2271 = arith.muli %scan3A_18, %mul3A_2270 : i32
        %add3A_2272 = arith.constant 13 : i32
        %add3A_2273 = arith.addi %mul3A_2271, %add3A_2272 : i32
        %broadcast_in_dim3A_2274 = vector.broadcast %add3A_2273 : i32 to vector<16xi32>
        %add3A_2275 = arith.constant 0 : i32
        %add3A_2276 = vector.broadcast %add3A_2275 : i32 to vector<16xi32>
        %add3A_2277 = arith.addi %iota3A, %add3A_2276 : vector<16xi32>
        %add3A_2278 = arith.addi %gather3A_2265, %add3A_2277 : vector<16xi32>
        %min3A_2279 = arith.constant 199 : i32
        %min3A_2280 = vector.broadcast %min3A_2279 : i32 to vector<16xi32>
        %min3A_2281 = arith.minsi %add3A_2278, %min3A_2280 : vector<16xi32>
        %gather3A_2282 = tpu.vector_load_idx %arg6[%broadcast_in_dim3A_2274, %min3A_2281] : memref<128x200xi32, #tpu.memory_space<vmem>>[vector<16xi32>, vector<16xi32>], vector<16xi32>,
        %lt3A_2283 = arith.cmpi slt, %add3A_2277, %gather3A_2269 : vector<16xi32>
        %jit3A_2284 = arith.constant 0 : i32
        %broadcast_in_dim3A_2285 = vector.broadcast %jit3A_2284 : i32 to vector<16xi32>
        %select_n3A_2286 = arith.select %lt3A_2283, %gather3A_2282, %broadcast_in_dim3A_2285 : vector<16xi1>, vector<16xi32>
        tpu.vector_store_idx %arg7[%broadcast_in_dim3A_2274, %add3A_2277], %select_n3A_2286 : memref<128x200xi32, #tpu.memory_space<vmem>>[vector<16xi32>, vector<16xi32>], vector<16xi32>,
        %add3A_2287 = arith.constant 16 : i32
        %add3A_2288 = vector.broadcast %add3A_2287 : i32 to vector<16xi32>
        %add3A_2289 = arith.addi %iota3A, %add3A_2288 : vector<16xi32>
        %add3A_2290 = arith.addi %gather3A_2265, %add3A_2289 : vector<16xi32>
        %min3A_2291 = arith.constant 199 : i32
        %min3A_2292 = vector.broadcast %min3A_2291 : i32 to vector<16xi32>
        %min3A_2293 = arith.minsi %add3A_2290, %min3A_2292 : vector<16xi32>
        %gather3A_2294 = tpu.vector_load_idx %arg6[%broadcast_in_dim3A_2274, %min3A_2293] : memref<128x200xi32, #tpu.memory_space<vmem>>[vector<16xi32>, vector<16xi32>], vector<16xi32>,
        %lt3A_2295 = arith.cmpi slt, %add3A_2289, %gather3A_2269 : vector<16xi32>
        %jit3A_2296 = arith.constant 0 : i32
        %broadcast_in_dim3A_2297 = vector.broadcast %jit3A_2296 : i32 to vector<16xi32>
        %select_n3A_2298 = arith.select %lt3A_2295, %gather3A_2294, %broadcast_in_dim3A_2297 : vector<16xi1>, vector<16xi32>
        tpu.vector_store_idx %arg7[%broadcast_in_dim3A_2274, %add3A_2289], %select_n3A_2298 : memref<128x200xi32, #tpu.memory_space<vmem>>[vector<16xi32>, vector<16xi32>], vector<16xi32>,
        %add3A_2299 = arith.constant 32 : i32
        %add3A_2300 = vector.broadcast %add3A_2299 : i32 to vector<16xi32>
        %add3A_2301 = arith.addi %iota3A, %add3A_2300 : vector<16xi32>
        %add3A_2302 = arith.addi %gather3A_2265, %add3A_2301 : vector<16xi32>
        %min3A_2303 = arith.constant 199 : i32
        %min3A_2304 = vector.broadcast %min3A_2303 : i32 to vector<16xi32>
        %min3A_2305 = arith.minsi %add3A_2302, %min3A_2304 : vector<16xi32>
        %gather3A_2306 = tpu.vector_load_idx %arg6[%broadcast_in_dim3A_2274, %min3A_2305] : memref<128x200xi32, #tpu.memory_space<vmem>>[vector<16xi32>, vector<16xi32>], vector<16xi32>,
        %lt3A_2307 = arith.cmpi slt, %add3A_2301, %gather3A_2269 : vector<16xi32>
        %jit3A_2308 = arith.constant 0 : i32
        %broadcast_in_dim3A_2309 = vector.broadcast %jit3A_2308 : i32 to vector<16xi32>
        %select_n3A_2310 = arith.select %lt3A_2307, %gather3A_2306, %broadcast_in_dim3A_2309 : vector<16xi1>, vector<16xi32>
        tpu.vector_store_idx %arg7[%broadcast_in_dim3A_2274, %add3A_2301], %select_n3A_2310 : memref<128x200xi32, #tpu.memory_space<vmem>>[vector<16xi32>, vector<16xi32>], vector<16xi32>,
        %add3A_2311 = arith.constant 48 : i32
        %add3A_2312 = vector.broadcast %add3A_2311 : i32 to vector<16xi32>
        %add3A_2313 = arith.addi %iota3A, %add3A_2312 : vector<16xi32>
        %add3A_2314 = arith.addi %gather3A_2265, %add3A_2313 : vector<16xi32>
        %min3A_2315 = arith.constant 199 : i32
        %min3A_2316 = vector.broadcast %min3A_2315 : i32 to vector<16xi32>
        %min3A_2317 = arith.minsi %add3A_2314, %min3A_2316 : vector<16xi32>
        %gather3A_2318 = tpu.vector_load_idx %arg6[%broadcast_in_dim3A_2274, %min3A_2317] : memref<128x200xi32, #tpu.memory_space<vmem>>[vector<16xi32>, vector<16xi32>], vector<16xi32>,
        %lt3A_2319 = arith.cmpi slt, %add3A_2313, %gather3A_2269 : vector<16xi32>
        %jit3A_2320 = arith.constant 0 : i32
        %broadcast_in_dim3A_2321 = vector.broadcast %jit3A_2320 : i32 to vector<16xi32>
        %select_n3A_2322 = arith.select %lt3A_2319, %gather3A_2318, %broadcast_in_dim3A_2321 : vector<16xi1>, vector<16xi32>
        tpu.vector_store_idx %arg7[%broadcast_in_dim3A_2274, %add3A_2313], %select_n3A_2322 : memref<128x200xi32, #tpu.memory_space<vmem>>[vector<16xi32>, vector<16xi32>], vector<16xi32>,
        %add3A_2323 = arith.constant 64 : i32
        %add3A_2324 = vector.broadcast %add3A_2323 : i32 to vector<16xi32>
        %add3A_2325 = arith.addi %iota3A, %add3A_2324 : vector<16xi32>
        %add3A_2326 = arith.addi %gather3A_2265, %add3A_2325 : vector<16xi32>
        %min3A_2327 = arith.constant 199 : i32
        %min3A_2328 = vector.broadcast %min3A_2327 : i32 to vector<16xi32>
        %min3A_2329 = arith.minsi %add3A_2326, %min3A_2328 : vector<16xi32>
        %gather3A_2330 = tpu.vector_load_idx %arg6[%broadcast_in_dim3A_2274, %min3A_2329] : memref<128x200xi32, #tpu.memory_space<vmem>>[vector<16xi32>, vector<16xi32>], vector<16xi32>,
        %lt3A_2331 = arith.cmpi slt, %add3A_2325, %gather3A_2269 : vector<16xi32>
        %jit3A_2332 = arith.constant 0 : i32
        %broadcast_in_dim3A_2333 = vector.broadcast %jit3A_2332 : i32 to vector<16xi32>
        %select_n3A_2334 = arith.select %lt3A_2331, %gather3A_2330, %broadcast_in_dim3A_2333 : vector<16xi1>, vector<16xi32>
        tpu.vector_store_idx %arg7[%broadcast_in_dim3A_2274, %add3A_2325], %select_n3A_2334 : memref<128x200xi32, #tpu.memory_space<vmem>>[vector<16xi32>, vector<16xi32>], vector<16xi32>,
        %add3A_2335 = arith.constant 80 : i32
        %add3A_2336 = vector.broadcast %add3A_2335 : i32 to vector<16xi32>
        %add3A_2337 = arith.addi %iota3A, %add3A_2336 : vector<16xi32>
        %add3A_2338 = arith.addi %gather3A_2265, %add3A_2337 : vector<16xi32>
        %min3A_2339 = arith.constant 199 : i32
        %min3A_2340 = vector.broadcast %min3A_2339 : i32 to vector<16xi32>
        %min3A_2341 = arith.minsi %add3A_2338, %min3A_2340 : vector<16xi32>
        %gather3A_2342 = tpu.vector_load_idx %arg6[%broadcast_in_dim3A_2274, %min3A_2341] : memref<128x200xi32, #tpu.memory_space<vmem>>[vector<16xi32>, vector<16xi32>], vector<16xi32>,
        %lt3A_2343 = arith.cmpi slt, %add3A_2337, %gather3A_2269 : vector<16xi32>
        %jit3A_2344 = arith.constant 0 : i32
        %broadcast_in_dim3A_2345 = vector.broadcast %jit3A_2344 : i32 to vector<16xi32>
        %select_n3A_2346 = arith.select %lt3A_2343, %gather3A_2342, %broadcast_in_dim3A_2345 : vector<16xi1>, vector<16xi32>
        tpu.vector_store_idx %arg7[%broadcast_in_dim3A_2274, %add3A_2337], %select_n3A_2346 : memref<128x200xi32, #tpu.memory_space<vmem>>[vector<16xi32>, vector<16xi32>], vector<16xi32>,
        %add3A_2347 = arith.constant 96 : i32
        %add3A_2348 = vector.broadcast %add3A_2347 : i32 to vector<16xi32>
        %add3A_2349 = arith.addi %iota3A, %add3A_2348 : vector<16xi32>
        %add3A_2350 = arith.addi %gather3A_2265, %add3A_2349 : vector<16xi32>
        %min3A_2351 = arith.constant 199 : i32
        %min3A_2352 = vector.broadcast %min3A_2351 : i32 to vector<16xi32>
        %min3A_2353 = arith.minsi %add3A_2350, %min3A_2352 : vector<16xi32>
        %gather3A_2354 = tpu.vector_load_idx %arg6[%broadcast_in_dim3A_2274, %min3A_2353] : memref<128x200xi32, #tpu.memory_space<vmem>>[vector<16xi32>, vector<16xi32>], vector<16xi32>,
        %lt3A_2355 = arith.cmpi slt, %add3A_2349, %gather3A_2269 : vector<16xi32>
        %jit3A_2356 = arith.constant 0 : i32
        %broadcast_in_dim3A_2357 = vector.broadcast %jit3A_2356 : i32 to vector<16xi32>
        %select_n3A_2358 = arith.select %lt3A_2355, %gather3A_2354, %broadcast_in_dim3A_2357 : vector<16xi1>, vector<16xi32>
        tpu.vector_store_idx %arg7[%broadcast_in_dim3A_2274, %add3A_2349], %select_n3A_2358 : memref<128x200xi32, #tpu.memory_space<vmem>>[vector<16xi32>, vector<16xi32>], vector<16xi32>,
        %add3A_2359 = arith.constant 112 : i32
        %add3A_2360 = vector.broadcast %add3A_2359 : i32 to vector<16xi32>
        %add3A_2361 = arith.addi %iota3A, %add3A_2360 : vector<16xi32>
        %add3A_2362 = arith.addi %gather3A_2265, %add3A_2361 : vector<16xi32>
        %min3A_2363 = arith.constant 199 : i32
        %min3A_2364 = vector.broadcast %min3A_2363 : i32 to vector<16xi32>
        %min3A_2365 = arith.minsi %add3A_2362, %min3A_2364 : vector<16xi32>
        %gather3A_2366 = tpu.vector_load_idx %arg6[%broadcast_in_dim3A_2274, %min3A_2365] : memref<128x200xi32, #tpu.memory_space<vmem>>[vector<16xi32>, vector<16xi32>], vector<16xi32>,
        %lt3A_2367 = arith.cmpi slt, %add3A_2361, %gather3A_2269 : vector<16xi32>
        %jit3A_2368 = arith.constant 0 : i32
        %broadcast_in_dim3A_2369 = vector.broadcast %jit3A_2368 : i32 to vector<16xi32>
        %select_n3A_2370 = arith.select %lt3A_2367, %gather3A_2366, %broadcast_in_dim3A_2369 : vector<16xi1>, vector<16xi32>
        tpu.vector_store_idx %arg7[%broadcast_in_dim3A_2274, %add3A_2361], %select_n3A_2370 : memref<128x200xi32, #tpu.memory_space<vmem>>[vector<16xi32>, vector<16xi32>], vector<16xi32>,
        %add3A_2371 = arith.constant 128 : i32
        %add3A_2372 = vector.broadcast %add3A_2371 : i32 to vector<16xi32>
        %add3A_2373 = arith.addi %iota3A, %add3A_2372 : vector<16xi32>
        %add3A_2374 = arith.addi %gather3A_2265, %add3A_2373 : vector<16xi32>
        %min3A_2375 = arith.constant 199 : i32
        %min3A_2376 = vector.broadcast %min3A_2375 : i32 to vector<16xi32>
        %min3A_2377 = arith.minsi %add3A_2374, %min3A_2376 : vector<16xi32>
        %gather3A_2378 = tpu.vector_load_idx %arg6[%broadcast_in_dim3A_2274, %min3A_2377] : memref<128x200xi32, #tpu.memory_space<vmem>>[vector<16xi32>, vector<16xi32>], vector<16xi32>,
        %lt3A_2379 = arith.cmpi slt, %add3A_2373, %gather3A_2269 : vector<16xi32>
        %jit3A_2380 = arith.constant 0 : i32
        %broadcast_in_dim3A_2381 = vector.broadcast %jit3A_2380 : i32 to vector<16xi32>
        %select_n3A_2382 = arith.select %lt3A_2379, %gather3A_2378, %broadcast_in_dim3A_2381 : vector<16xi1>, vector<16xi32>
        tpu.vector_store_idx %arg7[%broadcast_in_dim3A_2274, %add3A_2373], %select_n3A_2382 : memref<128x200xi32, #tpu.memory_space<vmem>>[vector<16xi32>, vector<16xi32>], vector<16xi32>,
        %add3A_2383 = arith.constant 144 : i32
        %add3A_2384 = vector.broadcast %add3A_2383 : i32 to vector<16xi32>
        %add3A_2385 = arith.addi %iota3A, %add3A_2384 : vector<16xi32>
        %add3A_2386 = arith.addi %gather3A_2265, %add3A_2385 : vector<16xi32>
        %min3A_2387 = arith.constant 199 : i32
        %min3A_2388 = vector.broadcast %min3A_2387 : i32 to vector<16xi32>
        %min3A_2389 = arith.minsi %add3A_2386, %min3A_2388 : vector<16xi32>
        %gather3A_2390 = tpu.vector_load_idx %arg6[%broadcast_in_dim3A_2274, %min3A_2389] : memref<128x200xi32, #tpu.memory_space<vmem>>[vector<16xi32>, vector<16xi32>], vector<16xi32>,
        %lt3A_2391 = arith.cmpi slt, %add3A_2385, %gather3A_2269 : vector<16xi32>
        %jit3A_2392 = arith.constant 0 : i32
        %broadcast_in_dim3A_2393 = vector.broadcast %jit3A_2392 : i32 to vector<16xi32>
        %select_n3A_2394 = arith.select %lt3A_2391, %gather3A_2390, %broadcast_in_dim3A_2393 : vector<16xi1>, vector<16xi32>
        tpu.vector_store_idx %arg7[%broadcast_in_dim3A_2274, %add3A_2385], %select_n3A_2394 : memref<128x200xi32, #tpu.memory_space<vmem>>[vector<16xi32>, vector<16xi32>], vector<16xi32>,
        %add3A_2395 = arith.constant 160 : i32
        %add3A_2396 = vector.broadcast %add3A_2395 : i32 to vector<16xi32>
        %add3A_2397 = arith.addi %iota3A, %add3A_2396 : vector<16xi32>
        %add3A_2398 = arith.addi %gather3A_2265, %add3A_2397 : vector<16xi32>
        %min3A_2399 = arith.constant 199 : i32
        %min3A_2400 = vector.broadcast %min3A_2399 : i32 to vector<16xi32>
        %min3A_2401 = arith.minsi %add3A_2398, %min3A_2400 : vector<16xi32>
        %gather3A_2402 = tpu.vector_load_idx %arg6[%broadcast_in_dim3A_2274, %min3A_2401] : memref<128x200xi32, #tpu.memory_space<vmem>>[vector<16xi32>, vector<16xi32>], vector<16xi32>,
        %lt3A_2403 = arith.cmpi slt, %add3A_2397, %gather3A_2269 : vector<16xi32>
        %jit3A_2404 = arith.constant 0 : i32
        %broadcast_in_dim3A_2405 = vector.broadcast %jit3A_2404 : i32 to vector<16xi32>
        %select_n3A_2406 = arith.select %lt3A_2403, %gather3A_2402, %broadcast_in_dim3A_2405 : vector<16xi1>, vector<16xi32>
        tpu.vector_store_idx %arg7[%broadcast_in_dim3A_2274, %add3A_2397], %select_n3A_2406 : memref<128x200xi32, #tpu.memory_space<vmem>>[vector<16xi32>, vector<16xi32>], vector<16xi32>,
        %add3A_2407 = arith.constant 176 : i32
        %add3A_2408 = vector.broadcast %add3A_2407 : i32 to vector<16xi32>
        %add3A_2409 = arith.addi %iota3A, %add3A_2408 : vector<16xi32>
        %add3A_2410 = arith.addi %gather3A_2265, %add3A_2409 : vector<16xi32>
        %min3A_2411 = arith.constant 199 : i32
        %min3A_2412 = vector.broadcast %min3A_2411 : i32 to vector<16xi32>
        %min3A_2413 = arith.minsi %add3A_2410, %min3A_2412 : vector<16xi32>
        %gather3A_2414 = tpu.vector_load_idx %arg6[%broadcast_in_dim3A_2274, %min3A_2413] : memref<128x200xi32, #tpu.memory_space<vmem>>[vector<16xi32>, vector<16xi32>], vector<16xi32>,
        %lt3A_2415 = arith.cmpi slt, %add3A_2409, %gather3A_2269 : vector<16xi32>
        %jit3A_2416 = arith.constant 0 : i32
        %broadcast_in_dim3A_2417 = vector.broadcast %jit3A_2416 : i32 to vector<16xi32>
        %select_n3A_2418 = arith.select %lt3A_2415, %gather3A_2414, %broadcast_in_dim3A_2417 : vector<16xi1>, vector<16xi32>
        tpu.vector_store_idx %arg7[%broadcast_in_dim3A_2274, %add3A_2409], %select_n3A_2418 : memref<128x200xi32, #tpu.memory_space<vmem>>[vector<16xi32>, vector<16xi32>], vector<16xi32>,
        %add3A_2419 = arith.constant 192 : i32
        %add3A_2420 = vector.broadcast %add3A_2419 : i32 to vector<16xi32>
        %add3A_2421 = arith.addi %iota3A, %add3A_2420 : vector<16xi32>
        %add3A_2422 = arith.addi %gather3A_2265, %add3A_2421 : vector<16xi32>
        %min3A_2423 = arith.constant 199 : i32
        %min3A_2424 = vector.broadcast %min3A_2423 : i32 to vector<16xi32>
        %min3A_2425 = arith.minsi %add3A_2422, %min3A_2424 : vector<16xi32>
        %gather3A_2426 = tpu.vector_load_idx %arg6[%broadcast_in_dim3A_2274, %min3A_2425] : memref<128x200xi32, #tpu.memory_space<vmem>>[vector<16xi32>, vector<16xi32>], vector<16xi32>,
        %lt3A_2427 = arith.cmpi slt, %add3A_2421, %gather3A_2269 : vector<16xi32>
        %jit3A_2428 = arith.constant 0 : i32
        %broadcast_in_dim3A_2429 = vector.broadcast %jit3A_2428 : i32 to vector<16xi32>
        %select_n3A_2430 = arith.select %lt3A_2427, %gather3A_2426, %broadcast_in_dim3A_2429 : vector<16xi1>, vector<16xi32>
        %lt3A_2431 = arith.constant 200 : i32
        %lt3A_2432 = vector.broadcast %lt3A_2431 : i32 to vector<16xi32>
        %lt3A_2433 = arith.cmpi slt, %add3A_2421, %lt3A_2432 : vector<16xi32>
        tpu.vector_store_idx %arg7[%broadcast_in_dim3A_2274, %add3A_2421], %select_n3A_2430 masked %lt3A_2433 : memref<128x200xi32, #tpu.memory_space<vmem>>[vector<16xi32>, vector<16xi32>], vector<16xi32>, vector<16xi1>
        %broadcast_in_dim3A_2434 = arith.constant 14 : i32
        %broadcast_in_dim3A_2435 = vector.broadcast %broadcast_in_dim3A_2434 : i32 to vector<16x1xi32>
        %gather3A_2436 = vector.shape_cast %broadcast_in_dim3A_2435 : vector<16x1xi32> to vector<16xi32>
        %gather3A_2437 = tpu.dynamic_gather %get3A_24[%gather3A_2436] in [0] : vector<16xi32>, vector<16xi32> -> vector<16xi32>
        %broadcast_in_dim3A_2438 = arith.constant 14 : i32
        %broadcast_in_dim3A_2439 = vector.broadcast %broadcast_in_dim3A_2438 : i32 to vector<16x1xi32>
        %gather3A_2440 = vector.shape_cast %broadcast_in_dim3A_2439 : vector<16x1xi32> to vector<16xi32>
        %gather3A_2441 = tpu.dynamic_gather %get3A_31[%gather3A_2440] in [0] : vector<16xi32>, vector<16xi32> -> vector<16xi32>
        %mul3A_2442 = arith.constant 16 : i32
        %mul3A_2443 = arith.muli %scan3A_18, %mul3A_2442 : i32
        %add3A_2444 = arith.constant 14 : i32
        %add3A_2445 = arith.addi %mul3A_2443, %add3A_2444 : i32
        %broadcast_in_dim3A_2446 = vector.broadcast %add3A_2445 : i32 to vector<16xi32>
        %add3A_2447 = arith.constant 0 : i32
        %add3A_2448 = vector.broadcast %add3A_2447 : i32 to vector<16xi32>
        %add3A_2449 = arith.addi %iota3A, %add3A_2448 : vector<16xi32>
        %add3A_2450 = arith.addi %gather3A_2437, %add3A_2449 : vector<16xi32>
        %min3A_2451 = arith.constant 199 : i32
        %min3A_2452 = vector.broadcast %min3A_2451 : i32 to vector<16xi32>
        %min3A_2453 = arith.minsi %add3A_2450, %min3A_2452 : vector<16xi32>
        %gather3A_2454 = tpu.vector_load_idx %arg6[%broadcast_in_dim3A_2446, %min3A_2453] : memref<128x200xi32, #tpu.memory_space<vmem>>[vector<16xi32>, vector<16xi32>], vector<16xi32>,
        %lt3A_2455 = arith.cmpi slt, %add3A_2449, %gather3A_2441 : vector<16xi32>
        %jit3A_2456 = arith.constant 0 : i32
        %broadcast_in_dim3A_2457 = vector.broadcast %jit3A_2456 : i32 to vector<16xi32>
        %select_n3A_2458 = arith.select %lt3A_2455, %gather3A_2454, %broadcast_in_dim3A_2457 : vector<16xi1>, vector<16xi32>
        tpu.vector_store_idx %arg7[%broadcast_in_dim3A_2446, %add3A_2449], %select_n3A_2458 : memref<128x200xi32, #tpu.memory_space<vmem>>[vector<16xi32>, vector<16xi32>], vector<16xi32>,
        %add3A_2459 = arith.constant 16 : i32
        %add3A_2460 = vector.broadcast %add3A_2459 : i32 to vector<16xi32>
        %add3A_2461 = arith.addi %iota3A, %add3A_2460 : vector<16xi32>
        %add3A_2462 = arith.addi %gather3A_2437, %add3A_2461 : vector<16xi32>
        %min3A_2463 = arith.constant 199 : i32
        %min3A_2464 = vector.broadcast %min3A_2463 : i32 to vector<16xi32>
        %min3A_2465 = arith.minsi %add3A_2462, %min3A_2464 : vector<16xi32>
        %gather3A_2466 = tpu.vector_load_idx %arg6[%broadcast_in_dim3A_2446, %min3A_2465] : memref<128x200xi32, #tpu.memory_space<vmem>>[vector<16xi32>, vector<16xi32>], vector<16xi32>,
        %lt3A_2467 = arith.cmpi slt, %add3A_2461, %gather3A_2441 : vector<16xi32>
        %jit3A_2468 = arith.constant 0 : i32
        %broadcast_in_dim3A_2469 = vector.broadcast %jit3A_2468 : i32 to vector<16xi32>
        %select_n3A_2470 = arith.select %lt3A_2467, %gather3A_2466, %broadcast_in_dim3A_2469 : vector<16xi1>, vector<16xi32>
        tpu.vector_store_idx %arg7[%broadcast_in_dim3A_2446, %add3A_2461], %select_n3A_2470 : memref<128x200xi32, #tpu.memory_space<vmem>>[vector<16xi32>, vector<16xi32>], vector<16xi32>,
        %add3A_2471 = arith.constant 32 : i32
        %add3A_2472 = vector.broadcast %add3A_2471 : i32 to vector<16xi32>
        %add3A_2473 = arith.addi %iota3A, %add3A_2472 : vector<16xi32>
        %add3A_2474 = arith.addi %gather3A_2437, %add3A_2473 : vector<16xi32>
        %min3A_2475 = arith.constant 199 : i32
        %min3A_2476 = vector.broadcast %min3A_2475 : i32 to vector<16xi32>
        %min3A_2477 = arith.minsi %add3A_2474, %min3A_2476 : vector<16xi32>
        %gather3A_2478 = tpu.vector_load_idx %arg6[%broadcast_in_dim3A_2446, %min3A_2477] : memref<128x200xi32, #tpu.memory_space<vmem>>[vector<16xi32>, vector<16xi32>], vector<16xi32>,
        %lt3A_2479 = arith.cmpi slt, %add3A_2473, %gather3A_2441 : vector<16xi32>
        %jit3A_2480 = arith.constant 0 : i32
        %broadcast_in_dim3A_2481 = vector.broadcast %jit3A_2480 : i32 to vector<16xi32>
        %select_n3A_2482 = arith.select %lt3A_2479, %gather3A_2478, %broadcast_in_dim3A_2481 : vector<16xi1>, vector<16xi32>
        tpu.vector_store_idx %arg7[%broadcast_in_dim3A_2446, %add3A_2473], %select_n3A_2482 : memref<128x200xi32, #tpu.memory_space<vmem>>[vector<16xi32>, vector<16xi32>], vector<16xi32>,
        %add3A_2483 = arith.constant 48 : i32
        %add3A_2484 = vector.broadcast %add3A_2483 : i32 to vector<16xi32>
        %add3A_2485 = arith.addi %iota3A, %add3A_2484 : vector<16xi32>
        %add3A_2486 = arith.addi %gather3A_2437, %add3A_2485 : vector<16xi32>
        %min3A_2487 = arith.constant 199 : i32
        %min3A_2488 = vector.broadcast %min3A_2487 : i32 to vector<16xi32>
        %min3A_2489 = arith.minsi %add3A_2486, %min3A_2488 : vector<16xi32>
        %gather3A_2490 = tpu.vector_load_idx %arg6[%broadcast_in_dim3A_2446, %min3A_2489] : memref<128x200xi32, #tpu.memory_space<vmem>>[vector<16xi32>, vector<16xi32>], vector<16xi32>,
        %lt3A_2491 = arith.cmpi slt, %add3A_2485, %gather3A_2441 : vector<16xi32>
        %jit3A_2492 = arith.constant 0 : i32
        %broadcast_in_dim3A_2493 = vector.broadcast %jit3A_2492 : i32 to vector<16xi32>
        %select_n3A_2494 = arith.select %lt3A_2491, %gather3A_2490, %broadcast_in_dim3A_2493 : vector<16xi1>, vector<16xi32>
        tpu.vector_store_idx %arg7[%broadcast_in_dim3A_2446, %add3A_2485], %select_n3A_2494 : memref<128x200xi32, #tpu.memory_space<vmem>>[vector<16xi32>, vector<16xi32>], vector<16xi32>,
        %add3A_2495 = arith.constant 64 : i32
        %add3A_2496 = vector.broadcast %add3A_2495 : i32 to vector<16xi32>
        %add3A_2497 = arith.addi %iota3A, %add3A_2496 : vector<16xi32>
        %add3A_2498 = arith.addi %gather3A_2437, %add3A_2497 : vector<16xi32>
        %min3A_2499 = arith.constant 199 : i32
        %min3A_2500 = vector.broadcast %min3A_2499 : i32 to vector<16xi32>
        %min3A_2501 = arith.minsi %add3A_2498, %min3A_2500 : vector<16xi32>
        %gather3A_2502 = tpu.vector_load_idx %arg6[%broadcast_in_dim3A_2446, %min3A_2501] : memref<128x200xi32, #tpu.memory_space<vmem>>[vector<16xi32>, vector<16xi32>], vector<16xi32>,
        %lt3A_2503 = arith.cmpi slt, %add3A_2497, %gather3A_2441 : vector<16xi32>
        %jit3A_2504 = arith.constant 0 : i32
        %broadcast_in_dim3A_2505 = vector.broadcast %jit3A_2504 : i32 to vector<16xi32>
        %select_n3A_2506 = arith.select %lt3A_2503, %gather3A_2502, %broadcast_in_dim3A_2505 : vector<16xi1>, vector<16xi32>
        tpu.vector_store_idx %arg7[%broadcast_in_dim3A_2446, %add3A_2497], %select_n3A_2506 : memref<128x200xi32, #tpu.memory_space<vmem>>[vector<16xi32>, vector<16xi32>], vector<16xi32>,
        %add3A_2507 = arith.constant 80 : i32
        %add3A_2508 = vector.broadcast %add3A_2507 : i32 to vector<16xi32>
        %add3A_2509 = arith.addi %iota3A, %add3A_2508 : vector<16xi32>
        %add3A_2510 = arith.addi %gather3A_2437, %add3A_2509 : vector<16xi32>
        %min3A_2511 = arith.constant 199 : i32
        %min3A_2512 = vector.broadcast %min3A_2511 : i32 to vector<16xi32>
        %min3A_2513 = arith.minsi %add3A_2510, %min3A_2512 : vector<16xi32>
        %gather3A_2514 = tpu.vector_load_idx %arg6[%broadcast_in_dim3A_2446, %min3A_2513] : memref<128x200xi32, #tpu.memory_space<vmem>>[vector<16xi32>, vector<16xi32>], vector<16xi32>,
        %lt3A_2515 = arith.cmpi slt, %add3A_2509, %gather3A_2441 : vector<16xi32>
        %jit3A_2516 = arith.constant 0 : i32
        %broadcast_in_dim3A_2517 = vector.broadcast %jit3A_2516 : i32 to vector<16xi32>
        %select_n3A_2518 = arith.select %lt3A_2515, %gather3A_2514, %broadcast_in_dim3A_2517 : vector<16xi1>, vector<16xi32>
        tpu.vector_store_idx %arg7[%broadcast_in_dim3A_2446, %add3A_2509], %select_n3A_2518 : memref<128x200xi32, #tpu.memory_space<vmem>>[vector<16xi32>, vector<16xi32>], vector<16xi32>,
        %add3A_2519 = arith.constant 96 : i32
        %add3A_2520 = vector.broadcast %add3A_2519 : i32 to vector<16xi32>
        %add3A_2521 = arith.addi %iota3A, %add3A_2520 : vector<16xi32>
        %add3A_2522 = arith.addi %gather3A_2437, %add3A_2521 : vector<16xi32>
        %min3A_2523 = arith.constant 199 : i32
        %min3A_2524 = vector.broadcast %min3A_2523 : i32 to vector<16xi32>
        %min3A_2525 = arith.minsi %add3A_2522, %min3A_2524 : vector<16xi32>
        %gather3A_2526 = tpu.vector_load_idx %arg6[%broadcast_in_dim3A_2446, %min3A_2525] : memref<128x200xi32, #tpu.memory_space<vmem>>[vector<16xi32>, vector<16xi32>], vector<16xi32>,
        %lt3A_2527 = arith.cmpi slt, %add3A_2521, %gather3A_2441 : vector<16xi32>
        %jit3A_2528 = arith.constant 0 : i32
        %broadcast_in_dim3A_2529 = vector.broadcast %jit3A_2528 : i32 to vector<16xi32>
        %select_n3A_2530 = arith.select %lt3A_2527, %gather3A_2526, %broadcast_in_dim3A_2529 : vector<16xi1>, vector<16xi32>
        tpu.vector_store_idx %arg7[%broadcast_in_dim3A_2446, %add3A_2521], %select_n3A_2530 : memref<128x200xi32, #tpu.memory_space<vmem>>[vector<16xi32>, vector<16xi32>], vector<16xi32>,
        %add3A_2531 = arith.constant 112 : i32
        %add3A_2532 = vector.broadcast %add3A_2531 : i32 to vector<16xi32>
        %add3A_2533 = arith.addi %iota3A, %add3A_2532 : vector<16xi32>
        %add3A_2534 = arith.addi %gather3A_2437, %add3A_2533 : vector<16xi32>
        %min3A_2535 = arith.constant 199 : i32
        %min3A_2536 = vector.broadcast %min3A_2535 : i32 to vector<16xi32>
        %min3A_2537 = arith.minsi %add3A_2534, %min3A_2536 : vector<16xi32>
        %gather3A_2538 = tpu.vector_load_idx %arg6[%broadcast_in_dim3A_2446, %min3A_2537] : memref<128x200xi32, #tpu.memory_space<vmem>>[vector<16xi32>, vector<16xi32>], vector<16xi32>,
        %lt3A_2539 = arith.cmpi slt, %add3A_2533, %gather3A_2441 : vector<16xi32>
        %jit3A_2540 = arith.constant 0 : i32
        %broadcast_in_dim3A_2541 = vector.broadcast %jit3A_2540 : i32 to vector<16xi32>
        %select_n3A_2542 = arith.select %lt3A_2539, %gather3A_2538, %broadcast_in_dim3A_2541 : vector<16xi1>, vector<16xi32>
        tpu.vector_store_idx %arg7[%broadcast_in_dim3A_2446, %add3A_2533], %select_n3A_2542 : memref<128x200xi32, #tpu.memory_space<vmem>>[vector<16xi32>, vector<16xi32>], vector<16xi32>,
        %add3A_2543 = arith.constant 128 : i32
        %add3A_2544 = vector.broadcast %add3A_2543 : i32 to vector<16xi32>
        %add3A_2545 = arith.addi %iota3A, %add3A_2544 : vector<16xi32>
        %add3A_2546 = arith.addi %gather3A_2437, %add3A_2545 : vector<16xi32>
        %min3A_2547 = arith.constant 199 : i32
        %min3A_2548 = vector.broadcast %min3A_2547 : i32 to vector<16xi32>
        %min3A_2549 = arith.minsi %add3A_2546, %min3A_2548 : vector<16xi32>
        %gather3A_2550 = tpu.vector_load_idx %arg6[%broadcast_in_dim3A_2446, %min3A_2549] : memref<128x200xi32, #tpu.memory_space<vmem>>[vector<16xi32>, vector<16xi32>], vector<16xi32>,
        %lt3A_2551 = arith.cmpi slt, %add3A_2545, %gather3A_2441 : vector<16xi32>
        %jit3A_2552 = arith.constant 0 : i32
        %broadcast_in_dim3A_2553 = vector.broadcast %jit3A_2552 : i32 to vector<16xi32>
        %select_n3A_2554 = arith.select %lt3A_2551, %gather3A_2550, %broadcast_in_dim3A_2553 : vector<16xi1>, vector<16xi32>
        tpu.vector_store_idx %arg7[%broadcast_in_dim3A_2446, %add3A_2545], %select_n3A_2554 : memref<128x200xi32, #tpu.memory_space<vmem>>[vector<16xi32>, vector<16xi32>], vector<16xi32>,
        %add3A_2555 = arith.constant 144 : i32
        %add3A_2556 = vector.broadcast %add3A_2555 : i32 to vector<16xi32>
        %add3A_2557 = arith.addi %iota3A, %add3A_2556 : vector<16xi32>
        %add3A_2558 = arith.addi %gather3A_2437, %add3A_2557 : vector<16xi32>
        %min3A_2559 = arith.constant 199 : i32
        %min3A_2560 = vector.broadcast %min3A_2559 : i32 to vector<16xi32>
        %min3A_2561 = arith.minsi %add3A_2558, %min3A_2560 : vector<16xi32>
        %gather3A_2562 = tpu.vector_load_idx %arg6[%broadcast_in_dim3A_2446, %min3A_2561] : memref<128x200xi32, #tpu.memory_space<vmem>>[vector<16xi32>, vector<16xi32>], vector<16xi32>,
        %lt3A_2563 = arith.cmpi slt, %add3A_2557, %gather3A_2441 : vector<16xi32>
        %jit3A_2564 = arith.constant 0 : i32
        %broadcast_in_dim3A_2565 = vector.broadcast %jit3A_2564 : i32 to vector<16xi32>
        %select_n3A_2566 = arith.select %lt3A_2563, %gather3A_2562, %broadcast_in_dim3A_2565 : vector<16xi1>, vector<16xi32>
        tpu.vector_store_idx %arg7[%broadcast_in_dim3A_2446, %add3A_2557], %select_n3A_2566 : memref<128x200xi32, #tpu.memory_space<vmem>>[vector<16xi32>, vector<16xi32>], vector<16xi32>,
        %add3A_2567 = arith.constant 160 : i32
        %add3A_2568 = vector.broadcast %add3A_2567 : i32 to vector<16xi32>
        %add3A_2569 = arith.addi %iota3A, %add3A_2568 : vector<16xi32>
        %add3A_2570 = arith.addi %gather3A_2437, %add3A_2569 : vector<16xi32>
        %min3A_2571 = arith.constant 199 : i32
        %min3A_2572 = vector.broadcast %min3A_2571 : i32 to vector<16xi32>
        %min3A_2573 = arith.minsi %add3A_2570, %min3A_2572 : vector<16xi32>
        %gather3A_2574 = tpu.vector_load_idx %arg6[%broadcast_in_dim3A_2446, %min3A_2573] : memref<128x200xi32, #tpu.memory_space<vmem>>[vector<16xi32>, vector<16xi32>], vector<16xi32>,
        %lt3A_2575 = arith.cmpi slt, %add3A_2569, %gather3A_2441 : vector<16xi32>
        %jit3A_2576 = arith.constant 0 : i32
        %broadcast_in_dim3A_2577 = vector.broadcast %jit3A_2576 : i32 to vector<16xi32>
        %select_n3A_2578 = arith.select %lt3A_2575, %gather3A_2574, %broadcast_in_dim3A_2577 : vector<16xi1>, vector<16xi32>
        tpu.vector_store_idx %arg7[%broadcast_in_dim3A_2446, %add3A_2569], %select_n3A_2578 : memref<128x200xi32, #tpu.memory_space<vmem>>[vector<16xi32>, vector<16xi32>], vector<16xi32>,
        %add3A_2579 = arith.constant 176 : i32
        %add3A_2580 = vector.broadcast %add3A_2579 : i32 to vector<16xi32>
        %add3A_2581 = arith.addi %iota3A, %add3A_2580 : vector<16xi32>
        %add3A_2582 = arith.addi %gather3A_2437, %add3A_2581 : vector<16xi32>
        %min3A_2583 = arith.constant 199 : i32
        %min3A_2584 = vector.broadcast %min3A_2583 : i32 to vector<16xi32>
        %min3A_2585 = arith.minsi %add3A_2582, %min3A_2584 : vector<16xi32>
        %gather3A_2586 = tpu.vector_load_idx %arg6[%broadcast_in_dim3A_2446, %min3A_2585] : memref<128x200xi32, #tpu.memory_space<vmem>>[vector<16xi32>, vector<16xi32>], vector<16xi32>,
        %lt3A_2587 = arith.cmpi slt, %add3A_2581, %gather3A_2441 : vector<16xi32>
        %jit3A_2588 = arith.constant 0 : i32
        %broadcast_in_dim3A_2589 = vector.broadcast %jit3A_2588 : i32 to vector<16xi32>
        %select_n3A_2590 = arith.select %lt3A_2587, %gather3A_2586, %broadcast_in_dim3A_2589 : vector<16xi1>, vector<16xi32>
        tpu.vector_store_idx %arg7[%broadcast_in_dim3A_2446, %add3A_2581], %select_n3A_2590 : memref<128x200xi32, #tpu.memory_space<vmem>>[vector<16xi32>, vector<16xi32>], vector<16xi32>,
        %add3A_2591 = arith.constant 192 : i32
        %add3A_2592 = vector.broadcast %add3A_2591 : i32 to vector<16xi32>
        %add3A_2593 = arith.addi %iota3A, %add3A_2592 : vector<16xi32>
        %add3A_2594 = arith.addi %gather3A_2437, %add3A_2593 : vector<16xi32>
        %min3A_2595 = arith.constant 199 : i32
        %min3A_2596 = vector.broadcast %min3A_2595 : i32 to vector<16xi32>
        %min3A_2597 = arith.minsi %add3A_2594, %min3A_2596 : vector<16xi32>
        %gather3A_2598 = tpu.vector_load_idx %arg6[%broadcast_in_dim3A_2446, %min3A_2597] : memref<128x200xi32, #tpu.memory_space<vmem>>[vector<16xi32>, vector<16xi32>], vector<16xi32>,
        %lt3A_2599 = arith.cmpi slt, %add3A_2593, %gather3A_2441 : vector<16xi32>
        %jit3A_2600 = arith.constant 0 : i32
        %broadcast_in_dim3A_2601 = vector.broadcast %jit3A_2600 : i32 to vector<16xi32>
        %select_n3A_2602 = arith.select %lt3A_2599, %gather3A_2598, %broadcast_in_dim3A_2601 : vector<16xi1>, vector<16xi32>
        %lt3A_2603 = arith.constant 200 : i32
        %lt3A_2604 = vector.broadcast %lt3A_2603 : i32 to vector<16xi32>
        %lt3A_2605 = arith.cmpi slt, %add3A_2593, %lt3A_2604 : vector<16xi32>
        tpu.vector_store_idx %arg7[%broadcast_in_dim3A_2446, %add3A_2593], %select_n3A_2602 masked %lt3A_2605 : memref<128x200xi32, #tpu.memory_space<vmem>>[vector<16xi32>, vector<16xi32>], vector<16xi32>, vector<16xi1>
        %broadcast_in_dim3A_2606 = arith.constant 15 : i32
        %broadcast_in_dim3A_2607 = vector.broadcast %broadcast_in_dim3A_2606 : i32 to vector<16x1xi32>
        %gather3A_2608 = vector.shape_cast %broadcast_in_dim3A_2607 : vector<16x1xi32> to vector<16xi32>
        %gather3A_2609 = tpu.dynamic_gather %get3A_24[%gather3A_2608] in [0] : vector<16xi32>, vector<16xi32> -> vector<16xi32>
        %broadcast_in_dim3A_2610 = arith.constant 15 : i32
        %broadcast_in_dim3A_2611 = vector.broadcast %broadcast_in_dim3A_2610 : i32 to vector<16x1xi32>
        %gather3A_2612 = vector.shape_cast %broadcast_in_dim3A_2611 : vector<16x1xi32> to vector<16xi32>
        %gather3A_2613 = tpu.dynamic_gather %get3A_31[%gather3A_2612] in [0] : vector<16xi32>, vector<16xi32> -> vector<16xi32>
        %mul3A_2614 = arith.constant 16 : i32
        %mul3A_2615 = arith.muli %scan3A_18, %mul3A_2614 : i32
        %add3A_2616 = arith.constant 15 : i32
        %add3A_2617 = arith.addi %mul3A_2615, %add3A_2616 : i32
        %broadcast_in_dim3A_2618 = vector.broadcast %add3A_2617 : i32 to vector<16xi32>
        %add3A_2619 = arith.constant 0 : i32
        %add3A_2620 = vector.broadcast %add3A_2619 : i32 to vector<16xi32>
        %add3A_2621 = arith.addi %iota3A, %add3A_2620 : vector<16xi32>
        %add3A_2622 = arith.addi %gather3A_2609, %add3A_2621 : vector<16xi32>
        %min3A_2623 = arith.constant 199 : i32
        %min3A_2624 = vector.broadcast %min3A_2623 : i32 to vector<16xi32>
        %min3A_2625 = arith.minsi %add3A_2622, %min3A_2624 : vector<16xi32>
        %gather3A_2626 = tpu.vector_load_idx %arg6[%broadcast_in_dim3A_2618, %min3A_2625] : memref<128x200xi32, #tpu.memory_space<vmem>>[vector<16xi32>, vector<16xi32>], vector<16xi32>,
        %lt3A_2627 = arith.cmpi slt, %add3A_2621, %gather3A_2613 : vector<16xi32>
        %jit3A_2628 = arith.constant 0 : i32
        %broadcast_in_dim3A_2629 = vector.broadcast %jit3A_2628 : i32 to vector<16xi32>
        %select_n3A_2630 = arith.select %lt3A_2627, %gather3A_2626, %broadcast_in_dim3A_2629 : vector<16xi1>, vector<16xi32>
        tpu.vector_store_idx %arg7[%broadcast_in_dim3A_2618, %add3A_2621], %select_n3A_2630 : memref<128x200xi32, #tpu.memory_space<vmem>>[vector<16xi32>, vector<16xi32>], vector<16xi32>,
        %add3A_2631 = arith.constant 16 : i32
        %add3A_2632 = vector.broadcast %add3A_2631 : i32 to vector<16xi32>
        %add3A_2633 = arith.addi %iota3A, %add3A_2632 : vector<16xi32>
        %add3A_2634 = arith.addi %gather3A_2609, %add3A_2633 : vector<16xi32>
        %min3A_2635 = arith.constant 199 : i32
        %min3A_2636 = vector.broadcast %min3A_2635 : i32 to vector<16xi32>
        %min3A_2637 = arith.minsi %add3A_2634, %min3A_2636 : vector<16xi32>
        %gather3A_2638 = tpu.vector_load_idx %arg6[%broadcast_in_dim3A_2618, %min3A_2637] : memref<128x200xi32, #tpu.memory_space<vmem>>[vector<16xi32>, vector<16xi32>], vector<16xi32>,
        %lt3A_2639 = arith.cmpi slt, %add3A_2633, %gather3A_2613 : vector<16xi32>
        %jit3A_2640 = arith.constant 0 : i32
        %broadcast_in_dim3A_2641 = vector.broadcast %jit3A_2640 : i32 to vector<16xi32>
        %select_n3A_2642 = arith.select %lt3A_2639, %gather3A_2638, %broadcast_in_dim3A_2641 : vector<16xi1>, vector<16xi32>
        tpu.vector_store_idx %arg7[%broadcast_in_dim3A_2618, %add3A_2633], %select_n3A_2642 : memref<128x200xi32, #tpu.memory_space<vmem>>[vector<16xi32>, vector<16xi32>], vector<16xi32>,
        %add3A_2643 = arith.constant 32 : i32
        %add3A_2644 = vector.broadcast %add3A_2643 : i32 to vector<16xi32>
        %add3A_2645 = arith.addi %iota3A, %add3A_2644 : vector<16xi32>
        %add3A_2646 = arith.addi %gather3A_2609, %add3A_2645 : vector<16xi32>
        %min3A_2647 = arith.constant 199 : i32
        %min3A_2648 = vector.broadcast %min3A_2647 : i32 to vector<16xi32>
        %min3A_2649 = arith.minsi %add3A_2646, %min3A_2648 : vector<16xi32>
        %gather3A_2650 = tpu.vector_load_idx %arg6[%broadcast_in_dim3A_2618, %min3A_2649] : memref<128x200xi32, #tpu.memory_space<vmem>>[vector<16xi32>, vector<16xi32>], vector<16xi32>,
        %lt3A_2651 = arith.cmpi slt, %add3A_2645, %gather3A_2613 : vector<16xi32>
        %jit3A_2652 = arith.constant 0 : i32
        %broadcast_in_dim3A_2653 = vector.broadcast %jit3A_2652 : i32 to vector<16xi32>
        %select_n3A_2654 = arith.select %lt3A_2651, %gather3A_2650, %broadcast_in_dim3A_2653 : vector<16xi1>, vector<16xi32>
        tpu.vector_store_idx %arg7[%broadcast_in_dim3A_2618, %add3A_2645], %select_n3A_2654 : memref<128x200xi32, #tpu.memory_space<vmem>>[vector<16xi32>, vector<16xi32>], vector<16xi32>,
        %add3A_2655 = arith.constant 48 : i32
        %add3A_2656 = vector.broadcast %add3A_2655 : i32 to vector<16xi32>
        %add3A_2657 = arith.addi %iota3A, %add3A_2656 : vector<16xi32>
        %add3A_2658 = arith.addi %gather3A_2609, %add3A_2657 : vector<16xi32>
        %min3A_2659 = arith.constant 199 : i32
        %min3A_2660 = vector.broadcast %min3A_2659 : i32 to vector<16xi32>
        %min3A_2661 = arith.minsi %add3A_2658, %min3A_2660 : vector<16xi32>
        %gather3A_2662 = tpu.vector_load_idx %arg6[%broadcast_in_dim3A_2618, %min3A_2661] : memref<128x200xi32, #tpu.memory_space<vmem>>[vector<16xi32>, vector<16xi32>], vector<16xi32>,
        %lt3A_2663 = arith.cmpi slt, %add3A_2657, %gather3A_2613 : vector<16xi32>
        %jit3A_2664 = arith.constant 0 : i32
        %broadcast_in_dim3A_2665 = vector.broadcast %jit3A_2664 : i32 to vector<16xi32>
        %select_n3A_2666 = arith.select %lt3A_2663, %gather3A_2662, %broadcast_in_dim3A_2665 : vector<16xi1>, vector<16xi32>
        tpu.vector_store_idx %arg7[%broadcast_in_dim3A_2618, %add3A_2657], %select_n3A_2666 : memref<128x200xi32, #tpu.memory_space<vmem>>[vector<16xi32>, vector<16xi32>], vector<16xi32>,
        %add3A_2667 = arith.constant 64 : i32
        %add3A_2668 = vector.broadcast %add3A_2667 : i32 to vector<16xi32>
        %add3A_2669 = arith.addi %iota3A, %add3A_2668 : vector<16xi32>
        %add3A_2670 = arith.addi %gather3A_2609, %add3A_2669 : vector<16xi32>
        %min3A_2671 = arith.constant 199 : i32
        %min3A_2672 = vector.broadcast %min3A_2671 : i32 to vector<16xi32>
        %min3A_2673 = arith.minsi %add3A_2670, %min3A_2672 : vector<16xi32>
        %gather3A_2674 = tpu.vector_load_idx %arg6[%broadcast_in_dim3A_2618, %min3A_2673] : memref<128x200xi32, #tpu.memory_space<vmem>>[vector<16xi32>, vector<16xi32>], vector<16xi32>,
        %lt3A_2675 = arith.cmpi slt, %add3A_2669, %gather3A_2613 : vector<16xi32>
        %jit3A_2676 = arith.constant 0 : i32
        %broadcast_in_dim3A_2677 = vector.broadcast %jit3A_2676 : i32 to vector<16xi32>
        %select_n3A_2678 = arith.select %lt3A_2675, %gather3A_2674, %broadcast_in_dim3A_2677 : vector<16xi1>, vector<16xi32>
        tpu.vector_store_idx %arg7[%broadcast_in_dim3A_2618, %add3A_2669], %select_n3A_2678 : memref<128x200xi32, #tpu.memory_space<vmem>>[vector<16xi32>, vector<16xi32>], vector<16xi32>,
        %add3A_2679 = arith.constant 80 : i32
        %add3A_2680 = vector.broadcast %add3A_2679 : i32 to vector<16xi32>
        %add3A_2681 = arith.addi %iota3A, %add3A_2680 : vector<16xi32>
        %add3A_2682 = arith.addi %gather3A_2609, %add3A_2681 : vector<16xi32>
        %min3A_2683 = arith.constant 199 : i32
        %min3A_2684 = vector.broadcast %min3A_2683 : i32 to vector<16xi32>
        %min3A_2685 = arith.minsi %add3A_2682, %min3A_2684 : vector<16xi32>
        %gather3A_2686 = tpu.vector_load_idx %arg6[%broadcast_in_dim3A_2618, %min3A_2685] : memref<128x200xi32, #tpu.memory_space<vmem>>[vector<16xi32>, vector<16xi32>], vector<16xi32>,
        %lt3A_2687 = arith.cmpi slt, %add3A_2681, %gather3A_2613 : vector<16xi32>
        %jit3A_2688 = arith.constant 0 : i32
        %broadcast_in_dim3A_2689 = vector.broadcast %jit3A_2688 : i32 to vector<16xi32>
        %select_n3A_2690 = arith.select %lt3A_2687, %gather3A_2686, %broadcast_in_dim3A_2689 : vector<16xi1>, vector<16xi32>
        tpu.vector_store_idx %arg7[%broadcast_in_dim3A_2618, %add3A_2681], %select_n3A_2690 : memref<128x200xi32, #tpu.memory_space<vmem>>[vector<16xi32>, vector<16xi32>], vector<16xi32>,
        %add3A_2691 = arith.constant 96 : i32
        %add3A_2692 = vector.broadcast %add3A_2691 : i32 to vector<16xi32>
        %add3A_2693 = arith.addi %iota3A, %add3A_2692 : vector<16xi32>
        %add3A_2694 = arith.addi %gather3A_2609, %add3A_2693 : vector<16xi32>
        %min3A_2695 = arith.constant 199 : i32
        %min3A_2696 = vector.broadcast %min3A_2695 : i32 to vector<16xi32>
        %min3A_2697 = arith.minsi %add3A_2694, %min3A_2696 : vector<16xi32>
        %gather3A_2698 = tpu.vector_load_idx %arg6[%broadcast_in_dim3A_2618, %min3A_2697] : memref<128x200xi32, #tpu.memory_space<vmem>>[vector<16xi32>, vector<16xi32>], vector<16xi32>,
        %lt3A_2699 = arith.cmpi slt, %add3A_2693, %gather3A_2613 : vector<16xi32>
        %jit3A_2700 = arith.constant 0 : i32
        %broadcast_in_dim3A_2701 = vector.broadcast %jit3A_2700 : i32 to vector<16xi32>
        %select_n3A_2702 = arith.select %lt3A_2699, %gather3A_2698, %broadcast_in_dim3A_2701 : vector<16xi1>, vector<16xi32>
        tpu.vector_store_idx %arg7[%broadcast_in_dim3A_2618, %add3A_2693], %select_n3A_2702 : memref<128x200xi32, #tpu.memory_space<vmem>>[vector<16xi32>, vector<16xi32>], vector<16xi32>,
        %add3A_2703 = arith.constant 112 : i32
        %add3A_2704 = vector.broadcast %add3A_2703 : i32 to vector<16xi32>
        %add3A_2705 = arith.addi %iota3A, %add3A_2704 : vector<16xi32>
        %add3A_2706 = arith.addi %gather3A_2609, %add3A_2705 : vector<16xi32>
        %min3A_2707 = arith.constant 199 : i32
        %min3A_2708 = vector.broadcast %min3A_2707 : i32 to vector<16xi32>
        %min3A_2709 = arith.minsi %add3A_2706, %min3A_2708 : vector<16xi32>
        %gather3A_2710 = tpu.vector_load_idx %arg6[%broadcast_in_dim3A_2618, %min3A_2709] : memref<128x200xi32, #tpu.memory_space<vmem>>[vector<16xi32>, vector<16xi32>], vector<16xi32>,
        %lt3A_2711 = arith.cmpi slt, %add3A_2705, %gather3A_2613 : vector<16xi32>
        %jit3A_2712 = arith.constant 0 : i32
        %broadcast_in_dim3A_2713 = vector.broadcast %jit3A_2712 : i32 to vector<16xi32>
        %select_n3A_2714 = arith.select %lt3A_2711, %gather3A_2710, %broadcast_in_dim3A_2713 : vector<16xi1>, vector<16xi32>
        tpu.vector_store_idx %arg7[%broadcast_in_dim3A_2618, %add3A_2705], %select_n3A_2714 : memref<128x200xi32, #tpu.memory_space<vmem>>[vector<16xi32>, vector<16xi32>], vector<16xi32>,
        %add3A_2715 = arith.constant 128 : i32
        %add3A_2716 = vector.broadcast %add3A_2715 : i32 to vector<16xi32>
        %add3A_2717 = arith.addi %iota3A, %add3A_2716 : vector<16xi32>
        %add3A_2718 = arith.addi %gather3A_2609, %add3A_2717 : vector<16xi32>
        %min3A_2719 = arith.constant 199 : i32
        %min3A_2720 = vector.broadcast %min3A_2719 : i32 to vector<16xi32>
        %min3A_2721 = arith.minsi %add3A_2718, %min3A_2720 : vector<16xi32>
        %gather3A_2722 = tpu.vector_load_idx %arg6[%broadcast_in_dim3A_2618, %min3A_2721] : memref<128x200xi32, #tpu.memory_space<vmem>>[vector<16xi32>, vector<16xi32>], vector<16xi32>,
        %lt3A_2723 = arith.cmpi slt, %add3A_2717, %gather3A_2613 : vector<16xi32>
        %jit3A_2724 = arith.constant 0 : i32
        %broadcast_in_dim3A_2725 = vector.broadcast %jit3A_2724 : i32 to vector<16xi32>
        %select_n3A_2726 = arith.select %lt3A_2723, %gather3A_2722, %broadcast_in_dim3A_2725 : vector<16xi1>, vector<16xi32>
        tpu.vector_store_idx %arg7[%broadcast_in_dim3A_2618, %add3A_2717], %select_n3A_2726 : memref<128x200xi32, #tpu.memory_space<vmem>>[vector<16xi32>, vector<16xi32>], vector<16xi32>,
        %add3A_2727 = arith.constant 144 : i32
        %add3A_2728 = vector.broadcast %add3A_2727 : i32 to vector<16xi32>
        %add3A_2729 = arith.addi %iota3A, %add3A_2728 : vector<16xi32>
        %add3A_2730 = arith.addi %gather3A_2609, %add3A_2729 : vector<16xi32>
        %min3A_2731 = arith.constant 199 : i32
        %min3A_2732 = vector.broadcast %min3A_2731 : i32 to vector<16xi32>
        %min3A_2733 = arith.minsi %add3A_2730, %min3A_2732 : vector<16xi32>
        %gather3A_2734 = tpu.vector_load_idx %arg6[%broadcast_in_dim3A_2618, %min3A_2733] : memref<128x200xi32, #tpu.memory_space<vmem>>[vector<16xi32>, vector<16xi32>], vector<16xi32>,
        %lt3A_2735 = arith.cmpi slt, %add3A_2729, %gather3A_2613 : vector<16xi32>
        %jit3A_2736 = arith.constant 0 : i32
        %broadcast_in_dim3A_2737 = vector.broadcast %jit3A_2736 : i32 to vector<16xi32>
        %select_n3A_2738 = arith.select %lt3A_2735, %gather3A_2734, %broadcast_in_dim3A_2737 : vector<16xi1>, vector<16xi32>
        tpu.vector_store_idx %arg7[%broadcast_in_dim3A_2618, %add3A_2729], %select_n3A_2738 : memref<128x200xi32, #tpu.memory_space<vmem>>[vector<16xi32>, vector<16xi32>], vector<16xi32>,
        %add3A_2739 = arith.constant 160 : i32
        %add3A_2740 = vector.broadcast %add3A_2739 : i32 to vector<16xi32>
        %add3A_2741 = arith.addi %iota3A, %add3A_2740 : vector<16xi32>
        %add3A_2742 = arith.addi %gather3A_2609, %add3A_2741 : vector<16xi32>
        %min3A_2743 = arith.constant 199 : i32
        %min3A_2744 = vector.broadcast %min3A_2743 : i32 to vector<16xi32>
        %min3A_2745 = arith.minsi %add3A_2742, %min3A_2744 : vector<16xi32>
        %gather3A_2746 = tpu.vector_load_idx %arg6[%broadcast_in_dim3A_2618, %min3A_2745] : memref<128x200xi32, #tpu.memory_space<vmem>>[vector<16xi32>, vector<16xi32>], vector<16xi32>,
        %lt3A_2747 = arith.cmpi slt, %add3A_2741, %gather3A_2613 : vector<16xi32>
        %jit3A_2748 = arith.constant 0 : i32
        %broadcast_in_dim3A_2749 = vector.broadcast %jit3A_2748 : i32 to vector<16xi32>
        %select_n3A_2750 = arith.select %lt3A_2747, %gather3A_2746, %broadcast_in_dim3A_2749 : vector<16xi1>, vector<16xi32>
        tpu.vector_store_idx %arg7[%broadcast_in_dim3A_2618, %add3A_2741], %select_n3A_2750 : memref<128x200xi32, #tpu.memory_space<vmem>>[vector<16xi32>, vector<16xi32>], vector<16xi32>,
        %add3A_2751 = arith.constant 176 : i32
        %add3A_2752 = vector.broadcast %add3A_2751 : i32 to vector<16xi32>
        %add3A_2753 = arith.addi %iota3A, %add3A_2752 : vector<16xi32>
        %add3A_2754 = arith.addi %gather3A_2609, %add3A_2753 : vector<16xi32>
        %min3A_2755 = arith.constant 199 : i32
        %min3A_2756 = vector.broadcast %min3A_2755 : i32 to vector<16xi32>
        %min3A_2757 = arith.minsi %add3A_2754, %min3A_2756 : vector<16xi32>
        %gather3A_2758 = tpu.vector_load_idx %arg6[%broadcast_in_dim3A_2618, %min3A_2757] : memref<128x200xi32, #tpu.memory_space<vmem>>[vector<16xi32>, vector<16xi32>], vector<16xi32>,
        %lt3A_2759 = arith.cmpi slt, %add3A_2753, %gather3A_2613 : vector<16xi32>
        %jit3A_2760 = arith.constant 0 : i32
        %broadcast_in_dim3A_2761 = vector.broadcast %jit3A_2760 : i32 to vector<16xi32>
        %select_n3A_2762 = arith.select %lt3A_2759, %gather3A_2758, %broadcast_in_dim3A_2761 : vector<16xi1>, vector<16xi32>
        tpu.vector_store_idx %arg7[%broadcast_in_dim3A_2618, %add3A_2753], %select_n3A_2762 : memref<128x200xi32, #tpu.memory_space<vmem>>[vector<16xi32>, vector<16xi32>], vector<16xi32>,
        %add3A_2763 = arith.constant 192 : i32
        %add3A_2764 = vector.broadcast %add3A_2763 : i32 to vector<16xi32>
        %add3A_2765 = arith.addi %iota3A, %add3A_2764 : vector<16xi32>
        %add3A_2766 = arith.addi %gather3A_2609, %add3A_2765 : vector<16xi32>
        %min3A_2767 = arith.constant 199 : i32
        %min3A_2768 = vector.broadcast %min3A_2767 : i32 to vector<16xi32>
        %min3A_2769 = arith.minsi %add3A_2766, %min3A_2768 : vector<16xi32>
        %gather3A_2770 = tpu.vector_load_idx %arg6[%broadcast_in_dim3A_2618, %min3A_2769] : memref<128x200xi32, #tpu.memory_space<vmem>>[vector<16xi32>, vector<16xi32>], vector<16xi32>,
        %lt3A_2771 = arith.cmpi slt, %add3A_2765, %gather3A_2613 : vector<16xi32>
        %jit3A_2772 = arith.constant 0 : i32
        %broadcast_in_dim3A_2773 = vector.broadcast %jit3A_2772 : i32 to vector<16xi32>
        %select_n3A_2774 = arith.select %lt3A_2771, %gather3A_2770, %broadcast_in_dim3A_2773 : vector<16xi1>, vector<16xi32>
        %lt3A_2775 = arith.constant 200 : i32
        %lt3A_2776 = vector.broadcast %lt3A_2775 : i32 to vector<16xi32>
        %lt3A_2777 = arith.cmpi slt, %add3A_2765, %lt3A_2776 : vector<16xi32>
        tpu.vector_store_idx %arg7[%broadcast_in_dim3A_2618, %add3A_2765], %select_n3A_2774 masked %lt3A_2777 : memref<128x200xi32, #tpu.memory_space<vmem>>[vector<16xi32>, vector<16xi32>], vector<16xi32>, vector<16xi1>
      }
      %scan3A_17 = arith.constant 8 : i32
      "tpu.region"() ({
        %run_scoped3A = tpu.sem_alloc : memref<!tpu.dma_semaphore, #tpu.memory_space<semaphore_mem>>
        %dma_start3A = arith.constant 0 : i32
        %dma_start3A_18 = tpu.memref_slice %arg5[%add3A_11, %dma_start3A] : memref<16384x200xi32, #tpu.memory_space<hbm>> -> memref<128x200xi32, #tpu.memory_space<hbm>>
        %dma_start3A_19 = arith.constant 0 : i32
        %dma_start3A_20 = tpu.memref_slice %arg5[%add3A_11, %dma_start3A_19] : memref<16384x200xi32, #tpu.memory_space<hbm>> -> memref<128x200xi32, #tpu.memory_space<hbm>>
        tpu.enqueue_dma source(%arg7 : memref<128x200xi32, #tpu.memory_space<vmem>>) target(%dma_start3A_20 : memref<128x200xi32, #tpu.memory_space<hbm>>) target_semaphore(%run_scoped3A : memref<!tpu.dma_semaphore, #tpu.memory_space<semaphore_mem>>)
        %dma_wait3A = arith.constant 0 : i32
        %dma_wait3A_21 = tpu.memref_slice %arg5[%add3A_11, %dma_wait3A] : memref<16384x200xi32, #tpu.memory_space<hbm>> -> memref<128x200xi32, #tpu.memory_space<hbm>>
        %dma_wait3A_22 = arith.constant 0 : i32
        %dma_wait3A_23 = tpu.memref_slice %arg5[%add3A_11, %dma_wait3A_22] : memref<16384x200xi32, #tpu.memory_space<hbm>> -> memref<128x200xi32, #tpu.memory_space<hbm>>
        tpu.wait_dma2 semaphore(%run_scoped3A : memref<!tpu.dma_semaphore, #tpu.memory_space<semaphore_mem>>) src(%arg7 : memref<128x200xi32, #tpu.memory_space<vmem>>) dst(%dma_wait3A_23 : memref<128x200xi32, #tpu.memory_space<hbm>>)
        tpu.yield
      }) : () -> ()
    }
    %scan3A_7 = arith.constant 4 : i32
    return
  }
}

module attributes {stable_mosaic.version = 14 : i64} {
  func.func @_aug_body(%arg0: i32, %arg1: memref<200x1024xi32, #tpu.memory_space<vmem>>, %arg2: memref<1x1024xi32, #tpu.memory_space<vmem>>, %arg3: memref<200x1024xf32, #tpu.memory_space<vmem>>, %arg4: memref<1x1024xf32, #tpu.memory_space<vmem>>, %arg5: memref<1x1024xf32, #tpu.memory_space<vmem>>, %arg6: memref<8x1024xf32, #tpu.memory_space<vmem>>, %arg7: memref<1x1024xf32, #tpu.memory_space<vmem>>, %arg8: memref<200x1024xi32, #tpu.memory_space<vmem>>, %arg9: memref<200x1024xi32, #tpu.memory_space<vmem>>) attributes {dimension_semantics = [#tpu.dimension_semantics<parallel>], iteration_bounds = array<i64: 16>, scalar_prefetch = 0 : i64, scratch_operands = 0 : i64, tpu.core_type = #tpu.core_type<tc>, window_params = [{transform_indices = @transform_0, window_bounds = array<i64: 200, 1024>}, {transform_indices = @transform_1, window_bounds = array<i64: 1, 1024>}, {transform_indices = @transform_2, window_bounds = array<i64: 200, 1024>}, {transform_indices = @transform_3, window_bounds = array<i64: 1, 1024>}, {transform_indices = @transform_4, window_bounds = array<i64: 1, 1024>}, {transform_indices = @transform_5, window_bounds = array<i64: 8, 1024>}, {transform_indices = @transform_6, window_bounds = array<i64: 1, 1024>}, {transform_indices = @transform_7, window_bounds = array<i64: 200, 1024>}, {transform_indices = @transform_8, window_bounds = array<i64: 200, 1024>}]} {
    %get3A = arith.constant 0 : index
    %get3A_0 = arith.constant 0 : index
    %get3A_1 = vector.load %arg1[%get3A, %get3A_0] : memref<200x1024xi32, #tpu.memory_space<vmem>>, vector<200x1024xi32>
    %get3A_2 = arith.constant 0 : index
    %get3A_3 = arith.constant 0 : index
    %get3A_4 = vector.load %arg2[%get3A_2, %get3A_3] : memref<1x1024xi32, #tpu.memory_space<vmem>>, vector<1x1024xi32>
    %iota3A = tpu.iota {dimensions = array<i32: 0>} : vector<200x1024xi32>
    %broadcast_in_dim3A = arith.constant 0 : i32
    %broadcast_in_dim3A_5 = vector.broadcast %broadcast_in_dim3A : i32 to vector<200x1024xi32>
    %ne3A = arith.constant 0 : i32
    %ne3A_6 = vector.broadcast %ne3A : i32 to vector<200x1024xi32>
    %ne3A_7 = arith.cmpi ne, %get3A_1, %ne3A_6 : vector<200x1024xi32>
    %lt3A = vector.broadcast %get3A_4 : vector<1x1024xi32> to vector<200x1024xi32>
    %lt3A_8 = arith.cmpi slt, %iota3A, %lt3A : vector<200x1024xi32>
    %and3A = arith.andi %ne3A_7, %lt3A_8 : vector<200x1024xi1>
    %convert_element_type3A = arith.extui %and3A : vector<200x1024xi1> to vector<200x1024xi32>
    %reduce_sum3A = arith.constant dense<0> : vector<1024xi32>
    %reduce_sum3A_9 = vector.multi_reduction <add>, %convert_element_type3A, %reduce_sum3A [0] : vector<200x1024xi32> to vector<1024xi32>
    %broadcast_in_dim3A_10 = vector.shape_cast %reduce_sum3A_9 : vector<1024xi32> to vector<1x1024xi32>
    %convert_element_type3A_11 = arith.sitofp %broadcast_in_dim3A_10 : vector<1x1024xi32> to vector<1x1024xf32>
    %mul3A = arith.constant 3.000000e-01 : f32
    %mul3A_12 = vector.broadcast %mul3A : f32 to vector<1x1024xf32>
    %mul3A_13 = arith.mulf %convert_element_type3A_11, %mul3A_12 : vector<1x1024xf32>
    %convert_element_type3A_14 = arith.fptosi %mul3A_13 : vector<1x1024xf32> to vector<1x1024xi32>
    %max3A = arith.constant 1 : i32
    %max3A_15 = vector.broadcast %max3A : i32 to vector<1x1024xi32>
    %max3A_16 = arith.maxsi %max3A_15, %convert_element_type3A_14 : vector<1x1024xi32>
    %min3A = arith.minsi %max3A_16, %broadcast_in_dim3A_10 : vector<1x1024xi32>
    %get3A_17 = arith.constant 0 : index
    %get3A_18 = arith.constant 0 : index
    %get3A_19 = vector.load %arg3[%get3A_17, %get3A_18] : memref<200x1024xf32, #tpu.memory_space<vmem>>, vector<200x1024xf32>
    %jit3A = arith.constant 2.000000e+00 : f32
    %broadcast_in_dim3A_20 = vector.broadcast %jit3A : f32 to vector<200x1024xf32>
    %select_n3A = arith.select %and3A, %get3A_19, %broadcast_in_dim3A_20 : vector<200x1024xi1>, vector<200x1024xf32>
    %sub3A = arith.constant 1 : i32
    %sub3A_21 = vector.broadcast %sub3A : i32 to vector<1x1024xi32>
    %sub3A_22 = arith.subi %min3A, %sub3A_21 : vector<1x1024xi32>
    %jit3A_23 = arith.constant 0 : i32
    %jit3A_24 = arith.constant 199 : i32
    %max3A_25 = vector.broadcast %jit3A_23 : i32 to vector<1x1024xi32>
    %max3A_26 = arith.maxsi %max3A_25, %sub3A_22 : vector<1x1024xi32>
    %min3A_27 = vector.broadcast %jit3A_24 : i32 to vector<1x1024xi32>
    %min3A_28 = arith.minsi %min3A_27, %max3A_26 : vector<1x1024xi32>
    %add3A = arith.constant 1 : i32
    %add3A_29 = vector.broadcast %add3A : i32 to vector<1x1024xi32>
    %add3A_30 = arith.addi %min3A_28, %add3A_29 : vector<1x1024xi32>
    %broadcast_in_dim3A_31 = arith.constant 0 : i32
    %broadcast_in_dim3A_32 = vector.broadcast %broadcast_in_dim3A_31 : i32 to vector<1x1024xi32>
    %broadcast_in_dim3A_33 = arith.constant 8388608 : i32
    %broadcast_in_dim3A_34 = vector.broadcast %broadcast_in_dim3A_33 : i32 to vector<1x1024xi32>
    %add3A_35 = arith.addi %broadcast_in_dim3A_32, %broadcast_in_dim3A_34 : vector<1x1024xi32>
    %shift_right_arithmetic3A = arith.constant 1 : i32
    %shift_right_arithmetic3A_36 = vector.broadcast %shift_right_arithmetic3A : i32 to vector<1x1024xi32>
    %shift_right_arithmetic3A_37 = arith.shrsi %add3A_35, %shift_right_arithmetic3A_36 : vector<1x1024xi32>
    %add3A_38 = arith.constant 1065353216 : i32
    %add3A_39 = vector.broadcast %add3A_38 : i32 to vector<1x1024xi32>
    %add3A_40 = arith.addi %shift_right_arithmetic3A_37, %add3A_39 : vector<1x1024xi32>
    %bitcast_convert_type3A = tpu.bitcast %add3A_40 : vector<1x1024xi32> -> vector<1x1024xf32>
    %sub3A_41 = arith.constant 1.000000e+00 : f32
    %sub3A_42 = vector.broadcast %sub3A_41 : f32 to vector<1x1024xf32>
    %sub3A_43 = arith.subf %bitcast_convert_type3A, %sub3A_42 : vector<1x1024xf32>
    %le3A = vector.broadcast %sub3A_43 : vector<1x1024xf32> to vector<200x1024xf32>
    %le3A_44 = arith.cmpf ole, %select_n3A, %le3A : vector<200x1024xf32>
    %convert_element_type3A_45 = arith.extui %le3A_44 : vector<200x1024xi1> to vector<200x1024xi32>
    %reduce_sum3A_46 = arith.constant dense<0> : vector<1024xi32>
    %reduce_sum3A_47 = vector.multi_reduction <add>, %convert_element_type3A_45, %reduce_sum3A_46 [0] : vector<200x1024xi32> to vector<1024xi32>
    %broadcast_in_dim3A_48 = vector.shape_cast %reduce_sum3A_47 : vector<1024xi32> to vector<1x1024xi32>
    %ge3A = arith.cmpi sge, %broadcast_in_dim3A_48, %add3A_30 : vector<1x1024xi32>
    %select_n3A_49 = arith.select %ge3A, %shift_right_arithmetic3A_37, %broadcast_in_dim3A_34 : vector<1x1024xi1>, vector<1x1024xi32>
    %add3A_50 = arith.constant 1 : i32
    %add3A_51 = vector.broadcast %add3A_50 : i32 to vector<1x1024xi32>
    %add3A_52 = arith.addi %shift_right_arithmetic3A_37, %add3A_51 : vector<1x1024xi32>
    %select_n3A_53 = arith.select %ge3A, %broadcast_in_dim3A_32, %add3A_52 : vector<1x1024xi1>, vector<1x1024xi32>
    %add3A_54 = arith.addi %select_n3A_53, %select_n3A_49 : vector<1x1024xi32>
    %shift_right_arithmetic3A_55 = arith.constant 1 : i32
    %shift_right_arithmetic3A_56 = vector.broadcast %shift_right_arithmetic3A_55 : i32 to vector<1x1024xi32>
    %shift_right_arithmetic3A_57 = arith.shrsi %add3A_54, %shift_right_arithmetic3A_56 : vector<1x1024xi32>
    %add3A_58 = arith.constant 1065353216 : i32
    %add3A_59 = vector.broadcast %add3A_58 : i32 to vector<1x1024xi32>
    %add3A_60 = arith.addi %shift_right_arithmetic3A_57, %add3A_59 : vector<1x1024xi32>
    %bitcast_convert_type3A_61 = tpu.bitcast %add3A_60 : vector<1x1024xi32> -> vector<1x1024xf32>
    %sub3A_62 = arith.constant 1.000000e+00 : f32
    %sub3A_63 = vector.broadcast %sub3A_62 : f32 to vector<1x1024xf32>
    %sub3A_64 = arith.subf %bitcast_convert_type3A_61, %sub3A_63 : vector<1x1024xf32>
    %le3A_65 = vector.broadcast %sub3A_64 : vector<1x1024xf32> to vector<200x1024xf32>
    %le3A_66 = arith.cmpf ole, %select_n3A, %le3A_65 : vector<200x1024xf32>
    %convert_element_type3A_67 = arith.extui %le3A_66 : vector<200x1024xi1> to vector<200x1024xi32>
    %reduce_sum3A_68 = arith.constant dense<0> : vector<1024xi32>
    %reduce_sum3A_69 = vector.multi_reduction <add>, %convert_element_type3A_67, %reduce_sum3A_68 [0] : vector<200x1024xi32> to vector<1024xi32>
    %broadcast_in_dim3A_70 = vector.shape_cast %reduce_sum3A_69 : vector<1024xi32> to vector<1x1024xi32>
    %ge3A_71 = arith.cmpi sge, %broadcast_in_dim3A_70, %add3A_30 : vector<1x1024xi32>
    %select_n3A_72 = arith.select %ge3A_71, %shift_right_arithmetic3A_57, %select_n3A_49 : vector<1x1024xi1>, vector<1x1024xi32>
    %add3A_73 = arith.constant 1 : i32
    %add3A_74 = vector.broadcast %add3A_73 : i32 to vector<1x1024xi32>
    %add3A_75 = arith.addi %shift_right_arithmetic3A_57, %add3A_74 : vector<1x1024xi32>
    %select_n3A_76 = arith.select %ge3A_71, %select_n3A_53, %add3A_75 : vector<1x1024xi1>, vector<1x1024xi32>
    %add3A_77 = arith.addi %select_n3A_76, %select_n3A_72 : vector<1x1024xi32>
    %shift_right_arithmetic3A_78 = arith.constant 1 : i32
    %shift_right_arithmetic3A_79 = vector.broadcast %shift_right_arithmetic3A_78 : i32 to vector<1x1024xi32>
    %shift_right_arithmetic3A_80 = arith.shrsi %add3A_77, %shift_right_arithmetic3A_79 : vector<1x1024xi32>
    %add3A_81 = arith.constant 1065353216 : i32
    %add3A_82 = vector.broadcast %add3A_81 : i32 to vector<1x1024xi32>
    %add3A_83 = arith.addi %shift_right_arithmetic3A_80, %add3A_82 : vector<1x1024xi32>
    %bitcast_convert_type3A_84 = tpu.bitcast %add3A_83 : vector<1x1024xi32> -> vector<1x1024xf32>
    %sub3A_85 = arith.constant 1.000000e+00 : f32
    %sub3A_86 = vector.broadcast %sub3A_85 : f32 to vector<1x1024xf32>
    %sub3A_87 = arith.subf %bitcast_convert_type3A_84, %sub3A_86 : vector<1x1024xf32>
    %le3A_88 = vector.broadcast %sub3A_87 : vector<1x1024xf32> to vector<200x1024xf32>
    %le3A_89 = arith.cmpf ole, %select_n3A, %le3A_88 : vector<200x1024xf32>
    %convert_element_type3A_90 = arith.extui %le3A_89 : vector<200x1024xi1> to vector<200x1024xi32>
    %reduce_sum3A_91 = arith.constant dense<0> : vector<1024xi32>
    %reduce_sum3A_92 = vector.multi_reduction <add>, %convert_element_type3A_90, %reduce_sum3A_91 [0] : vector<200x1024xi32> to vector<1024xi32>
    %broadcast_in_dim3A_93 = vector.shape_cast %reduce_sum3A_92 : vector<1024xi32> to vector<1x1024xi32>
    %ge3A_94 = arith.cmpi sge, %broadcast_in_dim3A_93, %add3A_30 : vector<1x1024xi32>
    %select_n3A_95 = arith.select %ge3A_94, %shift_right_arithmetic3A_80, %select_n3A_72 : vector<1x1024xi1>, vector<1x1024xi32>
    %add3A_96 = arith.constant 1 : i32
    %add3A_97 = vector.broadcast %add3A_96 : i32 to vector<1x1024xi32>
    %add3A_98 = arith.addi %shift_right_arithmetic3A_80, %add3A_97 : vector<1x1024xi32>
    %select_n3A_99 = arith.select %ge3A_94, %select_n3A_76, %add3A_98 : vector<1x1024xi1>, vector<1x1024xi32>
    %add3A_100 = arith.addi %select_n3A_99, %select_n3A_95 : vector<1x1024xi32>
    %shift_right_arithmetic3A_101 = arith.constant 1 : i32
    %shift_right_arithmetic3A_102 = vector.broadcast %shift_right_arithmetic3A_101 : i32 to vector<1x1024xi32>
    %shift_right_arithmetic3A_103 = arith.shrsi %add3A_100, %shift_right_arithmetic3A_102 : vector<1x1024xi32>
    %add3A_104 = arith.constant 1065353216 : i32
    %add3A_105 = vector.broadcast %add3A_104 : i32 to vector<1x1024xi32>
    %add3A_106 = arith.addi %shift_right_arithmetic3A_103, %add3A_105 : vector<1x1024xi32>
    %bitcast_convert_type3A_107 = tpu.bitcast %add3A_106 : vector<1x1024xi32> -> vector<1x1024xf32>
    %sub3A_108 = arith.constant 1.000000e+00 : f32
    %sub3A_109 = vector.broadcast %sub3A_108 : f32 to vector<1x1024xf32>
    %sub3A_110 = arith.subf %bitcast_convert_type3A_107, %sub3A_109 : vector<1x1024xf32>
    %le3A_111 = vector.broadcast %sub3A_110 : vector<1x1024xf32> to vector<200x1024xf32>
    %le3A_112 = arith.cmpf ole, %select_n3A, %le3A_111 : vector<200x1024xf32>
    %convert_element_type3A_113 = arith.extui %le3A_112 : vector<200x1024xi1> to vector<200x1024xi32>
    %reduce_sum3A_114 = arith.constant dense<0> : vector<1024xi32>
    %reduce_sum3A_115 = vector.multi_reduction <add>, %convert_element_type3A_113, %reduce_sum3A_114 [0] : vector<200x1024xi32> to vector<1024xi32>
    %broadcast_in_dim3A_116 = vector.shape_cast %reduce_sum3A_115 : vector<1024xi32> to vector<1x1024xi32>
    %ge3A_117 = arith.cmpi sge, %broadcast_in_dim3A_116, %add3A_30 : vector<1x1024xi32>
    %select_n3A_118 = arith.select %ge3A_117, %shift_right_arithmetic3A_103, %select_n3A_95 : vector<1x1024xi1>, vector<1x1024xi32>
    %add3A_119 = arith.constant 1 : i32
    %add3A_120 = vector.broadcast %add3A_119 : i32 to vector<1x1024xi32>
    %add3A_121 = arith.addi %shift_right_arithmetic3A_103, %add3A_120 : vector<1x1024xi32>
    %select_n3A_122 = arith.select %ge3A_117, %select_n3A_99, %add3A_121 : vector<1x1024xi1>, vector<1x1024xi32>
    %add3A_123 = arith.addi %select_n3A_122, %select_n3A_118 : vector<1x1024xi32>
    %shift_right_arithmetic3A_124 = arith.constant 1 : i32
    %shift_right_arithmetic3A_125 = vector.broadcast %shift_right_arithmetic3A_124 : i32 to vector<1x1024xi32>
    %shift_right_arithmetic3A_126 = arith.shrsi %add3A_123, %shift_right_arithmetic3A_125 : vector<1x1024xi32>
    %add3A_127 = arith.constant 1065353216 : i32
    %add3A_128 = vector.broadcast %add3A_127 : i32 to vector<1x1024xi32>
    %add3A_129 = arith.addi %shift_right_arithmetic3A_126, %add3A_128 : vector<1x1024xi32>
    %bitcast_convert_type3A_130 = tpu.bitcast %add3A_129 : vector<1x1024xi32> -> vector<1x1024xf32>
    %sub3A_131 = arith.constant 1.000000e+00 : f32
    %sub3A_132 = vector.broadcast %sub3A_131 : f32 to vector<1x1024xf32>
    %sub3A_133 = arith.subf %bitcast_convert_type3A_130, %sub3A_132 : vector<1x1024xf32>
    %le3A_134 = vector.broadcast %sub3A_133 : vector<1x1024xf32> to vector<200x1024xf32>
    %le3A_135 = arith.cmpf ole, %select_n3A, %le3A_134 : vector<200x1024xf32>
    %convert_element_type3A_136 = arith.extui %le3A_135 : vector<200x1024xi1> to vector<200x1024xi32>
    %reduce_sum3A_137 = arith.constant dense<0> : vector<1024xi32>
    %reduce_sum3A_138 = vector.multi_reduction <add>, %convert_element_type3A_136, %reduce_sum3A_137 [0] : vector<200x1024xi32> to vector<1024xi32>
    %broadcast_in_dim3A_139 = vector.shape_cast %reduce_sum3A_138 : vector<1024xi32> to vector<1x1024xi32>
    %ge3A_140 = arith.cmpi sge, %broadcast_in_dim3A_139, %add3A_30 : vector<1x1024xi32>
    %select_n3A_141 = arith.select %ge3A_140, %shift_right_arithmetic3A_126, %select_n3A_118 : vector<1x1024xi1>, vector<1x1024xi32>
    %add3A_142 = arith.constant 1 : i32
    %add3A_143 = vector.broadcast %add3A_142 : i32 to vector<1x1024xi32>
    %add3A_144 = arith.addi %shift_right_arithmetic3A_126, %add3A_143 : vector<1x1024xi32>
    %select_n3A_145 = arith.select %ge3A_140, %select_n3A_122, %add3A_144 : vector<1x1024xi1>, vector<1x1024xi32>
    %add3A_146 = arith.addi %select_n3A_145, %select_n3A_141 : vector<1x1024xi32>
    %shift_right_arithmetic3A_147 = arith.constant 1 : i32
    %shift_right_arithmetic3A_148 = vector.broadcast %shift_right_arithmetic3A_147 : i32 to vector<1x1024xi32>
    %shift_right_arithmetic3A_149 = arith.shrsi %add3A_146, %shift_right_arithmetic3A_148 : vector<1x1024xi32>
    %add3A_150 = arith.constant 1065353216 : i32
    %add3A_151 = vector.broadcast %add3A_150 : i32 to vector<1x1024xi32>
    %add3A_152 = arith.addi %shift_right_arithmetic3A_149, %add3A_151 : vector<1x1024xi32>
    %bitcast_convert_type3A_153 = tpu.bitcast %add3A_152 : vector<1x1024xi32> -> vector<1x1024xf32>
    %sub3A_154 = arith.constant 1.000000e+00 : f32
    %sub3A_155 = vector.broadcast %sub3A_154 : f32 to vector<1x1024xf32>
    %sub3A_156 = arith.subf %bitcast_convert_type3A_153, %sub3A_155 : vector<1x1024xf32>
    %le3A_157 = vector.broadcast %sub3A_156 : vector<1x1024xf32> to vector<200x1024xf32>
    %le3A_158 = arith.cmpf ole, %select_n3A, %le3A_157 : vector<200x1024xf32>
    %convert_element_type3A_159 = arith.extui %le3A_158 : vector<200x1024xi1> to vector<200x1024xi32>
    %reduce_sum3A_160 = arith.constant dense<0> : vector<1024xi32>
    %reduce_sum3A_161 = vector.multi_reduction <add>, %convert_element_type3A_159, %reduce_sum3A_160 [0] : vector<200x1024xi32> to vector<1024xi32>
    %broadcast_in_dim3A_162 = vector.shape_cast %reduce_sum3A_161 : vector<1024xi32> to vector<1x1024xi32>
    %ge3A_163 = arith.cmpi sge, %broadcast_in_dim3A_162, %add3A_30 : vector<1x1024xi32>
    %select_n3A_164 = arith.select %ge3A_163, %shift_right_arithmetic3A_149, %select_n3A_141 : vector<1x1024xi1>, vector<1x1024xi32>
    %add3A_165 = arith.constant 1 : i32
    %add3A_166 = vector.broadcast %add3A_165 : i32 to vector<1x1024xi32>
    %add3A_167 = arith.addi %shift_right_arithmetic3A_149, %add3A_166 : vector<1x1024xi32>
    %select_n3A_168 = arith.select %ge3A_163, %select_n3A_145, %add3A_167 : vector<1x1024xi1>, vector<1x1024xi32>
    %add3A_169 = arith.addi %select_n3A_168, %select_n3A_164 : vector<1x1024xi32>
    %shift_right_arithmetic3A_170 = arith.constant 1 : i32
    %shift_right_arithmetic3A_171 = vector.broadcast %shift_right_arithmetic3A_170 : i32 to vector<1x1024xi32>
    %shift_right_arithmetic3A_172 = arith.shrsi %add3A_169, %shift_right_arithmetic3A_171 : vector<1x1024xi32>
    %add3A_173 = arith.constant 1065353216 : i32
    %add3A_174 = vector.broadcast %add3A_173 : i32 to vector<1x1024xi32>
    %add3A_175 = arith.addi %shift_right_arithmetic3A_172, %add3A_174 : vector<1x1024xi32>
    %bitcast_convert_type3A_176 = tpu.bitcast %add3A_175 : vector<1x1024xi32> -> vector<1x1024xf32>
    %sub3A_177 = arith.constant 1.000000e+00 : f32
    %sub3A_178 = vector.broadcast %sub3A_177 : f32 to vector<1x1024xf32>
    %sub3A_179 = arith.subf %bitcast_convert_type3A_176, %sub3A_178 : vector<1x1024xf32>
    %le3A_180 = vector.broadcast %sub3A_179 : vector<1x1024xf32> to vector<200x1024xf32>
    %le3A_181 = arith.cmpf ole, %select_n3A, %le3A_180 : vector<200x1024xf32>
    %convert_element_type3A_182 = arith.extui %le3A_181 : vector<200x1024xi1> to vector<200x1024xi32>
    %reduce_sum3A_183 = arith.constant dense<0> : vector<1024xi32>
    %reduce_sum3A_184 = vector.multi_reduction <add>, %convert_element_type3A_182, %reduce_sum3A_183 [0] : vector<200x1024xi32> to vector<1024xi32>
    %broadcast_in_dim3A_185 = vector.shape_cast %reduce_sum3A_184 : vector<1024xi32> to vector<1x1024xi32>
    %ge3A_186 = arith.cmpi sge, %broadcast_in_dim3A_185, %add3A_30 : vector<1x1024xi32>
    %select_n3A_187 = arith.select %ge3A_186, %shift_right_arithmetic3A_172, %select_n3A_164 : vector<1x1024xi1>, vector<1x1024xi32>
    %add3A_188 = arith.constant 1 : i32
    %add3A_189 = vector.broadcast %add3A_188 : i32 to vector<1x1024xi32>
    %add3A_190 = arith.addi %shift_right_arithmetic3A_172, %add3A_189 : vector<1x1024xi32>
    %select_n3A_191 = arith.select %ge3A_186, %select_n3A_168, %add3A_190 : vector<1x1024xi1>, vector<1x1024xi32>
    %add3A_192 = arith.addi %select_n3A_191, %select_n3A_187 : vector<1x1024xi32>
    %shift_right_arithmetic3A_193 = arith.constant 1 : i32
    %shift_right_arithmetic3A_194 = vector.broadcast %shift_right_arithmetic3A_193 : i32 to vector<1x1024xi32>
    %shift_right_arithmetic3A_195 = arith.shrsi %add3A_192, %shift_right_arithmetic3A_194 : vector<1x1024xi32>
    %add3A_196 = arith.constant 1065353216 : i32
    %add3A_197 = vector.broadcast %add3A_196 : i32 to vector<1x1024xi32>
    %add3A_198 = arith.addi %shift_right_arithmetic3A_195, %add3A_197 : vector<1x1024xi32>
    %bitcast_convert_type3A_199 = tpu.bitcast %add3A_198 : vector<1x1024xi32> -> vector<1x1024xf32>
    %sub3A_200 = arith.constant 1.000000e+00 : f32
    %sub3A_201 = vector.broadcast %sub3A_200 : f32 to vector<1x1024xf32>
    %sub3A_202 = arith.subf %bitcast_convert_type3A_199, %sub3A_201 : vector<1x1024xf32>
    %le3A_203 = vector.broadcast %sub3A_202 : vector<1x1024xf32> to vector<200x1024xf32>
    %le3A_204 = arith.cmpf ole, %select_n3A, %le3A_203 : vector<200x1024xf32>
    %convert_element_type3A_205 = arith.extui %le3A_204 : vector<200x1024xi1> to vector<200x1024xi32>
    %reduce_sum3A_206 = arith.constant dense<0> : vector<1024xi32>
    %reduce_sum3A_207 = vector.multi_reduction <add>, %convert_element_type3A_205, %reduce_sum3A_206 [0] : vector<200x1024xi32> to vector<1024xi32>
    %broadcast_in_dim3A_208 = vector.shape_cast %reduce_sum3A_207 : vector<1024xi32> to vector<1x1024xi32>
    %ge3A_209 = arith.cmpi sge, %broadcast_in_dim3A_208, %add3A_30 : vector<1x1024xi32>
    %select_n3A_210 = arith.select %ge3A_209, %shift_right_arithmetic3A_195, %select_n3A_187 : vector<1x1024xi1>, vector<1x1024xi32>
    %add3A_211 = arith.constant 1 : i32
    %add3A_212 = vector.broadcast %add3A_211 : i32 to vector<1x1024xi32>
    %add3A_213 = arith.addi %shift_right_arithmetic3A_195, %add3A_212 : vector<1x1024xi32>
    %select_n3A_214 = arith.select %ge3A_209, %select_n3A_191, %add3A_213 : vector<1x1024xi1>, vector<1x1024xi32>
    %add3A_215 = arith.addi %select_n3A_214, %select_n3A_210 : vector<1x1024xi32>
    %shift_right_arithmetic3A_216 = arith.constant 1 : i32
    %shift_right_arithmetic3A_217 = vector.broadcast %shift_right_arithmetic3A_216 : i32 to vector<1x1024xi32>
    %shift_right_arithmetic3A_218 = arith.shrsi %add3A_215, %shift_right_arithmetic3A_217 : vector<1x1024xi32>
    %add3A_219 = arith.constant 1065353216 : i32
    %add3A_220 = vector.broadcast %add3A_219 : i32 to vector<1x1024xi32>
    %add3A_221 = arith.addi %shift_right_arithmetic3A_218, %add3A_220 : vector<1x1024xi32>
    %bitcast_convert_type3A_222 = tpu.bitcast %add3A_221 : vector<1x1024xi32> -> vector<1x1024xf32>
    %sub3A_223 = arith.constant 1.000000e+00 : f32
    %sub3A_224 = vector.broadcast %sub3A_223 : f32 to vector<1x1024xf32>
    %sub3A_225 = arith.subf %bitcast_convert_type3A_222, %sub3A_224 : vector<1x1024xf32>
    %le3A_226 = vector.broadcast %sub3A_225 : vector<1x1024xf32> to vector<200x1024xf32>
    %le3A_227 = arith.cmpf ole, %select_n3A, %le3A_226 : vector<200x1024xf32>
    %convert_element_type3A_228 = arith.extui %le3A_227 : vector<200x1024xi1> to vector<200x1024xi32>
    %reduce_sum3A_229 = arith.constant dense<0> : vector<1024xi32>
    %reduce_sum3A_230 = vector.multi_reduction <add>, %convert_element_type3A_228, %reduce_sum3A_229 [0] : vector<200x1024xi32> to vector<1024xi32>
    %broadcast_in_dim3A_231 = vector.shape_cast %reduce_sum3A_230 : vector<1024xi32> to vector<1x1024xi32>
    %ge3A_232 = arith.cmpi sge, %broadcast_in_dim3A_231, %add3A_30 : vector<1x1024xi32>
    %select_n3A_233 = arith.select %ge3A_232, %shift_right_arithmetic3A_218, %select_n3A_210 : vector<1x1024xi1>, vector<1x1024xi32>
    %add3A_234 = arith.constant 1 : i32
    %add3A_235 = vector.broadcast %add3A_234 : i32 to vector<1x1024xi32>
    %add3A_236 = arith.addi %shift_right_arithmetic3A_218, %add3A_235 : vector<1x1024xi32>
    %select_n3A_237 = arith.select %ge3A_232, %select_n3A_214, %add3A_236 : vector<1x1024xi1>, vector<1x1024xi32>
    %add3A_238 = arith.addi %select_n3A_237, %select_n3A_233 : vector<1x1024xi32>
    %shift_right_arithmetic3A_239 = arith.constant 1 : i32
    %shift_right_arithmetic3A_240 = vector.broadcast %shift_right_arithmetic3A_239 : i32 to vector<1x1024xi32>
    %shift_right_arithmetic3A_241 = arith.shrsi %add3A_238, %shift_right_arithmetic3A_240 : vector<1x1024xi32>
    %add3A_242 = arith.constant 1065353216 : i32
    %add3A_243 = vector.broadcast %add3A_242 : i32 to vector<1x1024xi32>
    %add3A_244 = arith.addi %shift_right_arithmetic3A_241, %add3A_243 : vector<1x1024xi32>
    %bitcast_convert_type3A_245 = tpu.bitcast %add3A_244 : vector<1x1024xi32> -> vector<1x1024xf32>
    %sub3A_246 = arith.constant 1.000000e+00 : f32
    %sub3A_247 = vector.broadcast %sub3A_246 : f32 to vector<1x1024xf32>
    %sub3A_248 = arith.subf %bitcast_convert_type3A_245, %sub3A_247 : vector<1x1024xf32>
    %le3A_249 = vector.broadcast %sub3A_248 : vector<1x1024xf32> to vector<200x1024xf32>
    %le3A_250 = arith.cmpf ole, %select_n3A, %le3A_249 : vector<200x1024xf32>
    %convert_element_type3A_251 = arith.extui %le3A_250 : vector<200x1024xi1> to vector<200x1024xi32>
    %reduce_sum3A_252 = arith.constant dense<0> : vector<1024xi32>
    %reduce_sum3A_253 = vector.multi_reduction <add>, %convert_element_type3A_251, %reduce_sum3A_252 [0] : vector<200x1024xi32> to vector<1024xi32>
    %broadcast_in_dim3A_254 = vector.shape_cast %reduce_sum3A_253 : vector<1024xi32> to vector<1x1024xi32>
    %ge3A_255 = arith.cmpi sge, %broadcast_in_dim3A_254, %add3A_30 : vector<1x1024xi32>
    %select_n3A_256 = arith.select %ge3A_255, %shift_right_arithmetic3A_241, %select_n3A_233 : vector<1x1024xi1>, vector<1x1024xi32>
    %add3A_257 = arith.constant 1 : i32
    %add3A_258 = vector.broadcast %add3A_257 : i32 to vector<1x1024xi32>
    %add3A_259 = arith.addi %shift_right_arithmetic3A_241, %add3A_258 : vector<1x1024xi32>
    %select_n3A_260 = arith.select %ge3A_255, %select_n3A_237, %add3A_259 : vector<1x1024xi1>, vector<1x1024xi32>
    %add3A_261 = arith.addi %select_n3A_260, %select_n3A_256 : vector<1x1024xi32>
    %shift_right_arithmetic3A_262 = arith.constant 1 : i32
    %shift_right_arithmetic3A_263 = vector.broadcast %shift_right_arithmetic3A_262 : i32 to vector<1x1024xi32>
    %shift_right_arithmetic3A_264 = arith.shrsi %add3A_261, %shift_right_arithmetic3A_263 : vector<1x1024xi32>
    %add3A_265 = arith.constant 1065353216 : i32
    %add3A_266 = vector.broadcast %add3A_265 : i32 to vector<1x1024xi32>
    %add3A_267 = arith.addi %shift_right_arithmetic3A_264, %add3A_266 : vector<1x1024xi32>
    %bitcast_convert_type3A_268 = tpu.bitcast %add3A_267 : vector<1x1024xi32> -> vector<1x1024xf32>
    %sub3A_269 = arith.constant 1.000000e+00 : f32
    %sub3A_270 = vector.broadcast %sub3A_269 : f32 to vector<1x1024xf32>
    %sub3A_271 = arith.subf %bitcast_convert_type3A_268, %sub3A_270 : vector<1x1024xf32>
    %le3A_272 = vector.broadcast %sub3A_271 : vector<1x1024xf32> to vector<200x1024xf32>
    %le3A_273 = arith.cmpf ole, %select_n3A, %le3A_272 : vector<200x1024xf32>
    %convert_element_type3A_274 = arith.extui %le3A_273 : vector<200x1024xi1> to vector<200x1024xi32>
    %reduce_sum3A_275 = arith.constant dense<0> : vector<1024xi32>
    %reduce_sum3A_276 = vector.multi_reduction <add>, %convert_element_type3A_274, %reduce_sum3A_275 [0] : vector<200x1024xi32> to vector<1024xi32>
    %broadcast_in_dim3A_277 = vector.shape_cast %reduce_sum3A_276 : vector<1024xi32> to vector<1x1024xi32>
    %ge3A_278 = arith.cmpi sge, %broadcast_in_dim3A_277, %add3A_30 : vector<1x1024xi32>
    %select_n3A_279 = arith.select %ge3A_278, %shift_right_arithmetic3A_264, %select_n3A_256 : vector<1x1024xi1>, vector<1x1024xi32>
    %add3A_280 = arith.constant 1 : i32
    %add3A_281 = vector.broadcast %add3A_280 : i32 to vector<1x1024xi32>
    %add3A_282 = arith.addi %shift_right_arithmetic3A_264, %add3A_281 : vector<1x1024xi32>
    %select_n3A_283 = arith.select %ge3A_278, %select_n3A_260, %add3A_282 : vector<1x1024xi1>, vector<1x1024xi32>
    %add3A_284 = arith.addi %select_n3A_283, %select_n3A_279 : vector<1x1024xi32>
    %shift_right_arithmetic3A_285 = arith.constant 1 : i32
    %shift_right_arithmetic3A_286 = vector.broadcast %shift_right_arithmetic3A_285 : i32 to vector<1x1024xi32>
    %shift_right_arithmetic3A_287 = arith.shrsi %add3A_284, %shift_right_arithmetic3A_286 : vector<1x1024xi32>
    %add3A_288 = arith.constant 1065353216 : i32
    %add3A_289 = vector.broadcast %add3A_288 : i32 to vector<1x1024xi32>
    %add3A_290 = arith.addi %shift_right_arithmetic3A_287, %add3A_289 : vector<1x1024xi32>
    %bitcast_convert_type3A_291 = tpu.bitcast %add3A_290 : vector<1x1024xi32> -> vector<1x1024xf32>
    %sub3A_292 = arith.constant 1.000000e+00 : f32
    %sub3A_293 = vector.broadcast %sub3A_292 : f32 to vector<1x1024xf32>
    %sub3A_294 = arith.subf %bitcast_convert_type3A_291, %sub3A_293 : vector<1x1024xf32>
    %le3A_295 = vector.broadcast %sub3A_294 : vector<1x1024xf32> to vector<200x1024xf32>
    %le3A_296 = arith.cmpf ole, %select_n3A, %le3A_295 : vector<200x1024xf32>
    %convert_element_type3A_297 = arith.extui %le3A_296 : vector<200x1024xi1> to vector<200x1024xi32>
    %reduce_sum3A_298 = arith.constant dense<0> : vector<1024xi32>
    %reduce_sum3A_299 = vector.multi_reduction <add>, %convert_element_type3A_297, %reduce_sum3A_298 [0] : vector<200x1024xi32> to vector<1024xi32>
    %broadcast_in_dim3A_300 = vector.shape_cast %reduce_sum3A_299 : vector<1024xi32> to vector<1x1024xi32>
    %ge3A_301 = arith.cmpi sge, %broadcast_in_dim3A_300, %add3A_30 : vector<1x1024xi32>
    %select_n3A_302 = arith.select %ge3A_301, %shift_right_arithmetic3A_287, %select_n3A_279 : vector<1x1024xi1>, vector<1x1024xi32>
    %add3A_303 = arith.constant 1 : i32
    %add3A_304 = vector.broadcast %add3A_303 : i32 to vector<1x1024xi32>
    %add3A_305 = arith.addi %shift_right_arithmetic3A_287, %add3A_304 : vector<1x1024xi32>
    %select_n3A_306 = arith.select %ge3A_301, %select_n3A_283, %add3A_305 : vector<1x1024xi1>, vector<1x1024xi32>
    %add3A_307 = arith.addi %select_n3A_306, %select_n3A_302 : vector<1x1024xi32>
    %shift_right_arithmetic3A_308 = arith.constant 1 : i32
    %shift_right_arithmetic3A_309 = vector.broadcast %shift_right_arithmetic3A_308 : i32 to vector<1x1024xi32>
    %shift_right_arithmetic3A_310 = arith.shrsi %add3A_307, %shift_right_arithmetic3A_309 : vector<1x1024xi32>
    %add3A_311 = arith.constant 1065353216 : i32
    %add3A_312 = vector.broadcast %add3A_311 : i32 to vector<1x1024xi32>
    %add3A_313 = arith.addi %shift_right_arithmetic3A_310, %add3A_312 : vector<1x1024xi32>
    %bitcast_convert_type3A_314 = tpu.bitcast %add3A_313 : vector<1x1024xi32> -> vector<1x1024xf32>
    %sub3A_315 = arith.constant 1.000000e+00 : f32
    %sub3A_316 = vector.broadcast %sub3A_315 : f32 to vector<1x1024xf32>
    %sub3A_317 = arith.subf %bitcast_convert_type3A_314, %sub3A_316 : vector<1x1024xf32>
    %le3A_318 = vector.broadcast %sub3A_317 : vector<1x1024xf32> to vector<200x1024xf32>
    %le3A_319 = arith.cmpf ole, %select_n3A, %le3A_318 : vector<200x1024xf32>
    %convert_element_type3A_320 = arith.extui %le3A_319 : vector<200x1024xi1> to vector<200x1024xi32>
    %reduce_sum3A_321 = arith.constant dense<0> : vector<1024xi32>
    %reduce_sum3A_322 = vector.multi_reduction <add>, %convert_element_type3A_320, %reduce_sum3A_321 [0] : vector<200x1024xi32> to vector<1024xi32>
    %broadcast_in_dim3A_323 = vector.shape_cast %reduce_sum3A_322 : vector<1024xi32> to vector<1x1024xi32>
    %ge3A_324 = arith.cmpi sge, %broadcast_in_dim3A_323, %add3A_30 : vector<1x1024xi32>
    %select_n3A_325 = arith.select %ge3A_324, %shift_right_arithmetic3A_310, %select_n3A_302 : vector<1x1024xi1>, vector<1x1024xi32>
    %add3A_326 = arith.constant 1 : i32
    %add3A_327 = vector.broadcast %add3A_326 : i32 to vector<1x1024xi32>
    %add3A_328 = arith.addi %shift_right_arithmetic3A_310, %add3A_327 : vector<1x1024xi32>
    %select_n3A_329 = arith.select %ge3A_324, %select_n3A_306, %add3A_328 : vector<1x1024xi1>, vector<1x1024xi32>
    %add3A_330 = arith.addi %select_n3A_329, %select_n3A_325 : vector<1x1024xi32>
    %shift_right_arithmetic3A_331 = arith.constant 1 : i32
    %shift_right_arithmetic3A_332 = vector.broadcast %shift_right_arithmetic3A_331 : i32 to vector<1x1024xi32>
    %shift_right_arithmetic3A_333 = arith.shrsi %add3A_330, %shift_right_arithmetic3A_332 : vector<1x1024xi32>
    %add3A_334 = arith.constant 1065353216 : i32
    %add3A_335 = vector.broadcast %add3A_334 : i32 to vector<1x1024xi32>
    %add3A_336 = arith.addi %shift_right_arithmetic3A_333, %add3A_335 : vector<1x1024xi32>
    %bitcast_convert_type3A_337 = tpu.bitcast %add3A_336 : vector<1x1024xi32> -> vector<1x1024xf32>
    %sub3A_338 = arith.constant 1.000000e+00 : f32
    %sub3A_339 = vector.broadcast %sub3A_338 : f32 to vector<1x1024xf32>
    %sub3A_340 = arith.subf %bitcast_convert_type3A_337, %sub3A_339 : vector<1x1024xf32>
    %le3A_341 = vector.broadcast %sub3A_340 : vector<1x1024xf32> to vector<200x1024xf32>
    %le3A_342 = arith.cmpf ole, %select_n3A, %le3A_341 : vector<200x1024xf32>
    %convert_element_type3A_343 = arith.extui %le3A_342 : vector<200x1024xi1> to vector<200x1024xi32>
    %reduce_sum3A_344 = arith.constant dense<0> : vector<1024xi32>
    %reduce_sum3A_345 = vector.multi_reduction <add>, %convert_element_type3A_343, %reduce_sum3A_344 [0] : vector<200x1024xi32> to vector<1024xi32>
    %broadcast_in_dim3A_346 = vector.shape_cast %reduce_sum3A_345 : vector<1024xi32> to vector<1x1024xi32>
    %ge3A_347 = arith.cmpi sge, %broadcast_in_dim3A_346, %add3A_30 : vector<1x1024xi32>
    %select_n3A_348 = arith.select %ge3A_347, %shift_right_arithmetic3A_333, %select_n3A_325 : vector<1x1024xi1>, vector<1x1024xi32>
    %add3A_349 = arith.constant 1 : i32
    %add3A_350 = vector.broadcast %add3A_349 : i32 to vector<1x1024xi32>
    %add3A_351 = arith.addi %shift_right_arithmetic3A_333, %add3A_350 : vector<1x1024xi32>
    %select_n3A_352 = arith.select %ge3A_347, %select_n3A_329, %add3A_351 : vector<1x1024xi1>, vector<1x1024xi32>
    %add3A_353 = arith.addi %select_n3A_352, %select_n3A_348 : vector<1x1024xi32>
    %shift_right_arithmetic3A_354 = arith.constant 1 : i32
    %shift_right_arithmetic3A_355 = vector.broadcast %shift_right_arithmetic3A_354 : i32 to vector<1x1024xi32>
    %shift_right_arithmetic3A_356 = arith.shrsi %add3A_353, %shift_right_arithmetic3A_355 : vector<1x1024xi32>
    %add3A_357 = arith.constant 1065353216 : i32
    %add3A_358 = vector.broadcast %add3A_357 : i32 to vector<1x1024xi32>
    %add3A_359 = arith.addi %shift_right_arithmetic3A_356, %add3A_358 : vector<1x1024xi32>
    %bitcast_convert_type3A_360 = tpu.bitcast %add3A_359 : vector<1x1024xi32> -> vector<1x1024xf32>
    %sub3A_361 = arith.constant 1.000000e+00 : f32
    %sub3A_362 = vector.broadcast %sub3A_361 : f32 to vector<1x1024xf32>
    %sub3A_363 = arith.subf %bitcast_convert_type3A_360, %sub3A_362 : vector<1x1024xf32>
    %le3A_364 = vector.broadcast %sub3A_363 : vector<1x1024xf32> to vector<200x1024xf32>
    %le3A_365 = arith.cmpf ole, %select_n3A, %le3A_364 : vector<200x1024xf32>
    %convert_element_type3A_366 = arith.extui %le3A_365 : vector<200x1024xi1> to vector<200x1024xi32>
    %reduce_sum3A_367 = arith.constant dense<0> : vector<1024xi32>
    %reduce_sum3A_368 = vector.multi_reduction <add>, %convert_element_type3A_366, %reduce_sum3A_367 [0] : vector<200x1024xi32> to vector<1024xi32>
    %broadcast_in_dim3A_369 = vector.shape_cast %reduce_sum3A_368 : vector<1024xi32> to vector<1x1024xi32>
    %ge3A_370 = arith.cmpi sge, %broadcast_in_dim3A_369, %add3A_30 : vector<1x1024xi32>
    %select_n3A_371 = arith.select %ge3A_370, %shift_right_arithmetic3A_356, %select_n3A_348 : vector<1x1024xi1>, vector<1x1024xi32>
    %add3A_372 = arith.constant 1 : i32
    %add3A_373 = vector.broadcast %add3A_372 : i32 to vector<1x1024xi32>
    %add3A_374 = arith.addi %shift_right_arithmetic3A_356, %add3A_373 : vector<1x1024xi32>
    %select_n3A_375 = arith.select %ge3A_370, %select_n3A_352, %add3A_374 : vector<1x1024xi1>, vector<1x1024xi32>
    %add3A_376 = arith.addi %select_n3A_375, %select_n3A_371 : vector<1x1024xi32>
    %shift_right_arithmetic3A_377 = arith.constant 1 : i32
    %shift_right_arithmetic3A_378 = vector.broadcast %shift_right_arithmetic3A_377 : i32 to vector<1x1024xi32>
    %shift_right_arithmetic3A_379 = arith.shrsi %add3A_376, %shift_right_arithmetic3A_378 : vector<1x1024xi32>
    %add3A_380 = arith.constant 1065353216 : i32
    %add3A_381 = vector.broadcast %add3A_380 : i32 to vector<1x1024xi32>
    %add3A_382 = arith.addi %shift_right_arithmetic3A_379, %add3A_381 : vector<1x1024xi32>
    %bitcast_convert_type3A_383 = tpu.bitcast %add3A_382 : vector<1x1024xi32> -> vector<1x1024xf32>
    %sub3A_384 = arith.constant 1.000000e+00 : f32
    %sub3A_385 = vector.broadcast %sub3A_384 : f32 to vector<1x1024xf32>
    %sub3A_386 = arith.subf %bitcast_convert_type3A_383, %sub3A_385 : vector<1x1024xf32>
    %le3A_387 = vector.broadcast %sub3A_386 : vector<1x1024xf32> to vector<200x1024xf32>
    %le3A_388 = arith.cmpf ole, %select_n3A, %le3A_387 : vector<200x1024xf32>
    %convert_element_type3A_389 = arith.extui %le3A_388 : vector<200x1024xi1> to vector<200x1024xi32>
    %reduce_sum3A_390 = arith.constant dense<0> : vector<1024xi32>
    %reduce_sum3A_391 = vector.multi_reduction <add>, %convert_element_type3A_389, %reduce_sum3A_390 [0] : vector<200x1024xi32> to vector<1024xi32>
    %broadcast_in_dim3A_392 = vector.shape_cast %reduce_sum3A_391 : vector<1024xi32> to vector<1x1024xi32>
    %ge3A_393 = arith.cmpi sge, %broadcast_in_dim3A_392, %add3A_30 : vector<1x1024xi32>
    %select_n3A_394 = arith.select %ge3A_393, %shift_right_arithmetic3A_379, %select_n3A_371 : vector<1x1024xi1>, vector<1x1024xi32>
    %add3A_395 = arith.constant 1 : i32
    %add3A_396 = vector.broadcast %add3A_395 : i32 to vector<1x1024xi32>
    %add3A_397 = arith.addi %shift_right_arithmetic3A_379, %add3A_396 : vector<1x1024xi32>
    %select_n3A_398 = arith.select %ge3A_393, %select_n3A_375, %add3A_397 : vector<1x1024xi1>, vector<1x1024xi32>
    %add3A_399 = arith.addi %select_n3A_398, %select_n3A_394 : vector<1x1024xi32>
    %shift_right_arithmetic3A_400 = arith.constant 1 : i32
    %shift_right_arithmetic3A_401 = vector.broadcast %shift_right_arithmetic3A_400 : i32 to vector<1x1024xi32>
    %shift_right_arithmetic3A_402 = arith.shrsi %add3A_399, %shift_right_arithmetic3A_401 : vector<1x1024xi32>
    %add3A_403 = arith.constant 1065353216 : i32
    %add3A_404 = vector.broadcast %add3A_403 : i32 to vector<1x1024xi32>
    %add3A_405 = arith.addi %shift_right_arithmetic3A_402, %add3A_404 : vector<1x1024xi32>
    %bitcast_convert_type3A_406 = tpu.bitcast %add3A_405 : vector<1x1024xi32> -> vector<1x1024xf32>
    %sub3A_407 = arith.constant 1.000000e+00 : f32
    %sub3A_408 = vector.broadcast %sub3A_407 : f32 to vector<1x1024xf32>
    %sub3A_409 = arith.subf %bitcast_convert_type3A_406, %sub3A_408 : vector<1x1024xf32>
    %le3A_410 = vector.broadcast %sub3A_409 : vector<1x1024xf32> to vector<200x1024xf32>
    %le3A_411 = arith.cmpf ole, %select_n3A, %le3A_410 : vector<200x1024xf32>
    %convert_element_type3A_412 = arith.extui %le3A_411 : vector<200x1024xi1> to vector<200x1024xi32>
    %reduce_sum3A_413 = arith.constant dense<0> : vector<1024xi32>
    %reduce_sum3A_414 = vector.multi_reduction <add>, %convert_element_type3A_412, %reduce_sum3A_413 [0] : vector<200x1024xi32> to vector<1024xi32>
    %broadcast_in_dim3A_415 = vector.shape_cast %reduce_sum3A_414 : vector<1024xi32> to vector<1x1024xi32>
    %ge3A_416 = arith.cmpi sge, %broadcast_in_dim3A_415, %add3A_30 : vector<1x1024xi32>
    %select_n3A_417 = arith.select %ge3A_416, %shift_right_arithmetic3A_402, %select_n3A_394 : vector<1x1024xi1>, vector<1x1024xi32>
    %add3A_418 = arith.constant 1 : i32
    %add3A_419 = vector.broadcast %add3A_418 : i32 to vector<1x1024xi32>
    %add3A_420 = arith.addi %shift_right_arithmetic3A_402, %add3A_419 : vector<1x1024xi32>
    %select_n3A_421 = arith.select %ge3A_416, %select_n3A_398, %add3A_420 : vector<1x1024xi1>, vector<1x1024xi32>
    %add3A_422 = arith.addi %select_n3A_421, %select_n3A_417 : vector<1x1024xi32>
    %shift_right_arithmetic3A_423 = arith.constant 1 : i32
    %shift_right_arithmetic3A_424 = vector.broadcast %shift_right_arithmetic3A_423 : i32 to vector<1x1024xi32>
    %shift_right_arithmetic3A_425 = arith.shrsi %add3A_422, %shift_right_arithmetic3A_424 : vector<1x1024xi32>
    %add3A_426 = arith.constant 1065353216 : i32
    %add3A_427 = vector.broadcast %add3A_426 : i32 to vector<1x1024xi32>
    %add3A_428 = arith.addi %shift_right_arithmetic3A_425, %add3A_427 : vector<1x1024xi32>
    %bitcast_convert_type3A_429 = tpu.bitcast %add3A_428 : vector<1x1024xi32> -> vector<1x1024xf32>
    %sub3A_430 = arith.constant 1.000000e+00 : f32
    %sub3A_431 = vector.broadcast %sub3A_430 : f32 to vector<1x1024xf32>
    %sub3A_432 = arith.subf %bitcast_convert_type3A_429, %sub3A_431 : vector<1x1024xf32>
    %le3A_433 = vector.broadcast %sub3A_432 : vector<1x1024xf32> to vector<200x1024xf32>
    %le3A_434 = arith.cmpf ole, %select_n3A, %le3A_433 : vector<200x1024xf32>
    %convert_element_type3A_435 = arith.extui %le3A_434 : vector<200x1024xi1> to vector<200x1024xi32>
    %reduce_sum3A_436 = arith.constant dense<0> : vector<1024xi32>
    %reduce_sum3A_437 = vector.multi_reduction <add>, %convert_element_type3A_435, %reduce_sum3A_436 [0] : vector<200x1024xi32> to vector<1024xi32>
    %broadcast_in_dim3A_438 = vector.shape_cast %reduce_sum3A_437 : vector<1024xi32> to vector<1x1024xi32>
    %ge3A_439 = arith.cmpi sge, %broadcast_in_dim3A_438, %add3A_30 : vector<1x1024xi32>
    %select_n3A_440 = arith.select %ge3A_439, %shift_right_arithmetic3A_425, %select_n3A_417 : vector<1x1024xi1>, vector<1x1024xi32>
    %add3A_441 = arith.constant 1 : i32
    %add3A_442 = vector.broadcast %add3A_441 : i32 to vector<1x1024xi32>
    %add3A_443 = arith.addi %shift_right_arithmetic3A_425, %add3A_442 : vector<1x1024xi32>
    %select_n3A_444 = arith.select %ge3A_439, %select_n3A_421, %add3A_443 : vector<1x1024xi1>, vector<1x1024xi32>
    %add3A_445 = arith.addi %select_n3A_444, %select_n3A_440 : vector<1x1024xi32>
    %shift_right_arithmetic3A_446 = arith.constant 1 : i32
    %shift_right_arithmetic3A_447 = vector.broadcast %shift_right_arithmetic3A_446 : i32 to vector<1x1024xi32>
    %shift_right_arithmetic3A_448 = arith.shrsi %add3A_445, %shift_right_arithmetic3A_447 : vector<1x1024xi32>
    %add3A_449 = arith.constant 1065353216 : i32
    %add3A_450 = vector.broadcast %add3A_449 : i32 to vector<1x1024xi32>
    %add3A_451 = arith.addi %shift_right_arithmetic3A_448, %add3A_450 : vector<1x1024xi32>
    %bitcast_convert_type3A_452 = tpu.bitcast %add3A_451 : vector<1x1024xi32> -> vector<1x1024xf32>
    %sub3A_453 = arith.constant 1.000000e+00 : f32
    %sub3A_454 = vector.broadcast %sub3A_453 : f32 to vector<1x1024xf32>
    %sub3A_455 = arith.subf %bitcast_convert_type3A_452, %sub3A_454 : vector<1x1024xf32>
    %le3A_456 = vector.broadcast %sub3A_455 : vector<1x1024xf32> to vector<200x1024xf32>
    %le3A_457 = arith.cmpf ole, %select_n3A, %le3A_456 : vector<200x1024xf32>
    %convert_element_type3A_458 = arith.extui %le3A_457 : vector<200x1024xi1> to vector<200x1024xi32>
    %reduce_sum3A_459 = arith.constant dense<0> : vector<1024xi32>
    %reduce_sum3A_460 = vector.multi_reduction <add>, %convert_element_type3A_458, %reduce_sum3A_459 [0] : vector<200x1024xi32> to vector<1024xi32>
    %broadcast_in_dim3A_461 = vector.shape_cast %reduce_sum3A_460 : vector<1024xi32> to vector<1x1024xi32>
    %ge3A_462 = arith.cmpi sge, %broadcast_in_dim3A_461, %add3A_30 : vector<1x1024xi32>
    %select_n3A_463 = arith.select %ge3A_462, %shift_right_arithmetic3A_448, %select_n3A_440 : vector<1x1024xi1>, vector<1x1024xi32>
    %add3A_464 = arith.constant 1 : i32
    %add3A_465 = vector.broadcast %add3A_464 : i32 to vector<1x1024xi32>
    %add3A_466 = arith.addi %shift_right_arithmetic3A_448, %add3A_465 : vector<1x1024xi32>
    %select_n3A_467 = arith.select %ge3A_462, %select_n3A_444, %add3A_466 : vector<1x1024xi1>, vector<1x1024xi32>
    %add3A_468 = arith.addi %select_n3A_467, %select_n3A_463 : vector<1x1024xi32>
    %shift_right_arithmetic3A_469 = arith.constant 1 : i32
    %shift_right_arithmetic3A_470 = vector.broadcast %shift_right_arithmetic3A_469 : i32 to vector<1x1024xi32>
    %shift_right_arithmetic3A_471 = arith.shrsi %add3A_468, %shift_right_arithmetic3A_470 : vector<1x1024xi32>
    %add3A_472 = arith.constant 1065353216 : i32
    %add3A_473 = vector.broadcast %add3A_472 : i32 to vector<1x1024xi32>
    %add3A_474 = arith.addi %shift_right_arithmetic3A_471, %add3A_473 : vector<1x1024xi32>
    %bitcast_convert_type3A_475 = tpu.bitcast %add3A_474 : vector<1x1024xi32> -> vector<1x1024xf32>
    %sub3A_476 = arith.constant 1.000000e+00 : f32
    %sub3A_477 = vector.broadcast %sub3A_476 : f32 to vector<1x1024xf32>
    %sub3A_478 = arith.subf %bitcast_convert_type3A_475, %sub3A_477 : vector<1x1024xf32>
    %le3A_479 = vector.broadcast %sub3A_478 : vector<1x1024xf32> to vector<200x1024xf32>
    %le3A_480 = arith.cmpf ole, %select_n3A, %le3A_479 : vector<200x1024xf32>
    %convert_element_type3A_481 = arith.extui %le3A_480 : vector<200x1024xi1> to vector<200x1024xi32>
    %reduce_sum3A_482 = arith.constant dense<0> : vector<1024xi32>
    %reduce_sum3A_483 = vector.multi_reduction <add>, %convert_element_type3A_481, %reduce_sum3A_482 [0] : vector<200x1024xi32> to vector<1024xi32>
    %broadcast_in_dim3A_484 = vector.shape_cast %reduce_sum3A_483 : vector<1024xi32> to vector<1x1024xi32>
    %ge3A_485 = arith.cmpi sge, %broadcast_in_dim3A_484, %add3A_30 : vector<1x1024xi32>
    %select_n3A_486 = arith.select %ge3A_485, %shift_right_arithmetic3A_471, %select_n3A_463 : vector<1x1024xi1>, vector<1x1024xi32>
    %add3A_487 = arith.constant 1 : i32
    %add3A_488 = vector.broadcast %add3A_487 : i32 to vector<1x1024xi32>
    %add3A_489 = arith.addi %shift_right_arithmetic3A_471, %add3A_488 : vector<1x1024xi32>
    %select_n3A_490 = arith.select %ge3A_485, %select_n3A_467, %add3A_489 : vector<1x1024xi1>, vector<1x1024xi32>
    %add3A_491 = arith.addi %select_n3A_490, %select_n3A_486 : vector<1x1024xi32>
    %shift_right_arithmetic3A_492 = arith.constant 1 : i32
    %shift_right_arithmetic3A_493 = vector.broadcast %shift_right_arithmetic3A_492 : i32 to vector<1x1024xi32>
    %shift_right_arithmetic3A_494 = arith.shrsi %add3A_491, %shift_right_arithmetic3A_493 : vector<1x1024xi32>
    %add3A_495 = arith.constant 1065353216 : i32
    %add3A_496 = vector.broadcast %add3A_495 : i32 to vector<1x1024xi32>
    %add3A_497 = arith.addi %shift_right_arithmetic3A_494, %add3A_496 : vector<1x1024xi32>
    %bitcast_convert_type3A_498 = tpu.bitcast %add3A_497 : vector<1x1024xi32> -> vector<1x1024xf32>
    %sub3A_499 = arith.constant 1.000000e+00 : f32
    %sub3A_500 = vector.broadcast %sub3A_499 : f32 to vector<1x1024xf32>
    %sub3A_501 = arith.subf %bitcast_convert_type3A_498, %sub3A_500 : vector<1x1024xf32>
    %le3A_502 = vector.broadcast %sub3A_501 : vector<1x1024xf32> to vector<200x1024xf32>
    %le3A_503 = arith.cmpf ole, %select_n3A, %le3A_502 : vector<200x1024xf32>
    %convert_element_type3A_504 = arith.extui %le3A_503 : vector<200x1024xi1> to vector<200x1024xi32>
    %reduce_sum3A_505 = arith.constant dense<0> : vector<1024xi32>
    %reduce_sum3A_506 = vector.multi_reduction <add>, %convert_element_type3A_504, %reduce_sum3A_505 [0] : vector<200x1024xi32> to vector<1024xi32>
    %broadcast_in_dim3A_507 = vector.shape_cast %reduce_sum3A_506 : vector<1024xi32> to vector<1x1024xi32>
    %ge3A_508 = arith.cmpi sge, %broadcast_in_dim3A_507, %add3A_30 : vector<1x1024xi32>
    %select_n3A_509 = arith.select %ge3A_508, %shift_right_arithmetic3A_494, %select_n3A_486 : vector<1x1024xi1>, vector<1x1024xi32>
    %add3A_510 = arith.constant 1 : i32
    %add3A_511 = vector.broadcast %add3A_510 : i32 to vector<1x1024xi32>
    %add3A_512 = arith.addi %shift_right_arithmetic3A_494, %add3A_511 : vector<1x1024xi32>
    %select_n3A_513 = arith.select %ge3A_508, %select_n3A_490, %add3A_512 : vector<1x1024xi1>, vector<1x1024xi32>
    %add3A_514 = arith.addi %select_n3A_513, %select_n3A_509 : vector<1x1024xi32>
    %shift_right_arithmetic3A_515 = arith.constant 1 : i32
    %shift_right_arithmetic3A_516 = vector.broadcast %shift_right_arithmetic3A_515 : i32 to vector<1x1024xi32>
    %shift_right_arithmetic3A_517 = arith.shrsi %add3A_514, %shift_right_arithmetic3A_516 : vector<1x1024xi32>
    %add3A_518 = arith.constant 1065353216 : i32
    %add3A_519 = vector.broadcast %add3A_518 : i32 to vector<1x1024xi32>
    %add3A_520 = arith.addi %shift_right_arithmetic3A_517, %add3A_519 : vector<1x1024xi32>
    %bitcast_convert_type3A_521 = tpu.bitcast %add3A_520 : vector<1x1024xi32> -> vector<1x1024xf32>
    %sub3A_522 = arith.constant 1.000000e+00 : f32
    %sub3A_523 = vector.broadcast %sub3A_522 : f32 to vector<1x1024xf32>
    %sub3A_524 = arith.subf %bitcast_convert_type3A_521, %sub3A_523 : vector<1x1024xf32>
    %le3A_525 = vector.broadcast %sub3A_524 : vector<1x1024xf32> to vector<200x1024xf32>
    %le3A_526 = arith.cmpf ole, %select_n3A, %le3A_525 : vector<200x1024xf32>
    %convert_element_type3A_527 = arith.extui %le3A_526 : vector<200x1024xi1> to vector<200x1024xi32>
    %reduce_sum3A_528 = arith.constant dense<0> : vector<1024xi32>
    %reduce_sum3A_529 = vector.multi_reduction <add>, %convert_element_type3A_527, %reduce_sum3A_528 [0] : vector<200x1024xi32> to vector<1024xi32>
    %broadcast_in_dim3A_530 = vector.shape_cast %reduce_sum3A_529 : vector<1024xi32> to vector<1x1024xi32>
    %ge3A_531 = arith.cmpi sge, %broadcast_in_dim3A_530, %add3A_30 : vector<1x1024xi32>
    %select_n3A_532 = arith.select %ge3A_531, %shift_right_arithmetic3A_517, %select_n3A_509 : vector<1x1024xi1>, vector<1x1024xi32>
    %add3A_533 = arith.constant 1 : i32
    %add3A_534 = vector.broadcast %add3A_533 : i32 to vector<1x1024xi32>
    %add3A_535 = arith.addi %shift_right_arithmetic3A_517, %add3A_534 : vector<1x1024xi32>
    %select_n3A_536 = arith.select %ge3A_531, %select_n3A_513, %add3A_535 : vector<1x1024xi1>, vector<1x1024xi32>
    %add3A_537 = arith.addi %select_n3A_536, %select_n3A_532 : vector<1x1024xi32>
    %shift_right_arithmetic3A_538 = arith.constant 1 : i32
    %shift_right_arithmetic3A_539 = vector.broadcast %shift_right_arithmetic3A_538 : i32 to vector<1x1024xi32>
    %shift_right_arithmetic3A_540 = arith.shrsi %add3A_537, %shift_right_arithmetic3A_539 : vector<1x1024xi32>
    %add3A_541 = arith.constant 1065353216 : i32
    %add3A_542 = vector.broadcast %add3A_541 : i32 to vector<1x1024xi32>
    %add3A_543 = arith.addi %shift_right_arithmetic3A_540, %add3A_542 : vector<1x1024xi32>
    %bitcast_convert_type3A_544 = tpu.bitcast %add3A_543 : vector<1x1024xi32> -> vector<1x1024xf32>
    %sub3A_545 = arith.constant 1.000000e+00 : f32
    %sub3A_546 = vector.broadcast %sub3A_545 : f32 to vector<1x1024xf32>
    %sub3A_547 = arith.subf %bitcast_convert_type3A_544, %sub3A_546 : vector<1x1024xf32>
    %le3A_548 = vector.broadcast %sub3A_547 : vector<1x1024xf32> to vector<200x1024xf32>
    %le3A_549 = arith.cmpf ole, %select_n3A, %le3A_548 : vector<200x1024xf32>
    %convert_element_type3A_550 = arith.extui %le3A_549 : vector<200x1024xi1> to vector<200x1024xi32>
    %reduce_sum3A_551 = arith.constant dense<0> : vector<1024xi32>
    %reduce_sum3A_552 = vector.multi_reduction <add>, %convert_element_type3A_550, %reduce_sum3A_551 [0] : vector<200x1024xi32> to vector<1024xi32>
    %broadcast_in_dim3A_553 = vector.shape_cast %reduce_sum3A_552 : vector<1024xi32> to vector<1x1024xi32>
    %ge3A_554 = arith.cmpi sge, %broadcast_in_dim3A_553, %add3A_30 : vector<1x1024xi32>
    %select_n3A_555 = arith.select %ge3A_554, %shift_right_arithmetic3A_540, %select_n3A_532 : vector<1x1024xi1>, vector<1x1024xi32>
    %add3A_556 = arith.constant 1 : i32
    %add3A_557 = vector.broadcast %add3A_556 : i32 to vector<1x1024xi32>
    %add3A_558 = arith.addi %shift_right_arithmetic3A_540, %add3A_557 : vector<1x1024xi32>
    %select_n3A_559 = arith.select %ge3A_554, %select_n3A_536, %add3A_558 : vector<1x1024xi1>, vector<1x1024xi32>
    %add3A_560 = arith.addi %select_n3A_559, %select_n3A_555 : vector<1x1024xi32>
    %shift_right_arithmetic3A_561 = arith.constant 1 : i32
    %shift_right_arithmetic3A_562 = vector.broadcast %shift_right_arithmetic3A_561 : i32 to vector<1x1024xi32>
    %shift_right_arithmetic3A_563 = arith.shrsi %add3A_560, %shift_right_arithmetic3A_562 : vector<1x1024xi32>
    %add3A_564 = arith.constant 1065353216 : i32
    %add3A_565 = vector.broadcast %add3A_564 : i32 to vector<1x1024xi32>
    %add3A_566 = arith.addi %shift_right_arithmetic3A_563, %add3A_565 : vector<1x1024xi32>
    %bitcast_convert_type3A_567 = tpu.bitcast %add3A_566 : vector<1x1024xi32> -> vector<1x1024xf32>
    %sub3A_568 = arith.constant 1.000000e+00 : f32
    %sub3A_569 = vector.broadcast %sub3A_568 : f32 to vector<1x1024xf32>
    %sub3A_570 = arith.subf %bitcast_convert_type3A_567, %sub3A_569 : vector<1x1024xf32>
    %le3A_571 = vector.broadcast %sub3A_570 : vector<1x1024xf32> to vector<200x1024xf32>
    %le3A_572 = arith.cmpf ole, %select_n3A, %le3A_571 : vector<200x1024xf32>
    %convert_element_type3A_573 = arith.extui %le3A_572 : vector<200x1024xi1> to vector<200x1024xi32>
    %reduce_sum3A_574 = arith.constant dense<0> : vector<1024xi32>
    %reduce_sum3A_575 = vector.multi_reduction <add>, %convert_element_type3A_573, %reduce_sum3A_574 [0] : vector<200x1024xi32> to vector<1024xi32>
    %broadcast_in_dim3A_576 = vector.shape_cast %reduce_sum3A_575 : vector<1024xi32> to vector<1x1024xi32>
    %ge3A_577 = arith.cmpi sge, %broadcast_in_dim3A_576, %add3A_30 : vector<1x1024xi32>
    %select_n3A_578 = arith.select %ge3A_577, %shift_right_arithmetic3A_563, %select_n3A_555 : vector<1x1024xi1>, vector<1x1024xi32>
    %add3A_579 = arith.constant 1065353216 : i32
    %add3A_580 = vector.broadcast %add3A_579 : i32 to vector<1x1024xi32>
    %add3A_581 = arith.addi %select_n3A_578, %add3A_580 : vector<1x1024xi32>
    %bitcast_convert_type3A_582 = tpu.bitcast %add3A_581 : vector<1x1024xi32> -> vector<1x1024xf32>
    %sub3A_583 = arith.constant 1.000000e+00 : f32
    %sub3A_584 = vector.broadcast %sub3A_583 : f32 to vector<1x1024xf32>
    %sub3A_585 = arith.subf %bitcast_convert_type3A_582, %sub3A_584 : vector<1x1024xf32>
    %gt3A = arith.constant 1 : i32
    %gt3A_586 = vector.broadcast %gt3A : i32 to vector<1x1024xi32>
    %gt3A_587 = arith.cmpi sgt, %get3A_4, %gt3A_586 : vector<1x1024xi32>
    %gt3A_588 = arith.constant 0 : i32
    %gt3A_589 = vector.broadcast %gt3A_588 : i32 to vector<1x1024xi32>
    %gt3A_590 = arith.cmpi sgt, %broadcast_in_dim3A_10, %gt3A_589 : vector<1x1024xi32>
    %and3A_591 = arith.andi %gt3A_587, %gt3A_590 : vector<1x1024xi1>
    %le3A_592 = vector.broadcast %sub3A_585 : vector<1x1024xf32> to vector<200x1024xf32>
    %le3A_593 = arith.cmpf ole, %select_n3A, %le3A_592 : vector<200x1024xf32>
    %and3A_594 = arith.andi %and3A, %le3A_593 : vector<200x1024xi1>
    %and3A_595 = vector.broadcast %and3A_591 : vector<1x1024xi1> to vector<200x1024xi1>
    %and3A_596 = arith.andi %and3A_595, %and3A_594 : vector<200x1024xi1>
    %select_n3A_597 = arith.select %and3A_596, %broadcast_in_dim3A_5, %get3A_1 : vector<200x1024xi1>, vector<200x1024xi32>
    %swap3A = arith.constant 0 : index
    %swap3A_598 = arith.constant 0 : index
    %swap3A_599 = vector.load %arg8[%swap3A, %swap3A_598] : memref<200x1024xi32, #tpu.memory_space<vmem>>, vector<200x1024xi32>
    tpu.vector_store %arg8[%swap3A, %swap3A_598], %select_n3A_597 {strides = array<i32>} : memref<200x1024xi32, #tpu.memory_space<vmem>>, vector<200x1024xi32>,
    %min3A_600 = arith.constant 5 : i32
    %min3A_601 = vector.broadcast %min3A_600 : i32 to vector<1x1024xi32>
    %min3A_602 = arith.minsi %broadcast_in_dim3A_10, %min3A_601 : vector<1x1024xi32>
    %get3A_603 = arith.constant 0 : index
    %get3A_604 = arith.constant 0 : index
    %get3A_605 = vector.load %arg4[%get3A_603, %get3A_604] : memref<1x1024xf32, #tpu.memory_space<vmem>>, vector<1x1024xf32>
    %sub3A_606 = arith.constant 2 : i32
    %sub3A_607 = vector.broadcast %sub3A_606 : i32 to vector<1x1024xi32>
    %sub3A_608 = arith.subi %min3A_602, %sub3A_607 : vector<1x1024xi32>
    %add3A_609 = arith.constant 1 : i32
    %add3A_610 = vector.broadcast %add3A_609 : i32 to vector<1x1024xi32>
    %add3A_611 = arith.addi %sub3A_608, %add3A_610 : vector<1x1024xi32>
    %max3A_612 = arith.constant 1 : i32
    %max3A_613 = vector.broadcast %max3A_612 : i32 to vector<1x1024xi32>
    %max3A_614 = arith.maxsi %add3A_611, %max3A_613 : vector<1x1024xi32>
    %convert_element_type3A_615 = arith.sitofp %max3A_614 : vector<1x1024xi32> to vector<1x1024xf32>
    %mul3A_616 = arith.mulf %get3A_605, %convert_element_type3A_615 : vector<1x1024xf32>
    %floor3A = math.floor %mul3A_616 : vector<1x1024xf32>
    %convert_element_type3A_617 = arith.fptosi %floor3A : vector<1x1024xf32> to vector<1x1024xi32>
    %add3A_618 = arith.constant 2 : i32
    %add3A_619 = vector.broadcast %add3A_618 : i32 to vector<1x1024xi32>
    %add3A_620 = arith.addi %add3A_619, %convert_element_type3A_617 : vector<1x1024xi32>
    %max3A_621 = arith.constant 2 : i32
    %max3A_622 = vector.broadcast %max3A_621 : i32 to vector<1x1024xi32>
    %max3A_623 = arith.maxsi %min3A_602, %max3A_622 : vector<1x1024xi32>
    %jit3A_624 = arith.constant 2 : i32
    %max3A_625 = vector.broadcast %jit3A_624 : i32 to vector<1x1024xi32>
    %max3A_626 = arith.maxsi %max3A_625, %add3A_620 : vector<1x1024xi32>
    %min3A_627 = arith.minsi %max3A_623, %max3A_626 : vector<1x1024xi32>
    %sub3A_628 = arith.subi %broadcast_in_dim3A_10, %min3A_627 : vector<1x1024xi32>
    %add3A_629 = arith.constant 1 : i32
    %add3A_630 = vector.broadcast %add3A_629 : i32 to vector<1x1024xi32>
    %add3A_631 = arith.addi %sub3A_628, %add3A_630 : vector<1x1024xi32>
    %max3A_632 = arith.constant 1 : i32
    %max3A_633 = vector.broadcast %max3A_632 : i32 to vector<1x1024xi32>
    %max3A_634 = arith.maxsi %add3A_631, %max3A_633 : vector<1x1024xi32>
    %get3A_635 = arith.constant 0 : index
    %get3A_636 = arith.constant 0 : index
    %get3A_637 = vector.load %arg5[%get3A_635, %get3A_636] : memref<1x1024xf32, #tpu.memory_space<vmem>>, vector<1x1024xf32>
    %convert_element_type3A_638 = arith.sitofp %max3A_634 : vector<1x1024xi32> to vector<1x1024xf32>
    %mul3A_639 = arith.mulf %get3A_637, %convert_element_type3A_638 : vector<1x1024xf32>
    %floor3A_640 = math.floor %mul3A_639 : vector<1x1024xf32>
    %convert_element_type3A_641 = arith.fptosi %floor3A_640 : vector<1x1024xf32> to vector<1x1024xi32>
    %sub3A_642 = arith.constant 1 : i32
    %sub3A_643 = vector.broadcast %sub3A_642 : i32 to vector<1x1024xi32>
    %sub3A_644 = arith.subi %max3A_634, %sub3A_643 : vector<1x1024xi32>
    %min3A_645 = arith.minsi %convert_element_type3A_641, %sub3A_644 : vector<1x1024xi32>
    %get3A_646 = arith.constant 0 : index
    %get3A_647 = arith.constant 0 : index
    %get3A_648 = vector.load %arg7[%get3A_646, %get3A_647] : memref<1x1024xf32, #tpu.memory_space<vmem>>, vector<1x1024xf32>
    %le3A_649 = arith.constant 5.000000e-01 : f32
    %le3A_650 = vector.broadcast %le3A_649 : f32 to vector<1x1024xf32>
    %le3A_651 = arith.cmpf ole, %get3A_648, %le3A_650 : vector<1x1024xf32>
    %gt3A_652 = arith.constant 2 : i32
    %gt3A_653 = vector.broadcast %gt3A_652 : i32 to vector<1x1024xi32>
    %gt3A_654 = arith.cmpi sgt, %get3A_4, %gt3A_653 : vector<1x1024xi32>
    %and3A_655 = arith.andi %le3A_651, %gt3A_654 : vector<1x1024xi1>
    %ge3A_656 = arith.constant 2 : i32
    %ge3A_657 = vector.broadcast %ge3A_656 : i32 to vector<1x1024xi32>
    %ge3A_658 = arith.cmpi sge, %broadcast_in_dim3A_10, %ge3A_657 : vector<1x1024xi32>
    %and3A_659 = arith.andi %and3A_655, %ge3A_658 : vector<1x1024xi1>
    %broadcast_in_dim3A_660 = arith.constant 0 : i32
    %broadcast_in_dim3A_661 = vector.broadcast %broadcast_in_dim3A_660 : i32 to vector<1x1024xi32>
    %slice3A = vector.extract_strided_slice %convert_element_type3A {offsets = [0, 0], sizes = [199, 1024], strides = [1, 1]} : vector<200x1024xi32> to vector<199x1024xi32>
    %concatenate3A = tpu.concatenate %broadcast_in_dim3A_661, %slice3A in 0 : vector<1x1024xi32>, vector<199x1024xi32> -> vector<200x1024xi32>
    %add3A_662 = arith.addi %convert_element_type3A, %concatenate3A : vector<200x1024xi32>
    %broadcast_in_dim3A_663 = arith.constant 0 : i32
    %broadcast_in_dim3A_664 = vector.broadcast %broadcast_in_dim3A_663 : i32 to vector<2x1024xi32>
    %slice3A_665 = vector.extract_strided_slice %add3A_662 {offsets = [0, 0], sizes = [198, 1024], strides = [1, 1]} : vector<200x1024xi32> to vector<198x1024xi32>
    %concatenate3A_666 = tpu.concatenate %broadcast_in_dim3A_664, %slice3A_665 in 0 : vector<2x1024xi32>, vector<198x1024xi32> -> vector<200x1024xi32>
    %add3A_667 = arith.addi %add3A_662, %concatenate3A_666 : vector<200x1024xi32>
    %broadcast_in_dim3A_668 = arith.constant 0 : i32
    %broadcast_in_dim3A_669 = vector.broadcast %broadcast_in_dim3A_668 : i32 to vector<4x1024xi32>
    %slice3A_670 = vector.extract_strided_slice %add3A_667 {offsets = [0, 0], sizes = [196, 1024], strides = [1, 1]} : vector<200x1024xi32> to vector<196x1024xi32>
    %concatenate3A_671 = tpu.concatenate %broadcast_in_dim3A_669, %slice3A_670 in 0 : vector<4x1024xi32>, vector<196x1024xi32> -> vector<200x1024xi32>
    %add3A_672 = arith.addi %add3A_667, %concatenate3A_671 : vector<200x1024xi32>
    %broadcast_in_dim3A_673 = arith.constant 0 : i32
    %broadcast_in_dim3A_674 = vector.broadcast %broadcast_in_dim3A_673 : i32 to vector<8x1024xi32>
    %slice3A_675 = vector.extract_strided_slice %add3A_672 {offsets = [0, 0], sizes = [192, 1024], strides = [1, 1]} : vector<200x1024xi32> to vector<192x1024xi32>
    %concatenate3A_676 = tpu.concatenate %broadcast_in_dim3A_674, %slice3A_675 in 0 : vector<8x1024xi32>, vector<192x1024xi32> -> vector<200x1024xi32>
    %add3A_677 = arith.addi %add3A_672, %concatenate3A_676 : vector<200x1024xi32>
    %broadcast_in_dim3A_678 = arith.constant 0 : i32
    %broadcast_in_dim3A_679 = vector.broadcast %broadcast_in_dim3A_678 : i32 to vector<16x1024xi32>
    %slice3A_680 = vector.extract_strided_slice %add3A_677 {offsets = [0, 0], sizes = [184, 1024], strides = [1, 1]} : vector<200x1024xi32> to vector<184x1024xi32>
    %concatenate3A_681 = tpu.concatenate %broadcast_in_dim3A_679, %slice3A_680 in 0 : vector<16x1024xi32>, vector<184x1024xi32> -> vector<200x1024xi32>
    %add3A_682 = arith.addi %add3A_677, %concatenate3A_681 : vector<200x1024xi32>
    %broadcast_in_dim3A_683 = arith.constant 0 : i32
    %broadcast_in_dim3A_684 = vector.broadcast %broadcast_in_dim3A_683 : i32 to vector<32x1024xi32>
    %slice3A_685 = vector.extract_strided_slice %add3A_682 {offsets = [0, 0], sizes = [168, 1024], strides = [1, 1]} : vector<200x1024xi32> to vector<168x1024xi32>
    %concatenate3A_686 = tpu.concatenate %broadcast_in_dim3A_684, %slice3A_685 in 0 : vector<32x1024xi32>, vector<168x1024xi32> -> vector<200x1024xi32>
    %add3A_687 = arith.addi %add3A_682, %concatenate3A_686 : vector<200x1024xi32>
    %broadcast_in_dim3A_688 = arith.constant 0 : i32
    %broadcast_in_dim3A_689 = vector.broadcast %broadcast_in_dim3A_688 : i32 to vector<64x1024xi32>
    %slice3A_690 = vector.extract_strided_slice %add3A_687 {offsets = [0, 0], sizes = [136, 1024], strides = [1, 1]} : vector<200x1024xi32> to vector<136x1024xi32>
    %concatenate3A_691 = tpu.concatenate %broadcast_in_dim3A_689, %slice3A_690 in 0 : vector<64x1024xi32>, vector<136x1024xi32> -> vector<200x1024xi32>
    %add3A_692 = arith.addi %add3A_687, %concatenate3A_691 : vector<200x1024xi32>
    %broadcast_in_dim3A_693 = arith.constant 0 : i32
    %broadcast_in_dim3A_694 = vector.broadcast %broadcast_in_dim3A_693 : i32 to vector<128x1024xi32>
    %slice3A_695 = vector.extract_strided_slice %add3A_692 {offsets = [0, 0], sizes = [72, 1024], strides = [1, 1]} : vector<200x1024xi32> to vector<72x1024xi32>
    %concatenate3A_696 = tpu.concatenate %broadcast_in_dim3A_694, %slice3A_695 in 0 : vector<128x1024xi32>, vector<72x1024xi32> -> vector<200x1024xi32>
    %add3A_697 = arith.addi %add3A_692, %concatenate3A_696 : vector<200x1024xi32>
    %sub3A_698 = arith.subi %add3A_697, %convert_element_type3A : vector<200x1024xi32>
    %add3A_699 = arith.constant 0 : i32
    %add3A_700 = vector.broadcast %add3A_699 : i32 to vector<1x1024xi32>
    %add3A_701 = arith.addi %min3A_645, %add3A_700 : vector<1x1024xi32>
    %eq3A = vector.broadcast %add3A_701 : vector<1x1024xi32> to vector<200x1024xi32>
    %eq3A_702 = arith.cmpi eq, %sub3A_698, %eq3A : vector<200x1024xi32>
    %and3A_703 = arith.andi %and3A, %eq3A_702 : vector<200x1024xi1>
    %jit3A_704 = arith.constant 0 : i32
    %broadcast_in_dim3A_705 = vector.broadcast %jit3A_704 : i32 to vector<200x1024xi32>
    %select_n3A_706 = arith.select %and3A_703, %iota3A, %broadcast_in_dim3A_705 : vector<200x1024xi1>, vector<200x1024xi32>
    %reduce_sum3A_707 = arith.constant dense<0> : vector<1024xi32>
    %reduce_sum3A_708 = vector.multi_reduction <add>, %select_n3A_706, %reduce_sum3A_707 [0] : vector<200x1024xi32> to vector<1024xi32>
    %broadcast_in_dim3A_709 = vector.shape_cast %reduce_sum3A_708 : vector<1024xi32> to vector<1x1024xi32>
    %jit3A_710 = arith.constant 0 : i32
    %broadcast_in_dim3A_711 = vector.broadcast %jit3A_710 : i32 to vector<200x1024xi32>
    %select_n3A_712 = arith.select %and3A_703, %get3A_1, %broadcast_in_dim3A_711 : vector<200x1024xi1>, vector<200x1024xi32>
    %reduce_sum3A_713 = arith.constant dense<0> : vector<1024xi32>
    %reduce_sum3A_714 = vector.multi_reduction <add>, %select_n3A_712, %reduce_sum3A_713 [0] : vector<200x1024xi32> to vector<1024xi32>
    %broadcast_in_dim3A_715 = vector.shape_cast %reduce_sum3A_714 : vector<1024xi32> to vector<1x1024xi32>
    %add3A_716 = arith.constant 1 : i32
    %add3A_717 = vector.broadcast %add3A_716 : i32 to vector<1x1024xi32>
    %add3A_718 = arith.addi %min3A_645, %add3A_717 : vector<1x1024xi32>
    %eq3A_719 = vector.broadcast %add3A_718 : vector<1x1024xi32> to vector<200x1024xi32>
    %eq3A_720 = arith.cmpi eq, %sub3A_698, %eq3A_719 : vector<200x1024xi32>
    %and3A_721 = arith.andi %and3A, %eq3A_720 : vector<200x1024xi1>
    %jit3A_722 = arith.constant 0 : i32
    %broadcast_in_dim3A_723 = vector.broadcast %jit3A_722 : i32 to vector<200x1024xi32>
    %select_n3A_724 = arith.select %and3A_721, %iota3A, %broadcast_in_dim3A_723 : vector<200x1024xi1>, vector<200x1024xi32>
    %reduce_sum3A_725 = arith.constant dense<0> : vector<1024xi32>
    %reduce_sum3A_726 = vector.multi_reduction <add>, %select_n3A_724, %reduce_sum3A_725 [0] : vector<200x1024xi32> to vector<1024xi32>
    %broadcast_in_dim3A_727 = vector.shape_cast %reduce_sum3A_726 : vector<1024xi32> to vector<1x1024xi32>
    %jit3A_728 = arith.constant 0 : i32
    %broadcast_in_dim3A_729 = vector.broadcast %jit3A_728 : i32 to vector<200x1024xi32>
    %select_n3A_730 = arith.select %and3A_721, %get3A_1, %broadcast_in_dim3A_729 : vector<200x1024xi1>, vector<200x1024xi32>
    %reduce_sum3A_731 = arith.constant dense<0> : vector<1024xi32>
    %reduce_sum3A_732 = vector.multi_reduction <add>, %select_n3A_730, %reduce_sum3A_731 [0] : vector<200x1024xi32> to vector<1024xi32>
    %broadcast_in_dim3A_733 = vector.shape_cast %reduce_sum3A_732 : vector<1024xi32> to vector<1x1024xi32>
    %add3A_734 = arith.constant 2 : i32
    %add3A_735 = vector.broadcast %add3A_734 : i32 to vector<1x1024xi32>
    %add3A_736 = arith.addi %min3A_645, %add3A_735 : vector<1x1024xi32>
    %eq3A_737 = vector.broadcast %add3A_736 : vector<1x1024xi32> to vector<200x1024xi32>
    %eq3A_738 = arith.cmpi eq, %sub3A_698, %eq3A_737 : vector<200x1024xi32>
    %and3A_739 = arith.andi %and3A, %eq3A_738 : vector<200x1024xi1>
    %jit3A_740 = arith.constant 0 : i32
    %broadcast_in_dim3A_741 = vector.broadcast %jit3A_740 : i32 to vector<200x1024xi32>
    %select_n3A_742 = arith.select %and3A_739, %iota3A, %broadcast_in_dim3A_741 : vector<200x1024xi1>, vector<200x1024xi32>
    %reduce_sum3A_743 = arith.constant dense<0> : vector<1024xi32>
    %reduce_sum3A_744 = vector.multi_reduction <add>, %select_n3A_742, %reduce_sum3A_743 [0] : vector<200x1024xi32> to vector<1024xi32>
    %broadcast_in_dim3A_745 = vector.shape_cast %reduce_sum3A_744 : vector<1024xi32> to vector<1x1024xi32>
    %jit3A_746 = arith.constant 0 : i32
    %broadcast_in_dim3A_747 = vector.broadcast %jit3A_746 : i32 to vector<200x1024xi32>
    %select_n3A_748 = arith.select %and3A_739, %get3A_1, %broadcast_in_dim3A_747 : vector<200x1024xi1>, vector<200x1024xi32>
    %reduce_sum3A_749 = arith.constant dense<0> : vector<1024xi32>
    %reduce_sum3A_750 = vector.multi_reduction <add>, %select_n3A_748, %reduce_sum3A_749 [0] : vector<200x1024xi32> to vector<1024xi32>
    %broadcast_in_dim3A_751 = vector.shape_cast %reduce_sum3A_750 : vector<1024xi32> to vector<1x1024xi32>
    %add3A_752 = arith.constant 3 : i32
    %add3A_753 = vector.broadcast %add3A_752 : i32 to vector<1x1024xi32>
    %add3A_754 = arith.addi %min3A_645, %add3A_753 : vector<1x1024xi32>
    %eq3A_755 = vector.broadcast %add3A_754 : vector<1x1024xi32> to vector<200x1024xi32>
    %eq3A_756 = arith.cmpi eq, %sub3A_698, %eq3A_755 : vector<200x1024xi32>
    %and3A_757 = arith.andi %and3A, %eq3A_756 : vector<200x1024xi1>
    %jit3A_758 = arith.constant 0 : i32
    %broadcast_in_dim3A_759 = vector.broadcast %jit3A_758 : i32 to vector<200x1024xi32>
    %select_n3A_760 = arith.select %and3A_757, %iota3A, %broadcast_in_dim3A_759 : vector<200x1024xi1>, vector<200x1024xi32>
    %reduce_sum3A_761 = arith.constant dense<0> : vector<1024xi32>
    %reduce_sum3A_762 = vector.multi_reduction <add>, %select_n3A_760, %reduce_sum3A_761 [0] : vector<200x1024xi32> to vector<1024xi32>
    %broadcast_in_dim3A_763 = vector.shape_cast %reduce_sum3A_762 : vector<1024xi32> to vector<1x1024xi32>
    %jit3A_764 = arith.constant 0 : i32
    %broadcast_in_dim3A_765 = vector.broadcast %jit3A_764 : i32 to vector<200x1024xi32>
    %select_n3A_766 = arith.select %and3A_757, %get3A_1, %broadcast_in_dim3A_765 : vector<200x1024xi1>, vector<200x1024xi32>
    %reduce_sum3A_767 = arith.constant dense<0> : vector<1024xi32>
    %reduce_sum3A_768 = vector.multi_reduction <add>, %select_n3A_766, %reduce_sum3A_767 [0] : vector<200x1024xi32> to vector<1024xi32>
    %broadcast_in_dim3A_769 = vector.shape_cast %reduce_sum3A_768 : vector<1024xi32> to vector<1x1024xi32>
    %add3A_770 = arith.constant 4 : i32
    %add3A_771 = vector.broadcast %add3A_770 : i32 to vector<1x1024xi32>
    %add3A_772 = arith.addi %min3A_645, %add3A_771 : vector<1x1024xi32>
    %eq3A_773 = vector.broadcast %add3A_772 : vector<1x1024xi32> to vector<200x1024xi32>
    %eq3A_774 = arith.cmpi eq, %sub3A_698, %eq3A_773 : vector<200x1024xi32>
    %and3A_775 = arith.andi %and3A, %eq3A_774 : vector<200x1024xi1>
    %jit3A_776 = arith.constant 0 : i32
    %broadcast_in_dim3A_777 = vector.broadcast %jit3A_776 : i32 to vector<200x1024xi32>
    %select_n3A_778 = arith.select %and3A_775, %iota3A, %broadcast_in_dim3A_777 : vector<200x1024xi1>, vector<200x1024xi32>
    %reduce_sum3A_779 = arith.constant dense<0> : vector<1024xi32>
    %reduce_sum3A_780 = vector.multi_reduction <add>, %select_n3A_778, %reduce_sum3A_779 [0] : vector<200x1024xi32> to vector<1024xi32>
    %broadcast_in_dim3A_781 = vector.shape_cast %reduce_sum3A_780 : vector<1024xi32> to vector<1x1024xi32>
    %jit3A_782 = arith.constant 0 : i32
    %broadcast_in_dim3A_783 = vector.broadcast %jit3A_782 : i32 to vector<200x1024xi32>
    %select_n3A_784 = arith.select %and3A_775, %get3A_1, %broadcast_in_dim3A_783 : vector<200x1024xi1>, vector<200x1024xi32>
    %reduce_sum3A_785 = arith.constant dense<0> : vector<1024xi32>
    %reduce_sum3A_786 = vector.multi_reduction <add>, %select_n3A_784, %reduce_sum3A_785 [0] : vector<200x1024xi32> to vector<1024xi32>
    %broadcast_in_dim3A_787 = vector.shape_cast %reduce_sum3A_786 : vector<1024xi32> to vector<1x1024xi32>
    %get3A_788 = arith.constant 0 : index
    %get3A_789 = arith.constant 0 : index
    %get3A_790 = vector.load %arg6[%get3A_788, %get3A_789] : memref<8x1024xf32, #tpu.memory_space<vmem>>, vector<8x1024xf32>
    %gt3A_791 = arith.constant 0 : i32
    %gt3A_792 = vector.broadcast %gt3A_791 : i32 to vector<1x1024xi32>
    %gt3A_793 = arith.cmpi sgt, %min3A_627, %gt3A_792 : vector<1x1024xi32>
    %slice3A_794 = vector.extract_strided_slice %get3A_790 {offsets = [0, 0], sizes = [1, 1024], strides = [1, 1]} : vector<8x1024xf32> to vector<1x1024xf32>
    %jit3A_795 = arith.constant 2.000000e+00 : f32
    %broadcast_in_dim3A_796 = vector.broadcast %jit3A_795 : f32 to vector<1x1024xf32>
    %select_n3A_797 = arith.select %gt3A_793, %slice3A_794, %broadcast_in_dim3A_796 : vector<1x1024xi1>, vector<1x1024xf32>
    %gt3A_798 = arith.constant 1 : i32
    %gt3A_799 = vector.broadcast %gt3A_798 : i32 to vector<1x1024xi32>
    %gt3A_800 = arith.cmpi sgt, %min3A_627, %gt3A_799 : vector<1x1024xi32>
    %slice3A_801 = vector.extract_strided_slice %get3A_790 {offsets = [1, 0], sizes = [1, 1024], strides = [1, 1]} : vector<8x1024xf32> to vector<1x1024xf32>
    %jit3A_802 = arith.constant 2.000000e+00 : f32
    %broadcast_in_dim3A_803 = vector.broadcast %jit3A_802 : f32 to vector<1x1024xf32>
    %select_n3A_804 = arith.select %gt3A_800, %slice3A_801, %broadcast_in_dim3A_803 : vector<1x1024xi1>, vector<1x1024xf32>
    %gt3A_805 = arith.constant 2 : i32
    %gt3A_806 = vector.broadcast %gt3A_805 : i32 to vector<1x1024xi32>
    %gt3A_807 = arith.cmpi sgt, %min3A_627, %gt3A_806 : vector<1x1024xi32>
    %slice3A_808 = vector.extract_strided_slice %get3A_790 {offsets = [2, 0], sizes = [1, 1024], strides = [1, 1]} : vector<8x1024xf32> to vector<1x1024xf32>
    %jit3A_809 = arith.constant 2.000000e+00 : f32
    %broadcast_in_dim3A_810 = vector.broadcast %jit3A_809 : f32 to vector<1x1024xf32>
    %select_n3A_811 = arith.select %gt3A_807, %slice3A_808, %broadcast_in_dim3A_810 : vector<1x1024xi1>, vector<1x1024xf32>
    %gt3A_812 = arith.constant 3 : i32
    %gt3A_813 = vector.broadcast %gt3A_812 : i32 to vector<1x1024xi32>
    %gt3A_814 = arith.cmpi sgt, %min3A_627, %gt3A_813 : vector<1x1024xi32>
    %slice3A_815 = vector.extract_strided_slice %get3A_790 {offsets = [3, 0], sizes = [1, 1024], strides = [1, 1]} : vector<8x1024xf32> to vector<1x1024xf32>
    %jit3A_816 = arith.constant 2.000000e+00 : f32
    %broadcast_in_dim3A_817 = vector.broadcast %jit3A_816 : f32 to vector<1x1024xf32>
    %select_n3A_818 = arith.select %gt3A_814, %slice3A_815, %broadcast_in_dim3A_817 : vector<1x1024xi1>, vector<1x1024xf32>
    %gt3A_819 = arith.constant 4 : i32
    %gt3A_820 = vector.broadcast %gt3A_819 : i32 to vector<1x1024xi32>
    %gt3A_821 = arith.cmpi sgt, %min3A_627, %gt3A_820 : vector<1x1024xi32>
    %slice3A_822 = vector.extract_strided_slice %get3A_790 {offsets = [4, 0], sizes = [1, 1024], strides = [1, 1]} : vector<8x1024xf32> to vector<1x1024xf32>
    %jit3A_823 = arith.constant 2.000000e+00 : f32
    %broadcast_in_dim3A_824 = vector.broadcast %jit3A_823 : f32 to vector<1x1024xf32>
    %select_n3A_825 = arith.select %gt3A_821, %slice3A_822, %broadcast_in_dim3A_824 : vector<1x1024xi1>, vector<1x1024xf32>
    %broadcast_in_dim3A_826 = arith.constant 0 : i32
    %broadcast_in_dim3A_827 = vector.broadcast %broadcast_in_dim3A_826 : i32 to vector<1x1024xi32>
    %lt3A_828 = arith.cmpf olt, %select_n3A_804, %select_n3A_797 : vector<1x1024xf32>
    %convert_element_type3A_829 = arith.extui %lt3A_828 : vector<1x1024xi1> to vector<1x1024xi32>
    %add3A_830 = arith.addi %broadcast_in_dim3A_827, %convert_element_type3A_829 : vector<1x1024xi32>
    %lt3A_831 = arith.cmpf olt, %select_n3A_811, %select_n3A_797 : vector<1x1024xf32>
    %convert_element_type3A_832 = arith.extui %lt3A_831 : vector<1x1024xi1> to vector<1x1024xi32>
    %add3A_833 = arith.addi %add3A_830, %convert_element_type3A_832 : vector<1x1024xi32>
    %lt3A_834 = arith.cmpf olt, %select_n3A_818, %select_n3A_797 : vector<1x1024xf32>
    %convert_element_type3A_835 = arith.extui %lt3A_834 : vector<1x1024xi1> to vector<1x1024xi32>
    %add3A_836 = arith.addi %add3A_833, %convert_element_type3A_835 : vector<1x1024xi32>
    %lt3A_837 = arith.cmpf olt, %select_n3A_825, %select_n3A_797 : vector<1x1024xf32>
    %convert_element_type3A_838 = arith.extui %lt3A_837 : vector<1x1024xi1> to vector<1x1024xi32>
    %add3A_839 = arith.addi %add3A_836, %convert_element_type3A_838 : vector<1x1024xi32>
    %broadcast_in_dim3A_840 = arith.constant 0 : i32
    %broadcast_in_dim3A_841 = vector.broadcast %broadcast_in_dim3A_840 : i32 to vector<1x1024xi32>
    %le3A_842 = arith.cmpf ole, %select_n3A_797, %select_n3A_804 : vector<1x1024xf32>
    %convert_element_type3A_843 = arith.extui %le3A_842 : vector<1x1024xi1> to vector<1x1024xi32>
    %add3A_844 = arith.addi %broadcast_in_dim3A_841, %convert_element_type3A_843 : vector<1x1024xi32>
    %lt3A_845 = arith.cmpf olt, %select_n3A_811, %select_n3A_804 : vector<1x1024xf32>
    %convert_element_type3A_846 = arith.extui %lt3A_845 : vector<1x1024xi1> to vector<1x1024xi32>
    %add3A_847 = arith.addi %add3A_844, %convert_element_type3A_846 : vector<1x1024xi32>
    %lt3A_848 = arith.cmpf olt, %select_n3A_818, %select_n3A_804 : vector<1x1024xf32>
    %convert_element_type3A_849 = arith.extui %lt3A_848 : vector<1x1024xi1> to vector<1x1024xi32>
    %add3A_850 = arith.addi %add3A_847, %convert_element_type3A_849 : vector<1x1024xi32>
    %lt3A_851 = arith.cmpf olt, %select_n3A_825, %select_n3A_804 : vector<1x1024xf32>
    %convert_element_type3A_852 = arith.extui %lt3A_851 : vector<1x1024xi1> to vector<1x1024xi32>
    %add3A_853 = arith.addi %add3A_850, %convert_element_type3A_852 : vector<1x1024xi32>
    %broadcast_in_dim3A_854 = arith.constant 0 : i32
    %broadcast_in_dim3A_855 = vector.broadcast %broadcast_in_dim3A_854 : i32 to vector<1x1024xi32>
    %le3A_856 = arith.cmpf ole, %select_n3A_797, %select_n3A_811 : vector<1x1024xf32>
    %convert_element_type3A_857 = arith.extui %le3A_856 : vector<1x1024xi1> to vector<1x1024xi32>
    %add3A_858 = arith.addi %broadcast_in_dim3A_855, %convert_element_type3A_857 : vector<1x1024xi32>
    %le3A_859 = arith.cmpf ole, %select_n3A_804, %select_n3A_811 : vector<1x1024xf32>
    %convert_element_type3A_860 = arith.extui %le3A_859 : vector<1x1024xi1> to vector<1x1024xi32>
    %add3A_861 = arith.addi %add3A_858, %convert_element_type3A_860 : vector<1x1024xi32>
    %lt3A_862 = arith.cmpf olt, %select_n3A_818, %select_n3A_811 : vector<1x1024xf32>
    %convert_element_type3A_863 = arith.extui %lt3A_862 : vector<1x1024xi1> to vector<1x1024xi32>
    %add3A_864 = arith.addi %add3A_861, %convert_element_type3A_863 : vector<1x1024xi32>
    %lt3A_865 = arith.cmpf olt, %select_n3A_825, %select_n3A_811 : vector<1x1024xf32>
    %convert_element_type3A_866 = arith.extui %lt3A_865 : vector<1x1024xi1> to vector<1x1024xi32>
    %add3A_867 = arith.addi %add3A_864, %convert_element_type3A_866 : vector<1x1024xi32>
    %broadcast_in_dim3A_868 = arith.constant 0 : i32
    %broadcast_in_dim3A_869 = vector.broadcast %broadcast_in_dim3A_868 : i32 to vector<1x1024xi32>
    %le3A_870 = arith.cmpf ole, %select_n3A_797, %select_n3A_818 : vector<1x1024xf32>
    %convert_element_type3A_871 = arith.extui %le3A_870 : vector<1x1024xi1> to vector<1x1024xi32>
    %add3A_872 = arith.addi %broadcast_in_dim3A_869, %convert_element_type3A_871 : vector<1x1024xi32>
    %le3A_873 = arith.cmpf ole, %select_n3A_804, %select_n3A_818 : vector<1x1024xf32>
    %convert_element_type3A_874 = arith.extui %le3A_873 : vector<1x1024xi1> to vector<1x1024xi32>
    %add3A_875 = arith.addi %add3A_872, %convert_element_type3A_874 : vector<1x1024xi32>
    %le3A_876 = arith.cmpf ole, %select_n3A_811, %select_n3A_818 : vector<1x1024xf32>
    %convert_element_type3A_877 = arith.extui %le3A_876 : vector<1x1024xi1> to vector<1x1024xi32>
    %add3A_878 = arith.addi %add3A_875, %convert_element_type3A_877 : vector<1x1024xi32>
    %lt3A_879 = arith.cmpf olt, %select_n3A_825, %select_n3A_818 : vector<1x1024xf32>
    %convert_element_type3A_880 = arith.extui %lt3A_879 : vector<1x1024xi1> to vector<1x1024xi32>
    %add3A_881 = arith.addi %add3A_878, %convert_element_type3A_880 : vector<1x1024xi32>
    %broadcast_in_dim3A_882 = arith.constant 0 : i32
    %broadcast_in_dim3A_883 = vector.broadcast %broadcast_in_dim3A_882 : i32 to vector<1x1024xi32>
    %le3A_884 = arith.cmpf ole, %select_n3A_797, %select_n3A_825 : vector<1x1024xf32>
    %convert_element_type3A_885 = arith.extui %le3A_884 : vector<1x1024xi1> to vector<1x1024xi32>
    %add3A_886 = arith.addi %broadcast_in_dim3A_883, %convert_element_type3A_885 : vector<1x1024xi32>
    %le3A_887 = arith.cmpf ole, %select_n3A_804, %select_n3A_825 : vector<1x1024xf32>
    %convert_element_type3A_888 = arith.extui %le3A_887 : vector<1x1024xi1> to vector<1x1024xi32>
    %add3A_889 = arith.addi %add3A_886, %convert_element_type3A_888 : vector<1x1024xi32>
    %le3A_890 = arith.cmpf ole, %select_n3A_811, %select_n3A_825 : vector<1x1024xf32>
    %convert_element_type3A_891 = arith.extui %le3A_890 : vector<1x1024xi1> to vector<1x1024xi32>
    %add3A_892 = arith.addi %add3A_889, %convert_element_type3A_891 : vector<1x1024xi32>
    %le3A_893 = arith.cmpf ole, %select_n3A_818, %select_n3A_825 : vector<1x1024xf32>
    %convert_element_type3A_894 = arith.extui %le3A_893 : vector<1x1024xi1> to vector<1x1024xi32>
    %add3A_895 = arith.addi %add3A_892, %convert_element_type3A_894 : vector<1x1024xi32>
    %broadcast_in_dim3A_896 = arith.constant 0 : i32
    %broadcast_in_dim3A_897 = vector.broadcast %broadcast_in_dim3A_896 : i32 to vector<1x1024xi32>
    %eq3A_898 = arith.constant 0 : i32
    %eq3A_899 = vector.broadcast %eq3A_898 : i32 to vector<1x1024xi32>
    %eq3A_900 = arith.cmpi eq, %add3A_839, %eq3A_899 : vector<1x1024xi32>
    %jit3A_901 = arith.constant 0 : i32
    %broadcast_in_dim3A_902 = vector.broadcast %jit3A_901 : i32 to vector<1x1024xi32>
    %select_n3A_903 = arith.select %eq3A_900, %broadcast_in_dim3A_715, %broadcast_in_dim3A_902 : vector<1x1024xi1>, vector<1x1024xi32>
    %add3A_904 = arith.addi %broadcast_in_dim3A_897, %select_n3A_903 : vector<1x1024xi32>
    %eq3A_905 = arith.constant 0 : i32
    %eq3A_906 = vector.broadcast %eq3A_905 : i32 to vector<1x1024xi32>
    %eq3A_907 = arith.cmpi eq, %add3A_853, %eq3A_906 : vector<1x1024xi32>
    %jit3A_908 = arith.constant 0 : i32
    %broadcast_in_dim3A_909 = vector.broadcast %jit3A_908 : i32 to vector<1x1024xi32>
    %select_n3A_910 = arith.select %eq3A_907, %broadcast_in_dim3A_733, %broadcast_in_dim3A_909 : vector<1x1024xi1>, vector<1x1024xi32>
    %add3A_911 = arith.addi %add3A_904, %select_n3A_910 : vector<1x1024xi32>
    %eq3A_912 = arith.constant 0 : i32
    %eq3A_913 = vector.broadcast %eq3A_912 : i32 to vector<1x1024xi32>
    %eq3A_914 = arith.cmpi eq, %add3A_867, %eq3A_913 : vector<1x1024xi32>
    %jit3A_915 = arith.constant 0 : i32
    %broadcast_in_dim3A_916 = vector.broadcast %jit3A_915 : i32 to vector<1x1024xi32>
    %select_n3A_917 = arith.select %eq3A_914, %broadcast_in_dim3A_751, %broadcast_in_dim3A_916 : vector<1x1024xi1>, vector<1x1024xi32>
    %add3A_918 = arith.addi %add3A_911, %select_n3A_917 : vector<1x1024xi32>
    %eq3A_919 = arith.constant 0 : i32
    %eq3A_920 = vector.broadcast %eq3A_919 : i32 to vector<1x1024xi32>
    %eq3A_921 = arith.cmpi eq, %add3A_881, %eq3A_920 : vector<1x1024xi32>
    %jit3A_922 = arith.constant 0 : i32
    %broadcast_in_dim3A_923 = vector.broadcast %jit3A_922 : i32 to vector<1x1024xi32>
    %select_n3A_924 = arith.select %eq3A_921, %broadcast_in_dim3A_769, %broadcast_in_dim3A_923 : vector<1x1024xi1>, vector<1x1024xi32>
    %add3A_925 = arith.addi %add3A_918, %select_n3A_924 : vector<1x1024xi32>
    %eq3A_926 = arith.constant 0 : i32
    %eq3A_927 = vector.broadcast %eq3A_926 : i32 to vector<1x1024xi32>
    %eq3A_928 = arith.cmpi eq, %add3A_895, %eq3A_927 : vector<1x1024xi32>
    %jit3A_929 = arith.constant 0 : i32
    %broadcast_in_dim3A_930 = vector.broadcast %jit3A_929 : i32 to vector<1x1024xi32>
    %select_n3A_931 = arith.select %eq3A_928, %broadcast_in_dim3A_787, %broadcast_in_dim3A_930 : vector<1x1024xi1>, vector<1x1024xi32>
    %add3A_932 = arith.addi %add3A_925, %select_n3A_931 : vector<1x1024xi32>
    %gt3A_933 = arith.constant 0 : i32
    %gt3A_934 = vector.broadcast %gt3A_933 : i32 to vector<1x1024xi32>
    %gt3A_935 = arith.cmpi sgt, %min3A_627, %gt3A_934 : vector<1x1024xi32>
    %and3A_936 = arith.andi %and3A_659, %gt3A_935 : vector<1x1024xi1>
    %eq3A_937 = vector.broadcast %broadcast_in_dim3A_709 : vector<1x1024xi32> to vector<200x1024xi32>
    %eq3A_938 = arith.cmpi eq, %iota3A, %eq3A_937 : vector<200x1024xi32>
    %and3A_939 = vector.broadcast %and3A_936 : vector<1x1024xi1> to vector<200x1024xi1>
    %and3A_940 = arith.andi %and3A_939, %eq3A_938 : vector<200x1024xi1>
    %broadcast_in_dim3A_941 = vector.shape_cast %add3A_932 : vector<1x1024xi32> to vector<1x1024xi32>
    %broadcast_in_dim3A_942 = vector.broadcast %broadcast_in_dim3A_941 : vector<1x1024xi32> to vector<200x1024xi32>
    %select_n3A_943 = arith.select %and3A_940, %broadcast_in_dim3A_942, %get3A_1 : vector<200x1024xi1>, vector<200x1024xi32>
    %broadcast_in_dim3A_944 = arith.constant 0 : i32
    %broadcast_in_dim3A_945 = vector.broadcast %broadcast_in_dim3A_944 : i32 to vector<1x1024xi32>
    %eq3A_946 = arith.constant 1 : i32
    %eq3A_947 = vector.broadcast %eq3A_946 : i32 to vector<1x1024xi32>
    %eq3A_948 = arith.cmpi eq, %add3A_839, %eq3A_947 : vector<1x1024xi32>
    %jit3A_949 = arith.constant 0 : i32
    %broadcast_in_dim3A_950 = vector.broadcast %jit3A_949 : i32 to vector<1x1024xi32>
    %select_n3A_951 = arith.select %eq3A_948, %broadcast_in_dim3A_715, %broadcast_in_dim3A_950 : vector<1x1024xi1>, vector<1x1024xi32>
    %add3A_952 = arith.addi %broadcast_in_dim3A_945, %select_n3A_951 : vector<1x1024xi32>
    %eq3A_953 = arith.constant 1 : i32
    %eq3A_954 = vector.broadcast %eq3A_953 : i32 to vector<1x1024xi32>
    %eq3A_955 = arith.cmpi eq, %add3A_853, %eq3A_954 : vector<1x1024xi32>
    %jit3A_956 = arith.constant 0 : i32
    %broadcast_in_dim3A_957 = vector.broadcast %jit3A_956 : i32 to vector<1x1024xi32>
    %select_n3A_958 = arith.select %eq3A_955, %broadcast_in_dim3A_733, %broadcast_in_dim3A_957 : vector<1x1024xi1>, vector<1x1024xi32>
    %add3A_959 = arith.addi %add3A_952, %select_n3A_958 : vector<1x1024xi32>
    %eq3A_960 = arith.constant 1 : i32
    %eq3A_961 = vector.broadcast %eq3A_960 : i32 to vector<1x1024xi32>
    %eq3A_962 = arith.cmpi eq, %add3A_867, %eq3A_961 : vector<1x1024xi32>
    %jit3A_963 = arith.constant 0 : i32
    %broadcast_in_dim3A_964 = vector.broadcast %jit3A_963 : i32 to vector<1x1024xi32>
    %select_n3A_965 = arith.select %eq3A_962, %broadcast_in_dim3A_751, %broadcast_in_dim3A_964 : vector<1x1024xi1>, vector<1x1024xi32>
    %add3A_966 = arith.addi %add3A_959, %select_n3A_965 : vector<1x1024xi32>
    %eq3A_967 = arith.constant 1 : i32
    %eq3A_968 = vector.broadcast %eq3A_967 : i32 to vector<1x1024xi32>
    %eq3A_969 = arith.cmpi eq, %add3A_881, %eq3A_968 : vector<1x1024xi32>
    %jit3A_970 = arith.constant 0 : i32
    %broadcast_in_dim3A_971 = vector.broadcast %jit3A_970 : i32 to vector<1x1024xi32>
    %select_n3A_972 = arith.select %eq3A_969, %broadcast_in_dim3A_769, %broadcast_in_dim3A_971 : vector<1x1024xi1>, vector<1x1024xi32>
    %add3A_973 = arith.addi %add3A_966, %select_n3A_972 : vector<1x1024xi32>
    %eq3A_974 = arith.constant 1 : i32
    %eq3A_975 = vector.broadcast %eq3A_974 : i32 to vector<1x1024xi32>
    %eq3A_976 = arith.cmpi eq, %add3A_895, %eq3A_975 : vector<1x1024xi32>
    %jit3A_977 = arith.constant 0 : i32
    %broadcast_in_dim3A_978 = vector.broadcast %jit3A_977 : i32 to vector<1x1024xi32>
    %select_n3A_979 = arith.select %eq3A_976, %broadcast_in_dim3A_787, %broadcast_in_dim3A_978 : vector<1x1024xi1>, vector<1x1024xi32>
    %add3A_980 = arith.addi %add3A_973, %select_n3A_979 : vector<1x1024xi32>
    %gt3A_981 = arith.constant 1 : i32
    %gt3A_982 = vector.broadcast %gt3A_981 : i32 to vector<1x1024xi32>
    %gt3A_983 = arith.cmpi sgt, %min3A_627, %gt3A_982 : vector<1x1024xi32>
    %and3A_984 = arith.andi %and3A_659, %gt3A_983 : vector<1x1024xi1>
    %eq3A_985 = vector.broadcast %broadcast_in_dim3A_727 : vector<1x1024xi32> to vector<200x1024xi32>
    %eq3A_986 = arith.cmpi eq, %iota3A, %eq3A_985 : vector<200x1024xi32>
    %and3A_987 = vector.broadcast %and3A_984 : vector<1x1024xi1> to vector<200x1024xi1>
    %and3A_988 = arith.andi %and3A_987, %eq3A_986 : vector<200x1024xi1>
    %broadcast_in_dim3A_989 = vector.shape_cast %add3A_980 : vector<1x1024xi32> to vector<1x1024xi32>
    %broadcast_in_dim3A_990 = vector.broadcast %broadcast_in_dim3A_989 : vector<1x1024xi32> to vector<200x1024xi32>
    %select_n3A_991 = arith.select %and3A_988, %broadcast_in_dim3A_990, %select_n3A_943 : vector<200x1024xi1>, vector<200x1024xi32>
    %broadcast_in_dim3A_992 = arith.constant 0 : i32
    %broadcast_in_dim3A_993 = vector.broadcast %broadcast_in_dim3A_992 : i32 to vector<1x1024xi32>
    %eq3A_994 = arith.constant 2 : i32
    %eq3A_995 = vector.broadcast %eq3A_994 : i32 to vector<1x1024xi32>
    %eq3A_996 = arith.cmpi eq, %add3A_839, %eq3A_995 : vector<1x1024xi32>
    %jit3A_997 = arith.constant 0 : i32
    %broadcast_in_dim3A_998 = vector.broadcast %jit3A_997 : i32 to vector<1x1024xi32>
    %select_n3A_999 = arith.select %eq3A_996, %broadcast_in_dim3A_715, %broadcast_in_dim3A_998 : vector<1x1024xi1>, vector<1x1024xi32>
    %add3A_1000 = arith.addi %broadcast_in_dim3A_993, %select_n3A_999 : vector<1x1024xi32>
    %eq3A_1001 = arith.constant 2 : i32
    %eq3A_1002 = vector.broadcast %eq3A_1001 : i32 to vector<1x1024xi32>
    %eq3A_1003 = arith.cmpi eq, %add3A_853, %eq3A_1002 : vector<1x1024xi32>
    %jit3A_1004 = arith.constant 0 : i32
    %broadcast_in_dim3A_1005 = vector.broadcast %jit3A_1004 : i32 to vector<1x1024xi32>
    %select_n3A_1006 = arith.select %eq3A_1003, %broadcast_in_dim3A_733, %broadcast_in_dim3A_1005 : vector<1x1024xi1>, vector<1x1024xi32>
    %add3A_1007 = arith.addi %add3A_1000, %select_n3A_1006 : vector<1x1024xi32>
    %eq3A_1008 = arith.constant 2 : i32
    %eq3A_1009 = vector.broadcast %eq3A_1008 : i32 to vector<1x1024xi32>
    %eq3A_1010 = arith.cmpi eq, %add3A_867, %eq3A_1009 : vector<1x1024xi32>
    %jit3A_1011 = arith.constant 0 : i32
    %broadcast_in_dim3A_1012 = vector.broadcast %jit3A_1011 : i32 to vector<1x1024xi32>
    %select_n3A_1013 = arith.select %eq3A_1010, %broadcast_in_dim3A_751, %broadcast_in_dim3A_1012 : vector<1x1024xi1>, vector<1x1024xi32>
    %add3A_1014 = arith.addi %add3A_1007, %select_n3A_1013 : vector<1x1024xi32>
    %eq3A_1015 = arith.constant 2 : i32
    %eq3A_1016 = vector.broadcast %eq3A_1015 : i32 to vector<1x1024xi32>
    %eq3A_1017 = arith.cmpi eq, %add3A_881, %eq3A_1016 : vector<1x1024xi32>
    %jit3A_1018 = arith.constant 0 : i32
    %broadcast_in_dim3A_1019 = vector.broadcast %jit3A_1018 : i32 to vector<1x1024xi32>
    %select_n3A_1020 = arith.select %eq3A_1017, %broadcast_in_dim3A_769, %broadcast_in_dim3A_1019 : vector<1x1024xi1>, vector<1x1024xi32>
    %add3A_1021 = arith.addi %add3A_1014, %select_n3A_1020 : vector<1x1024xi32>
    %eq3A_1022 = arith.constant 2 : i32
    %eq3A_1023 = vector.broadcast %eq3A_1022 : i32 to vector<1x1024xi32>
    %eq3A_1024 = arith.cmpi eq, %add3A_895, %eq3A_1023 : vector<1x1024xi32>
    %jit3A_1025 = arith.constant 0 : i32
    %broadcast_in_dim3A_1026 = vector.broadcast %jit3A_1025 : i32 to vector<1x1024xi32>
    %select_n3A_1027 = arith.select %eq3A_1024, %broadcast_in_dim3A_787, %broadcast_in_dim3A_1026 : vector<1x1024xi1>, vector<1x1024xi32>
    %add3A_1028 = arith.addi %add3A_1021, %select_n3A_1027 : vector<1x1024xi32>
    %gt3A_1029 = arith.constant 2 : i32
    %gt3A_1030 = vector.broadcast %gt3A_1029 : i32 to vector<1x1024xi32>
    %gt3A_1031 = arith.cmpi sgt, %min3A_627, %gt3A_1030 : vector<1x1024xi32>
    %and3A_1032 = arith.andi %and3A_659, %gt3A_1031 : vector<1x1024xi1>
    %eq3A_1033 = vector.broadcast %broadcast_in_dim3A_745 : vector<1x1024xi32> to vector<200x1024xi32>
    %eq3A_1034 = arith.cmpi eq, %iota3A, %eq3A_1033 : vector<200x1024xi32>
    %and3A_1035 = vector.broadcast %and3A_1032 : vector<1x1024xi1> to vector<200x1024xi1>
    %and3A_1036 = arith.andi %and3A_1035, %eq3A_1034 : vector<200x1024xi1>
    %broadcast_in_dim3A_1037 = vector.shape_cast %add3A_1028 : vector<1x1024xi32> to vector<1x1024xi32>
    %broadcast_in_dim3A_1038 = vector.broadcast %broadcast_in_dim3A_1037 : vector<1x1024xi32> to vector<200x1024xi32>
    %select_n3A_1039 = arith.select %and3A_1036, %broadcast_in_dim3A_1038, %select_n3A_991 : vector<200x1024xi1>, vector<200x1024xi32>
    %broadcast_in_dim3A_1040 = arith.constant 0 : i32
    %broadcast_in_dim3A_1041 = vector.broadcast %broadcast_in_dim3A_1040 : i32 to vector<1x1024xi32>
    %eq3A_1042 = arith.constant 3 : i32
    %eq3A_1043 = vector.broadcast %eq3A_1042 : i32 to vector<1x1024xi32>
    %eq3A_1044 = arith.cmpi eq, %add3A_839, %eq3A_1043 : vector<1x1024xi32>
    %jit3A_1045 = arith.constant 0 : i32
    %broadcast_in_dim3A_1046 = vector.broadcast %jit3A_1045 : i32 to vector<1x1024xi32>
    %select_n3A_1047 = arith.select %eq3A_1044, %broadcast_in_dim3A_715, %broadcast_in_dim3A_1046 : vector<1x1024xi1>, vector<1x1024xi32>
    %add3A_1048 = arith.addi %broadcast_in_dim3A_1041, %select_n3A_1047 : vector<1x1024xi32>
    %eq3A_1049 = arith.constant 3 : i32
    %eq3A_1050 = vector.broadcast %eq3A_1049 : i32 to vector<1x1024xi32>
    %eq3A_1051 = arith.cmpi eq, %add3A_853, %eq3A_1050 : vector<1x1024xi32>
    %jit3A_1052 = arith.constant 0 : i32
    %broadcast_in_dim3A_1053 = vector.broadcast %jit3A_1052 : i32 to vector<1x1024xi32>
    %select_n3A_1054 = arith.select %eq3A_1051, %broadcast_in_dim3A_733, %broadcast_in_dim3A_1053 : vector<1x1024xi1>, vector<1x1024xi32>
    %add3A_1055 = arith.addi %add3A_1048, %select_n3A_1054 : vector<1x1024xi32>
    %eq3A_1056 = arith.constant 3 : i32
    %eq3A_1057 = vector.broadcast %eq3A_1056 : i32 to vector<1x1024xi32>
    %eq3A_1058 = arith.cmpi eq, %add3A_867, %eq3A_1057 : vector<1x1024xi32>
    %jit3A_1059 = arith.constant 0 : i32
    %broadcast_in_dim3A_1060 = vector.broadcast %jit3A_1059 : i32 to vector<1x1024xi32>
    %select_n3A_1061 = arith.select %eq3A_1058, %broadcast_in_dim3A_751, %broadcast_in_dim3A_1060 : vector<1x1024xi1>, vector<1x1024xi32>
    %add3A_1062 = arith.addi %add3A_1055, %select_n3A_1061 : vector<1x1024xi32>
    %eq3A_1063 = arith.constant 3 : i32
    %eq3A_1064 = vector.broadcast %eq3A_1063 : i32 to vector<1x1024xi32>
    %eq3A_1065 = arith.cmpi eq, %add3A_881, %eq3A_1064 : vector<1x1024xi32>
    %jit3A_1066 = arith.constant 0 : i32
    %broadcast_in_dim3A_1067 = vector.broadcast %jit3A_1066 : i32 to vector<1x1024xi32>
    %select_n3A_1068 = arith.select %eq3A_1065, %broadcast_in_dim3A_769, %broadcast_in_dim3A_1067 : vector<1x1024xi1>, vector<1x1024xi32>
    %add3A_1069 = arith.addi %add3A_1062, %select_n3A_1068 : vector<1x1024xi32>
    %eq3A_1070 = arith.constant 3 : i32
    %eq3A_1071 = vector.broadcast %eq3A_1070 : i32 to vector<1x1024xi32>
    %eq3A_1072 = arith.cmpi eq, %add3A_895, %eq3A_1071 : vector<1x1024xi32>
    %jit3A_1073 = arith.constant 0 : i32
    %broadcast_in_dim3A_1074 = vector.broadcast %jit3A_1073 : i32 to vector<1x1024xi32>
    %select_n3A_1075 = arith.select %eq3A_1072, %broadcast_in_dim3A_787, %broadcast_in_dim3A_1074 : vector<1x1024xi1>, vector<1x1024xi32>
    %add3A_1076 = arith.addi %add3A_1069, %select_n3A_1075 : vector<1x1024xi32>
    %gt3A_1077 = arith.constant 3 : i32
    %gt3A_1078 = vector.broadcast %gt3A_1077 : i32 to vector<1x1024xi32>
    %gt3A_1079 = arith.cmpi sgt, %min3A_627, %gt3A_1078 : vector<1x1024xi32>
    %and3A_1080 = arith.andi %and3A_659, %gt3A_1079 : vector<1x1024xi1>
    %eq3A_1081 = vector.broadcast %broadcast_in_dim3A_763 : vector<1x1024xi32> to vector<200x1024xi32>
    %eq3A_1082 = arith.cmpi eq, %iota3A, %eq3A_1081 : vector<200x1024xi32>
    %and3A_1083 = vector.broadcast %and3A_1080 : vector<1x1024xi1> to vector<200x1024xi1>
    %and3A_1084 = arith.andi %and3A_1083, %eq3A_1082 : vector<200x1024xi1>
    %broadcast_in_dim3A_1085 = vector.shape_cast %add3A_1076 : vector<1x1024xi32> to vector<1x1024xi32>
    %broadcast_in_dim3A_1086 = vector.broadcast %broadcast_in_dim3A_1085 : vector<1x1024xi32> to vector<200x1024xi32>
    %select_n3A_1087 = arith.select %and3A_1084, %broadcast_in_dim3A_1086, %select_n3A_1039 : vector<200x1024xi1>, vector<200x1024xi32>
    %broadcast_in_dim3A_1088 = arith.constant 0 : i32
    %broadcast_in_dim3A_1089 = vector.broadcast %broadcast_in_dim3A_1088 : i32 to vector<1x1024xi32>
    %eq3A_1090 = arith.constant 4 : i32
    %eq3A_1091 = vector.broadcast %eq3A_1090 : i32 to vector<1x1024xi32>
    %eq3A_1092 = arith.cmpi eq, %add3A_839, %eq3A_1091 : vector<1x1024xi32>
    %jit3A_1093 = arith.constant 0 : i32
    %broadcast_in_dim3A_1094 = vector.broadcast %jit3A_1093 : i32 to vector<1x1024xi32>
    %select_n3A_1095 = arith.select %eq3A_1092, %broadcast_in_dim3A_715, %broadcast_in_dim3A_1094 : vector<1x1024xi1>, vector<1x1024xi32>
    %add3A_1096 = arith.addi %broadcast_in_dim3A_1089, %select_n3A_1095 : vector<1x1024xi32>
    %eq3A_1097 = arith.constant 4 : i32
    %eq3A_1098 = vector.broadcast %eq3A_1097 : i32 to vector<1x1024xi32>
    %eq3A_1099 = arith.cmpi eq, %add3A_853, %eq3A_1098 : vector<1x1024xi32>
    %jit3A_1100 = arith.constant 0 : i32
    %broadcast_in_dim3A_1101 = vector.broadcast %jit3A_1100 : i32 to vector<1x1024xi32>
    %select_n3A_1102 = arith.select %eq3A_1099, %broadcast_in_dim3A_733, %broadcast_in_dim3A_1101 : vector<1x1024xi1>, vector<1x1024xi32>
    %add3A_1103 = arith.addi %add3A_1096, %select_n3A_1102 : vector<1x1024xi32>
    %eq3A_1104 = arith.constant 4 : i32
    %eq3A_1105 = vector.broadcast %eq3A_1104 : i32 to vector<1x1024xi32>
    %eq3A_1106 = arith.cmpi eq, %add3A_867, %eq3A_1105 : vector<1x1024xi32>
    %jit3A_1107 = arith.constant 0 : i32
    %broadcast_in_dim3A_1108 = vector.broadcast %jit3A_1107 : i32 to vector<1x1024xi32>
    %select_n3A_1109 = arith.select %eq3A_1106, %broadcast_in_dim3A_751, %broadcast_in_dim3A_1108 : vector<1x1024xi1>, vector<1x1024xi32>
    %add3A_1110 = arith.addi %add3A_1103, %select_n3A_1109 : vector<1x1024xi32>
    %eq3A_1111 = arith.constant 4 : i32
    %eq3A_1112 = vector.broadcast %eq3A_1111 : i32 to vector<1x1024xi32>
    %eq3A_1113 = arith.cmpi eq, %add3A_881, %eq3A_1112 : vector<1x1024xi32>
    %jit3A_1114 = arith.constant 0 : i32
    %broadcast_in_dim3A_1115 = vector.broadcast %jit3A_1114 : i32 to vector<1x1024xi32>
    %select_n3A_1116 = arith.select %eq3A_1113, %broadcast_in_dim3A_769, %broadcast_in_dim3A_1115 : vector<1x1024xi1>, vector<1x1024xi32>
    %add3A_1117 = arith.addi %add3A_1110, %select_n3A_1116 : vector<1x1024xi32>
    %eq3A_1118 = arith.constant 4 : i32
    %eq3A_1119 = vector.broadcast %eq3A_1118 : i32 to vector<1x1024xi32>
    %eq3A_1120 = arith.cmpi eq, %add3A_895, %eq3A_1119 : vector<1x1024xi32>
    %jit3A_1121 = arith.constant 0 : i32
    %broadcast_in_dim3A_1122 = vector.broadcast %jit3A_1121 : i32 to vector<1x1024xi32>
    %select_n3A_1123 = arith.select %eq3A_1120, %broadcast_in_dim3A_787, %broadcast_in_dim3A_1122 : vector<1x1024xi1>, vector<1x1024xi32>
    %add3A_1124 = arith.addi %add3A_1117, %select_n3A_1123 : vector<1x1024xi32>
    %gt3A_1125 = arith.constant 4 : i32
    %gt3A_1126 = vector.broadcast %gt3A_1125 : i32 to vector<1x1024xi32>
    %gt3A_1127 = arith.cmpi sgt, %min3A_627, %gt3A_1126 : vector<1x1024xi32>
    %and3A_1128 = arith.andi %and3A_659, %gt3A_1127 : vector<1x1024xi1>
    %eq3A_1129 = vector.broadcast %broadcast_in_dim3A_781 : vector<1x1024xi32> to vector<200x1024xi32>
    %eq3A_1130 = arith.cmpi eq, %iota3A, %eq3A_1129 : vector<200x1024xi32>
    %and3A_1131 = vector.broadcast %and3A_1128 : vector<1x1024xi1> to vector<200x1024xi1>
    %and3A_1132 = arith.andi %and3A_1131, %eq3A_1130 : vector<200x1024xi1>
    %broadcast_in_dim3A_1133 = vector.shape_cast %add3A_1124 : vector<1x1024xi32> to vector<1x1024xi32>
    %broadcast_in_dim3A_1134 = vector.broadcast %broadcast_in_dim3A_1133 : vector<1x1024xi32> to vector<200x1024xi32>
    %select_n3A_1135 = arith.select %and3A_1132, %broadcast_in_dim3A_1134, %select_n3A_1087 : vector<200x1024xi1>, vector<200x1024xi32>
    %swap3A_1136 = arith.constant 0 : index
    %swap3A_1137 = arith.constant 0 : index
    %swap3A_1138 = vector.load %arg9[%swap3A_1136, %swap3A_1137] : memref<200x1024xi32, #tpu.memory_space<vmem>>, vector<200x1024xi32>
    tpu.vector_store %arg9[%swap3A_1136, %swap3A_1137], %select_n3A_1135 {strides = array<i32>} : memref<200x1024xi32, #tpu.memory_space<vmem>>, vector<200x1024xi32>,
    return
  }
  func.func @transform_0(%arg0: i32) -> (i32, i32) {
    %c0_i32 = arith.constant 0 : i32
    %c0_i32_0 = arith.constant 0 : i32
    return %c0_i32, %arg0 : i32, i32
  }
  func.func @transform_1(%arg0: i32) -> (i32, i32) {
    %c0_i32 = arith.constant 0 : i32
    %c0_i32_0 = arith.constant 0 : i32
    return %c0_i32, %arg0 : i32, i32
  }
  func.func @transform_2(%arg0: i32) -> (i32, i32) {
    %c0_i32 = arith.constant 0 : i32
    %c0_i32_0 = arith.constant 0 : i32
    return %c0_i32, %arg0 : i32, i32
  }
  func.func @transform_3(%arg0: i32) -> (i32, i32) {
    %c0_i32 = arith.constant 0 : i32
    %c0_i32_0 = arith.constant 0 : i32
    return %c0_i32, %arg0 : i32, i32
  }
  func.func @transform_4(%arg0: i32) -> (i32, i32) {
    %c0_i32 = arith.constant 0 : i32
    %c0_i32_0 = arith.constant 0 : i32
    return %c0_i32, %arg0 : i32, i32
  }
  func.func @transform_5(%arg0: i32) -> (i32, i32) {
    %c0_i32 = arith.constant 0 : i32
    %c0_i32_0 = arith.constant 0 : i32
    return %c0_i32, %arg0 : i32, i32
  }
  func.func @transform_6(%arg0: i32) -> (i32, i32) {
    %c0_i32 = arith.constant 0 : i32
    %c0_i32_0 = arith.constant 0 : i32
    return %c0_i32, %arg0 : i32, i32
  }
  func.func @transform_7(%arg0: i32) -> (i32, i32) {
    %c0_i32 = arith.constant 0 : i32
    %c0_i32_0 = arith.constant 0 : i32
    return %c0_i32, %arg0 : i32, i32
  }
  func.func @transform_8(%arg0: i32) -> (i32, i32) {
    %c0_i32 = arith.constant 0 : i32
    %c0_i32_0 = arith.constant 0 : i32
    return %c0_i32, %arg0 : i32, i32
  }
}

</mosaic_0001>

<sc_bundles>
// kernel: kernel.8.cloned.1.call-start
scs
__scs_entry_jumppad:
0x0: {  	(pc) =	sbr.rel $0x88, $3  }
0x1: {  	(tag) =	ssettag $0x0;
	lr =	simm.s32 $0x1  }
0x2: {  	[smem:$0x3F9F] =	sst lr;
	_ =	strace $0xD0000000  }
0x3: {  	_ = 	snop  }
0x4: {  	_ = 	snop  }
0x5: {  	_ = 	snop  }
0x6: {  	_ = 	snop  }
0x7: {  	_ = 	snop  }
__scs_overlays_trampoline_lowered:
0x8: {  	[smem:$0x3FAE] =	sst s0  }
0x9: {  	[smem:$0x3FAF] =	sst s1  }
0xa: {  	[smem:$0x3FB0] =	sst s2  }
0xb: {  	[smem:$0x3FB1] =	sst s3  }
0xc: {  	[smem:$0x3FB2] =	sst s4  }
0xd: {  	[smem:$0x3FB3] =	sst s5  }
0xe: {  	[smem:$0x3FB4] =	sst s6  }
0xf: {  	[smem:$0x3FB5] =	sst s7  }
0x10: {  	[smem:$0x3FB6] =	sst s8  }
0x11: {  	[smem:$0x3FB7] =	sst s9;
	s0 =	simm.s32 @!p0 $0x0  }
0x12: {  	s1 =	sld [smem:$0x3F9D];
	s0 =	simm.s32 @p0 $0x1  }
0x13: {  	[smem:$0x3FB8] =	sst s0;
	s0 =	simm.s32 @!p1 $0x0  }
0x14: {  	s2 =	sld [smem:$0x3F9C];
	s0 =	simm.s32 @p1 $0x1  }
0x15: {  	[smem:$0x3FB9] =	sst s0;
	s0 =	simm.s32 @!p2 $0x0  }
0x16: {  	s3 =	sld [smem:$0x3FDB];
	s0 =	simm.s32 @p2 $0x1  }
0x17: {  	s4 =	simm.s32 $0x1BF5;
	[smem:$0x3FBB] =	sst s0  }
0x18: {  	s0 =	sld [smem:$0x3F9E];
	_ =	swait.ge [sflag:s4], $0x0  }
0x19: {  	s7 =	sld [smem:$0x3F9F]  }
0x1a: {  	s8 =	sadd.s32 $0xFFFFE003, lr  }
0x1b: {  	s9 =	sadd.s32 $0xFFFFFEF7, lr;
	s5 =	simm.s32 $0xFFFFFFFF;
	p2 =	slt.u32 s8, $0xFFFFF086  }
0x1c: {  	p1 =	slt.u32 s9, $0xF7A;
	s5 =	simm.s32 @!p2 $0x0  }
0x1d: {  	s5 =	simm.s32 @p1 $0x1;
	p0 =	seq.s32 s7, s2  }
0x1e: {  	s7 =	smul.u32 @!p0 $0xF7A, s2;
	p2 =	seq.s32 @!p0 s5, $0x0  }
0x1f: {  	s9 =	smul.u32 $0xF7A, s1;
	s8 =	simm.s32 @!p0 $0x1BF5;
	p2 =	por !p2, p0  }
0x20: {  	[sflag:s8] =	ssyncset.s32 @!p0 $0xFFFFF086;
	s6 =	sadd.s32 @!p0 s3, s7;
	s7 =	simm.s32 @!p0 $0x108  }
0x21: {  	s3 =	sadd.s32 s3, s9;
	s6 =	sadd.s32 @!p0 $0x88, s6;
	s7 =	simm.s32 @p2 $0x1082  }
0x22: {  	[simem:s7], [sflag:s8] =	dma.local @!p0 [hbm:s6], $0xF7A  }
0x23: {  	s9 =	sor.u32 $0xD0000000, s2;
	s6 =	simm.s32 $0x108;
	_ =	swait.ge @!p0 [sflag:s8], $0x0  }
0x24: {  	s3 =	sadd.s32 $0x88, s3;
	s6 =	simm.s32 @!p1 $0x1082;
	[sflag:s4] =	ssyncset.s32 $0xFFFFF086  }
0x25: {  	[simem:s6], [sflag:s4] =	dma.local [hbm:s3], $0xF7A  }
0x26: {  	[smem:$0x3F9F] =	sst s1;
	(tag) =	ssettag s2;
	_ =	strace s9  }
0x27: {  	s1 =	sld [smem:$0x3FAF]  }
0x28: {  	s2 =	sld [smem:$0x3FB0]  }
0x29: {  	s4 =	sld [smem:$0x3FB2]  }
0x2a: {  	p0 =	seq.s32 s5, $0x0;
	s5 =	sld [smem:$0x3FB3]  }
0x2b: {  	s6 =	sld [smem:$0x3FB4]  }
0x2c: {  	s7 =	sld [smem:$0x3FB5]  }
0x2d: {  	s3 =	simm.s32 $0x108;
	s8 =	sld [smem:$0x3FB6]  }
0x2e: {  	s3 =	simm.s32 @!p0 $0x1082;
	s9 =	sld [smem:$0x3FB7]  }
0x2f: {  	lr =	sadd.s32 s0, s3;
	s0 =	sld [smem:$0x3FAE]  }
0x30: {  	s3 =	sld [smem:$0x3FB1]  }
0x31: {  	[smem:$0x3FBA] =	sst s10  }
0x32: {  	s10 =	sld [smem:$0x3FB8];
	_ =	sdelay $0x3  }
0x33: {  	p0 =	seq.s32 s10, $0x1;
	s10 =	sld [smem:$0x3FBA];
	_ =	sdelay $0x3  }
0x34: {  	[smem:$0x3FBA] =	sst s10  }
0x35: {  	s10 =	sld [smem:$0x3FB9];
	_ =	sdelay $0x3  }
0x36: {  	p1 =	seq.s32 s10, $0x1;
	s10 =	sld [smem:$0x3FBA];
	_ =	sdelay $0x3  }
0x37: {  	[smem:$0x3FBA] =	sst s10  }
0x38: {  	s10 =	sld [smem:$0x3FBB]  }
0x39: {  	_ = 	snop;
	(pc) =	sbr.ind lr, $3  }
0x3a: {  	_ = 	snop  }
0x3b: {  	_ = 	snop  }
0x3c: {  	p2 =	seq.s32 s10, $0x1;
	s10 =	sld [smem:$0x3FBA]  }
0x3d: {  	_ =	shalt  }
0x3e: {  	_ =	shalt  }
0x3f: {  	_ =	shalt  }
0x40: {  	_ =	shalt  }
0x41: {  	_ =	shalt  }
0x42: {  	_ =	shalt  }
0x43: {  	_ =	shalt  }
0x44: {  	_ =	shalt  }
0x45: {  	_ =	shalt  }
0x46: {  	_ =	shalt  }
0x47: {  	_ =	shalt  }
0x48: {  	_ =	shalt  }
0x49: {  	_ =	shalt  }
0x4a: {  	_ =	shalt  }
0x4b: {  	_ =	shalt  }
0x4c: {  	_ =	shalt  }
0x4d: {  	_ =	shalt  }
0x4e: {  	_ =	shalt  }
0x4f: {  	_ =	shalt  }
0x50: {  	_ =	shalt  }
0x51: {  	_ =	shalt  }
0x52: {  	_ =	shalt  }
0x53: {  	_ =	shalt  }
0x54: {  	_ =	shalt  }
0x55: {  	_ =	shalt  }
0x56: {  	_ =	shalt  }
0x57: {  	_ =	shalt  }
0x58: {  	_ =	shalt  }
0x59: {  	_ =	shalt  }
0x5a: {  	_ =	shalt  }
0x5b: {  	_ =	shalt  }
0x5c: {  	_ =	shalt  }
0x5d: {  	_ =	shalt  }
0x5e: {  	_ =	shalt  }
0x5f: {  	_ =	shalt  }
0x60: {  	_ =	shalt  }
0x61: {  	_ =	shalt  }
0x62: {  	_ =	shalt  }
0x63: {  	_ =	shalt  }
0x64: {  	_ =	shalt  }
0x65: {  	_ =	shalt  }
0x66: {  	_ =	shalt  }
0x67: {  	_ =	shalt  }
0x68: {  	_ =	shalt  }
0x69: {  	_ =	shalt  }
0x6a: {  	_ =	shalt  }
0x6b: {  	_ =	shalt  }
0x6c: {  	_ =	shalt  }
0x6d: {  	_ =	shalt  }
0x6e: {  	_ =	shalt  }
0x6f: {  	_ =	shalt  }
0x70: {  	_ =	shalt  }
0x71: {  	_ =	shalt  }
0x72: {  	_ =	shalt  }
0x73: {  	_ =	shalt  }
0x74: {  	_ =	shalt  }
0x75: {  	_ =	shalt  }
0x76: {  	_ =	shalt  }
0x77: {  	_ =	shalt  }
0x78: {  	_ =	shalt  }
0x79: {  	_ =	shalt  }
0x7a: {  	_ =	shalt  }
0x7b: {  	_ =	shalt  }
0x7c: {  	_ =	shalt  }
0x7d: {  	_ =	shalt  }
0x7e: {  	_ =	shalt  }
0x7f: {  	_ =	shalt  }
0x80: {  	_ =	shalt  }
0x81: {  	_ =	shalt  }
0x82: {  	_ =	shalt  }
0x83: {  	_ =	shalt  }
0x84: {  	_ =	shalt  }
0x85: {  	_ =	shalt  }
0x86: {  	_ =	shalt  }
0x87: {  	_ =	shalt  }
.Lfunc_end0:
.L_simem_size_0:
called_computation_lowered:
.L_overlay_start_0:
0x88: {  	s2 =	sld [smem:$0x3FD9]  }
0x89: {  	s3 =	sld [smem:$0x3FFE];
	_ =	sdelay $0x1  }
0x8a: {  	s1 =	srdreg.scid  }
0x8b: {  	s0 =	sand.u32 $0x1, s1  }
0x8c: {  	s14 =	sshll.u32 s0, $0xA;
	s2 =	sadd.s32 s3, s2  }
0x8d: {  	s2 =	sadd.s32 s2, s14  }
0x8e: {  	[smem:$0x3FC6] =	sst s2  }
0x8f: {  	_ = 	snop  }
0x90: {  	s2 =	sld [smem:$0x3FD0];
	_ =	sdelay $0x2  }
0x91: {  	s15 =	simm.s32 $0xA;
	s4 =	simm.s32 $0x10  }
0x92: {  	[smem:s4], [sflag:s15] =	dma.local [hbm:s2], $0x1  }
0x93: {  	_ =	swait.eq [sflag:s15], $0x1  }
0x94: {  	[sflag:s15] =	ssyncset.done $0x0  }
0x95: {  	s16 =	sld [smem:$0x13];
	[sflag:s15] =	ssyncadd.s32 $0xFFFFFFFF  }
0x96: {  	s17 =	sld [smem:$0x15];
	(tm) =	ssettm $0x1  }
0x97: {  	s18 =	sld [smem:$0x3FFB];
	_ =	sdelay $0x3  }
0x98: {  	_ =	strace s18  }
0x99: {  	s4 =	sld [smem:$0x3FFC];
	_ =	sdelay $0x3  }
0x9a: {  	_ =	strace s4  }
0x9b: {  	s4 =	sld [smem:$0x3FFD];
	_ =	sdelay $0x3  }
0x9c: {  	_ =	strace s4  }
0x9d: {  	_ =	strace $0x8FFFFFFF  }
0x9e: {  	s19 =	sld [smem:$0x3FDB];
	_ =	sdelay $0x1  }
0x9f: {  	s5 =	simm.s32 $_scs_section_size  }
0xa0: {  	s6 =	simm.s32 $_size__tile_overlayer_lowered;
	s7 =	simm.s32 $_tile_overlayer_lowered  }
0xa1: {  	s22 =	simm.s32 $0x1BFF;
	s21 =	sshll.u32 s7, $0x1;
	s4 =	sadd.s32 s5, s19  }
0xa2: {  	s8 =	simm.s32 $0x0;
	s20 =	sshll.u32 s6, $0x1;
	s6 =	sadd.s32 s21, s4  }
0xa3: {  	[timem:s8], [sflag:s22] =	dma.local [hbm:s6], s20  }
0xa4: {  	_ =	swait.ge [sflag:s22], s20  }
0xa5: {  	s5 =	ssub.s32 $0x0, s20;
	[sflag:s22] =	ssyncset.done $0x0  }
0xa6: {  	[sflag:s22] =	ssyncadd.s32 s5;
	_ =	sdelay $0x1  }
0xa7: {  	s23 =	simm.s32 $0x1B8B  }
0xa8: {  	_ =	swait.ge [sflag:s23], $0x1  }
0xa9: {  	[sflag:s23] =	ssyncset.done $0x0  }
0xaa: {  	s25 =	simm.s32 $0x1B8E;
	s24 =	sld [smem:$0x3FFE];
	[sflag:s23] =	ssyncadd.s32 $0xFFFFFFFF  }
0xab: {  	s26 =	simm.s32 $execute0_lowered;
	[smem:$0x3FD2] =	sst s25  }
0xac: {  	s6 =	sshll.u32 s26, $0x1;
	_ =	strace $0x80000046;
	[dreg:$0x1] =	wrdreg $0xFFFFFFFF  }
0xad: {  	s28 =	simm.s32 $_size_execute0_lowered;
	s4 =	sadd.s32 s4, s6;
	[dreg:$0x0] =	wrdreg $0x0  }
0xae: {  	s6 =	sshll.u32 s28, $0x1;
	[dreg:$0x2] =	wrdreg s4  }
0xaf: {  	[dreg:$0x3] =	wrdreg s6  }
0xb0: {  	[dreg:$0x4] =	wrdreg $0xC0  }
0xb1: {  	_ =	task [dreg:s8], $0x5FFFF  }
0xb2: {  	[dreg:$0x1] =	wrdreg $0xFFFFFFFF  }
0xb3: {  	[dreg:$0x0] =	wrdreg $0x60  }
0xb4: {  	[dreg:$0x2] =	wrdreg s24  }
0xb5: {  	[dreg:$0x3] =	wrdreg s17  }
0xb6: {  	[dreg:$0x4] =	wrdreg s16  }
0xb7: {  	[dreg:$0x5] =	wrdreg $0x9  }
0xb8: {  	_ =	task.clear_ibuf [dreg:s8], $0x6FFFF;
	_ =	strace $0x90000046  }
0xb9: {  	s29 =	simm.s32 $0x9;
	_ =	strace $0x80000048  }
0xba: {  	_ =	swait.ge [sflag:s29], $0x1  }
0xbb: {  	[sflag:s29] =	ssyncadd.s32 $0xFFFFFFFF  }
0xbc: {  	_ =	strace $0x90000048  }
0xbd: {  	_ =	sfence  }
0xbe: {  	s30 =	sld [smem:$0x0];
	_ =	sdelay $0x2  }
0xbf: {  	s31 =	sshll.u32 s1, $0xD;
	s1 =	sshrl.u32 s1, $0x2  }
0xc0: {  	s3 =	sand.u32 $0x4000, s31;
	s1 =	sadd.s32 s1, s30  }
0xc1: {  	s0 =	sor.u32 s3, s0;
	s1 =	sshll.u32 s1, $0x11  }
0xc2: {  	s0 =	sor.u32 s1, s0  }
0xc3: {  	s0 =	sadd.s32 $0x8F2B, s0  }
0xc4: {  	[sflag:s0] =	ssyncadd.remote.s32 $0x1  }
0xc5: {  	_ =	sfence.sel $0xFFFF  }
0xc6: {  	[dreg:$0x0] =	wrdreg $0xFFFFFFFF;
	(pc) =	sbr.abs _section_cstart, $3  }
0xc7: {  	[dreg:$0x1] =	wrdreg $0xFFFFFFFF  }
0xc8: {  	_ =	task.clear_ibuf [dreg:s8], $0x2FFFF;
	_ =	strace $0x9FFFFFFF  }
0xc9: {  	(tm) =	ssettm $0x7FFFFFFF  }
tec
execute0_lowered:
.L_overlay_start_1:
0x0: {  	(tag) =	ssettag $0x1  }
0x1: {  	v1 =	vlaneseq.u32  }
0x2: {  	v0 =	vor.u32 $0xE0, v1  }
0x3: {  	[tilespmem:$0x1FD10] =	vst v0;
	v0 =	vor.u32 $0x4C0, v1  }
0x4: {  	[tilespmem:$0x1FD20] =	vst v0;
	v0 =	vor.u32 $0x1D0, v1  }
0x5: {  	[tilespmem:$0x1FD30] =	vst v0;
	v0 =	vor.u32 $0x5B0, v1  }
0x6: {  	s4 =	rddreg [dreg:$0x0];
	[tilespmem:$0x1FD40] =	vst v0;
	v0 =	vor.u32 $0x5C0, v1  }
0x7: {  	s5 =	rddreg [dreg:$0x1];
	[tilespmem:$0x1FD50] =	vst v0;
	v0 =	vor.u32 $0x200, v1  }
0x8: {  	s6 =	rddreg [dreg:$0x2];
	s2 =	simm.s32 $0x0;
	[tilespmem:$0x1FD60] =	vst v0;
	v0 =	vor.u32 $0x210, v1  }
0x9: {  	v4 =	vimm.s32 $0x0;
	vm0 =	vcmask $0x300;
	[smem:$0x7FF] =	sst s2;
	[tilespmem:$0x1FD70] =	vst v0;
	v0 =	vor.u32 $0x220, v1  }
0xa: {  	s0 =	rddreg [dreg:$0x3];
	v22 =	vsel vm0, $0xB, v4;
	_ =	strace $0x80000047;
	[tilespmem:$0x1FD80] =	vst v0  }
0xb: {  	v33 =	vor.u32 $0x400, v1;
	[tilespmem:$0x1FDC0] =	vst v22  }
0xc: {  	v49 =	vor.u32 $0x410, v1;
	[tilespmem:$0x1FDD0] =	vst v33  }
0xd: {  	v26 =	vor.u32 $0x420, v1;
	[tilespmem:$0x1FDE0] =	vst v49  }
0xe: {  	v59 =	vor.u32 $0x430, v1;
	[tilespmem:$0x1FDF0] =	vst v26  }
0xf: {  	v62 =	vor.u32 $0x440, v1;
	[tilespmem:$0x1FE00] =	vst v59  }
0x10: {  	v61 =	vor.u32 $0xD0, v1;
	[tilespmem:$0x1FE10] =	vst v62  }
0x11: {  	v38 =	vor.u32 $0xF0, v1;
	[tilespmem:$0x1FE20] =	vst v61  }
0x12: {  	v24 =	vor.u32 $0x480, v1;
	[tilespmem:$0x1FE30] =	vst v38  }
0x13: {  	v44 =	vor.u32 $0x490, v1;
	[tilespmem:$0x1FE40] =	vst v24  }
0x14: {  	v45 =	vor.u32 $0x4B0, v1;
	[tilespmem:$0x1FE50] =	vst v44  }
0x15: {  	v63 =	vor.u32 $0x4A0, v1;
	[tilespmem:$0x1FE60] =	vst v45  }
0x16: {  	v39 =	vor.u32 $0x100, v1;
	[tilespmem:$0x1FE70] =	vst v63  }
0x17: {  	v40 =	vor.u32 $0x110, v1;
	[tilespmem:$0x1FE80] =	vst v39  }
0x18: {  	v41 =	vor.u32 $0x120, v1;
	[tilespmem:$0x1FE90] =	vst v40  }
0x19: {  	v42 =	vor.u32 $0x130, v1;
	[tilespmem:$0x1FEA0] =	vst v41  }
0x1a: {  	v43 =	vor.u32 $0x140, v1;
	[tilespmem:$0x1FEB0] =	vst v42  }
0x1b: {  	v50 =	vor.u32 $0x150, v1;
	[tilespmem:$0x1FEC0] =	vst v43  }
0x1c: {  	v47 =	vor.u32 $0x160, v1;
	[tilespmem:$0x1FED0] =	vst v50  }
0x1d: {  	v57 =	vor.u32 $0x170, v1;
	[tilespmem:$0x1FEE0] =	vst v47  }
0x1e: {  	v48 =	vor.u32 $0x500, v1;
	[tilespmem:$0x1FEF0] =	vst v57  }
0x1f: {  	v29 =	vor.u32 $0x510, v1;
	[tilespmem:$0x1FF00] =	vst v48  }
0x20: {  	v31 =	vor.u32 $0x520, v1;
	[tilespmem:$0x1FF10] =	vst v29  }
0x21: {  	v51 =	vor.u32 $0x530, v1;
	[tilespmem:$0x1FF20] =	vst v31  }
0x22: {  	v52 =	vor.u32 $0x540, v1;
	[tilespmem:$0x1FF30] =	vst v51  }
0x23: {  	v53 =	vor.u32 $0x180, v1;
	[tilespmem:$0x1FF40] =	vst v52  }
0x24: {  	v54 =	vor.u32 $0x190, v1;
	[tilespmem:$0x1FF50] =	vst v53  }
0x25: {  	v55 =	vor.u32 $0x1A0, v1;
	[tilespmem:$0x1FF60] =	vst v54  }
0x26: {  	v56 =	vor.u32 $0x1B0, v1;
	[tilespmem:$0x1FF70] =	vst v55  }
0x27: {  	v58 =	vor.u32 $0x1C0, v1;
	[tilespmem:$0x1FF80] =	vst v56  }
0x28: {  	v25 =	vor.u32 $0x1E0, v1;
	[tilespmem:$0x1FF90] =	vst v58  }
0x29: {  	v35 =	vor.u32 $0x1F0, v1;
	[tilespmem:$0x1FFA0] =	vst v25  }
0x2a: {  	v13 =	vor.u32 $0x580, v1;
	[tilespmem:$0x1FFB0] =	vst v35  }
0x2b: {  	v21 =	vimm.s32 $0x3;
	s3 =	srdreg.scid;
	v14 =	vor.u32 $0x590, v1;
	[tilespmem:$0x1FFC0] =	vst v13  }
0x2c: {  	v28 =	vimm.s32 $0x1;
	v37 =	vimm.s32 $0x2;
	s1 =	stileid.u32;
	s11 =	simm.s32 $0x0;
	s3 =	sand.u32 $0x1, s3;
	v32 =	vor.u32 $0x5A0, v1;
	[tilespmem:$0x1FFD0] =	vst v14  }
0x2d: {  	v20 =	vor.u32 $0x10, v1;
	v5 =	vor.u32 $0x20, v1;
	v6 =	vor.u32 $0x30, v1;
	s7 =	sshll.u32 s1, $0xA;
	s8 =	sshll.u32 s3, $0x9;
	s9 =	ssub.s32 $0x2, s3;
	[tilespmem:$0x1FFE0] =	vst v32  }
0x2e: {  	v7 =	vor.u32 $0x40, v1;
	v8 =	vor.u32 $0x50, v1;
	s3 =	sadd.s32 $0x2E00, s4;
	s10 =	sor.u32 s8, s7;
	s31 =	sshrl.u32 s9, $0x1;
	v0 =	vor.u32 $0x230, v1;
	[tilespmem:$0x1FFF0] =	vst v20  }
0x2f: {  	v9 =	vor.u32 $0x60, v1;
	v10 =	vor.u32 $0x70, v1;
	s4 =	sadd.s32 $0x82E00, s4;
	s8 =	sshrl.u32 s10, $0x3;
	s7 =	ssub.s32 s9, s31;
	[tilespmem:$0x1FD90] =	vst v0;
	v0 =	vor.u32 $0x240, v1  }
0x30: {  	v11 =	vor.u32 $0x80, v1;
	v36 =	vor.u32 $0x90, v1;
	s9 =	sshll.u32 s10, $0x5;
	s10 =	simm.s32 $0x8000;
	s5 =	sadd.s32 s5, s8;
	[tilespmem:$0x1FDA0] =	vst v0;
	v0 =	vor.u32 $0x250, v1  }
0x31: {  	v30 =	vor.u32 $0xA0, v1;
	v17 =	vor.u32 $0xB0, v1;
	v23 =	vor.u32 $0xC0, v1;
	s6 =	sadd.s32 s6, s8;
	s7 =	smax.u32 s7, $0x1;
	s8 =	simm.s32 $0x1;
	[tilespmem:$0x1FDB0] =	vst v0  }
.LBB2_1:
0x32: {  	s12 =	simm.s32 $0x10000  }
0x33: {  	[tilespmem:s12], [sflag:$0x1] =	stream.linear.gather [hbm4b:s5+s2], $0x200, $0x38;
	[tilespmem:$0x10400] =	vst v63  }
0x34: {  	_ =	swait.ge [sflag:s8], $0x200  }
0x35: {  	[sflag:s8] =	ssyncset.done $0x0  }
0x36: {  	s13 =	simm.s32 $0x10200;
	[sflag:s8] =	ssyncadd.s32 $0xFFFFFE00  }
0x37: {  	[tilespmem:s13], [sflag:$0x1] =	stream.linear.gather [hbm4b:s6+s2], $0x200, $0x38;
	[tilespmem:$0x10400] =	vst v63  }
0x38: {  	_ =	swait.ge [sflag:s8], $0x200  }
0x39: {  	[sflag:s8] =	ssyncset.done $0x0  }
0x3a: {  	s14 =	simm.s32 $0x0;
	[sflag:s8] =	ssyncadd.s32 $0xFFFFFE00  }
.LBB2_2:
0x3b: {  	s15 =	sshll.u32 s14, $0xC  }
0x3c: {  	s15 =	sor.u32 s9, s15  }
0x3d: {  	s16 =	sadd.s32 s3, s15  }
0x3e: {  	[tilespmem:s2], [sflag:$0x1] =	stream.linear.gather [hbm4b:s16+s2], $0x8000, $0x38;
	[tilespmem:$0x10400] =	vst v63  }
0x3f: {  	_ =	swait.ge [sflag:s8], $0x8000  }
0x40: {  	s17 =	smov.u32 s13;
	[sflag:s8] =	ssyncset.done $0x0  }
0x41: {  	s18 =	smov.u32 s12;
	s16 =	simm.s32 $0xF;
	[sflag:s8] =	ssyncadd.s32 $0xFFFF8000  }
.LBB2_3:
0x42: {  	v34 =	vmov v48;
	v48 =	vmov v42;
	v42 =	vld [tilespmem:s18+$0x0];
	_ =	sdelay $0x4  }
0x43: {  	v0 =	vperm.xlane v42, v4  }
0x44: {  	s19 =	sadd.s32 $0xFFFFFFF1, s16  }
0x45: {  	v2 =	vmov s19;
	v3 =	vadd.s32 v1, v0  }
0x46: {  	v2 =	vshrl.u32 v2, $0x3;
	vm0 =	vlt.s32 v3, $0xC7  }
0x47: {  	v2 =	vshll.u32 v2, v22;
	v3 =	vnsel vm0, $0xC7, v3  }
0x48: {  	v60 =	vmovc v35;
	v35 =	vmov v51;
	v51 =	vbroadcast v2, $0x0;
	v2 =	vshll.u32 v3, $0x3  }
0x49: {  	v2 =	vand.u32 $0xFFFFFC00, v2  }
0x4a: {  	v3 =	vand.u32 $0x7F, v3;
	v2 =	vadd.s32 v51, v2  }
0x4b: {  	v2 =	vor.u32 v3, v2  }
0x4c: {  	v12 =	vadd.s32 v20, v0  }
0x4d: {  	vm10 =	vlt.s32 v12, $0xC7;
	v3 =	vld [tilespmem:s17+$0x0]  }
0x4e: {  	v12 =	vnsel vm10, $0xC7, v12  }
0x4f: {  	v46 =	vmov v14;
	v14 =	vshll.u32 v12, $0x3  }
0x50: {  	v16 =	vld.idx.msk [tilespmem:v2+s2+$0x0], $0xffff;
	v2 =	vand.u32 $0xFFFFFC00, v14  }
0x51: {  	v12 =	vand.u32 $0x7F, v12;
	v14 =	vor.u32 v1, v51;
	v18 =	vadd.s32 v51, v2  }
0x52: {  	v2 =	vperm.xlane v3, v4;
	v12 =	vor.u32 v12, v18  }
0x53: {  	v18 =	vadd.s32 v5, v0  }
0x54: {  	vm11 =	vgt.s32 v2, v1;
	vm1 =	vlt.s32 v18, $0xC7  }
0x55: {  	v18 =	vnsel vm1, $0xC7, v18;
	v16 =	vnsel vm11, $0x0, v16  }
0x56: {  	[tilespmem:v14+s10+$0x0] =	vst.idx.msk $0xffff, v16;
	v14 =	vshll.u32 v18, $0x3  }
0x57: {  	v12 =	vld.idx.msk [tilespmem:v12+s2+$0x0], $0xffff;
	v14 =	vand.u32 $0xFFFFFC00, v14  }
0x58: {  	v16 =	vor.u32 v20, v51;
	v18 =	vand.u32 $0x7F, v18;
	v14 =	vadd.s32 v51, v14  }
0x59: {  	v14 =	vor.u32 v18, v14  }
0x5a: {  	v18 =	vadd.s32 v6, v0  }
0x5b: {  	vm12 =	vgt.s32 v2, v20;
	vm13 =	vlt.s32 v18, $0xC7  }
0x5c: {  	v18 =	vnsel vm13, $0xC7, v18;
	v12 =	vnsel vm12, $0x0, v12  }
0x5d: {  	[tilespmem:v16+s10+$0x0] =	vst.idx.msk $0xffff, v12;
	v12 =	vshll.u32 v18, $0x3  }
0x5e: {  	v14 =	vld.idx.msk [tilespmem:v14+s2+$0x0], $0xffff;
	v12 =	vand.u32 $0xFFFFFC00, v12  }
0x5f: {  	v16 =	vor.u32 v5, v51;
	v18 =	vand.u32 $0x7F, v18;
	v12 =	vadd.s32 v51, v12  }
0x60: {  	v12 =	vor.u32 v18, v12  }
0x61: {  	v18 =	vadd.s32 v7, v0  }
0x62: {  	vm14 =	vgt.s32 v2, v5;
	vm15 =	vlt.s32 v18, $0xC7  }
0x63: {  	v18 =	vnsel vm15, $0xC7, v18;
	v14 =	vnsel vm14, $0x0, v14  }
0x64: {  	[tilespmem:v16+s10+$0x0] =	vst.idx.msk $0xffff, v14;
	v14 =	vshll.u32 v18, $0x3  }
0x65: {  	v12 =	vld.idx.msk [tilespmem:v12+s2+$0x0], $0xffff;
	v14 =	vand.u32 $0xFFFFFC00, v14  }
0x66: {  	v16 =	vor.u32 v6, v51;
	v18 =	vand.u32 $0x7F, v18;
	v14 =	vadd.s32 v51, v14  }
0x67: {  	v14 =	vor.u32 v18, v14  }
0x68: {  	v18 =	vadd.s32 v8, v0  }
0x69: {  	vm4 =	vgt.s32 v2, v6;
	vm5 =	vlt.s32 v18, $0xC7  }
0x6a: {  	v18 =	vnsel vm5, $0xC7, v18;
	v12 =	vnsel vm4, $0x0, v12  }
0x6b: {  	[tilespmem:v16+s10+$0x0] =	vst.idx.msk $0xffff, v12;
	v12 =	vshll.u32 v18, $0x3  }
0x6c: {  	v14 =	vld.idx.msk [tilespmem:v14+s2+$0x0], $0xffff;
	v12 =	vand.u32 $0xFFFFFC00, v12  }
0x6d: {  	v16 =	vor.u32 v7, v51;
	v18 =	vand.u32 $0x7F, v18;
	v12 =	vadd.s32 v51, v12  }
0x6e: {  	v12 =	vor.u32 v18, v12  }
0x6f: {  	v18 =	vadd.s32 v9, v0  }
0x70: {  	vm6 =	vgt.s32 v2, v7;
	vm7 =	vlt.s32 v18, $0xC7  }
0x71: {  	v18 =	vnsel vm7, $0xC7, v18;
	v14 =	vnsel vm6, $0x0, v14  }
0x72: {  	[tilespmem:v16+s10+$0x0] =	vst.idx.msk $0xffff, v14;
	v14 =	vshll.u32 v18, $0x3  }
0x73: {  	v12 =	vld.idx.msk [tilespmem:v12+s2+$0x0], $0xffff;
	v14 =	vand.u32 $0xFFFFFC00, v14  }
0x74: {  	v16 =	vor.u32 v8, v51;
	v18 =	vand.u32 $0x7F, v18;
	v14 =	vadd.s32 v51, v14  }
0x75: {  	v14 =	vor.u32 v18, v14  }
0x76: {  	v18 =	vadd.s32 v10, v0  }
0x77: {  	vm8 =	vgt.s32 v2, v8;
	vm9 =	vlt.s32 v18, $0xC7  }
0x78: {  	v18 =	vnsel vm9, $0xC7, v18;
	v12 =	vnsel vm8, $0x0, v12  }
0x79: {  	[tilespmem:v16+s10+$0x0] =	vst.idx.msk $0xffff, v12;
	v12 =	vshll.u32 v18, $0x3  }
0x7a: {  	v14 =	vld.idx.msk [tilespmem:v14+s2+$0x0], $0xffff;
	v12 =	vand.u32 $0xFFFFFC00, v12  }
0x7b: {  	v16 =	vor.u32 v9, v51;
	v18 =	vand.u32 $0x7F, v18;
	v12 =	vadd.s32 v51, v12  }
0x7c: {  	v12 =	vor.u32 v18, v12  }
0x7d: {  	v18 =	vadd.s32 v11, v0  }
0x7e: {  	vm10 =	vgt.s32 v2, v9;
	vm11 =	vlt.s32 v18, $0xC7  }
0x7f: {  	v18 =	vnsel vm11, $0xC7, v18;
	v14 =	vnsel vm10, $0x0, v14  }
0x80: {  	[tilespmem:v16+s10+$0x0] =	vst.idx.msk $0xffff, v14;
	v14 =	vshll.u32 v18, $0x3  }
0x81: {  	v12 =	vld.idx.msk [tilespmem:v12+s2+$0x0], $0xffff;
	v14 =	vand.u32 $0xFFFFFC00, v14  }
0x82: {  	v16 =	vor.u32 v10, v51;
	v18 =	vand.u32 $0x7F, v18;
	v14 =	vadd.s32 v51, v14  }
0x83: {  	v14 =	vor.u32 v18, v14  }
0x84: {  	v18 =	vadd.s32 v36, v0  }
0x85: {  	vm12 =	vgt.s32 v2, v10;
	vm13 =	vlt.s32 v18, $0xC7  }
0x86: {  	v18 =	vnsel vm13, $0xC7, v18;
	v12 =	vnsel vm12, $0x0, v12  }
0x87: {  	[tilespmem:v16+s10+$0x0] =	vst.idx.msk $0xffff, v12;
	v12 =	vshll.u32 v18, $0x3  }
0x88: {  	v14 =	vld.idx.msk [tilespmem:v14+s2+$0x0], $0xffff;
	v12 =	vand.u32 $0xFFFFFC00, v12  }
0x89: {  	v16 =	vor.u32 v33, v51;
	v18 =	vand.u32 $0x7F, v18;
	v12 =	vadd.s32 v51, v12  }
0x8a: {  	v12 =	vor.u32 v18, v12  }
0x8b: {  	v18 =	vadd.s32 v30, v0  }
0x8c: {  	vm14 =	vgt.s32 v2, v11;
	vm15 =	vlt.s32 v18, $0xC7  }
0x8d: {  	v18 =	vnsel vm15, $0xC7, v18;
	v14 =	vnsel vm14, $0x0, v14  }
0x8e: {  	[tilespmem:v16+s10+$0x0] =	vst.idx.msk $0xffff, v14;
	v14 =	vshll.u32 v18, $0x3  }
0x8f: {  	v12 =	vld.idx.msk [tilespmem:v12+s2+$0x0], $0xffff;
	v14 =	vand.u32 $0xFFFFFC00, v14  }
0x90: {  	v16 =	vor.u32 v49, v51;
	v18 =	vand.u32 $0x7F, v18;
	v14 =	vadd.s32 v51, v14  }
0x91: {  	v14 =	vor.u32 v18, v14  }
0x92: {  	v18 =	vadd.s32 v17, v0  }
0x93: {  	vm4 =	vgt.s32 v2, v36;
	vm5 =	vlt.s32 v18, $0xC7  }
0x94: {  	v18 =	vnsel vm5, $0xC7, v18;
	v12 =	vnsel vm4, $0x0, v12  }
0x95: {  	[tilespmem:v16+s10+$0x0] =	vst.idx.msk $0xffff, v12;
	v12 =	vshll.u32 v18, $0x3  }
0x96: {  	v14 =	vld.idx.msk [tilespmem:v14+s2+$0x0], $0xffff;
	v12 =	vand.u32 $0xFFFFFC00, v12  }
0x97: {  	v16 =	vor.u32 v26, v51;
	v18 =	vand.u32 $0x7F, v18;
	v12 =	vadd.s32 v51, v12  }
0x98: {  	v12 =	vor.u32 v18, v12  }
0x99: {  	v0 =	vadd.s32 v23, v0  }
0x9a: {  	vm6 =	vgt.s32 v2, v30;
	vm7 =	vlt.s32 v0, $0xC7  }
0x9b: {  	v18 =	vnsel vm7, $0xC7, v0;
	v14 =	vnsel vm6, $0x0, v14  }
0x9c: {  	v0 =	vshll.u32 v18, $0x3;
	[tilespmem:v16+s10+$0x0] =	vst.idx.msk $0xffff, v14  }
0x9d: {  	v14 =	vand.u32 $0xFFFFFC00, v0;
	v0 =	vperm.xlane v42, v28;
	v12 =	vld.idx.msk [tilespmem:v12+s2+$0x0], $0xffff  }
0x9e: {  	v18 =	vand.u32 $0x7F, v18;
	v16 =	vor.u32 v59, v51;
	v14 =	vadd.s32 v51, v14  }
0x9f: {  	v14 =	vor.u32 v18, v14;
	v18 =	vadd.s32 v1, v0  }
0xa0: {  	vm8 =	vlt.s32 v18, $0xC7  }
0xa1: {  	v4 =	vmov v3;
	v3 =	vld [tilespmem:$0x1FFF0];
	vm9 =	vgt.s32 v2, v17;
	v18 =	vnsel vm8, $0xC7, v18  }
0xa2: {  	v20 =	vshll.u32 v18, $0x3;
	v12 =	vnsel vm9, $0x0, v12  }
0xa3: {  	[tilespmem:v16+s10+$0x0] =	vst.idx.msk $0xffff, v12;
	v12 =	vand.u32 $0xFFFFFC00, v20  }
0xa4: {  	v16 =	vand.u32 $0x7F, v18;
	v14 =	vld.idx.msk [tilespmem:v14+s2+$0x0], $0xffff;
	v12 =	vadd.s32 v51, v12  }
0xa5: {  	v18 =	vor.u32 v62, v51;
	v12 =	vor.u32 v16, v12  }
0xa6: {  	v16 =	vadd.s32 v3, v0;
	v12 =	vor.u32 $0x80, v12  }
0xa7: {  	vm10 =	vlt.s32 v16, $0xC7  }
0xa8: {  	vm11 =	vgt.s32 v2, v23;
	v2 =	vnsel vm10, $0xC7, v16  }
0xa9: {  	v16 =	vshll.u32 v2, $0x3;
	v14 =	vnsel vm11, $0x0, v14  }
0xaa: {  	[tilespmem:v18+s10+$0x0] =	vst.idx.msk $0xff, v14;
	v14 =	vand.u32 $0xFFFFFC00, v16  }
0xab: {  	v2 =	vand.u32 $0x7F, v2;
	v12 =	vld.idx.msk [tilespmem:v12+s2+$0x0], $0xffff;
	v14 =	vadd.s32 v51, v14  }
0xac: {  	v16 =	vor.u32 v11, v51;
	v14 =	vor.u32 v2, v14  }
0xad: {  	v18 =	vadd.s32 v5, v0;
	v2 =	vperm.xlane v4, v28;
	v14 =	vor.u32 $0x80, v14  }
0xae: {  	vm12 =	vlt.s32 v18, $0xC7  }
0xaf: {  	v18 =	vnsel vm12, $0xC7, v18;
	vm13 =	vgt.s32 v2, v1  }
0xb0: {  	v20 =	vshll.u32 v18, $0x3;
	v12 =	vnsel vm13, $0x0, v12  }
0xb1: {  	v3 =	vld [tilespmem:$0x1FFF0];
	[tilespmem:v16+s10+$0x0] =	vst.idx.msk $0xffff, v12;
	v12 =	vand.u32 $0xFFFFFC00, v20  }
0xb2: {  	v27 =	vmovc v13;
	v13 =	vmov v36;
	v16 =	vand.u32 $0x7F, v18;
	v14 =	vld.idx.msk [tilespmem:v14+s2+$0x0], $0xffff;
	v12 =	vadd.s32 v51, v12  }
0xb3: {  	v18 =	vor.u32 v13, v51;
	v12 =	vor.u32 v16, v12  }
0xb4: {  	v16 =	vadd.s32 v6, v0;
	v12 =	vor.u32 $0x80, v12  }
0xb5: {  	vm14 =	vlt.s32 v16, $0xC7  }
0xb6: {  	vm15 =	vgt.s32 v2, v3;
	v16 =	vnsel vm14, $0xC7, v16  }
0xb7: {  	v20 =	vshll.u32 v16, $0x3;
	v14 =	vnsel vm15, $0x0, v14  }
0xb8: {  	[tilespmem:v18+s10+$0x0] =	vst.idx.msk $0xffff, v14;
	v14 =	vand.u32 $0xFFFFFC00, v20  }
0xb9: {  	v16 =	vand.u32 $0x7F, v16;
	v12 =	vld.idx.msk [tilespmem:v12+s2+$0x0], $0xffff;
	v14 =	vadd.s32 v51, v14  }
0xba: {  	v18 =	vor.u32 v30, v51;
	v14 =	vor.u32 v16, v14  }
0xbb: {  	v16 =	vadd.s32 v7, v0;
	v14 =	vor.u32 $0x80, v14  }
0xbc: {  	vm4 =	vlt.s32 v16, $0xC7  }
0xbd: {  	vm5 =	vgt.s32 v2, v5;
	v16 =	vnsel vm4, $0xC7, v16  }
0xbe: {  	v20 =	vshll.u32 v16, $0x3;
	v12 =	vnsel vm5, $0x0, v12  }
0xbf: {  	[tilespmem:v18+s10+$0x0] =	vst.idx.msk $0xffff, v12;
	v12 =	vand.u32 $0xFFFFFC00, v20  }
0xc0: {  	v16 =	vand.u32 $0x7F, v16;
	v14 =	vld.idx.msk [tilespmem:v14+s2+$0x0], $0xffff;
	v12 =	vadd.s32 v51, v12  }
0xc1: {  	v18 =	vor.u32 v17, v51;
	v12 =	vor.u32 v16, v12  }
0xc2: {  	v16 =	vadd.s32 v8, v0;
	v12 =	vor.u32 $0x80, v12  }
0xc3: {  	vm6 =	vlt.s32 v16, $0xC7  }
0xc4: {  	vm7 =	vgt.s32 v2, v6;
	v16 =	vnsel vm6, $0xC7, v16  }
0xc5: {  	v20 =	vshll.u32 v16, $0x3;
	v14 =	vnsel vm7, $0x0, v14  }
0xc6: {  	[tilespmem:v18+s10+$0x0] =	vst.idx.msk $0xffff, v14;
	v14 =	vand.u32 $0xFFFFFC00, v20  }
0xc7: {  	v16 =	vand.u32 $0x7F, v16;
	v12 =	vld.idx.msk [tilespmem:v12+s2+$0x0], $0xffff;
	v14 =	vadd.s32 v51, v14  }
0xc8: {  	v18 =	vor.u32 v23, v51;
	v14 =	vor.u32 v16, v14  }
0xc9: {  	v16 =	vadd.s32 v9, v0;
	v14 =	vor.u32 $0x80, v14  }
0xca: {  	vm8 =	vlt.s32 v16, $0xC7  }
0xcb: {  	vm9 =	vgt.s32 v2, v7;
	v16 =	vnsel vm8, $0xC7, v16  }
0xcc: {  	v20 =	vshll.u32 v16, $0x3;
	v12 =	vnsel vm9, $0x0, v12  }
0xcd: {  	[tilespmem:v18+s10+$0x0] =	vst.idx.msk $0xffff, v12;
	v12 =	vand.u32 $0xFFFFFC00, v20  }
0xce: {  	v16 =	vand.u32 $0x7F, v16;
	v14 =	vld.idx.msk [tilespmem:v14+s2+$0x0], $0xffff;
	v12 =	vadd.s32 v51, v12  }
0xcf: {  	v18 =	vor.u32 v61, v51;
	v12 =	vor.u32 v16, v12  }
0xd0: {  	v16 =	vadd.s32 v10, v0;
	v12 =	vor.u32 $0x80, v12  }
0xd1: {  	v15 =	vmov v30;
	v30 =	vld [tilespmem:$0x1FD10];
	vm10 =	vlt.s32 v16, $0xC7  }
0xd2: {  	vm11 =	vgt.s32 v2, v8;
	v16 =	vnsel vm10, $0xC7, v16  }
0xd3: {  	v20 =	vshll.u32 v16, $0x3;
	v14 =	vnsel vm11, $0x0, v14  }
0xd4: {  	[tilespmem:v18+s10+$0x0] =	vst.idx.msk $0xffff, v14;
	v14 =	vand.u32 $0xFFFFFC00, v20  }
0xd5: {  	v16 =	vand.u32 $0x7F, v16;
	v12 =	vld.idx.msk [tilespmem:v12+s2+$0x0], $0xffff;
	v14 =	vadd.s32 v51, v14  }
0xd6: {  	v18 =	vor.u32 v30, v51;
	v14 =	vor.u32 v16, v14  }
0xd7: {  	v16 =	vadd.s32 v11, v0;
	v14 =	vor.u32 $0x80, v14  }
0xd8: {  	vm12 =	vlt.s32 v16, $0xC7  }
0xd9: {  	vm13 =	vgt.s32 v2, v9;
	v16 =	vnsel vm12, $0xC7, v16  }
0xda: {  	v20 =	vshll.u32 v16, $0x3;
	v12 =	vnsel vm13, $0x0, v12  }
0xdb: {  	[tilespmem:v18+s10+$0x0] =	vst.idx.msk $0xffff, v12;
	v12 =	vand.u32 $0xFFFFFC00, v20  }
0xdc: {  	v16 =	vand.u32 $0x7F, v16;
	v14 =	vld.idx.msk [tilespmem:v14+s2+$0x0], $0xffff;
	v12 =	vadd.s32 v51, v12  }
0xdd: {  	v18 =	vor.u32 v38, v51;
	v12 =	vor.u32 v16, v12  }
0xde: {  	v16 =	vadd.s32 v13, v0;
	v12 =	vor.u32 $0x80, v12  }
0xdf: {  	vm14 =	vlt.s32 v16, $0xC7  }
0xe0: {  	vm15 =	vgt.s32 v2, v10;
	v16 =	vnsel vm14, $0xC7, v16  }
0xe1: {  	v20 =	vshll.u32 v16, $0x3;
	v14 =	vnsel vm15, $0x0, v14  }
0xe2: {  	[tilespmem:v18+s10+$0x0] =	vst.idx.msk $0xffff, v14;
	v14 =	vand.u32 $0xFFFFFC00, v20  }
0xe3: {  	v16 =	vand.u32 $0x7F, v16;
	v12 =	vld.idx.msk [tilespmem:v12+s2+$0x0], $0xffff;
	v14 =	vadd.s32 v51, v14  }
0xe4: {  	v18 =	vor.u32 v24, v51;
	v14 =	vor.u32 v16, v14  }
0xe5: {  	v16 =	vadd.s32 v15, v0;
	v14 =	vor.u32 $0x80, v14  }
0xe6: {  	vm4 =	vlt.s32 v16, $0xC7  }
0xe7: {  	vm5 =	vgt.s32 v2, v11;
	v16 =	vnsel vm4, $0xC7, v16  }
0xe8: {  	v20 =	vshll.u32 v16, $0x3;
	v12 =	vnsel vm5, $0x0, v12  }
0xe9: {  	[tilespmem:v18+s10+$0x0] =	vst.idx.msk $0xffff, v12;
	v12 =	vand.u32 $0xFFFFFC00, v20  }
0xea: {  	v16 =	vand.u32 $0x7F, v16;
	v14 =	vld.idx.msk [tilespmem:v14+s2+$0x0], $0xffff;
	v12 =	vadd.s32 v51, v12  }
0xeb: {  	v18 =	vor.u32 v44, v51;
	v12 =	vor.u32 v16, v12  }
0xec: {  	v16 =	vadd.s32 v17, v0;
	v12 =	vor.u32 $0x80, v12  }
0xed: {  	vm6 =	vlt.s32 v16, $0xC7  }
0xee: {  	vm7 =	vgt.s32 v2, v13;
	v16 =	vnsel vm6, $0xC7, v16  }
0xef: {  	v20 =	vshll.u32 v16, $0x3;
	v14 =	vnsel vm7, $0x0, v14  }
0xf0: {  	[tilespmem:v18+s10+$0x0] =	vst.idx.msk $0xffff, v14;
	v14 =	vand.u32 $0xFFFFFC00, v20  }
0xf1: {  	v16 =	vand.u32 $0x7F, v16;
	v12 =	vld.idx.msk [tilespmem:v12+s2+$0x0], $0xffff;
	v14 =	vadd.s32 v51, v14  }
0xf2: {  	v18 =	vor.u32 v63, v51;
	v14 =	vor.u32 v16, v14  }
0xf3: {  	v14 =	vor.u32 $0x80, v14;
	_ =	sdelay $0x1  }
0xf4: {  	vm9 =	vgt.s32 v2, v15;
	v0 =	vadd.s32 v23, v0  }
0xf5: {  	vm8 =	vlt.s32 v0, $0xC7;
	v12 =	vnsel vm9, $0x0, v12  }
0xf6: {  	v0 =	vnsel vm8, $0xC7, v0;
	[tilespmem:v18+s10+$0x0] =	vst.idx.msk $0xffff, v12  }
0xf7: {  	v16 =	vshll.u32 v0, $0x3;
	v14 =	vld.idx.msk [tilespmem:v14+s2+$0x0], $0xffff  }
0xf8: {  	v3 =	vld [tilespmem:$0x1FD20];
	v12 =	vand.u32 $0xFFFFFC00, v16;
	v18 =	vor.u32 v45, v51  }
0xf9: {  	v16 =	vand.u32 $0x7F, v0;
	v0 =	vperm.xlane v42, v37;
	v12 =	vadd.s32 v51, v12  }
0xfa: {  	v12 =	vor.u32 v16, v12  }
0xfb: {  	vm11 =	vgt.s32 v2, v17;
	v16 =	vadd.s32 v1, v0;
	v12 =	vor.u32 $0x80, v12  }
0xfc: {  	vm10 =	vlt.s32 v16, $0xC7;
	v14 =	vnsel vm11, $0x0, v14  }
0xfd: {  	v16 =	vnsel vm10, $0xC7, v16;
	[tilespmem:v18+s10+$0x0] =	vst.idx.msk $0xffff, v14;
	v18 =	vor.u32 v3, v51;
	v3 =	vld [tilespmem:$0x1FFF0]  }
0xfe: {  	v20 =	vshll.u32 v16, $0x3  }
0xff: {  	v14 =	vand.u32 $0xFFFFFC00, v20  }
0x100: {  	v16 =	vand.u32 $0x7F, v16;
	v12 =	vld.idx.msk [tilespmem:v12+s2+$0x0], $0xffff;
	v14 =	vadd.s32 v51, v14  }
0x101: {  	v14 =	vor.u32 v16, v14  }
0x102: {  	v14 =	vor.u32 $0x100, v14;
	v16 =	vadd.s32 v3, v0  }
0x103: {  	vm12 =	vlt.s32 v16, $0xC7  }
0x104: {  	vm13 =	vgt.s32 v2, v23;
	v2 =	vnsel vm12, $0xC7, v16  }
0x105: {  	v12 =	vnsel vm13, $0x0, v12;
	v16 =	vshll.u32 v2, $0x3  }
0x106: {  	[tilespmem:v18+s10+$0x0] =	vst.idx.msk $0xff, v12;
	v12 =	vand.u32 $0xFFFFFC00, v16  }
0x107: {  	v14 =	vld.idx.msk [tilespmem:v14+s2+$0x0], $0xffff;
	v2 =	vand.u32 $0x7F, v2;
	v12 =	vadd.s32 v51, v12  }
0x108: {  	v16 =	vor.u32 v39, v51;
	v12 =	vor.u32 v2, v12  }
0x109: {  	v18 =	vadd.s32 v5, v0;
	v2 =	vperm.xlane v4, v37;
	v12 =	vor.u32 $0x100, v12  }
0x10a: {  	vm14 =	vlt.s32 v18, $0xC7  }
0x10b: {  	v18 =	vnsel vm14, $0xC7, v18;
	vm15 =	vgt.s32 v2, v1  }
0x10c: {  	v20 =	vshll.u32 v18, $0x3;
	v14 =	vnsel vm15, $0x0, v14  }
0x10d: {  	v3 =	vld [tilespmem:$0x1FFF0];
	[tilespmem:v16+s10+$0x0] =	vst.idx.msk $0xffff, v14;
	v14 =	vand.u32 $0xFFFFFC00, v20  }
0x10e: {  	v16 =	vand.u32 $0x7F, v18;
	v14 =	vadd.s32 v51, v14;
	v12 =	vld.idx.msk [tilespmem:v12+s2+$0x0], $0xffff  }
0x10f: {  	v18 =	vor.u32 v40, v51;
	v14 =	vor.u32 v16, v14  }
0x110: {  	v16 =	vadd.s32 v6, v0;
	v14 =	vor.u32 $0x100, v14  }
0x111: {  	vm4 =	vlt.s32 v16, $0xC7  }
0x112: {  	vm5 =	vgt.s32 v2, v3;
	v16 =	vnsel vm4, $0xC7, v16  }
0x113: {  	v20 =	vshll.u32 v16, $0x3;
	v12 =	vnsel vm5, $0x0, v12  }
0x114: {  	[tilespmem:v18+s10+$0x0] =	vst.idx.msk $0xffff, v12;
	v12 =	vand.u32 $0xFFFFFC00, v20  }
0x115: {  	v16 =	vand.u32 $0x7F, v16;
	v14 =	vld.idx.msk [tilespmem:v14+s2+$0x0], $0xffff;
	v12 =	vadd.s32 v51, v12  }
0x116: {  	v18 =	vor.u32 v41, v51;
	v12 =	vor.u32 v16, v12  }
0x117: {  	v16 =	vadd.s32 v7, v0;
	v12 =	vor.u32 $0x100, v12  }
0x118: {  	vm6 =	vlt.s32 v16, $0xC7  }
0x119: {  	vm7 =	vgt.s32 v2, v5;
	v16 =	vnsel vm6, $0xC7, v16  }
0x11a: {  	v20 =	vshll.u32 v16, $0x3;
	v14 =	vnsel vm7, $0x0, v14  }
0x11b: {  	[tilespmem:v18+s10+$0x0] =	vst.idx.msk $0xffff, v14;
	v14 =	vand.u32 $0xFFFFFC00, v20  }
0x11c: {  	v16 =	vand.u32 $0x7F, v16;
	v12 =	vld.idx.msk [tilespmem:v12+s2+$0x0], $0xffff;
	v14 =	vadd.s32 v51, v14  }
0x11d: {  	v18 =	vor.u32 v48, v51;
	v14 =	vor.u32 v16, v14  }
0x11e: {  	v16 =	vadd.s32 v8, v0;
	v14 =	vor.u32 $0x100, v14  }
0x11f: {  	vm8 =	vlt.s32 v16, $0xC7  }
0x120: {  	vm9 =	vgt.s32 v2, v6;
	v16 =	vnsel vm8, $0xC7, v16  }
0x121: {  	v20 =	vshll.u32 v16, $0x3;
	v12 =	vnsel vm9, $0x0, v12  }
0x122: {  	[tilespmem:v18+s10+$0x0] =	vst.idx.msk $0xffff, v12;
	v12 =	vand.u32 $0xFFFFFC00, v20  }
0x123: {  	v16 =	vand.u32 $0x7F, v16;
	v14 =	vld.idx.msk [tilespmem:v14+s2+$0x0], $0xffff;
	v12 =	vadd.s32 v51, v12  }
0x124: {  	v18 =	vor.u32 v43, v51;
	v12 =	vor.u32 v16, v12  }
0x125: {  	v16 =	vadd.s32 v9, v0;
	v12 =	vor.u32 $0x100, v12  }
0x126: {  	vm10 =	vlt.s32 v16, $0xC7  }
0x127: {  	vm11 =	vgt.s32 v2, v7;
	v16 =	vnsel vm10, $0xC7, v16  }
0x128: {  	v20 =	vshll.u32 v16, $0x3;
	v14 =	vnsel vm11, $0x0, v14  }
0x129: {  	[tilespmem:v18+s10+$0x0] =	vst.idx.msk $0xffff, v14;
	v14 =	vand.u32 $0xFFFFFC00, v20  }
0x12a: {  	v16 =	vand.u32 $0x7F, v16;
	v12 =	vld.idx.msk [tilespmem:v12+s2+$0x0], $0xffff;
	v14 =	vadd.s32 v51, v14  }
0x12b: {  	v18 =	vor.u32 v50, v51;
	v14 =	vor.u32 v16, v14  }
0x12c: {  	v16 =	vadd.s32 v10, v0;
	v14 =	vor.u32 $0x100, v14  }
0x12d: {  	vm12 =	vlt.s32 v16, $0xC7  }
0x12e: {  	vm13 =	vgt.s32 v2, v8;
	v16 =	vnsel vm12, $0xC7, v16  }
0x12f: {  	v20 =	vshll.u32 v16, $0x3;
	v12 =	vnsel vm13, $0x0, v12  }
0x130: {  	[tilespmem:v18+s10+$0x0] =	vst.idx.msk $0xffff, v12;
	v12 =	vand.u32 $0xFFFFFC00, v20  }
0x131: {  	v16 =	vand.u32 $0x7F, v16;
	v14 =	vld.idx.msk [tilespmem:v14+s2+$0x0], $0xffff;
	v12 =	vadd.s32 v51, v12  }
0x132: {  	v18 =	vor.u32 v47, v51;
	v12 =	vor.u32 v16, v12  }
0x133: {  	v16 =	vadd.s32 v11, v0;
	v12 =	vor.u32 $0x100, v12  }
0x134: {  	vm14 =	vlt.s32 v16, $0xC7  }
0x135: {  	vm15 =	vgt.s32 v2, v9;
	v16 =	vnsel vm14, $0xC7, v16  }
0x136: {  	v20 =	vshll.u32 v16, $0x3;
	v14 =	vnsel vm15, $0x0, v14  }
0x137: {  	[tilespmem:v18+s10+$0x0] =	vst.idx.msk $0xffff, v14;
	v14 =	vand.u32 $0xFFFFFC00, v20  }
0x138: {  	v16 =	vand.u32 $0x7F, v16;
	v12 =	vld.idx.msk [tilespmem:v12+s2+$0x0], $0xffff;
	v14 =	vadd.s32 v51, v14  }
0x139: {  	v18 =	vor.u32 v57, v51;
	v14 =	vor.u32 v16, v14  }
0x13a: {  	v16 =	vadd.s32 v13, v0;
	v14 =	vor.u32 $0x100, v14  }
0x13b: {  	vm4 =	vlt.s32 v16, $0xC7  }
0x13c: {  	vm5 =	vgt.s32 v2, v10;
	v16 =	vnsel vm4, $0xC7, v16  }
0x13d: {  	v20 =	vshll.u32 v16, $0x3;
	v12 =	vnsel vm5, $0x0, v12  }
0x13e: {  	[tilespmem:v18+s10+$0x0] =	vst.idx.msk $0xffff, v12;
	v12 =	vand.u32 $0xFFFFFC00, v20  }
0x13f: {  	v16 =	vand.u32 $0x7F, v16;
	v14 =	vld.idx.msk [tilespmem:v14+s2+$0x0], $0xffff;
	v12 =	vadd.s32 v51, v12  }
0x140: {  	v18 =	vor.u32 v34, v51;
	v12 =	vor.u32 v16, v12  }
0x141: {  	v16 =	vadd.s32 v15, v0;
	v12 =	vor.u32 $0x100, v12  }
0x142: {  	vm6 =	vlt.s32 v16, $0xC7  }
0x143: {  	vm7 =	vgt.s32 v2, v11;
	v16 =	vnsel vm6, $0xC7, v16  }
0x144: {  	v20 =	vshll.u32 v16, $0x3;
	v14 =	vnsel vm7, $0x0, v14  }
0x145: {  	[tilespmem:v18+s10+$0x0] =	vst.idx.msk $0xffff, v14;
	v14 =	vand.u32 $0xFFFFFC00, v20  }
0x146: {  	v16 =	vand.u32 $0x7F, v16;
	v12 =	vld.idx.msk [tilespmem:v12+s2+$0x0], $0xffff;
	v14 =	vadd.s32 v51, v14  }
0x147: {  	v18 =	vor.u32 v29, v51;
	v14 =	vor.u32 v16, v14  }
0x148: {  	v16 =	vadd.s32 v17, v0;
	v14 =	vor.u32 $0x100, v14  }
0x149: {  	vm8 =	vlt.s32 v16, $0xC7  }
0x14a: {  	vm9 =	vgt.s32 v2, v13;
	v16 =	vnsel vm8, $0xC7, v16  }
0x14b: {  	v20 =	vshll.u32 v16, $0x3;
	v12 =	vnsel vm9, $0x0, v12  }
0x14c: {  	[tilespmem:v18+s10+$0x0] =	vst.idx.msk $0xffff, v12;
	v12 =	vand.u32 $0xFFFFFC00, v20  }
0x14d: {  	v16 =	vand.u32 $0x7F, v16;
	v14 =	vld.idx.msk [tilespmem:v14+s2+$0x0], $0xffff;
	v12 =	vadd.s32 v51, v12  }
0x14e: {  	v18 =	vor.u32 v31, v51;
	v12 =	vor.u32 v16, v12  }
0x14f: {  	v0 =	vadd.s32 v23, v0;
	v12 =	vor.u32 $0x100, v12  }
0x150: {  	vm10 =	vlt.s32 v0, $0xC7  }
0x151: {  	vm11 =	vgt.s32 v2, v15;
	v0 =	vnsel vm10, $0xC7, v0  }
0x152: {  	v16 =	vshll.u32 v0, $0x3;
	v14 =	vnsel vm11, $0x0, v14  }
0x153: {  	[tilespmem:v18+s10+$0x0] =	vst.idx.msk $0xffff, v14;
	v14 =	vand.u32 $0xFFFFFC00, v16  }
0x154: {  	v16 =	vand.u32 $0x7F, v0;
	v0 =	vperm.xlane v42, v21;
	v12 =	vld.idx.msk [tilespmem:v12+s2+$0x0], $0xffff;
	v14 =	vadd.s32 v51, v14  }
0x155: {  	v18 =	vor.u32 v35, v51;
	v14 =	vor.u32 v16, v14  }
0x156: {  	v16 =	vadd.s32 v1, v0;
	v14 =	vor.u32 $0x100, v14  }
0x157: {  	vm12 =	vlt.s32 v16, $0xC7  }
0x158: {  	v3 =	vld [tilespmem:$0x1FFF0];
	vm13 =	vgt.s32 v2, v17;
	v16 =	vnsel vm12, $0xC7, v16  }
0x159: {  	v20 =	vshll.u32 v16, $0x3;
	v12 =	vnsel vm13, $0x0, v12  }
0x15a: {  	[tilespmem:v18+s10+$0x0] =	vst.idx.msk $0xffff, v12;
	v12 =	vand.u32 $0xFFFFFC00, v20  }
0x15b: {  	v16 =	vand.u32 $0x7F, v16;
	v14 =	vld.idx.msk [tilespmem:v14+s2+$0x0], $0xffff;
	v12 =	vadd.s32 v51, v12  }
0x15c: {  	v18 =	vor.u32 v52, v51;
	v12 =	vor.u32 v16, v12  }
0x15d: {  	v16 =	vadd.s32 v3, v0;
	v12 =	vor.u32 $0x180, v12  }
0x15e: {  	vm14 =	vlt.s32 v16, $0xC7  }
0x15f: {  	vm15 =	vgt.s32 v2, v23;
	v2 =	vnsel vm14, $0xC7, v16  }
0x160: {  	v16 =	vshll.u32 v2, $0x3;
	v14 =	vnsel vm15, $0x0, v14  }
0x161: {  	[tilespmem:v18+s10+$0x0] =	vst.idx.msk $0xff, v14;
	v14 =	vand.u32 $0xFFFFFC00, v16  }
0x162: {  	v2 =	vand.u32 $0x7F, v2;
	v12 =	vld.idx.msk [tilespmem:v12+s2+$0x0], $0xffff;
	v14 =	vadd.s32 v51, v14  }
0x163: {  	v16 =	vor.u32 v53, v51;
	v14 =	vor.u32 v2, v14  }
0x164: {  	v18 =	vadd.s32 v5, v0;
	v2 =	vperm.xlane v4, v21;
	v14 =	vor.u32 $0x180, v14  }
0x165: {  	vm4 =	vlt.s32 v18, $0xC7  }
0x166: {  	v18 =	vnsel vm4, $0xC7, v18;
	vm5 =	vgt.s32 v2, v1  }
0x167: {  	v20 =	vshll.u32 v18, $0x3;
	v12 =	vnsel vm5, $0x0, v12  }
0x168: {  	v3 =	vld [tilespmem:$0x1FFF0];
	[tilespmem:v16+s10+$0x0] =	vst.idx.msk $0xffff, v12;
	v12 =	vand.u32 $0xFFFFFC00, v20  }
0x169: {  	v16 =	vand.u32 $0x7F, v18;
	v14 =	vld.idx.msk [tilespmem:v14+s2+$0x0], $0xffff;
	v12 =	vadd.s32 v51, v12  }
0x16a: {  	v18 =	vor.u32 v54, v51;
	v12 =	vor.u32 v16, v12  }
0x16b: {  	v16 =	vadd.s32 v6, v0;
	v12 =	vor.u32 $0x180, v12  }
0x16c: {  	vm6 =	vlt.s32 v16, $0xC7  }
0x16d: {  	vm7 =	vgt.s32 v2, v3;
	v16 =	vnsel vm6, $0xC7, v16  }
0x16e: {  	v20 =	vshll.u32 v16, $0x3;
	v14 =	vnsel vm7, $0x0, v14  }
0x16f: {  	[tilespmem:v18+s10+$0x0] =	vst.idx.msk $0xffff, v14;
	v14 =	vand.u32 $0xFFFFFC00, v20  }
0x170: {  	v16 =	vand.u32 $0x7F, v16;
	v12 =	vld.idx.msk [tilespmem:v12+s2+$0x0], $0xffff;
	v14 =	vadd.s32 v51, v14  }
0x171: {  	v18 =	vor.u32 v55, v51;
	v14 =	vor.u32 v16, v14  }
0x172: {  	v16 =	vadd.s32 v7, v0;
	v14 =	vor.u32 $0x180, v14  }
0x173: {  	vm8 =	vlt.s32 v16, $0xC7  }
0x174: {  	vm9 =	vgt.s32 v2, v5;
	v16 =	vnsel vm8, $0xC7, v16  }
0x175: {  	v20 =	vshll.u32 v16, $0x3;
	v12 =	vnsel vm9, $0x0, v12  }
0x176: {  	[tilespmem:v18+s10+$0x0] =	vst.idx.msk $0xffff, v12;
	v12 =	vand.u32 $0xFFFFFC00, v20  }
0x177: {  	v16 =	vand.u32 $0x7F, v16;
	v14 =	vld.idx.msk [tilespmem:v14+s2+$0x0], $0xffff;
	v12 =	vadd.s32 v51, v12  }
0x178: {  	v18 =	vor.u32 v56, v51;
	v12 =	vor.u32 v16, v12  }
0x179: {  	v16 =	vadd.s32 v8, v0;
	v12 =	vor.u32 $0x180, v12  }
0x17a: {  	vm10 =	vlt.s32 v16, $0xC7  }
0x17b: {  	vm11 =	vgt.s32 v2, v6;
	v16 =	vnsel vm10, $0xC7, v16  }
0x17c: {  	v20 =	vshll.u32 v16, $0x3;
	v14 =	vnsel vm11, $0x0, v14  }
0x17d: {  	[tilespmem:v18+s10+$0x0] =	vst.idx.msk $0xffff, v14;
	v14 =	vand.u32 $0xFFFFFC00, v20  }
0x17e: {  	v16 =	vand.u32 $0x7F, v16;
	v12 =	vld.idx.msk [tilespmem:v12+s2+$0x0], $0xffff;
	v14 =	vadd.s32 v51, v14  }
0x17f: {  	v18 =	vor.u32 v58, v51;
	v14 =	vor.u32 v16, v14  }
0x180: {  	v16 =	vadd.s32 v9, v0;
	v14 =	vor.u32 $0x180, v14  }
0x181: {  	v57 =	vld [tilespmem:$0x1FD30];
	vm12 =	vlt.s32 v16, $0xC7  }
0x182: {  	vm13 =	vgt.s32 v2, v7;
	v16 =	vnsel vm12, $0xC7, v16  }
0x183: {  	v20 =	vshll.u32 v16, $0x3;
	v12 =	vnsel vm13, $0x0, v12  }
0x184: {  	[tilespmem:v18+s10+$0x0] =	vst.idx.msk $0xffff, v12;
	v12 =	vand.u32 $0xFFFFFC00, v20  }
0x185: {  	v16 =	vand.u32 $0x7F, v16;
	v14 =	vld.idx.msk [tilespmem:v14+s2+$0x0], $0xffff;
	v12 =	vadd.s32 v51, v12  }
0x186: {  	v18 =	vor.u32 v57, v51;
	v12 =	vor.u32 v16, v12  }
0x187: {  	v16 =	vadd.s32 v10, v0;
	v12 =	vor.u32 $0x180, v12  }
0x188: {  	vm14 =	vlt.s32 v16, $0xC7  }
0x189: {  	vm15 =	vgt.s32 v2, v8;
	v16 =	vnsel vm14, $0xC7, v16  }
0x18a: {  	v20 =	vshll.u32 v16, $0x3;
	v14 =	vnsel vm15, $0x0, v14  }
0x18b: {  	[tilespmem:v18+s10+$0x0] =	vst.idx.msk $0xffff, v14;
	v14 =	vand.u32 $0xFFFFFC00, v20  }
0x18c: {  	v16 =	vand.u32 $0x7F, v16;
	v12 =	vld.idx.msk [tilespmem:v12+s2+$0x0], $0xffff;
	v14 =	vadd.s32 v51, v14  }
0x18d: {  	v18 =	vor.u32 v25, v51;
	v14 =	vor.u32 v16, v14  }
0x18e: {  	v16 =	vadd.s32 v11, v0;
	v14 =	vor.u32 $0x180, v14  }
0x18f: {  	vm4 =	vlt.s32 v16, $0xC7  }
0x190: {  	vm5 =	vgt.s32 v2, v9;
	v16 =	vnsel vm4, $0xC7, v16  }
0x191: {  	v20 =	vshll.u32 v16, $0x3;
	v12 =	vnsel vm5, $0x0, v12  }
0x192: {  	[tilespmem:v18+s10+$0x0] =	vst.idx.msk $0xffff, v12;
	v12 =	vand.u32 $0xFFFFFC00, v20  }
0x193: {  	v16 =	vand.u32 $0x7F, v16;
	v14 =	vld.idx.msk [tilespmem:v14+s2+$0x0], $0xffff;
	v12 =	vadd.s32 v51, v12  }
0x194: {  	v18 =	vor.u32 v60, v51;
	v12 =	vor.u32 v16, v12  }
0x195: {  	v16 =	vadd.s32 v13, v0;
	v12 =	vor.u32 $0x180, v12  }
0x196: {  	vm6 =	vlt.s32 v16, $0xC7  }
0x197: {  	vm7 =	vgt.s32 v2, v10;
	v16 =	vnsel vm6, $0xC7, v16  }
0x198: {  	v20 =	vshll.u32 v16, $0x3;
	v14 =	vnsel vm7, $0x0, v14  }
0x199: {  	[tilespmem:v18+s10+$0x0] =	vst.idx.msk $0xffff, v14;
	v14 =	vand.u32 $0xFFFFFC00, v20  }
0x19a: {  	v16 =	vand.u32 $0x7F, v16;
	v12 =	vld.idx.msk [tilespmem:v12+s2+$0x0], $0xffff;
	v14 =	vadd.s32 v51, v14  }
0x19b: {  	v18 =	vor.u32 v27, v51;
	v14 =	vor.u32 v16, v14  }
0x19c: {  	v16 =	vadd.s32 v15, v0;
	v14 =	vor.u32 $0x180, v14  }
0x19d: {  	vm8 =	vlt.s32 v16, $0xC7  }
0x19e: {  	vm9 =	vgt.s32 v2, v11;
	v16 =	vnsel vm8, $0xC7, v16  }
0x19f: {  	v20 =	vshll.u32 v16, $0x3;
	v12 =	vnsel vm9, $0x0, v12  }
0x1a0: {  	[tilespmem:v18+s10+$0x0] =	vst.idx.msk $0xffff, v12;
	v12 =	vand.u32 $0xFFFFFC00, v20  }
0x1a1: {  	v16 =	vand.u32 $0x7F, v16;
	v14 =	vld.idx.msk [tilespmem:v14+s2+$0x0], $0xffff;
	v12 =	vadd.s32 v51, v12  }
0x1a2: {  	v18 =	vor.u32 v46, v51;
	v12 =	vor.u32 v16, v12  }
0x1a3: {  	v16 =	vadd.s32 v17, v0;
	v12 =	vor.u32 $0x180, v12  }
0x1a4: {  	vm10 =	vlt.s32 v16, $0xC7  }
0x1a5: {  	vm11 =	vgt.s32 v2, v13;
	v16 =	vnsel vm10, $0xC7, v16  }
0x1a6: {  	v20 =	vshll.u32 v16, $0x3;
	v14 =	vnsel vm11, $0x0, v14  }
0x1a7: {  	[tilespmem:v18+s10+$0x0] =	vst.idx.msk $0xffff, v14;
	v14 =	vand.u32 $0xFFFFFC00, v20  }
0x1a8: {  	v16 =	vand.u32 $0x7F, v16;
	v12 =	vld.idx.msk [tilespmem:v12+s2+$0x0], $0xffff;
	v14 =	vadd.s32 v51, v14  }
0x1a9: {  	v18 =	vor.u32 v32, v51;
	v14 =	vor.u32 v16, v14  }
0x1aa: {  	v14 =	vor.u32 $0x180, v14  }
0x1ab: {  	v0 =	vadd.s32 v23, v0;
	v21 =	vld [tilespmem:$0x1FD40]  }
0x1ac: {  	vm13 =	vgt.s32 v2, v15;
	vm12 =	vlt.s32 v0, $0xC7  }
0x1ad: {  	v0 =	vnsel vm12, $0xC7, v0;
	v12 =	vnsel vm13, $0x0, v12  }
0x1ae: {  	v16 =	vshll.u32 v0, $0x3;
	[tilespmem:v18+s10+$0x0] =	vst.idx.msk $0xffff, v12  }
0x1af: {  	v63 =	vmovc v4;
	v4 =	vimm.s32 $0x4;
	v0 =	vand.u32 $0x7F, v0;
	v12 =	vand.u32 $0xFFFFFC00, v16;
	v16 =	vld.idx.msk [tilespmem:v14+s2+$0x0], $0xffff  }
0x1b0: {  	v3 =	vld [tilespmem:$0x1FD50];
	v18 =	vor.u32 v21, v51;
	v12 =	vadd.s32 v51, v12;
	v14 =	vperm.xlane v42, v4  }
0x1b1: {  	v0 =	vor.u32 v0, v12  }
0x1b2: {  	v0 =	vor.u32 $0x180, v0;
	v12 =	vadd.s32 v1, v14  }
0x1b3: {  	vm15 =	vgt.s32 v2, v17;
	vm14 =	vlt.s32 v12, $0xC7  }
0x1b4: {  	v12 =	vnsel vm14, $0xC7, v12;
	v16 =	vnsel vm15, $0x0, v16  }
0x1b5: {  	v20 =	vshll.u32 v12, $0x3;
	[tilespmem:v18+s10+$0x0] =	vst.idx.msk $0xffff, v16;
	v18 =	vor.u32 v3, v51;
	v3 =	vld [tilespmem:$0x1FFF0]  }
0x1b6: {  	v16 =	vand.u32 $0xFFFFFC00, v20  }
0x1b7: {  	v12 =	vand.u32 $0x7F, v12;
	v0 =	vld.idx.msk [tilespmem:v0+s2+$0x0], $0xffff;
	v16 =	vadd.s32 v51, v16  }
0x1b8: {  	v12 =	vor.u32 v12, v16  }
0x1b9: {  	v12 =	vor.u32 $0x200, v12  }
0x1ba: {  	v16 =	vadd.s32 v3, v14;
	v3 =	vld [tilespmem:$0x1FD60]  }
0x1bb: {  	vm5 =	vgt.s32 v2, v23;
	vm4 =	vlt.s32 v16, $0xC7  }
0x1bc: {  	v0 =	vnsel vm5, $0x0, v0;
	v2 =	vnsel vm4, $0xC7, v16  }
0x1bd: {  	[tilespmem:v18+s10+$0x0] =	vst.idx.msk $0xff, v0;
	v16 =	vshll.u32 v2, $0x3  }
0x1be: {  	v12 =	vld.idx.msk [tilespmem:v12+s2+$0x0], $0xffff;
	v0 =	vand.u32 $0xFFFFFC00, v16  }
0x1bf: {  	v2 =	vand.u32 $0x7F, v2;
	v0 =	vadd.s32 v51, v0;
	v16 =	vor.u32 v3, v51;
	v3 =	vld [tilespmem:$0x1FD70]  }
0x1c0: {  	v2 =	vor.u32 v2, v0;
	v0 =	vperm.xlane v63, v4  }
0x1c1: {  	v18 =	vadd.s32 v5, v14;
	v2 =	vor.u32 $0x200, v2  }
0x1c2: {  	vm6 =	vlt.s32 v18, $0xC7;
	vm7 =	vgt.s32 v0, v1  }
0x1c3: {  	v18 =	vnsel vm6, $0xC7, v18;
	v12 =	vnsel vm7, $0x0, v12  }
0x1c4: {  	v20 =	vshll.u32 v18, $0x3;
	[tilespmem:v16+s10+$0x0] =	vst.idx.msk $0xffff, v12;
	v16 =	vand.u32 $0x7F, v18;
	v18 =	vor.u32 v3, v51;
	v3 =	vld [tilespmem:$0x1FFF0]  }
0x1c5: {  	v12 =	vand.u32 $0xFFFFFC00, v20  }
0x1c6: {  	v12 =	vadd.s32 v51, v12;
	v2 =	vld.idx.msk [tilespmem:v2+s2+$0x0], $0xffff  }
0x1c7: {  	v12 =	vor.u32 v16, v12  }
0x1c8: {  	v16 =	vadd.s32 v6, v14;
	v12 =	vor.u32 $0x200, v12  }
0x1c9: {  	vm8 =	vlt.s32 v16, $0xC7;
	vm9 =	vgt.s32 v0, v3;
	v3 =	vld [tilespmem:$0x1FD80]  }
0x1ca: {  	v16 =	vnsel vm8, $0xC7, v16  }
0x1cb: {  	v20 =	vshll.u32 v16, $0x3;
	v2 =	vnsel vm9, $0x0, v2  }
0x1cc: {  	[tilespmem:v18+s10+$0x0] =	vst.idx.msk $0xffff, v2;
	v2 =	vand.u32 $0xFFFFFC00, v20  }
0x1cd: {  	v16 =	vand.u32 $0x7F, v16;
	v12 =	vld.idx.msk [tilespmem:v12+s2+$0x0], $0xffff;
	v2 =	vadd.s32 v51, v2  }
0x1ce: {  	v18 =	vor.u32 v3, v51;
	v2 =	vor.u32 v16, v2  }
0x1cf: {  	v16 =	vadd.s32 v7, v14;
	v2 =	vor.u32 $0x200, v2  }
0x1d0: {  	v3 =	vld [tilespmem:$0x1FD90];
	vm10 =	vlt.s32 v16, $0xC7  }
0x1d1: {  	vm11 =	vgt.s32 v0, v5;
	v16 =	vnsel vm10, $0xC7, v16  }
0x1d2: {  	v20 =	vshll.u32 v16, $0x3;
	v12 =	vnsel vm11, $0x0, v12  }
0x1d3: {  	[tilespmem:v18+s10+$0x0] =	vst.idx.msk $0xffff, v12;
	v12 =	vand.u32 $0xFFFFFC00, v20  }
0x1d4: {  	v16 =	vand.u32 $0x7F, v16;
	v2 =	vld.idx.msk [tilespmem:v2+s2+$0x0], $0xffff;
	v12 =	vadd.s32 v51, v12  }
0x1d5: {  	v18 =	vor.u32 v3, v51;
	v12 =	vor.u32 v16, v12  }
0x1d6: {  	v16 =	vadd.s32 v8, v14;
	v12 =	vor.u32 $0x200, v12  }
0x1d7: {  	v3 =	vld [tilespmem:$0x1FDA0];
	vm12 =	vlt.s32 v16, $0xC7  }
0x1d8: {  	vm13 =	vgt.s32 v0, v6;
	v16 =	vnsel vm12, $0xC7, v16  }
0x1d9: {  	v20 =	vshll.u32 v16, $0x3;
	v2 =	vnsel vm13, $0x0, v2  }
0x1da: {  	[tilespmem:v18+s10+$0x0] =	vst.idx.msk $0xffff, v2;
	v2 =	vand.u32 $0xFFFFFC00, v20  }
0x1db: {  	v16 =	vand.u32 $0x7F, v16;
	v12 =	vld.idx.msk [tilespmem:v12+s2+$0x0], $0xffff;
	v2 =	vadd.s32 v51, v2  }
0x1dc: {  	v18 =	vor.u32 v3, v51;
	v2 =	vor.u32 v16, v2  }
0x1dd: {  	v16 =	vadd.s32 v9, v14;
	v2 =	vor.u32 $0x200, v2  }
0x1de: {  	v3 =	vld [tilespmem:$0x1FDB0];
	vm14 =	vlt.s32 v16, $0xC7  }
0x1df: {  	vm15 =	vgt.s32 v0, v7;
	v16 =	vnsel vm14, $0xC7, v16  }
0x1e0: {  	v20 =	vshll.u32 v16, $0x3;
	v12 =	vnsel vm15, $0x0, v12  }
0x1e1: {  	[tilespmem:v18+s10+$0x0] =	vst.idx.msk $0xffff, v12;
	v12 =	vand.u32 $0xFFFFFC00, v20  }
0x1e2: {  	v16 =	vand.u32 $0x7F, v16;
	v2 =	vld.idx.msk [tilespmem:v2+s2+$0x0], $0xffff;
	v12 =	vadd.s32 v51, v12  }
0x1e3: {  	v18 =	vor.u32 v3, v51;
	v12 =	vor.u32 v16, v12  }
0x1e4: {  	v16 =	vadd.s32 v10, v14;
	v12 =	vor.u32 $0x200, v12  }
0x1e5: {  	vm4 =	vlt.s32 v16, $0xC7  }
0x1e6: {  	vm5 =	vgt.s32 v0, v8;
	v16 =	vnsel vm4, $0xC7, v16  }
0x1e7: {  	v20 =	vshll.u32 v16, $0x3;
	v2 =	vnsel vm5, $0x0, v2  }
0x1e8: {  	[tilespmem:v18+s10+$0x0] =	vst.idx.msk $0xffff, v2;
	v2 =	vand.u32 $0xFFFFFC00, v20  }
0x1e9: {  	v3 =	vor.u32 $0x260, v1;
	v16 =	vand.u32 $0x7F, v16;
	v12 =	vld.idx.msk [tilespmem:v12+s2+$0x0], $0xffff;
	v2 =	vadd.s32 v51, v2  }
0x1ea: {  	v18 =	vor.u32 v3, v51;
	v2 =	vor.u32 v16, v2  }
0x1eb: {  	v16 =	vadd.s32 v11, v14;
	v2 =	vor.u32 $0x200, v2  }
0x1ec: {  	vm6 =	vlt.s32 v16, $0xC7  }
0x1ed: {  	vm7 =	vgt.s32 v0, v9;
	v16 =	vnsel vm6, $0xC7, v16  }
0x1ee: {  	v20 =	vshll.u32 v16, $0x3;
	v12 =	vnsel vm7, $0x0, v12  }
0x1ef: {  	[tilespmem:v18+s10+$0x0] =	vst.idx.msk $0xffff, v12;
	v12 =	vand.u32 $0xFFFFFC00, v20  }
0x1f0: {  	[tilespmem:$0x1FB00] =	vst v3;
	v3 =	vor.u32 $0x270, v1;
	v16 =	vand.u32 $0x7F, v16;
	v2 =	vld.idx.msk [tilespmem:v2+s2+$0x0], $0xffff;
	v12 =	vadd.s32 v51, v12  }
0x1f1: {  	v18 =	vor.u32 v3, v51;
	v12 =	vor.u32 v16, v12  }
0x1f2: {  	v16 =	vadd.s32 v13, v14;
	v12 =	vor.u32 $0x200, v12  }
0x1f3: {  	vm8 =	vlt.s32 v16, $0xC7  }
0x1f4: {  	vm9 =	vgt.s32 v0, v10;
	v16 =	vnsel vm8, $0xC7, v16  }
0x1f5: {  	v20 =	vshll.u32 v16, $0x3;
	v2 =	vnsel vm9, $0x0, v2  }
0x1f6: {  	[tilespmem:v18+s10+$0x0] =	vst.idx.msk $0xffff, v2;
	v2 =	vand.u32 $0xFFFFFC00, v20  }
0x1f7: {  	[tilespmem:$0x1FB10] =	vst v3;
	v3 =	vor.u32 $0x600, v1;
	v16 =	vand.u32 $0x7F, v16;
	v18 =	vld.idx.msk [tilespmem:v12+s2+$0x0], $0xffff;
	v2 =	vadd.s32 v51, v2  }
0x1f8: {  	v20 =	vor.u32 v3, v51;
	v2 =	vor.u32 v16, v2  }
0x1f9: {  	v16 =	vadd.s32 v15, v14;
	v2 =	vor.u32 $0x200, v2  }
0x1fa: {  	vm10 =	vlt.s32 v16, $0xC7  }
0x1fb: {  	vm11 =	vgt.s32 v0, v11;
	v16 =	vnsel vm10, $0xC7, v16  }
0x1fc: {  	v22 =	vshll.u32 v16, $0x3;
	v18 =	vnsel vm11, $0x0, v18  }
0x1fd: {  	[tilespmem:v20+s10+$0x0] =	vst.idx.msk $0xffff, v18;
	v20 =	vand.u32 $0xFFFFFC00, v22  }
0x1fe: {  	v16 =	vand.u32 $0x7F, v16;
	v18 =	vor.u32 $0x610, v1;
	v2 =	vld.idx.msk [tilespmem:v2+s2+$0x0], $0xffff;
	v20 =	vadd.s32 v51, v20  }
0x1ff: {  	v22 =	vor.u32 v18, v51;
	v16 =	vor.u32 v16, v20  }
0x200: {  	v20 =	vadd.s32 v17, v14;
	v16 =	vor.u32 $0x200, v16  }
0x201: {  	vm12 =	vlt.s32 v20, $0xC7  }
0x202: {  	vm13 =	vgt.s32 v0, v13;
	v20 =	vnsel vm12, $0xC7, v20  }
0x203: {  	v19 =	vmov v23;
	v23 =	vshll.u32 v20, $0x3;
	v2 =	vnsel vm13, $0x0, v2  }
0x204: {  	[tilespmem:v22+s10+$0x0] =	vst.idx.msk $0xffff, v2;
	v2 =	vand.u32 $0xFFFFFC00, v23  }
0x205: {  	v20 =	vand.u32 $0x7F, v20;
	v22 =	vor.u32 $0x620, v1;
	v16 =	vld.idx.msk [tilespmem:v16+s2+$0x0], $0xffff;
	v2 =	vadd.s32 v51, v2  }
0x206: {  	v23 =	vor.u32 v22, v51;
	v2 =	vor.u32 v20, v2  }
0x207: {  	v2 =	vor.u32 $0x200, v2  }
0x208: {  	v14 =	vadd.s32 v19, v14  }
0x209: {  	vm15 =	vgt.s32 v0, v15;
	vm14 =	vlt.s32 v14, $0xC7  }
0x20a: {  	v20 =	vnsel vm14, $0xC7, v14;
	v14 =	vnsel vm15, $0x0, v16  }
0x20b: {  	[tilespmem:v23+s10+$0x0] =	vst.idx.msk $0xffff, v14  }
0x20c: {  	[tilespmem:$0x1FB20] =	vst v3;
	v3 =	vor.u32 $0x630, v1;
	v16 =	vshll.u32 v20, $0x3;
	v2 =	vld.idx.msk [tilespmem:v2+s2+$0x0], $0xffff  }
0x20d: {  	v4 =	vimm.s32 $0x5;
	v16 =	vand.u32 $0xFFFFFC00, v16;
	v23 =	vor.u32 v3, v51  }
0x20e: {  	v29 =	vperm.xlane v42, v4;
	v20 =	vand.u32 $0x7F, v20;
	v16 =	vadd.s32 v51, v16  }
0x20f: {  	vm5 =	vgt.s32 v0, v17;
	v16 =	vor.u32 v20, v16  }
0x210: {  	[tilespmem:$0x1FB30] =	vst v3;
	v3 =	vor.u32 $0x640, v1;
	v20 =	vadd.s32 v1, v29;
	v16 =	vor.u32 $0x200, v16  }
0x211: {  	[tilespmem:$0x1FB40] =	vst v3;
	vm4 =	vlt.s32 v20, $0xC7;
	v2 =	vnsel vm5, $0x0, v2  }
0x212: {  	v20 =	vnsel vm4, $0xC7, v20;
	[tilespmem:v23+s10+$0x0] =	vst.idx.msk $0xffff, v2;
	v23 =	vor.u32 v3, v51;
	v3 =	vld [tilespmem:$0x1FFF0]  }
0x213: {  	v24 =	vshll.u32 v20, $0x3  }
0x214: {  	v2 =	vand.u32 $0xFFFFFC00, v24  }
0x215: {  	v20 =	vand.u32 $0x7F, v20;
	v16 =	vld.idx.msk [tilespmem:v16+s2+$0x0], $0xffff;
	v2 =	vadd.s32 v51, v2  }
0x216: {  	v2 =	vor.u32 v20, v2  }
0x217: {  	v2 =	vor.u32 $0x280, v2;
	v20 =	vadd.s32 v3, v29  }
0x218: {  	vm6 =	vlt.s32 v20, $0xC7  }
0x219: {  	vm7 =	vgt.s32 v0, v19;
	v0 =	vnsel vm6, $0xC7, v20  }
0x21a: {  	v16 =	vnsel vm7, $0x0, v16;
	v20 =	vshll.u32 v0, $0x3  }
0x21b: {  	[tilespmem:v23+s10+$0x0] =	vst.idx.msk $0xff, v16;
	v20 =	vand.u32 $0xFFFFFC00, v20  }
0x21c: {  	v3 =	vor.u32 $0x280, v1;
	v2 =	vld.idx.msk [tilespmem:v2+s2+$0x0], $0xffff;
	v0 =	vand.u32 $0x7F, v0;
	v20 =	vadd.s32 v51, v20  }
0x21d: {  	v23 =	vor.u32 v3, v51;
	v0 =	vor.u32 v0, v20  }
0x21e: {  	v41 =	vperm.xlane v63, v4;
	v20 =	vadd.s32 v5, v29;
	v0 =	vor.u32 $0x280, v0  }
0x21f: {  	vm8 =	vlt.s32 v20, $0xC7  }
0x220: {  	vm9 =	vgt.s32 v41, v1;
	[tilespmem:$0x1FB50] =	vst v3;
	v3 =	vor.u32 $0x290, v1;
	v24 =	vnsel vm8, $0xC7, v20  }
0x221: {  	[tilespmem:$0x1FB60] =	vst v3;
	v2 =	vnsel vm9, $0x0, v2;
	v20 =	vshll.u32 v24, $0x3  }
0x222: {  	[tilespmem:v23+s10+$0x0] =	vst.idx.msk $0xffff, v2;
	v23 =	vand.u32 $0x7F, v24;
	v24 =	vor.u32 v3, v51;
	v3 =	vld [tilespmem:$0x1FFF0];
	v2 =	vand.u32 $0xFFFFFC00, v20  }
0x223: {  	v2 =	vadd.s32 v51, v2;
	v0 =	vld.idx.msk [tilespmem:v0+s2+$0x0], $0xffff  }
0x224: {  	v2 =	vor.u32 v23, v2  }
0x225: {  	v23 =	vadd.s32 v6, v29;
	v2 =	vor.u32 $0x280, v2  }
0x226: {  	vm10 =	vlt.s32 v23, $0xC7  }
0x227: {  	vm11 =	vgt.s32 v41, v3;
	v25 =	vnsel vm10, $0xC7, v23  }
0x228: {  	v23 =	vshll.u32 v25, $0x3;
	v0 =	vnsel vm11, $0x0, v0  }
0x229: {  	[tilespmem:v24+s10+$0x0] =	vst.idx.msk $0xffff, v0;
	v0 =	vand.u32 $0xFFFFFC00, v23  }
0x22a: {  	v3 =	vor.u32 $0x2A0, v1;
	v24 =	vand.u32 $0x7F, v25;
	v2 =	vld.idx.msk [tilespmem:v2+s2+$0x0], $0xffff;
	v0 =	vadd.s32 v51, v0  }
0x22b: {  	v25 =	vor.u32 v3, v51;
	v0 =	vor.u32 v24, v0  }
0x22c: {  	v24 =	vadd.s32 v7, v29;
	v0 =	vor.u32 $0x280, v0  }
0x22d: {  	vm12 =	vlt.s32 v24, $0xC7  }
0x22e: {  	vm13 =	vgt.s32 v41, v5;
	v26 =	vnsel vm12, $0xC7, v24  }
0x22f: {  	v24 =	vshll.u32 v26, $0x3;
	v2 =	vnsel vm13, $0x0, v2  }
0x230: {  	[tilespmem:v25+s10+$0x0] =	vst.idx.msk $0xffff, v2;
	v2 =	vand.u32 $0xFFFFFC00, v24  }
0x231: {  	[tilespmem:$0x1FB70] =	vst v3;
	v3 =	vor.u32 $0x2B0, v1;
	v25 =	vand.u32 $0x7F, v26;
	v0 =	vld.idx.msk [tilespmem:v0+s2+$0x0], $0xffff;
	v2 =	vadd.s32 v51, v2  }
0x232: {  	v26 =	vor.u32 v3, v51;
	v2 =	vor.u32 v25, v2  }
0x233: {  	v25 =	vadd.s32 v8, v29;
	v2 =	vor.u32 $0x280, v2  }
0x234: {  	vm14 =	vlt.s32 v25, $0xC7  }
0x235: {  	vm15 =	vgt.s32 v41, v6;
	v27 =	vnsel vm14, $0xC7, v25  }
0x236: {  	v25 =	vshll.u32 v27, $0x3;
	v0 =	vnsel vm15, $0x0, v0  }
0x237: {  	[tilespmem:v26+s10+$0x0] =	vst.idx.msk $0xffff, v0;
	v0 =	vand.u32 $0xFFFFFC00, v25  }
0x238: {  	[tilespmem:$0x1FB80] =	vst v3;
	v3 =	vor.u32 $0x2C0, v1;
	v26 =	vand.u32 $0x7F, v27;
	v2 =	vld.idx.msk [tilespmem:v2+s2+$0x0], $0xffff;
	v0 =	vadd.s32 v51, v0  }
0x239: {  	v27 =	vor.u32 v3, v51;
	v0 =	vor.u32 v26, v0  }
0x23a: {  	v26 =	vadd.s32 v9, v29;
	v0 =	vor.u32 $0x280, v0  }
0x23b: {  	vm4 =	vlt.s32 v26, $0xC7  }
0x23c: {  	vm5 =	vgt.s32 v41, v7;
	v28 =	vnsel vm4, $0xC7, v26  }
0x23d: {  	v26 =	vshll.u32 v28, $0x3;
	v2 =	vnsel vm5, $0x0, v2  }
0x23e: {  	[tilespmem:v27+s10+$0x0] =	vst.idx.msk $0xffff, v2;
	v2 =	vand.u32 $0xFFFFFC00, v26  }
0x23f: {  	[tilespmem:$0x1FB90] =	vst v3;
	v3 =	vor.u32 $0x2D0, v1;
	v27 =	vand.u32 $0x7F, v28;
	v0 =	vld.idx.msk [tilespmem:v0+s2+$0x0], $0xffff;
	v2 =	vadd.s32 v51, v2  }
0x240: {  	v28 =	vor.u32 v3, v51;
	v2 =	vor.u32 v27, v2  }
0x241: {  	v27 =	vadd.s32 v10, v29;
	v2 =	vor.u32 $0x280, v2  }
0x242: {  	vm6 =	vlt.s32 v27, $0xC7  }
0x243: {  	vm7 =	vgt.s32 v41, v8;
	v20 =	vmov v30;
	v30 =	vnsel vm6, $0xC7, v27  }
0x244: {  	v27 =	vshll.u32 v30, $0x3;
	v0 =	vnsel vm7, $0x0, v0  }
0x245: {  	[tilespmem:v28+s10+$0x0] =	vst.idx.msk $0xffff, v0;
	v0 =	vand.u32 $0xFFFFFC00, v27  }
0x246: {  	[tilespmem:$0x1FBA0] =	vst v3;
	v3 =	vor.u32 $0x2E0, v1;
	v28 =	vand.u32 $0x7F, v30;
	v2 =	vld.idx.msk [tilespmem:v2+s2+$0x0], $0xffff;
	v0 =	vadd.s32 v51, v0  }
0x247: {  	v30 =	vor.u32 v3, v51;
	v0 =	vor.u32 v28, v0  }
0x248: {  	v28 =	vadd.s32 v11, v29;
	v0 =	vor.u32 $0x280, v0  }
0x249: {  	vm8 =	vlt.s32 v28, $0xC7  }
0x24a: {  	vm9 =	vgt.s32 v41, v9;
	v31 =	vnsel vm8, $0xC7, v28  }
0x24b: {  	v28 =	vshll.u32 v31, $0x3;
	v2 =	vnsel vm9, $0x0, v2  }
0x24c: {  	[tilespmem:v30+s10+$0x0] =	vst.idx.msk $0xffff, v2;
	v2 =	vand.u32 $0xFFFFFC00, v28  }
0x24d: {  	v28 =	vor.u32 $0x2F0, v1;
	v30 =	vand.u32 $0x7F, v31;
	v0 =	vld.idx.msk [tilespmem:v0+s2+$0x0], $0xffff;
	v2 =	vadd.s32 v51, v2  }
0x24e: {  	v31 =	vor.u32 v28, v51;
	v2 =	vor.u32 v30, v2  }
0x24f: {  	v30 =	vadd.s32 v13, v29;
	v2 =	vor.u32 $0x280, v2  }
0x250: {  	vm10 =	vlt.s32 v30, $0xC7  }
0x251: {  	vm11 =	vgt.s32 v41, v10;
	v30 =	vnsel vm10, $0xC7, v30  }
0x252: {  	v44 =	vshll.u32 v30, $0x3;
	v0 =	vnsel vm11, $0x0, v0  }
0x253: {  	[tilespmem:v31+s10+$0x0] =	vst.idx.msk $0xffff, v0;
	v0 =	vand.u32 $0xFFFFFC00, v44  }
0x254: {  	[tilespmem:$0x1FBB0] =	vst v3;
	v3 =	vor.u32 $0x680, v1;
	v30 =	vand.u32 $0x7F, v30;
	v2 =	vld.idx.msk [tilespmem:v2+s2+$0x0], $0xffff;
	v0 =	vadd.s32 v51, v0  }
0x255: {  	v45 =	vor.u32 v3, v51;
	v0 =	vor.u32 v30, v0  }
0x256: {  	v30 =	vadd.s32 v15, v29;
	v0 =	vor.u32 $0x280, v0  }
0x257: {  	vm12 =	vlt.s32 v30, $0xC7  }
0x258: {  	vm13 =	vgt.s32 v41, v11;
	v30 =	vnsel vm12, $0xC7, v30  }
0x259: {  	v46 =	vshll.u32 v30, $0x3;
	v2 =	vnsel vm13, $0x0, v2  }
0x25a: {  	[tilespmem:v45+s10+$0x0] =	vst.idx.msk $0xffff, v2;
	v2 =	vand.u32 $0xFFFFFC00, v46  }
0x25b: {  	[tilespmem:$0x1FBC0] =	vst v3;
	v3 =	vor.u32 $0x690, v1;
	v30 =	vand.u32 $0x7F, v30;
	v0 =	vld.idx.msk [tilespmem:v0+s2+$0x0], $0xffff;
	v2 =	vadd.s32 v51, v2  }
0x25c: {  	v47 =	vor.u32 v3, v51;
	v2 =	vor.u32 v30, v2  }
0x25d: {  	v30 =	vadd.s32 v17, v29;
	v2 =	vor.u32 $0x280, v2  }
0x25e: {  	vm14 =	vlt.s32 v30, $0xC7  }
0x25f: {  	vm15 =	vgt.s32 v41, v13;
	v30 =	vnsel vm14, $0xC7, v30  }
0x260: {  	v48 =	vshll.u32 v30, $0x3;
	v0 =	vnsel vm15, $0x0, v0  }
0x261: {  	[tilespmem:v47+s10+$0x0] =	vst.idx.msk $0xffff, v0;
	v0 =	vand.u32 $0xFFFFFC00, v48  }
0x262: {  	[tilespmem:$0x1FBD0] =	vst v3;
	v3 =	vor.u32 $0x6A0, v1;
	v30 =	vand.u32 $0x7F, v30;
	v2 =	vld.idx.msk [tilespmem:v2+s2+$0x0], $0xffff;
	v0 =	vadd.s32 v51, v0  }
0x263: {  	v49 =	vor.u32 v3, v51;
	v0 =	vor.u32 v30, v0  }
0x264: {  	v29 =	vadd.s32 v19, v29;
	v0 =	vor.u32 $0x280, v0  }
0x265: {  	vm4 =	vlt.s32 v29, $0xC7  }
0x266: {  	vm5 =	vgt.s32 v41, v15;
	v29 =	vnsel vm4, $0xC7, v29  }
0x267: {  	v30 =	vshll.u32 v29, $0x3;
	v2 =	vnsel vm5, $0x0, v2  }
0x268: {  	v4 =	vimm.s32 $0x6;
	v24 =	vor.u32 $0x6B0, v1;
	[tilespmem:v49+s10+$0x0] =	vst.idx.msk $0xffff, v2;
	v2 =	vand.u32 $0xFFFFFC00, v30  }
0x269: {  	v44 =	vperm.xlane v42, v4;
	v29 =	vand.u32 $0x7F, v29;
	v0 =	vld.idx.msk [tilespmem:v0+s2+$0x0], $0xffff;
	v2 =	vadd.s32 v51, v2  }
0x26a: {  	v30 =	vor.u32 v24, v51;
	v2 =	vor.u32 v29, v2  }
0x26b: {  	v29 =	vadd.s32 v1, v44;
	v2 =	vor.u32 $0x280, v2  }
0x26c: {  	vm6 =	vlt.s32 v29, $0xC7  }
0x26d: {  	vm7 =	vgt.s32 v41, v17;
	[tilespmem:$0x1FBE0] =	vst v3;
	v3 =	vld [tilespmem:$0x1FFF0];
	v50 =	vnsel vm6, $0xC7, v29  }
0x26e: {  	v29 =	vshll.u32 v50, $0x3;
	v0 =	vnsel vm7, $0x0, v0  }
0x26f: {  	[tilespmem:v30+s10+$0x0] =	vst.idx.msk $0xffff, v0;
	v0 =	vand.u32 $0xFFFFFC00, v29  }
0x270: {  	v31 =	vor.u32 $0x6C0, v1;
	v30 =	vand.u32 $0x7F, v50;
	v2 =	vld.idx.msk [tilespmem:v2+s2+$0x0], $0xffff;
	v0 =	vadd.s32 v51, v0  }
0x271: {  	v52 =	vor.u32 v31, v51;
	v0 =	vor.u32 v30, v0  }
0x272: {  	v30 =	vadd.s32 v3, v44;
	v0 =	vor.u32 $0x300, v0  }
0x273: {  	vm8 =	vlt.s32 v30, $0xC7  }
0x274: {  	vm9 =	vgt.s32 v41, v19;
	v30 =	vnsel vm8, $0xC7, v30  }
0x275: {  	v53 =	vshll.u32 v30, $0x3;
	v2 =	vnsel vm9, $0x0, v2  }
0x276: {  	[tilespmem:v52+s10+$0x0] =	vst.idx.msk $0xff, v2;
	v2 =	vand.u32 $0xFFFFFC00, v53  }
0x277: {  	v3 =	vor.u32 $0x300, v1;
	v30 =	vand.u32 $0x7F, v30;
	v0 =	vld.idx.msk [tilespmem:v0+s2+$0x0], $0xffff;
	v2 =	vadd.s32 v51, v2  }
0x278: {  	v54 =	vor.u32 v3, v51;
	v2 =	vor.u32 v30, v2  }
0x279: {  	v47 =	vperm.xlane v63, v4;
	v30 =	vadd.s32 v5, v44;
	v2 =	vor.u32 $0x300, v2  }
0x27a: {  	vm10 =	vlt.s32 v30, $0xC7  }
0x27b: {  	vm11 =	vgt.s32 v47, v1;
	[tilespmem:$0x1FBF0] =	vst v3;
	v3 =	vor.u32 $0x310, v1;
	v30 =	vnsel vm10, $0xC7, v30  }
0x27c: {  	[tilespmem:$0x1FC00] =	vst v3;
	v55 =	vshll.u32 v30, $0x3;
	v0 =	vnsel vm11, $0x0, v0  }
0x27d: {  	v56 =	vor.u32 v3, v51;
	v3 =	vld [tilespmem:$0x1FFF0];
	[tilespmem:v54+s10+$0x0] =	vst.idx.msk $0xffff, v0;
	v0 =	vand.u32 $0xFFFFFC00, v55  }
0x27e: {  	v30 =	vand.u32 $0x7F, v30;
	v2 =	vld.idx.msk [tilespmem:v2+s2+$0x0], $0xffff;
	v0 =	vadd.s32 v51, v0  }
0x27f: {  	v0 =	vor.u32 v30, v0  }
0x280: {  	v30 =	vadd.s32 v6, v44;
	v0 =	vor.u32 $0x300, v0  }
0x281: {  	vm12 =	vlt.s32 v30, $0xC7  }
0x282: {  	vm13 =	vgt.s32 v47, v3;
	v30 =	vnsel vm12, $0xC7, v30  }
0x283: {  	v58 =	vshll.u32 v30, $0x3;
	v2 =	vnsel vm13, $0x0, v2  }
0x284: {  	[tilespmem:v56+s10+$0x0] =	vst.idx.msk $0xffff, v2;
	v2 =	vand.u32 $0xFFFFFC00, v58  }
0x285: {  	v37 =	vor.u32 $0x320, v1;
	v30 =	vand.u32 $0x7F, v30;
	v0 =	vld.idx.msk [tilespmem:v0+s2+$0x0], $0xffff;
	v2 =	vadd.s32 v51, v2  }
0x286: {  	v59 =	vor.u32 v37, v51;
	v2 =	vor.u32 v30, v2  }
0x287: {  	v30 =	vadd.s32 v7, v44;
	v2 =	vor.u32 $0x300, v2  }
0x288: {  	vm14 =	vlt.s32 v30, $0xC7  }
0x289: {  	vm15 =	vgt.s32 v47, v5;
	v30 =	vnsel vm14, $0xC7, v30  }
0x28a: {  	v60 =	vshll.u32 v30, $0x3;
	v0 =	vnsel vm15, $0x0, v0  }
0x28b: {  	[tilespmem:v59+s10+$0x0] =	vst.idx.msk $0xffff, v0;
	v0 =	vand.u32 $0xFFFFFC00, v60  }
0x28c: {  	v3 =	vor.u32 $0x330, v1;
	v30 =	vand.u32 $0x7F, v30;
	v2 =	vld.idx.msk [tilespmem:v2+s2+$0x0], $0xffff;
	v0 =	vadd.s32 v51, v0  }
0x28d: {  	v61 =	vor.u32 v3, v51;
	v0 =	vor.u32 v30, v0  }
0x28e: {  	v30 =	vadd.s32 v8, v44;
	v0 =	vor.u32 $0x300, v0  }
0x28f: {  	vm4 =	vlt.s32 v30, $0xC7  }
0x290: {  	vm5 =	vgt.s32 v47, v6;
	v30 =	vnsel vm4, $0xC7, v30  }
0x291: {  	v62 =	vshll.u32 v30, $0x3;
	v2 =	vnsel vm5, $0x0, v2  }
0x292: {  	[tilespmem:v61+s10+$0x0] =	vst.idx.msk $0xffff, v2;
	v2 =	vand.u32 $0xFFFFFC00, v62  }
0x293: {  	[tilespmem:$0x1FC10] =	vst v3;
	v3 =	vor.u32 $0x340, v1;
	v30 =	vand.u32 $0x7F, v30;
	v0 =	vld.idx.msk [tilespmem:v0+s2+$0x0], $0xffff;
	v2 =	vadd.s32 v51, v2  }
0x294: {  	v23 =	vmov v63;
	v63 =	vor.u32 v3, v51;
	v2 =	vor.u32 v30, v2  }
0x295: {  	v30 =	vadd.s32 v9, v44;
	v2 =	vor.u32 $0x300, v2  }
0x296: {  	vm6 =	vlt.s32 v30, $0xC7  }
0x297: {  	vm7 =	vgt.s32 v47, v7;
	v30 =	vnsel vm6, $0xC7, v30  }
0x298: {  	v32 =	vshll.u32 v30, $0x3;
	v0 =	vnsel vm7, $0x0, v0  }
0x299: {  	[tilespmem:v63+s10+$0x0] =	vst.idx.msk $0xffff, v0;
	v0 =	vand.u32 $0xFFFFFC00, v32  }
0x29a: {  	[tilespmem:$0x1FC20] =	vst v3;
	v3 =	vor.u32 $0x350, v1;
	v30 =	vand.u32 $0x7F, v30;
	v2 =	vld.idx.msk [tilespmem:v2+s2+$0x0], $0xffff;
	v0 =	vadd.s32 v51, v0  }
0x29b: {  	v33 =	vor.u32 v3, v51;
	v0 =	vor.u32 v30, v0  }
0x29c: {  	v30 =	vadd.s32 v10, v44;
	v0 =	vor.u32 $0x300, v0  }
0x29d: {  	vm8 =	vlt.s32 v30, $0xC7  }
0x29e: {  	vm9 =	vgt.s32 v47, v8;
	v30 =	vnsel vm8, $0xC7, v30  }
0x29f: {  	v34 =	vshll.u32 v30, $0x3;
	v2 =	vnsel vm9, $0x0, v2  }
0x2a0: {  	[tilespmem:v33+s10+$0x0] =	vst.idx.msk $0xffff, v2;
	v2 =	vand.u32 $0xFFFFFC00, v34  }
0x2a1: {  	[tilespmem:$0x1FC30] =	vst v3;
	v3 =	vor.u32 $0x360, v1;
	v30 =	vand.u32 $0x7F, v30;
	v0 =	vld.idx.msk [tilespmem:v0+s2+$0x0], $0xffff;
	v2 =	vadd.s32 v51, v2  }
0x2a2: {  	v35 =	vor.u32 v3, v51;
	v2 =	vor.u32 v30, v2  }
0x2a3: {  	v30 =	vadd.s32 v11, v44;
	v2 =	vor.u32 $0x300, v2  }
0x2a4: {  	vm10 =	vlt.s32 v30, $0xC7  }
0x2a5: {  	vm11 =	vgt.s32 v47, v9;
	v30 =	vnsel vm10, $0xC7, v30  }
0x2a6: {  	v38 =	vshll.u32 v30, $0x3;
	v0 =	vnsel vm11, $0x0, v0  }
0x2a7: {  	[tilespmem:v35+s10+$0x0] =	vst.idx.msk $0xffff, v0;
	v0 =	vand.u32 $0xFFFFFC00, v38  }
0x2a8: {  	[tilespmem:$0x1FC40] =	vst v3;
	v3 =	vor.u32 $0x370, v1;
	v30 =	vand.u32 $0x7F, v30;
	v2 =	vld.idx.msk [tilespmem:v2+s2+$0x0], $0xffff;
	v0 =	vadd.s32 v51, v0  }
0x2a9: {  	v39 =	vor.u32 v3, v51;
	v0 =	vor.u32 v30, v0  }
0x2aa: {  	v30 =	vadd.s32 v13, v44;
	v0 =	vor.u32 $0x300, v0  }
0x2ab: {  	vm12 =	vlt.s32 v30, $0xC7  }
0x2ac: {  	vm13 =	vgt.s32 v47, v10;
	v30 =	vnsel vm12, $0xC7, v30  }
0x2ad: {  	v40 =	vshll.u32 v30, $0x3;
	v2 =	vnsel vm13, $0x0, v2  }
0x2ae: {  	[tilespmem:v39+s10+$0x0] =	vst.idx.msk $0xffff, v2;
	v2 =	vand.u32 $0xFFFFFC00, v40  }
0x2af: {  	[tilespmem:$0x1FC50] =	vst v3;
	v3 =	vor.u32 $0x700, v1;
	v30 =	vand.u32 $0x7F, v30;
	v0 =	vld.idx.msk [tilespmem:v0+s2+$0x0], $0xffff;
	v2 =	vadd.s32 v51, v2  }
0x2b0: {  	v41 =	vor.u32 v3, v51;
	v2 =	vor.u32 v30, v2  }
0x2b1: {  	v30 =	vadd.s32 v15, v44;
	v2 =	vor.u32 $0x300, v2  }
0x2b2: {  	vm14 =	vlt.s32 v30, $0xC7  }
0x2b3: {  	vm15 =	vgt.s32 v47, v11;
	v30 =	vnsel vm14, $0xC7, v30  }
0x2b4: {  	v36 =	vmov v42;
	v42 =	vshll.u32 v30, $0x3;
	v0 =	vnsel vm15, $0x0, v0  }
0x2b5: {  	[tilespmem:v41+s10+$0x0] =	vst.idx.msk $0xffff, v0;
	v0 =	vand.u32 $0xFFFFFC00, v42  }
0x2b6: {  	[tilespmem:$0x1FC60] =	vst v3;
	v3 =	vor.u32 $0x710, v1;
	v30 =	vand.u32 $0x7F, v30;
	v2 =	vld.idx.msk [tilespmem:v2+s2+$0x0], $0xffff;
	v0 =	vadd.s32 v51, v0  }
0x2b7: {  	v43 =	vor.u32 v3, v51;
	v0 =	vor.u32 v30, v0  }
0x2b8: {  	v30 =	vadd.s32 v17, v44;
	v0 =	vor.u32 $0x300, v0  }
0x2b9: {  	vm4 =	vlt.s32 v30, $0xC7  }
0x2ba: {  	vm5 =	vgt.s32 v47, v13;
	v30 =	vnsel vm4, $0xC7, v30  }
0x2bb: {  	v46 =	vshll.u32 v30, $0x3;
	v2 =	vnsel vm5, $0x0, v2  }
0x2bc: {  	[tilespmem:v43+s10+$0x0] =	vst.idx.msk $0xffff, v2;
	v2 =	vand.u32 $0xFFFFFC00, v46  }
0x2bd: {  	[tilespmem:$0x1FC70] =	vst v3;
	v3 =	vor.u32 $0x720, v1;
	v30 =	vand.u32 $0x7F, v30;
	v0 =	vld.idx.msk [tilespmem:v0+s2+$0x0], $0xffff;
	v2 =	vadd.s32 v51, v2  }
0x2be: {  	v52 =	vor.u32 v3, v51;
	v2 =	vor.u32 v30, v2  }
0x2bf: {  	v30 =	vadd.s32 v19, v44;
	v2 =	vor.u32 $0x300, v2  }
0x2c0: {  	vm6 =	vlt.s32 v30, $0xC7  }
0x2c1: {  	vm7 =	vgt.s32 v47, v15;
	v30 =	vnsel vm6, $0xC7, v30  }
0x2c2: {  	[tilespmem:$0x1FC80] =	vst v3;
	v53 =	vshll.u32 v30, $0x3;
	v0 =	vnsel vm7, $0x0, v0  }
0x2c3: {  	v4 =	vimm.s32 $0x7;
	v3 =	vor.u32 $0x730, v1;
	[tilespmem:v52+s10+$0x0] =	vst.idx.msk $0xffff, v0;
	v0 =	vand.u32 $0xFFFFFC00, v53  }
0x2c4: {  	v61 =	vperm.xlane v36, v4;
	v30 =	vand.u32 $0x7F, v30;
	v2 =	vld.idx.msk [tilespmem:v2+s2+$0x0], $0xffff;
	v0 =	vadd.s32 v51, v0  }
0x2c5: {  	v54 =	vor.u32 v3, v51;
	v0 =	vor.u32 v30, v0  }
0x2c6: {  	v30 =	vadd.s32 v1, v61;
	v0 =	vor.u32 $0x300, v0  }
0x2c7: {  	[tilespmem:$0x1FC90] =	vst v3;
	v3 =	vor.u32 $0x740, v1;
	vm8 =	vlt.s32 v30, $0xC7  }
0x2c8: {  	[tilespmem:$0x1FCA0] =	vst v3;
	v56 =	vor.u32 v3, v51;
	v3 =	vld [tilespmem:$0x1FFF0];
	vm9 =	vgt.s32 v47, v17;
	v30 =	vnsel vm8, $0xC7, v30  }
0x2c9: {  	v55 =	vshll.u32 v30, $0x3;
	v2 =	vnsel vm9, $0x0, v2  }
0x2ca: {  	[tilespmem:v54+s10+$0x0] =	vst.idx.msk $0xffff, v2;
	v2 =	vand.u32 $0xFFFFFC00, v55  }
0x2cb: {  	v30 =	vand.u32 $0x7F, v30;
	v0 =	vld.idx.msk [tilespmem:v0+s2+$0x0], $0xffff;
	v2 =	vadd.s32 v51, v2  }
0x2cc: {  	v2 =	vor.u32 v30, v2  }
0x2cd: {  	v30 =	vadd.s32 v3, v61;
	v2 =	vor.u32 $0x380, v2  }
0x2ce: {  	vm10 =	vlt.s32 v30, $0xC7  }
0x2cf: {  	vm11 =	vgt.s32 v47, v19;
	v30 =	vnsel vm10, $0xC7, v30  }
0x2d0: {  	v58 =	vshll.u32 v30, $0x3;
	v0 =	vnsel vm11, $0x0, v0  }
0x2d1: {  	[tilespmem:v56+s10+$0x0] =	vst.idx.msk $0xff, v0;
	v0 =	vand.u32 $0xFFFFFC00, v58  }
0x2d2: {  	v29 =	vor.u32 $0x380, v1;
	v30 =	vand.u32 $0x7F, v30;
	v2 =	vld.idx.msk [tilespmem:v2+s2+$0x0], $0xffff;
	v0 =	vadd.s32 v51, v0  }
0x2d3: {  	v59 =	vor.u32 v29, v51;
	v0 =	vor.u32 v30, v0  }
0x2d4: {  	v63 =	vperm.xlane v23, v4;
	v30 =	vadd.s32 v5, v61;
	v0 =	vor.u32 $0x380, v0  }
0x2d5: {  	vm12 =	vlt.s32 v30, $0xC7  }
0x2d6: {  	vm13 =	vgt.s32 v63, v1;
	v3 =	vor.u32 $0x390, v1;
	v30 =	vnsel vm12, $0xC7, v30  }
0x2d7: {  	[tilespmem:$0x1FCB0] =	vst v3;
	v60 =	vshll.u32 v30, $0x3;
	v2 =	vnsel vm13, $0x0, v2  }
0x2d8: {  	v62 =	vor.u32 v3, v51;
	v3 =	vld [tilespmem:$0x1FFF0];
	[tilespmem:v59+s10+$0x0] =	vst.idx.msk $0xffff, v2;
	v2 =	vand.u32 $0xFFFFFC00, v60  }
0x2d9: {  	v30 =	vand.u32 $0x7F, v30;
	v0 =	vld.idx.msk [tilespmem:v0+s2+$0x0], $0xffff;
	v2 =	vadd.s32 v51, v2  }
0x2da: {  	v2 =	vor.u32 v30, v2  }
0x2db: {  	v30 =	vadd.s32 v6, v61;
	v2 =	vor.u32 $0x380, v2  }
0x2dc: {  	vm14 =	vlt.s32 v30, $0xC7  }
0x2dd: {  	vm15 =	vgt.s32 v63, v3;
	v30 =	vnsel vm14, $0xC7, v30  }
0x2de: {  	v33 =	vshll.u32 v30, $0x3;
	v0 =	vnsel vm15, $0x0, v0  }
0x2df: {  	[tilespmem:v62+s10+$0x0] =	vst.idx.msk $0xffff, v0;
	v0 =	vand.u32 $0xFFFFFC00, v33  }
0x2e0: {  	v3 =	vor.u32 $0x3A0, v1;
	v30 =	vand.u32 $0x7F, v30;
	v2 =	vld.idx.msk [tilespmem:v2+s2+$0x0], $0xffff;
	v0 =	vadd.s32 v51, v0  }
0x2e1: {  	v34 =	vor.u32 v3, v51;
	v0 =	vor.u32 v30, v0  }
0x2e2: {  	v30 =	vadd.s32 v7, v61;
	v0 =	vor.u32 $0x380, v0  }
0x2e3: {  	vm4 =	vlt.s32 v30, $0xC7  }
0x2e4: {  	vm5 =	vgt.s32 v63, v5;
	v30 =	vnsel vm4, $0xC7, v30  }
0x2e5: {  	v35 =	vshll.u32 v30, $0x3;
	v2 =	vnsel vm5, $0x0, v2  }
0x2e6: {  	[tilespmem:v34+s10+$0x0] =	vst.idx.msk $0xffff, v2;
	v2 =	vand.u32 $0xFFFFFC00, v35  }
0x2e7: {  	[tilespmem:$0x1FCC0] =	vst v3;
	v3 =	vor.u32 $0x3B0, v1;
	v30 =	vand.u32 $0x7F, v30;
	v0 =	vld.idx.msk [tilespmem:v0+s2+$0x0], $0xffff;
	v2 =	vadd.s32 v51, v2  }
0x2e8: {  	v38 =	vor.u32 v3, v51;
	v2 =	vor.u32 v30, v2  }
0x2e9: {  	v30 =	vadd.s32 v8, v61;
	v2 =	vor.u32 $0x380, v2  }
0x2ea: {  	vm6 =	vlt.s32 v30, $0xC7  }
0x2eb: {  	vm7 =	vgt.s32 v63, v6;
	v30 =	vnsel vm6, $0xC7, v30  }
0x2ec: {  	v39 =	vshll.u32 v30, $0x3;
	v0 =	vnsel vm7, $0x0, v0  }
0x2ed: {  	[tilespmem:v38+s10+$0x0] =	vst.idx.msk $0xffff, v0;
	v0 =	vand.u32 $0xFFFFFC00, v39  }
0x2ee: {  	[tilespmem:$0x1FCD0] =	vst v3;
	v3 =	vor.u32 $0x3C0, v1;
	v30 =	vand.u32 $0x7F, v30;
	v2 =	vld.idx.msk [tilespmem:v2+s2+$0x0], $0xffff;
	v0 =	vadd.s32 v51, v0  }
0x2ef: {  	v40 =	vor.u32 v3, v51;
	v0 =	vor.u32 v30, v0  }
0x2f0: {  	v30 =	vadd.s32 v9, v61;
	v0 =	vor.u32 $0x380, v0  }
0x2f1: {  	vm8 =	vlt.s32 v30, $0xC7  }
0x2f2: {  	vm9 =	vgt.s32 v63, v7;
	v30 =	vnsel vm8, $0xC7, v30  }
0x2f3: {  	v41 =	vshll.u32 v30, $0x3;
	v2 =	vnsel vm9, $0x0, v2  }
0x2f4: {  	[tilespmem:v40+s10+$0x0] =	vst.idx.msk $0xffff, v2;
	v2 =	vand.u32 $0xFFFFFC00, v41  }
0x2f5: {  	[tilespmem:$0x1FCE0] =	vst v3;
	v3 =	vor.u32 $0x3D0, v1;
	v30 =	vand.u32 $0x7F, v30;
	v0 =	vld.idx.msk [tilespmem:v0+s2+$0x0], $0xffff;
	v2 =	vadd.s32 v51, v2  }
0x2f6: {  	v42 =	vor.u32 v3, v51;
	v2 =	vor.u32 v30, v2  }
0x2f7: {  	v30 =	vadd.s32 v10, v61;
	v2 =	vor.u32 $0x380, v2  }
0x2f8: {  	vm10 =	vlt.s32 v30, $0xC7  }
0x2f9: {  	vm11 =	vgt.s32 v63, v8;
	v30 =	vnsel vm10, $0xC7, v30  }
0x2fa: {  	v43 =	vshll.u32 v30, $0x3;
	v0 =	vnsel vm11, $0x0, v0  }
0x2fb: {  	[tilespmem:v42+s10+$0x0] =	vst.idx.msk $0xffff, v0;
	v0 =	vand.u32 $0xFFFFFC00, v43  }
0x2fc: {  	[tilespmem:$0x1FCF0] =	vst v3;
	v3 =	vor.u32 $0x3E0, v1;
	v30 =	vand.u32 $0x7F, v30;
	v2 =	vld.idx.msk [tilespmem:v2+s2+$0x0], $0xffff;
	v0 =	vadd.s32 v51, v0  }
0x2fd: {  	v44 =	vor.u32 v3, v51;
	v0 =	vor.u32 v30, v0  }
0x2fe: {  	v30 =	vadd.s32 v11, v61;
	v0 =	vor.u32 $0x380, v0  }
0x2ff: {  	vm12 =	vlt.s32 v30, $0xC7  }
0x300: {  	vm13 =	vgt.s32 v63, v9;
	v30 =	vnsel vm12, $0xC7, v30  }
0x301: {  	v45 =	vshll.u32 v30, $0x3;
	v2 =	vnsel vm13, $0x0, v2  }
0x302: {  	[tilespmem:v44+s10+$0x0] =	vst.idx.msk $0xffff, v2;
	v2 =	vand.u32 $0xFFFFFC00, v45  }
0x303: {  	v25 =	vor.u32 $0x3F0, v1;
	v30 =	vand.u32 $0x7F, v30;
	v0 =	vld.idx.msk [tilespmem:v0+s2+$0x0], $0xffff;
	v2 =	vadd.s32 v51, v2  }
0x304: {  	v46 =	vor.u32 v25, v51;
	v2 =	vor.u32 v30, v2  }
0x305: {  	v30 =	vadd.s32 v13, v61;
	v2 =	vor.u32 $0x380, v2  }
0x306: {  	vm14 =	vlt.s32 v30, $0xC7  }
0x307: {  	vm15 =	vgt.s32 v63, v10;
	v30 =	vnsel vm14, $0xC7, v30  }
0x308: {  	v47 =	vshll.u32 v30, $0x3;
	v0 =	vnsel vm15, $0x0, v0  }
0x309: {  	[tilespmem:v46+s10+$0x0] =	vst.idx.msk $0xffff, v0;
	v0 =	vand.u32 $0xFFFFFC00, v47  }
0x30a: {  	v32 =	vor.u32 $0x780, v1;
	v30 =	vand.u32 $0x7F, v30;
	v2 =	vld.idx.msk [tilespmem:v2+s2+$0x0], $0xffff;
	v0 =	vadd.s32 v51, v0  }
0x30b: {  	v48 =	vor.u32 v32, v51;
	v0 =	vor.u32 v30, v0  }
0x30c: {  	v30 =	vadd.s32 v15, v61;
	v0 =	vor.u32 $0x380, v0  }
0x30d: {  	vm4 =	vlt.s32 v30, $0xC7  }
0x30e: {  	vm5 =	vgt.s32 v63, v11;
	v30 =	vnsel vm4, $0xC7, v30  }
0x30f: {  	v49 =	vshll.u32 v30, $0x3;
	v2 =	vnsel vm5, $0x0, v2  }
0x310: {  	[tilespmem:v48+s10+$0x0] =	vst.idx.msk $0xffff, v2;
	v2 =	vand.u32 $0xFFFFFC00, v49  }
0x311: {  	v35 =	vor.u32 $0x790, v1;
	v30 =	vand.u32 $0x7F, v30;
	v0 =	vld.idx.msk [tilespmem:v0+s2+$0x0], $0xffff;
	v2 =	vadd.s32 v51, v2  }
0x312: {  	v50 =	vor.u32 v35, v51;
	v2 =	vor.u32 v30, v2  }
0x313: {  	v30 =	vadd.s32 v17, v61;
	v2 =	vor.u32 $0x380, v2  }
0x314: {  	vm6 =	vlt.s32 v30, $0xC7  }
0x315: {  	vm7 =	vgt.s32 v63, v13;
	v30 =	vnsel vm6, $0xC7, v30  }
0x316: {  	v52 =	vshll.u32 v30, $0x3;
	v0 =	vnsel vm7, $0x0, v0  }
0x317: {  	[tilespmem:v50+s10+$0x0] =	vst.idx.msk $0xffff, v0;
	v0 =	vand.u32 $0xFFFFFC00, v52  }
0x318: {  	v60 =	vor.u32 $0x7A0, v1;
	v30 =	vand.u32 $0x7F, v30;
	v2 =	vld.idx.msk [tilespmem:v2+s2+$0x0], $0xffff;
	v0 =	vadd.s32 v51, v0  }
0x319: {  	v53 =	vor.u32 v60, v51;
	v0 =	vor.u32 v30, v0  }
0x31a: {  	v30 =	vadd.s32 v19, v61;
	v0 =	vor.u32 $0x380, v0  }
0x31b: {  	vm8 =	vlt.s32 v30, $0xC7  }
0x31c: {  	vm9 =	vgt.s32 v63, v15;
	v30 =	vnsel vm8, $0xC7, v30  }
0x31d: {  	v54 =	vshll.u32 v30, $0x3;
	v2 =	vnsel vm9, $0x0, v2  }
0x31e: {  	[tilespmem:v53+s10+$0x0] =	vst.idx.msk $0xffff, v2;
	v2 =	vand.u32 $0xFFFFFC00, v54  }
0x31f: {  	v27 =	vor.u32 $0x7B0, v1;
	v30 =	vand.u32 $0x7F, v30;
	v0 =	vld.idx.msk [tilespmem:v0+s2+$0x0], $0xffff;
	v2 =	vadd.s32 v51, v2  }
0x320: {  	v55 =	vor.u32 v27, v51;
	v2 =	vor.u32 v30, v2  }
0x321: {  	v16 =	vmov v21;
	v21 =	vimm.s32 $0x8;
	v4 =	vld [tilespmem:$0x1FDC0];
	v2 =	vor.u32 $0x380, v2  }
0x322: {  	v30 =	vperm.xlane v36, v21  }
0x323: {  	s24 =	sadd.s32 $0xFFFFFFF9, s16;
	vm10 =	vgt.s32 v63, v17  }
0x324: {  	[tilespmem:$0x1FD00] =	vst v3;
	v3 =	vld [tilespmem:$0x1FFF0];
	v47 =	vmovc v36;
	v61 =	vmov s24;
	v36 =	vadd.s32 v1, v30;
	v0 =	vnsel vm10, $0x0, v0  }
0x325: {  	v12 =	vmov v57;
	v57 =	vshrl.u32 v61, $0x3;
	vm11 =	vlt.s32 v36, $0xC7;
	[tilespmem:v55+s10+$0x0] =	vst.idx.msk $0xffff, v0  }
0x326: {  	v46 =	vor.u32 $0x7C0, v1;
	v57 =	vshll.u32 v57, v4;
	v36 =	vnsel vm11, $0xC7, v36;
	v2 =	vld.idx.msk [tilespmem:v2+s2+$0x0], $0xffff  }
0x327: {  	v51 =	vor.u32 v46, v51;
	v0 =	vbroadcast v57, $0x0;
	v62 =	vshll.u32 v36, $0x3  }
0x328: {  	v57 =	vand.u32 $0xFFFFFC00, v62  }
0x329: {  	v33 =	vadd.s32 v3, v30;
	v36 =	vand.u32 $0x7F, v36;
	v57 =	vadd.s32 v0, v57  }
0x32a: {  	vm12 =	vgt.s32 v63, v19;
	vm13 =	vlt.s32 v33, $0xC7;
	v36 =	vor.u32 v36, v57  }
0x32b: {  	v57 =	vnsel vm13, $0xC7, v33;
	v2 =	vnsel vm12, $0x0, v2  }
0x32c: {  	[tilespmem:v51+s10+$0x0] =	vst.idx.msk $0xff, v2;
	v2 =	vshll.u32 v57, $0x3  }
0x32d: {  	v2 =	vand.u32 $0xFFFFFC00, v2  }
0x32e: {  	v39 =	vadd.s32 v0, v2;
	v2 =	vperm.xlane v23, v21  }
0x32f: {  	v36 =	vld.idx.msk [tilespmem:v36+s2+$0x0], $0xffff  }
0x330: {  	v34 =	vor.u32 v1, v0;
	v57 =	vand.u32 $0x7F, v57;
	vm14 =	vgt.s32 v2, v1;
	v1 =	vld [tilespmem:$0x1FFF0]  }
0x331: {  	v57 =	vor.u32 v57, v39  }
0x332: {  	v40 =	vadd.s32 v5, v30  }
0x333: {  	vm15 =	vlt.s32 v40, $0xC7  }
0x334: {  	v63 =	vnsel vm15, $0xC7, v40;
	v36 =	vnsel vm14, $0x0, v36  }
0x335: {  	v41 =	vshll.u32 v63, $0x3;
	[tilespmem:v34+s10+$0x0] =	vst.idx.msk $0xffff, v36;
	v42 =	vor.u32 v1, v0;
	v1 =	vld [tilespmem:$0x1FFF0]  }
0x336: {  	v36 =	vand.u32 $0xFFFFFC00, v41;
	v51 =	vld.idx.msk [tilespmem:v57+s2+$0x0], $0xffff  }
0x337: {  	v63 =	vand.u32 $0x7F, v63;
	v36 =	vadd.s32 v0, v36  }
0x338: {  	v36 =	vor.u32 v63, v36  }
0x339: {  	v43 =	vadd.s32 v6, v30  }
0x33a: {  	vm5 =	vlt.s32 v43, $0xC7;
	vm4 =	vgt.s32 v2, v1  }
0x33b: {  	v63 =	vnsel vm5, $0xC7, v43;
	v51 =	vnsel vm4, $0x0, v51  }
0x33c: {  	v44 =	vshll.u32 v63, $0x3;
	[tilespmem:v42+s10+$0x0] =	vst.idx.msk $0xffff, v51  }
0x33d: {  	v51 =	vand.u32 $0xFFFFFC00, v44;
	v36 =	vld.idx.msk [tilespmem:v36+s2+$0x0], $0xffff  }
0x33e: {  	v45 =	vor.u32 v5, v0;
	v63 =	vand.u32 $0x7F, v63;
	v51 =	vadd.s32 v0, v51  }
0x33f: {  	v51 =	vor.u32 v63, v51  }
0x340: {  	v53 =	vadd.s32 v7, v30  }
0x341: {  	vm7 =	vlt.s32 v53, $0xC7;
	vm6 =	vgt.s32 v2, v5  }
0x342: {  	v63 =	vnsel vm7, $0xC7, v53;
	v36 =	vnsel vm6, $0x0, v36  }
0x343: {  	v54 =	vshll.u32 v63, $0x3;
	[tilespmem:v45+s10+$0x0] =	vst.idx.msk $0xffff, v36  }
0x344: {  	v36 =	vand.u32 $0xFFFFFC00, v54;
	v51 =	vld.idx.msk [tilespmem:v51+s2+$0x0], $0xffff  }
0x345: {  	v55 =	vor.u32 v6, v0;
	v63 =	vand.u32 $0x7F, v63;
	v36 =	vadd.s32 v0, v36  }
0x346: {  	v36 =	vor.u32 v63, v36  }
0x347: {  	v59 =	vadd.s32 v8, v30  }
0x348: {  	vm9 =	vlt.s32 v59, $0xC7;
	vm8 =	vgt.s32 v2, v6  }
0x349: {  	v63 =	vnsel vm9, $0xC7, v59;
	v51 =	vnsel vm8, $0x0, v51  }
0x34a: {  	v33 =	vshll.u32 v63, $0x3;
	[tilespmem:v55+s10+$0x0] =	vst.idx.msk $0xffff, v51  }
0x34b: {  	v51 =	vand.u32 $0xFFFFFC00, v33;
	v36 =	vld.idx.msk [tilespmem:v36+s2+$0x0], $0xffff  }
0x34c: {  	v34 =	vor.u32 v7, v0;
	v63 =	vand.u32 $0x7F, v63;
	v51 =	vadd.s32 v0, v51  }
0x34d: {  	v51 =	vor.u32 v63, v51  }
0x34e: {  	v40 =	vadd.s32 v9, v30  }
0x34f: {  	vm11 =	vlt.s32 v40, $0xC7;
	vm10 =	vgt.s32 v2, v7  }
0x350: {  	v63 =	vnsel vm11, $0xC7, v40;
	v36 =	vnsel vm10, $0x0, v36  }
0x351: {  	v41 =	vshll.u32 v63, $0x3;
	[tilespmem:v34+s10+$0x0] =	vst.idx.msk $0xffff, v36  }
0x352: {  	v36 =	vand.u32 $0xFFFFFC00, v41;
	v51 =	vld.idx.msk [tilespmem:v51+s2+$0x0], $0xffff  }
0x353: {  	v42 =	vor.u32 v8, v0;
	v63 =	vand.u32 $0x7F, v63;
	v36 =	vadd.s32 v0, v36  }
0x354: {  	v36 =	vor.u32 v63, v36  }
0x355: {  	v43 =	vadd.s32 v10, v30  }
0x356: {  	vm12 =	vgt.s32 v2, v8;
	vm13 =	vlt.s32 v43, $0xC7  }
0x357: {  	v63 =	vnsel vm13, $0xC7, v43;
	v51 =	vnsel vm12, $0x0, v51  }
0x358: {  	v44 =	vshll.u32 v63, $0x3;
	[tilespmem:v42+s10+$0x0] =	vst.idx.msk $0xffff, v51  }
0x359: {  	v51 =	vand.u32 $0xFFFFFC00, v44;
	v36 =	vld.idx.msk [tilespmem:v36+s2+$0x0], $0xffff  }
0x35a: {  	v45 =	vor.u32 v9, v0;
	v63 =	vand.u32 $0x7F, v63;
	v51 =	vadd.s32 v0, v51  }
0x35b: {  	v51 =	vor.u32 v63, v51  }
0x35c: {  	v53 =	vadd.s32 v11, v30  }
0x35d: {  	vm14 =	vgt.s32 v2, v9;
	vm15 =	vlt.s32 v53, $0xC7  }
0x35e: {  	v63 =	vnsel vm15, $0xC7, v53;
	v36 =	vnsel vm14, $0x0, v36  }
0x35f: {  	v54 =	vshll.u32 v63, $0x3;
	[tilespmem:v45+s10+$0x0] =	vst.idx.msk $0xffff, v36  }
0x360: {  	v36 =	vand.u32 $0xFFFFFC00, v54;
	v51 =	vld.idx.msk [tilespmem:v51+s2+$0x0], $0xffff  }
0x361: {  	v55 =	vor.u32 v10, v0;
	v63 =	vand.u32 $0x7F, v63;
	v36 =	vadd.s32 v0, v36  }
0x362: {  	v36 =	vor.u32 v63, v36  }
0x363: {  	v4 =	vld [tilespmem:$0x1FDD0];
	v59 =	vadd.s32 v13, v30  }
0x364: {  	vm4 =	vgt.s32 v2, v10;
	vm5 =	vlt.s32 v59, $0xC7  }
0x365: {  	v63 =	vnsel vm5, $0xC7, v59;
	v51 =	vnsel vm4, $0x0, v51  }
0x366: {  	v62 =	vshll.u32 v63, $0x3;
	[tilespmem:v55+s10+$0x0] =	vst.idx.msk $0xffff, v51  }
0x367: {  	v51 =	vand.u32 $0xFFFFFC00, v62;
	v36 =	vld.idx.msk [tilespmem:v36+s2+$0x0], $0xffff  }
0x368: {  	v33 =	vor.u32 v4, v0;
	v63 =	vand.u32 $0x7F, v63;
	v51 =	vadd.s32 v0, v51  }
0x369: {  	v51 =	vor.u32 v63, v51  }
0x36a: {  	v4 =	vld [tilespmem:$0x1FDE0];
	v34 =	vadd.s32 v15, v30  }
0x36b: {  	vm6 =	vgt.s32 v2, v11;
	vm7 =	vlt.s32 v34, $0xC7  }
0x36c: {  	v63 =	vnsel vm7, $0xC7, v34;
	v36 =	vnsel vm6, $0x0, v36  }
0x36d: {  	v40 =	vshll.u32 v63, $0x3;
	[tilespmem:v33+s10+$0x0] =	vst.idx.msk $0xffff, v36  }
0x36e: {  	v36 =	vand.u32 $0xFFFFFC00, v40;
	v51 =	vld.idx.msk [tilespmem:v51+s2+$0x0], $0xffff  }
0x36f: {  	v41 =	vor.u32 v4, v0;
	v63 =	vand.u32 $0x7F, v63;
	v36 =	vadd.s32 v0, v36  }
0x370: {  	v36 =	vor.u32 v63, v36  }
0x371: {  	v4 =	vld [tilespmem:$0x1FDF0];
	v42 =	vadd.s32 v17, v30  }
0x372: {  	vm8 =	vgt.s32 v2, v13;
	vm9 =	vlt.s32 v42, $0xC7  }
0x373: {  	v63 =	vnsel vm9, $0xC7, v42;
	v51 =	vnsel vm8, $0x0, v51  }
0x374: {  	v43 =	vshll.u32 v63, $0x3;
	[tilespmem:v41+s10+$0x0] =	vst.idx.msk $0xffff, v51  }
0x375: {  	v51 =	vand.u32 $0xFFFFFC00, v43;
	v36 =	vld.idx.msk [tilespmem:v36+s2+$0x0], $0xffff  }
0x376: {  	v44 =	vor.u32 v4, v0;
	v4 =	vld [tilespmem:$0x1FE00];
	v63 =	vand.u32 $0x7F, v63;
	v51 =	vadd.s32 v0, v51  }
0x377: {  	v51 =	vor.u32 v63, v51  }
0x378: {  	v1 =	vimm.s32 $0x9;
	v30 =	vadd.s32 v19, v30  }
0x379: {  	vm10 =	vgt.s32 v2, v15;
	vm11 =	vlt.s32 v30, $0xC7;
	v54 =	vperm.xlane v47, v1  }
0x37a: {  	v21 =	vlaneseq.u32;
	v30 =	vnsel vm11, $0xC7, v30;
	v36 =	vnsel vm10, $0x0, v36  }
0x37b: {  	v45 =	vshll.u32 v30, $0x3;
	v55 =	vor.u32 v4, v0;
	v4 =	vadd.s32 v21, v54;
	v21 =	vld [tilespmem:$0x1FDC0];
	[tilespmem:v44+s10+$0x0] =	vst.idx.msk $0xffff, v36  }
0x37c: {  	v36 =	vand.u32 $0xFFFFFC00, v45;
	v51 =	vld.idx.msk [tilespmem:v51+s2+$0x0], $0xffff  }
0x37d: {  	s25 =	sadd.s32 $0xFFFFFFFA, s16;
	v30 =	vand.u32 $0x7F, v30;
	v36 =	vadd.s32 v0, v36  }
0x37e: {  	v61 =	vmov s25;
	v30 =	vor.u32 v30, v36  }
0x37f: {  	vm12 =	vlt.s32 v4, $0xC7;
	v33 =	vld [tilespmem:$0x1FE10];
	v36 =	vshrl.u32 v61, $0x3  }
0x380: {  	v3 =	vld [tilespmem:$0x1FFF0];
	vm13 =	vgt.s32 v2, v17;
	v4 =	vnsel vm12, $0xC7, v4;
	v36 =	vshll.u32 v36, v21  }
0x381: {  	v62 =	vshll.u32 v4, $0x3;
	v21 =	vnsel vm13, $0x0, v51;
	v51 =	vbroadcast v36, $0x0  }
0x382: {  	[tilespmem:v55+s10+$0x0] =	vst.idx.msk $0xffff, v21;
	v21 =	vand.u32 $0xFFFFFC00, v62  }
0x383: {  	v4 =	vand.u32 $0x7F, v4;
	v30 =	vld.idx.msk [tilespmem:v30+s2+$0x0], $0xffff;
	v21 =	vadd.s32 v51, v21  }
0x384: {  	v0 =	vor.u32 v33, v0;
	v4 =	vor.u32 v4, v21  }
0x385: {  	v21 =	vadd.s32 v3, v54;
	v4 =	vor.u32 $0x80, v4  }
0x386: {  	vm14 =	vlt.s32 v21, $0xC7  }
0x387: {  	vm15 =	vgt.s32 v2, v19;
	v21 =	vnsel vm14, $0xC7, v21  }
0x388: {  	v2 =	vnsel vm15, $0x0, v30;
	v30 =	vshll.u32 v21, $0x3  }
0x389: {  	[tilespmem:v0+s10+$0x0] =	vst.idx.msk $0xff, v2;
	v0 =	vand.u32 $0xFFFFFC00, v30  }
0x38a: {  	v2 =	vld.idx.msk [tilespmem:v4+s2+$0x0], $0xffff;
	v4 =	vand.u32 $0x7F, v21;
	v0 =	vadd.s32 v51, v0  }
0x38b: {  	v52 =	vmov v23;
	v21 =	vor.u32 v11, v51;
	v4 =	vor.u32 v4, v0  }
0x38c: {  	v30 =	vadd.s32 v5, v54;
	v0 =	vperm.xlane v52, v1;
	v4 =	vor.u32 $0x80, v4  }
0x38d: {  	vm4 =	vlt.s32 v30, $0xC7;
	v1 =	vlaneseq.u32  }
0x38e: {  	v30 =	vnsel vm4, $0xC7, v30;
	vm5 =	vgt.s32 v0, v1  }
0x38f: {  	v34 =	vshll.u32 v30, $0x3;
	v2 =	vnsel vm5, $0x0, v2  }
0x390: {  	v3 =	vld [tilespmem:$0x1FFF0];
	[tilespmem:v21+s10+$0x0] =	vst.idx.msk $0xffff, v2;
	v2 =	vand.u32 $0xFFFFFC00, v34  }
0x391: {  	v21 =	vand.u32 $0x7F, v30;
	v4 =	vld.idx.msk [tilespmem:v4+s2+$0x0], $0xffff;
	v2 =	vadd.s32 v51, v2  }
0x392: {  	v30 =	vor.u32 v13, v51;
	v2 =	vor.u32 v21, v2  }
0x393: {  	v21 =	vadd.s32 v6, v54;
	v2 =	vor.u32 $0x80, v2  }
0x394: {  	vm6 =	vlt.s32 v21, $0xC7  }
0x395: {  	vm7 =	vgt.s32 v0, v3;
	v21 =	vnsel vm6, $0xC7, v21  }
0x396: {  	v40 =	vshll.u32 v21, $0x3;
	v4 =	vnsel vm7, $0x0, v4  }
0x397: {  	[tilespmem:v30+s10+$0x0] =	vst.idx.msk $0xffff, v4;
	v4 =	vand.u32 $0xFFFFFC00, v40  }
0x398: {  	v21 =	vand.u32 $0x7F, v21;
	v2 =	vld.idx.msk [tilespmem:v2+s2+$0x0], $0xffff;
	v4 =	vadd.s32 v51, v4  }
0x399: {  	v30 =	vor.u32 v15, v51;
	v4 =	vor.u32 v21, v4  }
0x39a: {  	v21 =	vadd.s32 v7, v54;
	v4 =	vor.u32 $0x80, v4  }
0x39b: {  	vm8 =	vlt.s32 v21, $0xC7  }
0x39c: {  	vm9 =	vgt.s32 v0, v5;
	v21 =	vnsel vm8, $0xC7, v21  }
0x39d: {  	v41 =	vshll.u32 v21, $0x3;
	v2 =	vnsel vm9, $0x0, v2  }
0x39e: {  	[tilespmem:v30+s10+$0x0] =	vst.idx.msk $0xffff, v2;
	v2 =	vand.u32 $0xFFFFFC00, v41  }
0x39f: {  	v21 =	vand.u32 $0x7F, v21;
	v4 =	vld.idx.msk [tilespmem:v4+s2+$0x0], $0xffff;
	v2 =	vadd.s32 v51, v2  }
0x3a0: {  	v30 =	vor.u32 v17, v51;
	v2 =	vor.u32 v21, v2  }
0x3a1: {  	v2 =	vor.u32 $0x80, v2;
	_ =	sdelay $0x1  }
0x3a2: {  	vm11 =	vgt.s32 v0, v6  }
0x3a3: {  	v21 =	vadd.s32 v8, v54;
	v4 =	vnsel vm11, $0x0, v4  }
0x3a4: {  	vm10 =	vlt.s32 v21, $0xC7;
	[tilespmem:v30+s10+$0x0] =	vst.idx.msk $0xffff, v4  }
0x3a5: {  	v21 =	vnsel vm10, $0xC7, v21;
	v2 =	vld.idx.msk [tilespmem:v2+s2+$0x0], $0xffff  }
0x3a6: {  	v42 =	vshll.u32 v21, $0x3;
	v30 =	vor.u32 v19, v51  }
0x3a7: {  	v4 =	vand.u32 $0xFFFFFC00, v42  }
0x3a8: {  	v21 =	vand.u32 $0x7F, v21;
	v4 =	vadd.s32 v51, v4  }
0x3a9: {  	vm13 =	vgt.s32 v0, v7;
	v4 =	vor.u32 v21, v4  }
0x3aa: {  	v21 =	vadd.s32 v9, v54;
	v4 =	vor.u32 $0x80, v4;
	v2 =	vnsel vm13, $0x0, v2  }
0x3ab: {  	vm12 =	vlt.s32 v21, $0xC7;
	[tilespmem:v30+s10+$0x0] =	vst.idx.msk $0xffff, v2;
	v30 =	vld [tilespmem:$0x1FE20]  }
0x3ac: {  	v21 =	vnsel vm12, $0xC7, v21  }
0x3ad: {  	v43 =	vshll.u32 v21, $0x3  }
0x3ae: {  	v2 =	vand.u32 $0xFFFFFC00, v43  }
0x3af: {  	v21 =	vand.u32 $0x7F, v21;
	v4 =	vld.idx.msk [tilespmem:v4+s2+$0x0], $0xffff;
	v2 =	vadd.s32 v51, v2  }
0x3b0: {  	v2 =	vor.u32 v21, v2;
	v30 =	vor.u32 v30, v51  }
0x3b1: {  	v2 =	vor.u32 $0x80, v2;
	_ =	sdelay $0x1  }
0x3b2: {  	vm15 =	vgt.s32 v0, v8  }
0x3b3: {  	v21 =	vadd.s32 v10, v54;
	v4 =	vnsel vm15, $0x0, v4  }
0x3b4: {  	vm14 =	vlt.s32 v21, $0xC7;
	[tilespmem:v30+s10+$0x0] =	vst.idx.msk $0xffff, v4  }
0x3b5: {  	v21 =	vnsel vm14, $0xC7, v21;
	v2 =	vld.idx.msk [tilespmem:v2+s2+$0x0], $0xffff  }
0x3b6: {  	v44 =	vshll.u32 v21, $0x3;
	v30 =	vor.u32 v20, v51  }
0x3b7: {  	v4 =	vand.u32 $0xFFFFFC00, v44  }
0x3b8: {  	v21 =	vand.u32 $0x7F, v21;
	v4 =	vadd.s32 v51, v4  }
0x3b9: {  	vm5 =	vgt.s32 v0, v9;
	v4 =	vor.u32 v21, v4  }
0x3ba: {  	v4 =	vor.u32 $0x80, v4;
	v2 =	vnsel vm5, $0x0, v2  }
0x3bb: {  	[tilespmem:v30+s10+$0x0] =	vst.idx.msk $0xffff, v2;
	v30 =	vld [tilespmem:$0x1FE30];
	_ =	sdelay $0x1  }
0x3bc: {  	v21 =	vadd.s32 v11, v54  }
0x3bd: {  	vm4 =	vlt.s32 v21, $0xC7  }
0x3be: {  	v21 =	vnsel vm4, $0xC7, v21;
	v4 =	vld.idx.msk [tilespmem:v4+s2+$0x0], $0xffff  }
0x3bf: {  	v45 =	vshll.u32 v21, $0x3;
	v30 =	vor.u32 v30, v51  }
0x3c0: {  	v2 =	vand.u32 $0xFFFFFC00, v45  }
0x3c1: {  	v21 =	vand.u32 $0x7F, v21;
	v2 =	vadd.s32 v51, v2  }
0x3c2: {  	vm7 =	vgt.s32 v0, v10;
	v2 =	vor.u32 v21, v2  }
0x3c3: {  	v2 =	vor.u32 $0x80, v2;
	v4 =	vnsel vm7, $0x0, v4  }
0x3c4: {  	[tilespmem:v30+s10+$0x0] =	vst.idx.msk $0xffff, v4;
	v30 =	vld [tilespmem:$0x1FE40];
	_ =	sdelay $0x1  }
0x3c5: {  	v21 =	vadd.s32 v13, v54  }
0x3c6: {  	vm6 =	vlt.s32 v21, $0xC7  }
0x3c7: {  	v21 =	vnsel vm6, $0xC7, v21;
	v2 =	vld.idx.msk [tilespmem:v2+s2+$0x0], $0xffff  }
0x3c8: {  	v48 =	vshll.u32 v21, $0x3;
	v30 =	vor.u32 v30, v51  }
0x3c9: {  	v4 =	vand.u32 $0xFFFFFC00, v48  }
0x3ca: {  	v21 =	vand.u32 $0x7F, v21;
	v4 =	vadd.s32 v51, v4  }
0x3cb: {  	vm9 =	vgt.s32 v0, v11;
	v4 =	vor.u32 v21, v4  }
0x3cc: {  	v4 =	vor.u32 $0x80, v4;
	v2 =	vnsel vm9, $0x0, v2  }
0x3cd: {  	[tilespmem:v30+s10+$0x0] =	vst.idx.msk $0xffff, v2;
	v30 =	vld [tilespmem:$0x1FE50];
	_ =	sdelay $0x1  }
0x3ce: {  	v21 =	vadd.s32 v15, v54  }
0x3cf: {  	vm8 =	vlt.s32 v21, $0xC7  }
0x3d0: {  	v21 =	vnsel vm8, $0xC7, v21;
	v4 =	vld.idx.msk [tilespmem:v4+s2+$0x0], $0xffff  }
0x3d1: {  	v49 =	vshll.u32 v21, $0x3;
	v30 =	vor.u32 v30, v51  }
0x3d2: {  	v2 =	vand.u32 $0xFFFFFC00, v49  }
0x3d3: {  	v21 =	vand.u32 $0x7F, v21;
	v2 =	vadd.s32 v51, v2  }
0x3d4: {  	vm11 =	vgt.s32 v0, v13;
	v2 =	vor.u32 v21, v2  }
0x3d5: {  	v21 =	vadd.s32 v17, v54;
	v2 =	vor.u32 $0x80, v2;
	v4 =	vnsel vm11, $0x0, v4  }
0x3d6: {  	vm10 =	vlt.s32 v21, $0xC7;
	[tilespmem:v30+s10+$0x0] =	vst.idx.msk $0xffff, v4;
	v30 =	vld [tilespmem:$0x1FE70]  }
0x3d7: {  	v21 =	vnsel vm10, $0xC7, v21  }
0x3d8: {  	v50 =	vshll.u32 v21, $0x3  }
0x3d9: {  	v4 =	vand.u32 $0xFFFFFC00, v50  }
0x3da: {  	v21 =	vand.u32 $0x7F, v21;
	v2 =	vld.idx.msk [tilespmem:v2+s2+$0x0], $0xffff;
	v4 =	vadd.s32 v51, v4  }
0x3db: {  	v4 =	vor.u32 v21, v4;
	v30 =	vor.u32 v30, v51  }
0x3dc: {  	v21 =	vadd.s32 v19, v54;
	v4 =	vor.u32 $0x80, v4  }
0x3dd: {  	v54 =	vld [tilespmem:$0x1FE60];
	vm12 =	vlt.s32 v21, $0xC7  }
0x3de: {  	vm13 =	vgt.s32 v0, v15;
	v21 =	vnsel vm12, $0xC7, v21  }
0x3df: {  	v53 =	vshll.u32 v21, $0x3;
	v2 =	vnsel vm13, $0x0, v2  }
0x3e0: {  	v56 =	vld [tilespmem:$0x1FDC0];
	v3 =	vimm.s32 $0xA;
	[tilespmem:v30+s10+$0x0] =	vst.idx.msk $0xffff, v2;
	v2 =	vand.u32 $0xFFFFFC00, v53  }
0x3e1: {  	v4 =	vld.idx.msk [tilespmem:v4+s2+$0x0], $0xffff;
	v30 =	vadd.s32 v51, v2;
	v2 =	vperm.xlane v47, v3  }
0x3e2: {  	s26 =	sadd.s32 $0xFFFFFFFB, s16;
	v21 =	vand.u32 $0x7F, v21;
	v36 =	vor.u32 v54, v51  }
0x3e3: {  	v21 =	vor.u32 v21, v30;
	v30 =	vmov s26;
	v55 =	vadd.s32 v1, v2  }
0x3e4: {  	v30 =	vshrl.u32 v30, $0x3;
	vm14 =	vlt.s32 v55, $0xC7  }
0x3e5: {  	vm15 =	vgt.s32 v0, v17;
	v30 =	vshll.u32 v30, v56;
	v57 =	vnsel vm14, $0xC7, v55  }
0x3e6: {  	v63 =	vbroadcast v30, $0x0;
	v4 =	vnsel vm15, $0x0, v4;
	v30 =	vshll.u32 v57, $0x3  }
0x3e7: {  	v21 =	vor.u32 $0x80, v21;
	[tilespmem:v36+s10+$0x0] =	vst.idx.msk $0xffff, v4;
	v4 =	vand.u32 $0xFFFFFC00, v30  }
0x3e8: {  	v14 =	vld [tilespmem:$0x1FD20];
	v30 =	vand.u32 $0x7F, v57;
	v4 =	vadd.s32 v63, v4  }
0x3e9: {  	v4 =	vor.u32 v30, v4;
	v30 =	vld [tilespmem:$0x1FFF0];
	_ =	sdelay $0x2  }
0x3ea: {  	v21 =	vld.idx.msk [tilespmem:v21+s2+$0x0], $0xffff  }
0x3eb: {  	v58 =	vor.u32 v14, v51  }
0x3ec: {  	v30 =	vadd.s32 v30, v2  }
0x3ed: {  	vm4 =	vlt.s32 v30, $0xC7  }
0x3ee: {  	vm5 =	vgt.s32 v0, v19;
	v30 =	vnsel vm4, $0xC7, v30  }
0x3ef: {  	v4 =	vor.u32 $0x100, v4;
	v0 =	vnsel vm5, $0x0, v21;
	v21 =	vshll.u32 v30, $0x3  }
0x3f0: {  	[tilespmem:v58+s10+$0x0] =	vst.idx.msk $0xff, v0;
	v0 =	vand.u32 $0xFFFFFC00, v21;
	v21 =	vand.u32 $0x7F, v30;
	v30 =	vld [tilespmem:$0x1FE80];
	_ =	sdelay $0x3  }
0x3f1: {  	v4 =	vld.idx.msk [tilespmem:v4+s2+$0x0], $0xffff;
	v0 =	vadd.s32 v63, v0  }
0x3f2: {  	v21 =	vor.u32 v21, v0;
	v30 =	vor.u32 v30, v63  }
0x3f3: {  	v59 =	vadd.s32 v5, v2;
	v0 =	vperm.xlane v52, v3;
	v21 =	vor.u32 $0x100, v21  }
0x3f4: {  	v62 =	vld [tilespmem:$0x1FE90];
	vm6 =	vlt.s32 v59, $0xC7  }
0x3f5: {  	v36 =	vnsel vm6, $0xC7, v59;
	vm7 =	vgt.s32 v0, v1  }
0x3f6: {  	v61 =	vshll.u32 v36, $0x3;
	v4 =	vnsel vm7, $0x0, v4  }
0x3f7: {  	v3 =	vld [tilespmem:$0x1FFF0];
	[tilespmem:v30+s10+$0x0] =	vst.idx.msk $0xffff, v4;
	v4 =	vand.u32 $0xFFFFFC00, v61  }
0x3f8: {  	v30 =	vand.u32 $0x7F, v36;
	v21 =	vld.idx.msk [tilespmem:v21+s2+$0x0], $0xffff;
	v4 =	vadd.s32 v63, v4  }
0x3f9: {  	v36 =	vor.u32 v62, v63;
	v4 =	vor.u32 v30, v4  }
0x3fa: {  	v30 =	vadd.s32 v6, v2;
	v4 =	vor.u32 $0x100, v4  }
0x3fb: {  	v34 =	vld [tilespmem:$0x1FEA0];
	vm8 =	vlt.s32 v30, $0xC7  }
0x3fc: {  	vm9 =	vgt.s32 v0, v3;
	v30 =	vnsel vm8, $0xC7, v30  }
0x3fd: {  	v33 =	vshll.u32 v30, $0x3;
	v21 =	vnsel vm9, $0x0, v21  }
0x3fe: {  	[tilespmem:v36+s10+$0x0] =	vst.idx.msk $0xffff, v21;
	v21 =	vand.u32 $0xFFFFFC00, v33  }
0x3ff: {  	v30 =	vand.u32 $0x7F, v30;
	v4 =	vld.idx.msk [tilespmem:v4+s2+$0x0], $0xffff;
	v21 =	vadd.s32 v63, v21  }
0x400: {  	v36 =	vor.u32 v34, v63;
	v21 =	vor.u32 v30, v21  }
0x401: {  	v30 =	vadd.s32 v7, v2;
	v21 =	vor.u32 $0x100, v21  }
0x402: {  	v40 =	vld [tilespmem:$0x1FEB0];
	vm10 =	vlt.s32 v30, $0xC7  }
0x403: {  	vm11 =	vgt.s32 v0, v5;
	v30 =	vnsel vm10, $0xC7, v30  }
0x404: {  	v39 =	vshll.u32 v30, $0x3;
	v4 =	vnsel vm11, $0x0, v4  }
0x405: {  	[tilespmem:v36+s10+$0x0] =	vst.idx.msk $0xffff, v4;
	v4 =	vand.u32 $0xFFFFFC00, v39  }
0x406: {  	v30 =	vand.u32 $0x7F, v30;
	v21 =	vld.idx.msk [tilespmem:v21+s2+$0x0], $0xffff;
	v4 =	vadd.s32 v63, v4  }
0x407: {  	v36 =	vor.u32 v40, v63;
	v4 =	vor.u32 v30, v4  }
0x408: {  	v30 =	vadd.s32 v8, v2;
	v4 =	vor.u32 $0x100, v4  }
0x409: {  	v42 =	vld [tilespmem:$0x1FEC0];
	vm12 =	vlt.s32 v30, $0xC7  }
0x40a: {  	vm13 =	vgt.s32 v0, v6;
	v30 =	vnsel vm12, $0xC7, v30  }
0x40b: {  	v41 =	vshll.u32 v30, $0x3;
	v21 =	vnsel vm13, $0x0, v21  }
0x40c: {  	[tilespmem:v36+s10+$0x0] =	vst.idx.msk $0xffff, v21;
	v21 =	vand.u32 $0xFFFFFC00, v41  }
0x40d: {  	v30 =	vand.u32 $0x7F, v30;
	v4 =	vld.idx.msk [tilespmem:v4+s2+$0x0], $0xffff;
	v21 =	vadd.s32 v63, v21  }
0x40e: {  	v36 =	vor.u32 v42, v63;
	v21 =	vor.u32 v30, v21  }
0x40f: {  	v30 =	vadd.s32 v9, v2;
	v21 =	vor.u32 $0x100, v21  }
0x410: {  	v44 =	vld [tilespmem:$0x1FED0];
	vm14 =	vlt.s32 v30, $0xC7  }
0x411: {  	vm15 =	vgt.s32 v0, v7;
	v30 =	vnsel vm14, $0xC7, v30  }
0x412: {  	v43 =	vshll.u32 v30, $0x3;
	v4 =	vnsel vm15, $0x0, v4  }
0x413: {  	[tilespmem:v36+s10+$0x0] =	vst.idx.msk $0xffff, v4;
	v4 =	vand.u32 $0xFFFFFC00, v43  }
0x414: {  	v30 =	vand.u32 $0x7F, v30;
	v21 =	vld.idx.msk [tilespmem:v21+s2+$0x0], $0xffff;
	v4 =	vadd.s32 v63, v4  }
0x415: {  	v36 =	vor.u32 v44, v63;
	v4 =	vor.u32 v30, v4  }
0x416: {  	v30 =	vadd.s32 v10, v2;
	v4 =	vor.u32 $0x100, v4  }
0x417: {  	v54 =	vld [tilespmem:$0x1FEE0];
	vm4 =	vlt.s32 v30, $0xC7  }
0x418: {  	vm5 =	vgt.s32 v0, v8;
	v30 =	vnsel vm4, $0xC7, v30  }
0x419: {  	v45 =	vshll.u32 v30, $0x3;
	v21 =	vnsel vm5, $0x0, v21  }
0x41a: {  	[tilespmem:v36+s10+$0x0] =	vst.idx.msk $0xffff, v21;
	v21 =	vand.u32 $0xFFFFFC00, v45  }
0x41b: {  	v30 =	vand.u32 $0x7F, v30;
	v4 =	vld.idx.msk [tilespmem:v4+s2+$0x0], $0xffff;
	v21 =	vadd.s32 v63, v21  }
0x41c: {  	v36 =	vor.u32 v54, v63;
	v21 =	vor.u32 v30, v21  }
0x41d: {  	v30 =	vadd.s32 v11, v2;
	v21 =	vor.u32 $0x100, v21  }
0x41e: {  	v56 =	vld [tilespmem:$0x1FEF0];
	vm6 =	vlt.s32 v30, $0xC7  }
0x41f: {  	vm7 =	vgt.s32 v0, v9;
	v30 =	vnsel vm6, $0xC7, v30  }
0x420: {  	v55 =	vshll.u32 v30, $0x3;
	v4 =	vnsel vm7, $0x0, v4  }
0x421: {  	[tilespmem:v36+s10+$0x0] =	vst.idx.msk $0xffff, v4;
	v4 =	vand.u32 $0xFFFFFC00, v55  }
0x422: {  	v30 =	vand.u32 $0x7F, v30;
	v21 =	vld.idx.msk [tilespmem:v21+s2+$0x0], $0xffff;
	v4 =	vadd.s32 v63, v4  }
0x423: {  	v36 =	vor.u32 v56, v63;
	v4 =	vor.u32 v30, v4  }
0x424: {  	v30 =	vadd.s32 v13, v2;
	v4 =	vor.u32 $0x100, v4  }
0x425: {  	v58 =	vld [tilespmem:$0x1FF00];
	vm8 =	vlt.s32 v30, $0xC7  }
0x426: {  	vm9 =	vgt.s32 v0, v10;
	v30 =	vnsel vm8, $0xC7, v30  }
0x427: {  	v57 =	vshll.u32 v30, $0x3;
	v21 =	vnsel vm9, $0x0, v21  }
0x428: {  	[tilespmem:v36+s10+$0x0] =	vst.idx.msk $0xffff, v21;
	v21 =	vand.u32 $0xFFFFFC00, v57  }
0x429: {  	v30 =	vand.u32 $0x7F, v30;
	v4 =	vld.idx.msk [tilespmem:v4+s2+$0x0], $0xffff;
	v21 =	vadd.s32 v63, v21  }
0x42a: {  	v36 =	vor.u32 v58, v63;
	v21 =	vor.u32 v30, v21  }
0x42b: {  	v30 =	vadd.s32 v15, v2;
	v21 =	vor.u32 $0x100, v21  }
0x42c: {  	v61 =	vld [tilespmem:$0x1FF10];
	vm10 =	vlt.s32 v30, $0xC7  }
0x42d: {  	vm11 =	vgt.s32 v0, v11;
	v30 =	vnsel vm10, $0xC7, v30  }
0x42e: {  	v59 =	vshll.u32 v30, $0x3;
	v4 =	vnsel vm11, $0x0, v4  }
0x42f: {  	[tilespmem:v36+s10+$0x0] =	vst.idx.msk $0xffff, v4;
	v4 =	vand.u32 $0xFFFFFC00, v59  }
0x430: {  	v30 =	vand.u32 $0x7F, v30;
	v21 =	vld.idx.msk [tilespmem:v21+s2+$0x0], $0xffff;
	v4 =	vadd.s32 v63, v4  }
0x431: {  	v36 =	vor.u32 v61, v63;
	v4 =	vor.u32 v30, v4  }
0x432: {  	v30 =	vadd.s32 v17, v2;
	v4 =	vor.u32 $0x100, v4  }
0x433: {  	v33 =	vld [tilespmem:$0x1FF20];
	vm12 =	vlt.s32 v30, $0xC7  }
0x434: {  	vm13 =	vgt.s32 v0, v13;
	v30 =	vnsel vm12, $0xC7, v30  }
0x435: {  	v62 =	vshll.u32 v30, $0x3;
	v21 =	vnsel vm13, $0x0, v21  }
0x436: {  	[tilespmem:v36+s10+$0x0] =	vst.idx.msk $0xffff, v21;
	v21 =	vand.u32 $0xFFFFFC00, v62  }
0x437: {  	v30 =	vand.u32 $0x7F, v30;
	v4 =	vld.idx.msk [tilespmem:v4+s2+$0x0], $0xffff;
	v21 =	vadd.s32 v63, v21  }
0x438: {  	v36 =	vor.u32 v33, v63;
	v21 =	vor.u32 v30, v21  }
0x439: {  	v2 =	vadd.s32 v19, v2;
	v21 =	vor.u32 $0x100, v21  }
0x43a: {  	v34 =	vld [tilespmem:$0x1FF30];
	vm14 =	vlt.s32 v2, $0xC7  }
0x43b: {  	vm15 =	vgt.s32 v0, v15;
	v2 =	vnsel vm14, $0xC7, v2  }
0x43c: {  	v30 =	vshll.u32 v2, $0x3;
	v4 =	vnsel vm15, $0x0, v4  }
0x43d: {  	v23 =	vmov v11;
	v40 =	vld [tilespmem:$0x1FDC0];
	v11 =	vimm.s32 $0xB;
	[tilespmem:v36+s10+$0x0] =	vst.idx.msk $0xffff, v4;
	v4 =	vand.u32 $0xFFFFFC00, v30  }
0x43e: {  	v30 =	vand.u32 $0x7F, v2;
	v2 =	vperm.xlane v47, v11;
	v21 =	vld.idx.msk [tilespmem:v21+s2+$0x0], $0xffff;
	v4 =	vadd.s32 v63, v4  }
0x43f: {  	s28 =	sadd.s32 $0xFFFFFFFC, s16;
	v36 =	vor.u32 v34, v63;
	v4 =	vor.u32 v30, v4  }
0x440: {  	v30 =	vmov s28;
	v38 =	vadd.s32 v1, v2;
	v4 =	vor.u32 $0x100, v4  }
0x441: {  	v41 =	vld [tilespmem:$0x1FF40];
	vm4 =	vlt.s32 v38, $0xC7;
	v30 =	vshrl.u32 v30, $0x3  }
0x442: {  	vm5 =	vgt.s32 v0, v17;
	v39 =	vnsel vm4, $0xC7, v38;
	v30 =	vshll.u32 v30, v40  }
0x443: {  	v3 =	vld [tilespmem:$0x1FFF0];
	v51 =	vbroadcast v30, $0x0;
	v30 =	vshll.u32 v39, $0x3;
	v21 =	vnsel vm5, $0x0, v21  }
0x444: {  	[tilespmem:v36+s10+$0x0] =	vst.idx.msk $0xffff, v21;
	v21 =	vand.u32 $0xFFFFFC00, v30  }
0x445: {  	v30 =	vand.u32 $0x7F, v39;
	v4 =	vld.idx.msk [tilespmem:v4+s2+$0x0], $0xffff;
	v21 =	vadd.s32 v51, v21  }
0x446: {  	v36 =	vor.u32 v41, v63;
	v21 =	vor.u32 v30, v21  }
0x447: {  	v21 =	vor.u32 $0x180, v21  }
0x448: {  	v30 =	vadd.s32 v3, v2  }
0x449: {  	vm7 =	vgt.s32 v0, v19;
	vm6 =	vlt.s32 v30, $0xC7  }
0x44a: {  	v30 =	vnsel vm6, $0xC7, v30;
	v0 =	vnsel vm7, $0x0, v4  }
0x44b: {  	v4 =	vshll.u32 v30, $0x3;
	[tilespmem:v36+s10+$0x0] =	vst.idx.msk $0xff, v0  }
0x44c: {  	v0 =	vand.u32 $0xFFFFFC00, v4;
	v4 =	vld.idx.msk [tilespmem:v21+s2+$0x0], $0xffff  }
0x44d: {  	v21 =	vand.u32 $0x7F, v30;
	v30 =	vld [tilespmem:$0x1FF50];
	_ =	sdelay $0x3  }
0x44e: {  	v0 =	vadd.s32 v51, v0  }
0x44f: {  	v21 =	vor.u32 v21, v0;
	v30 =	vor.u32 v30, v51  }
0x450: {  	v42 =	vadd.s32 v5, v2;
	v0 =	vperm.xlane v52, v11;
	v21 =	vor.u32 $0x180, v21  }
0x451: {  	v44 =	vld [tilespmem:$0x1FF60];
	vm8 =	vlt.s32 v42, $0xC7  }
0x452: {  	v36 =	vnsel vm8, $0xC7, v42;
	vm9 =	vgt.s32 v0, v1  }
0x453: {  	v43 =	vshll.u32 v36, $0x3;
	v4 =	vnsel vm9, $0x0, v4  }
0x454: {  	v3 =	vld [tilespmem:$0x1FFF0];
	[tilespmem:v30+s10+$0x0] =	vst.idx.msk $0xffff, v4;
	v4 =	vand.u32 $0xFFFFFC00, v43  }
0x455: {  	v30 =	vand.u32 $0x7F, v36;
	v21 =	vld.idx.msk [tilespmem:v21+s2+$0x0], $0xffff;
	v4 =	vadd.s32 v51, v4  }
0x456: {  	v36 =	vor.u32 v44, v51;
	v4 =	vor.u32 v30, v4  }
0x457: {  	v30 =	vadd.s32 v6, v2;
	v4 =	vor.u32 $0x180, v4  }
0x458: {  	v48 =	vld [tilespmem:$0x1FF70];
	vm10 =	vlt.s32 v30, $0xC7  }
0x459: {  	vm11 =	vgt.s32 v0, v3;
	v30 =	vnsel vm10, $0xC7, v30  }
0x45a: {  	v45 =	vshll.u32 v30, $0x3;
	v21 =	vnsel vm11, $0x0, v21  }
0x45b: {  	[tilespmem:v36+s10+$0x0] =	vst.idx.msk $0xffff, v21;
	v21 =	vand.u32 $0xFFFFFC00, v45  }
0x45c: {  	v30 =	vand.u32 $0x7F, v30;
	v4 =	vld.idx.msk [tilespmem:v4+s2+$0x0], $0xffff;
	v21 =	vadd.s32 v51, v21  }
0x45d: {  	v36 =	vor.u32 v48, v51;
	v21 =	vor.u32 v30, v21  }
0x45e: {  	v30 =	vadd.s32 v7, v2;
	v21 =	vor.u32 $0x180, v21  }
0x45f: {  	v50 =	vld [tilespmem:$0x1FF80];
	vm12 =	vlt.s32 v30, $0xC7  }
0x460: {  	vm13 =	vgt.s32 v0, v5;
	v30 =	vnsel vm12, $0xC7, v30  }
0x461: {  	v49 =	vshll.u32 v30, $0x3;
	v4 =	vnsel vm13, $0x0, v4  }
0x462: {  	[tilespmem:v36+s10+$0x0] =	vst.idx.msk $0xffff, v4;
	v4 =	vand.u32 $0xFFFFFC00, v49  }
0x463: {  	v30 =	vand.u32 $0x7F, v30;
	v21 =	vld.idx.msk [tilespmem:v21+s2+$0x0], $0xffff;
	v4 =	vadd.s32 v51, v4  }
0x464: {  	v36 =	vor.u32 v50, v51;
	v4 =	vor.u32 v30, v4  }
0x465: {  	v30 =	vadd.s32 v8, v2;
	v4 =	vor.u32 $0x180, v4  }
0x466: {  	v54 =	vld [tilespmem:$0x1FF90];
	vm14 =	vlt.s32 v30, $0xC7  }
0x467: {  	vm15 =	vgt.s32 v0, v6;
	v30 =	vnsel vm14, $0xC7, v30  }
0x468: {  	v53 =	vshll.u32 v30, $0x3;
	v21 =	vnsel vm15, $0x0, v21  }
0x469: {  	[tilespmem:v36+s10+$0x0] =	vst.idx.msk $0xffff, v21;
	v21 =	vand.u32 $0xFFFFFC00, v53  }
0x46a: {  	v30 =	vand.u32 $0x7F, v30;
	v4 =	vld.idx.msk [tilespmem:v4+s2+$0x0], $0xffff;
	v21 =	vadd.s32 v51, v21  }
0x46b: {  	v36 =	vor.u32 v54, v51;
	v21 =	vor.u32 v30, v21  }
0x46c: {  	v30 =	vadd.s32 v9, v2;
	v21 =	vor.u32 $0x180, v21  }
0x46d: {  	vm4 =	vlt.s32 v30, $0xC7  }
0x46e: {  	vm5 =	vgt.s32 v0, v7;
	v30 =	vnsel vm4, $0xC7, v30  }
0x46f: {  	v55 =	vshll.u32 v30, $0x3;
	v4 =	vnsel vm5, $0x0, v4  }
0x470: {  	[tilespmem:v36+s10+$0x0] =	vst.idx.msk $0xffff, v4;
	v4 =	vand.u32 $0xFFFFFC00, v55  }
0x471: {  	v30 =	vand.u32 $0x7F, v30;
	v21 =	vld.idx.msk [tilespmem:v21+s2+$0x0], $0xffff;
	v4 =	vadd.s32 v51, v4  }
0x472: {  	v61 =	vor.u32 v12, v51;
	v4 =	vor.u32 v30, v4  }
0x473: {  	v30 =	vadd.s32 v10, v2;
	v4 =	vor.u32 $0x180, v4  }
0x474: {  	v63 =	vld [tilespmem:$0x1FFA0];
	vm6 =	vlt.s32 v30, $0xC7  }
0x475: {  	vm7 =	vgt.s32 v0, v8;
	v30 =	vnsel vm6, $0xC7, v30  }
0x476: {  	v62 =	vshll.u32 v30, $0x3;
	v21 =	vnsel vm7, $0x0, v21  }
0x477: {  	[tilespmem:v61+s10+$0x0] =	vst.idx.msk $0xffff, v21;
	v21 =	vand.u32 $0xFFFFFC00, v62  }
0x478: {  	v30 =	vand.u32 $0x7F, v30;
	v4 =	vld.idx.msk [tilespmem:v4+s2+$0x0], $0xffff;
	v21 =	vadd.s32 v51, v21  }
0x479: {  	v36 =	vor.u32 v63, v51;
	v21 =	vor.u32 v30, v21  }
0x47a: {  	v30 =	vadd.s32 v23, v2;
	v21 =	vor.u32 $0x180, v21  }
0x47b: {  	v34 =	vld [tilespmem:$0x1FFB0];
	vm8 =	vlt.s32 v30, $0xC7  }
0x47c: {  	vm9 =	vgt.s32 v0, v9;
	v30 =	vnsel vm8, $0xC7, v30  }
0x47d: {  	v33 =	vshll.u32 v30, $0x3;
	v4 =	vnsel vm9, $0x0, v4  }
0x47e: {  	[tilespmem:v36+s10+$0x0] =	vst.idx.msk $0xffff, v4;
	v4 =	vand.u32 $0xFFFFFC00, v33  }
0x47f: {  	v30 =	vand.u32 $0x7F, v30;
	v21 =	vld.idx.msk [tilespmem:v21+s2+$0x0], $0xffff;
	v4 =	vadd.s32 v51, v4  }
0x480: {  	v36 =	vor.u32 v34, v51;
	v4 =	vor.u32 v30, v4  }
0x481: {  	v30 =	vadd.s32 v13, v2;
	v4 =	vor.u32 $0x180, v4  }
0x482: {  	v41 =	vld [tilespmem:$0x1FFC0];
	vm10 =	vlt.s32 v30, $0xC7  }
0x483: {  	vm11 =	vgt.s32 v0, v10;
	v30 =	vnsel vm10, $0xC7, v30  }
0x484: {  	v40 =	vshll.u32 v30, $0x3;
	v21 =	vnsel vm11, $0x0, v21  }
0x485: {  	[tilespmem:v36+s10+$0x0] =	vst.idx.msk $0xffff, v21;
	v21 =	vand.u32 $0xFFFFFC00, v40  }
0x486: {  	v30 =	vand.u32 $0x7F, v30;
	v4 =	vld.idx.msk [tilespmem:v4+s2+$0x0], $0xffff;
	v21 =	vadd.s32 v51, v21  }
0x487: {  	v36 =	vor.u32 v41, v51;
	v21 =	vor.u32 v30, v21  }
0x488: {  	v30 =	vadd.s32 v15, v2;
	v21 =	vor.u32 $0x180, v21  }
0x489: {  	v43 =	vld [tilespmem:$0x1FFD0];
	vm12 =	vlt.s32 v30, $0xC7  }
0x48a: {  	vm13 =	vgt.s32 v0, v23;
	v30 =	vnsel vm12, $0xC7, v30  }
0x48b: {  	v42 =	vshll.u32 v30, $0x3;
	v4 =	vnsel vm13, $0x0, v4  }
0x48c: {  	[tilespmem:v36+s10+$0x0] =	vst.idx.msk $0xffff, v4;
	v4 =	vand.u32 $0xFFFFFC00, v42  }
0x48d: {  	v30 =	vand.u32 $0x7F, v30;
	v21 =	vld.idx.msk [tilespmem:v21+s2+$0x0], $0xffff;
	v4 =	vadd.s32 v51, v4  }
0x48e: {  	v36 =	vor.u32 v43, v51;
	v4 =	vor.u32 v30, v4  }
0x48f: {  	v30 =	vadd.s32 v17, v2;
	v4 =	vor.u32 $0x180, v4  }
0x490: {  	v45 =	vld [tilespmem:$0x1FFE0];
	vm14 =	vlt.s32 v30, $0xC7  }
0x491: {  	vm15 =	vgt.s32 v0, v13;
	v30 =	vnsel vm14, $0xC7, v30  }
0x492: {  	v44 =	vshll.u32 v30, $0x3;
	v21 =	vnsel vm15, $0x0, v21  }
0x493: {  	[tilespmem:v36+s10+$0x0] =	vst.idx.msk $0xffff, v21;
	v21 =	vand.u32 $0xFFFFFC00, v44  }
0x494: {  	v30 =	vand.u32 $0x7F, v30;
	v4 =	vld.idx.msk [tilespmem:v4+s2+$0x0], $0xffff;
	v21 =	vadd.s32 v51, v21  }
0x495: {  	v36 =	vor.u32 v45, v51;
	v21 =	vor.u32 v30, v21  }
0x496: {  	v2 =	vadd.s32 v19, v2;
	v21 =	vor.u32 $0x180, v21  }
0x497: {  	vm4 =	vlt.s32 v2, $0xC7  }
0x498: {  	vm5 =	vgt.s32 v0, v15;
	v2 =	vnsel vm4, $0xC7, v2  }
0x499: {  	v3 =	vld [tilespmem:$0x1FD50];
	v30 =	vshll.u32 v2, $0x3;
	v4 =	vnsel vm5, $0x0, v4  }
0x49a: {  	v11 =	vimm.s32 $0xC;
	v50 =	vld [tilespmem:$0x1FDC0];
	[tilespmem:v36+s10+$0x0] =	vst.idx.msk $0xffff, v4;
	v4 =	vand.u32 $0xFFFFFC00, v30  }
0x49b: {  	v30 =	vand.u32 $0x7F, v2;
	v2 =	vperm.xlane v47, v11;
	v21 =	vld.idx.msk [tilespmem:v21+s2+$0x0], $0xffff;
	v4 =	vadd.s32 v51, v4  }
0x49c: {  	s29 =	sadd.s32 $0xFFFFFFFD, s16;
	v48 =	vor.u32 v16, v51;
	v4 =	vor.u32 v30, v4  }
0x49d: {  	v30 =	vmov s29;
	v49 =	vadd.s32 v1, v2;
	v4 =	vor.u32 $0x180, v4  }
0x49e: {  	vm7 =	vgt.s32 v0, v17;
	vm6 =	vlt.s32 v49, $0xC7;
	v30 =	vshrl.u32 v30, $0x3  }
0x49f: {  	v51 =	vor.u32 v3, v51;
	v57 =	vnsel vm6, $0xC7, v49;
	v30 =	vshll.u32 v30, v50  }
0x4a0: {  	v3 =	vld [tilespmem:$0x1FFF0];
	v63 =	vbroadcast v30, $0x0;
	v30 =	vshll.u32 v57, $0x3;
	v21 =	vnsel vm7, $0x0, v21  }
0x4a1: {  	[tilespmem:v48+s10+$0x0] =	vst.idx.msk $0xffff, v21;
	v21 =	vand.u32 $0xFFFFFC00, v30  }
0x4a2: {  	v30 =	vand.u32 $0x7F, v57;
	v4 =	vld.idx.msk [tilespmem:v4+s2+$0x0], $0xffff;
	v21 =	vadd.s32 v63, v21  }
0x4a3: {  	v21 =	vor.u32 v30, v21  }
0x4a4: {  	v21 =	vor.u32 $0x200, v21  }
0x4a5: {  	v30 =	vadd.s32 v3, v2;
	v3 =	vld [tilespmem:$0x1FD60]  }
0x4a6: {  	vm9 =	vgt.s32 v0, v19;
	vm8 =	vlt.s32 v30, $0xC7  }
0x4a7: {  	v30 =	vnsel vm8, $0xC7, v30;
	v0 =	vnsel vm9, $0x0, v4  }
0x4a8: {  	v4 =	vshll.u32 v30, $0x3;
	[tilespmem:v51+s10+$0x0] =	vst.idx.msk $0xff, v0  }
0x4a9: {  	v0 =	vand.u32 $0xFFFFFC00, v4;
	v4 =	vld.idx.msk [tilespmem:v21+s2+$0x0], $0xffff  }
0x4aa: {  	v21 =	vand.u32 $0x7F, v30;
	v0 =	vadd.s32 v63, v0;
	v30 =	vor.u32 v3, v63;
	v3 =	vld [tilespmem:$0x1FD70]  }
0x4ab: {  	v21 =	vor.u32 v21, v0  }
0x4ac: {  	v53 =	vadd.s32 v5, v2;
	v0 =	vperm.xlane v52, v11;
	v21 =	vor.u32 $0x200, v21  }
0x4ad: {  	vm10 =	vlt.s32 v53, $0xC7  }
0x4ae: {  	v36 =	vnsel vm10, $0xC7, v53;
	vm11 =	vgt.s32 v0, v1  }
0x4af: {  	v54 =	vshll.u32 v36, $0x3;
	v4 =	vnsel vm11, $0x0, v4;
	v55 =	vor.u32 v3, v63;
	v3 =	vld [tilespmem:$0x1FFF0]  }
0x4b0: {  	[tilespmem:v30+s10+$0x0] =	vst.idx.msk $0xffff, v4;
	v4 =	vand.u32 $0xFFFFFC00, v54  }
0x4b1: {  	v30 =	vand.u32 $0x7F, v36;
	v21 =	vld.idx.msk [tilespmem:v21+s2+$0x0], $0xffff;
	v4 =	vadd.s32 v63, v4  }
0x4b2: {  	v4 =	vor.u32 v30, v4  }
0x4b3: {  	v30 =	vadd.s32 v6, v2;
	v4 =	vor.u32 $0x200, v4  }
0x4b4: {  	vm12 =	vlt.s32 v30, $0xC7;
	vm13 =	vgt.s32 v0, v3;
	v3 =	vld [tilespmem:$0x1FD80]  }
0x4b5: {  	v30 =	vnsel vm12, $0xC7, v30  }
0x4b6: {  	v56 =	vshll.u32 v30, $0x3;
	v21 =	vnsel vm13, $0x0, v21  }
0x4b7: {  	[tilespmem:v55+s10+$0x0] =	vst.idx.msk $0xffff, v21;
	v21 =	vand.u32 $0xFFFFFC00, v56  }
0x4b8: {  	v30 =	vand.u32 $0x7F, v30;
	v4 =	vld.idx.msk [tilespmem:v4+s2+$0x0], $0xffff;
	v21 =	vadd.s32 v63, v21  }
0x4b9: {  	v57 =	vor.u32 v3, v63;
	v21 =	vor.u32 v30, v21  }
0x4ba: {  	v30 =	vadd.s32 v7, v2;
	v21 =	vor.u32 $0x200, v21  }
0x4bb: {  	v3 =	vld [tilespmem:$0x1FD90];
	vm14 =	vlt.s32 v30, $0xC7  }
0x4bc: {  	vm15 =	vgt.s32 v0, v5;
	v30 =	vnsel vm14, $0xC7, v30  }
0x4bd: {  	v58 =	vshll.u32 v30, $0x3;
	v4 =	vnsel vm15, $0x0, v4  }
0x4be: {  	[tilespmem:v57+s10+$0x0] =	vst.idx.msk $0xffff, v4;
	v4 =	vand.u32 $0xFFFFFC00, v58  }
0x4bf: {  	v30 =	vand.u32 $0x7F, v30;
	v21 =	vld.idx.msk [tilespmem:v21+s2+$0x0], $0xffff;
	v4 =	vadd.s32 v63, v4  }
0x4c0: {  	v59 =	vor.u32 v3, v63;
	v4 =	vor.u32 v30, v4  }
0x4c1: {  	v30 =	vadd.s32 v8, v2;
	v4 =	vor.u32 $0x200, v4  }
0x4c2: {  	v3 =	vld [tilespmem:$0x1FDA0];
	vm4 =	vlt.s32 v30, $0xC7  }
0x4c3: {  	vm5 =	vgt.s32 v0, v6;
	v30 =	vnsel vm4, $0xC7, v30  }
0x4c4: {  	v61 =	vshll.u32 v30, $0x3;
	v21 =	vnsel vm5, $0x0, v21  }
0x4c5: {  	[tilespmem:v59+s10+$0x0] =	vst.idx.msk $0xffff, v21;
	v21 =	vand.u32 $0xFFFFFC00, v61  }
0x4c6: {  	v30 =	vand.u32 $0x7F, v30;
	v4 =	vld.idx.msk [tilespmem:v4+s2+$0x0], $0xffff;
	v21 =	vadd.s32 v63, v21  }
0x4c7: {  	v62 =	vor.u32 v3, v63;
	v21 =	vor.u32 v30, v21  }
0x4c8: {  	v30 =	vadd.s32 v9, v2;
	v21 =	vor.u32 $0x200, v21  }
0x4c9: {  	v3 =	vld [tilespmem:$0x1FDB0];
	vm6 =	vlt.s32 v30, $0xC7  }
0x4ca: {  	vm7 =	vgt.s32 v0, v7;
	v30 =	vnsel vm6, $0xC7, v30  }
0x4cb: {  	v33 =	vshll.u32 v30, $0x3;
	v4 =	vnsel vm7, $0x0, v4  }
0x4cc: {  	[tilespmem:v62+s10+$0x0] =	vst.idx.msk $0xffff, v4;
	v4 =	vand.u32 $0xFFFFFC00, v33  }
0x4cd: {  	v30 =	vand.u32 $0x7F, v30;
	v21 =	vld.idx.msk [tilespmem:v21+s2+$0x0], $0xffff;
	v4 =	vadd.s32 v63, v4  }
0x4ce: {  	v34 =	vor.u32 v3, v63;
	v4 =	vor.u32 v30, v4  }
0x4cf: {  	v30 =	vadd.s32 v10, v2;
	v4 =	vor.u32 $0x200, v4  }
0x4d0: {  	v3 =	vld [tilespmem:$0x1FB00];
	vm8 =	vlt.s32 v30, $0xC7  }
0x4d1: {  	vm9 =	vgt.s32 v0, v8;
	v30 =	vnsel vm8, $0xC7, v30  }
0x4d2: {  	v40 =	vshll.u32 v30, $0x3;
	v21 =	vnsel vm9, $0x0, v21  }
0x4d3: {  	[tilespmem:v34+s10+$0x0] =	vst.idx.msk $0xffff, v21;
	v21 =	vand.u32 $0xFFFFFC00, v40  }
0x4d4: {  	v30 =	vand.u32 $0x7F, v30;
	v4 =	vld.idx.msk [tilespmem:v4+s2+$0x0], $0xffff;
	v21 =	vadd.s32 v63, v21  }
0x4d5: {  	v41 =	vor.u32 v3, v63;
	v21 =	vor.u32 v30, v21  }
0x4d6: {  	v30 =	vadd.s32 v23, v2;
	v21 =	vor.u32 $0x200, v21  }
0x4d7: {  	v3 =	vld [tilespmem:$0x1FB10];
	vm10 =	vlt.s32 v30, $0xC7  }
0x4d8: {  	vm11 =	vgt.s32 v0, v9;
	v30 =	vnsel vm10, $0xC7, v30  }
0x4d9: {  	v42 =	vshll.u32 v30, $0x3;
	v4 =	vnsel vm11, $0x0, v4  }
0x4da: {  	[tilespmem:v41+s10+$0x0] =	vst.idx.msk $0xffff, v4;
	v4 =	vand.u32 $0xFFFFFC00, v42  }
0x4db: {  	v30 =	vand.u32 $0x7F, v30;
	v21 =	vld.idx.msk [tilespmem:v21+s2+$0x0], $0xffff;
	v4 =	vadd.s32 v63, v4  }
0x4dc: {  	v43 =	vor.u32 v3, v63;
	v4 =	vor.u32 v30, v4  }
0x4dd: {  	v30 =	vadd.s32 v13, v2;
	v4 =	vor.u32 $0x200, v4  }
0x4de: {  	v3 =	vld [tilespmem:$0x1FB20];
	vm12 =	vlt.s32 v30, $0xC7  }
0x4df: {  	vm13 =	vgt.s32 v0, v10;
	v30 =	vnsel vm12, $0xC7, v30  }
0x4e0: {  	v44 =	vshll.u32 v30, $0x3;
	v21 =	vnsel vm13, $0x0, v21  }
0x4e1: {  	[tilespmem:v43+s10+$0x0] =	vst.idx.msk $0xffff, v21;
	v21 =	vand.u32 $0xFFFFFC00, v44  }
0x4e2: {  	v30 =	vand.u32 $0x7F, v30;
	v4 =	vld.idx.msk [tilespmem:v4+s2+$0x0], $0xffff;
	v21 =	vadd.s32 v63, v21  }
0x4e3: {  	v12 =	vor.u32 v3, v63;
	v21 =	vor.u32 v30, v21  }
0x4e4: {  	v30 =	vadd.s32 v15, v2;
	v21 =	vor.u32 $0x200, v21  }
0x4e5: {  	vm14 =	vlt.s32 v30, $0xC7  }
0x4e6: {  	vm15 =	vgt.s32 v0, v23;
	v30 =	vnsel vm14, $0xC7, v30  }
0x4e7: {  	v53 =	vshll.u32 v30, $0x3;
	v4 =	vnsel vm15, $0x0, v4  }
0x4e8: {  	[tilespmem:v12+s10+$0x0] =	vst.idx.msk $0xffff, v4;
	v4 =	vand.u32 $0xFFFFFC00, v53  }
0x4e9: {  	v12 =	vld.idx.msk [tilespmem:v21+s2+$0x0], $0xffff;
	v21 =	vand.u32 $0x7F, v30;
	v4 =	vadd.s32 v63, v4  }
0x4ea: {  	v18 =	vor.u32 v18, v63;
	v4 =	vor.u32 v21, v4  }
0x4eb: {  	v21 =	vadd.s32 v17, v2;
	v4 =	vor.u32 $0x200, v4  }
0x4ec: {  	vm4 =	vlt.s32 v21, $0xC7  }
0x4ed: {  	vm5 =	vgt.s32 v0, v13;
	v21 =	vnsel vm4, $0xC7, v21  }
0x4ee: {  	v30 =	vshll.u32 v21, $0x3;
	v12 =	vnsel vm5, $0x0, v12  }
0x4ef: {  	[tilespmem:v18+s10+$0x0] =	vst.idx.msk $0xffff, v12;
	v12 =	vand.u32 $0xFFFFFC00, v30  }
0x4f0: {  	v18 =	vand.u32 $0x7F, v21;
	v4 =	vld.idx.msk [tilespmem:v4+s2+$0x0], $0xffff;
	v12 =	vadd.s32 v63, v12  }
0x4f1: {  	v21 =	vor.u32 v22, v63;
	v12 =	vor.u32 v18, v12  }
0x4f2: {  	v12 =	vor.u32 $0x200, v12  }
0x4f3: {  	v3 =	vld [tilespmem:$0x1FB30];
	v2 =	vadd.s32 v19, v2  }
0x4f4: {  	vm7 =	vgt.s32 v0, v15;
	vm6 =	vlt.s32 v2, $0xC7  }
0x4f5: {  	v2 =	vnsel vm6, $0xC7, v2;
	v4 =	vnsel vm7, $0x0, v4  }
0x4f6: {  	v45 =	vimm.s32 $0xD;
	v22 =	vld [tilespmem:$0x1FDC0];
	v18 =	vshll.u32 v2, $0x3;
	[tilespmem:v21+s10+$0x0] =	vst.idx.msk $0xffff, v4  }
0x4f7: {  	v4 =	vand.u32 $0xFFFFFC00, v18;
	v18 =	vand.u32 $0x7F, v2;
	v2 =	vperm.xlane v47, v45;
	v12 =	vld.idx.msk [tilespmem:v12+s2+$0x0], $0xffff  }
0x4f8: {  	s30 =	sadd.s32 $0xFFFFFFFE, s16;
	v14 =	vor.u32 v3, v63;
	v3 =	vld [tilespmem:$0x1FB40];
	v4 =	vadd.s32 v63, v4  }
0x4f9: {  	v4 =	vor.u32 v18, v4;
	v18 =	vmov s30;
	v21 =	vadd.s32 v1, v2  }
0x4fa: {  	v4 =	vor.u32 $0x200, v4;
	vm8 =	vlt.s32 v21, $0xC7;
	v18 =	vshrl.u32 v18, $0x3  }
0x4fb: {  	vm9 =	vgt.s32 v0, v17;
	v21 =	vnsel vm8, $0xC7, v21;
	v18 =	vshll.u32 v18, v22  }
0x4fc: {  	v22 =	vnsel vm9, $0x0, v12;
	v12 =	vbroadcast v18, $0x0;
	v18 =	vshll.u32 v21, $0x3  }
0x4fd: {  	[tilespmem:v14+s10+$0x0] =	vst.idx.msk $0xffff, v22;
	v14 =	vand.u32 $0xFFFFFC00, v18;
	v18 =	vand.u32 $0x7F, v21;
	v21 =	vor.u32 v3, v63;
	v3 =	vld [tilespmem:$0x1FFF0];
	_ =	sdelay $0x1  }
0x4fe: {  	v4 =	vld.idx.msk [tilespmem:v4+s2+$0x0], $0xffff;
	v14 =	vadd.s32 v12, v14  }
0x4ff: {  	v14 =	vor.u32 v18, v14  }
0x500: {  	v14 =	vor.u32 $0x280, v14  }
0x501: {  	v18 =	vadd.s32 v3, v2;
	v3 =	vld [tilespmem:$0x1FB50]  }
0x502: {  	vm11 =	vgt.s32 v0, v19;
	vm10 =	vlt.s32 v18, $0xC7  }
0x503: {  	v0 =	vnsel vm11, $0x0, v4;
	v18 =	vnsel vm10, $0xC7, v18  }
0x504: {  	[tilespmem:v21+s10+$0x0] =	vst.idx.msk $0xff, v0;
	v4 =	vshll.u32 v18, $0x3  }
0x505: {  	v0 =	vand.u32 $0xFFFFFC00, v4;
	v4 =	vld.idx.msk [tilespmem:v14+s2+$0x0], $0xffff  }
0x506: {  	v14 =	vand.u32 $0x7F, v18;
	v0 =	vadd.s32 v12, v0;
	v18 =	vor.u32 v3, v12;
	v3 =	vld [tilespmem:$0x1FB60]  }
0x507: {  	v0 =	vor.u32 v14, v0  }
0x508: {  	v21 =	vadd.s32 v5, v2;
	v14 =	vperm.xlane v52, v45;
	v0 =	vor.u32 $0x280, v0  }
0x509: {  	vm12 =	vlt.s32 v21, $0xC7  }
0x50a: {  	v21 =	vnsel vm12, $0xC7, v21;
	vm13 =	vgt.s32 v14, v1  }
0x50b: {  	v22 =	vshll.u32 v21, $0x3;
	v4 =	vnsel vm13, $0x0, v4;
	v20 =	vor.u32 v3, v12;
	v3 =	vld [tilespmem:$0x1FFF0]  }
0x50c: {  	[tilespmem:v18+s10+$0x0] =	vst.idx.msk $0xffff, v4;
	v4 =	vand.u32 $0xFFFFFC00, v22  }
0x50d: {  	v18 =	vand.u32 $0x7F, v21;
	v4 =	vadd.s32 v12, v4;
	v0 =	vld.idx.msk [tilespmem:v0+s2+$0x0], $0xffff  }
0x50e: {  	v4 =	vor.u32 v18, v4  }
0x50f: {  	v18 =	vadd.s32 v6, v2;
	v4 =	vor.u32 $0x280, v4  }
0x510: {  	vm14 =	vlt.s32 v18, $0xC7;
	vm15 =	vgt.s32 v14, v3;
	v3 =	vld [tilespmem:$0x1FB70]  }
0x511: {  	v18 =	vnsel vm14, $0xC7, v18  }
0x512: {  	v21 =	vshll.u32 v18, $0x3;
	v0 =	vnsel vm15, $0x0, v0  }
0x513: {  	[tilespmem:v20+s10+$0x0] =	vst.idx.msk $0xffff, v0;
	v0 =	vand.u32 $0xFFFFFC00, v21  }
0x514: {  	v18 =	vand.u32 $0x7F, v18;
	v4 =	vld.idx.msk [tilespmem:v4+s2+$0x0], $0xffff;
	v0 =	vadd.s32 v12, v0  }
0x515: {  	v20 =	vor.u32 v3, v12;
	v0 =	vor.u32 v18, v0  }
0x516: {  	v18 =	vadd.s32 v7, v2;
	v0 =	vor.u32 $0x280, v0  }
0x517: {  	v3 =	vld [tilespmem:$0x1FB80];
	vm4 =	vlt.s32 v18, $0xC7  }
0x518: {  	vm5 =	vgt.s32 v14, v5;
	v18 =	vnsel vm4, $0xC7, v18  }
0x519: {  	v21 =	vshll.u32 v18, $0x3;
	v4 =	vnsel vm5, $0x0, v4  }
0x51a: {  	[tilespmem:v20+s10+$0x0] =	vst.idx.msk $0xffff, v4;
	v4 =	vand.u32 $0xFFFFFC00, v21  }
0x51b: {  	v18 =	vand.u32 $0x7F, v18;
	v0 =	vld.idx.msk [tilespmem:v0+s2+$0x0], $0xffff;
	v4 =	vadd.s32 v12, v4  }
0x51c: {  	v20 =	vor.u32 v3, v12;
	v4 =	vor.u32 v18, v4  }
0x51d: {  	v18 =	vadd.s32 v8, v2;
	v4 =	vor.u32 $0x280, v4  }
0x51e: {  	v3 =	vld [tilespmem:$0x1FB90];
	vm6 =	vlt.s32 v18, $0xC7  }
0x51f: {  	vm7 =	vgt.s32 v14, v6;
	v18 =	vnsel vm6, $0xC7, v18  }
0x520: {  	v21 =	vshll.u32 v18, $0x3;
	v0 =	vnsel vm7, $0x0, v0  }
0x521: {  	[tilespmem:v20+s10+$0x0] =	vst.idx.msk $0xffff, v0;
	v0 =	vand.u32 $0xFFFFFC00, v21  }
0x522: {  	v18 =	vand.u32 $0x7F, v18;
	v4 =	vld.idx.msk [tilespmem:v4+s2+$0x0], $0xffff;
	v0 =	vadd.s32 v12, v0  }
0x523: {  	v20 =	vor.u32 v3, v12;
	v0 =	vor.u32 v18, v0  }
0x524: {  	v18 =	vadd.s32 v9, v2;
	v0 =	vor.u32 $0x280, v0  }
0x525: {  	v3 =	vld [tilespmem:$0x1FBA0];
	vm8 =	vlt.s32 v18, $0xC7  }
0x526: {  	vm9 =	vgt.s32 v14, v7;
	v18 =	vnsel vm8, $0xC7, v18  }
0x527: {  	v21 =	vshll.u32 v18, $0x3;
	v4 =	vnsel vm9, $0x0, v4  }
0x528: {  	[tilespmem:v20+s10+$0x0] =	vst.idx.msk $0xffff, v4;
	v4 =	vand.u32 $0xFFFFFC00, v21  }
0x529: {  	v18 =	vand.u32 $0x7F, v18;
	v0 =	vld.idx.msk [tilespmem:v0+s2+$0x0], $0xffff;
	v4 =	vadd.s32 v12, v4  }
0x52a: {  	v20 =	vor.u32 v3, v12;
	v4 =	vor.u32 v18, v4  }
0x52b: {  	v18 =	vadd.s32 v10, v2;
	v4 =	vor.u32 $0x280, v4  }
0x52c: {  	v3 =	vld [tilespmem:$0x1FBB0];
	vm10 =	vlt.s32 v18, $0xC7  }
0x52d: {  	vm11 =	vgt.s32 v14, v8;
	v18 =	vnsel vm10, $0xC7, v18  }
0x52e: {  	v21 =	vshll.u32 v18, $0x3;
	v0 =	vnsel vm11, $0x0, v0  }
0x52f: {  	[tilespmem:v20+s10+$0x0] =	vst.idx.msk $0xffff, v0;
	v0 =	vand.u32 $0xFFFFFC00, v21  }
0x530: {  	v18 =	vand.u32 $0x7F, v18;
	v4 =	vld.idx.msk [tilespmem:v4+s2+$0x0], $0xffff;
	v0 =	vadd.s32 v12, v0  }
0x531: {  	v20 =	vor.u32 v3, v12;
	v0 =	vor.u32 v18, v0  }
0x532: {  	v18 =	vadd.s32 v23, v2;
	v0 =	vor.u32 $0x280, v0  }
0x533: {  	vm12 =	vlt.s32 v18, $0xC7  }
0x534: {  	vm13 =	vgt.s32 v14, v9;
	v18 =	vnsel vm12, $0xC7, v18  }
0x535: {  	v21 =	vshll.u32 v18, $0x3;
	v4 =	vnsel vm13, $0x0, v4  }
0x536: {  	[tilespmem:v20+s10+$0x0] =	vst.idx.msk $0xffff, v4;
	v4 =	vand.u32 $0xFFFFFC00, v21  }
0x537: {  	v18 =	vand.u32 $0x7F, v18;
	v0 =	vld.idx.msk [tilespmem:v0+s2+$0x0], $0xffff;
	v4 =	vadd.s32 v12, v4  }
0x538: {  	v20 =	vor.u32 v28, v12;
	v4 =	vor.u32 v18, v4  }
0x539: {  	v18 =	vadd.s32 v13, v2;
	v4 =	vor.u32 $0x280, v4  }
0x53a: {  	v3 =	vld [tilespmem:$0x1FBC0];
	vm14 =	vlt.s32 v18, $0xC7  }
0x53b: {  	vm15 =	vgt.s32 v14, v10;
	v18 =	vnsel vm14, $0xC7, v18  }
0x53c: {  	v21 =	vshll.u32 v18, $0x3;
	v0 =	vnsel vm15, $0x0, v0  }
0x53d: {  	[tilespmem:v20+s10+$0x0] =	vst.idx.msk $0xffff, v0;
	v0 =	vand.u32 $0xFFFFFC00, v21  }
0x53e: {  	v18 =	vand.u32 $0x7F, v18;
	v4 =	vld.idx.msk [tilespmem:v4+s2+$0x0], $0xffff;
	v0 =	vadd.s32 v12, v0  }
0x53f: {  	v20 =	vor.u32 v3, v12;
	v0 =	vor.u32 v18, v0  }
0x540: {  	v18 =	vadd.s32 v15, v2;
	v0 =	vor.u32 $0x280, v0  }
0x541: {  	v3 =	vld [tilespmem:$0x1FBD0];
	vm4 =	vlt.s32 v18, $0xC7  }
0x542: {  	vm5 =	vgt.s32 v14, v23;
	v18 =	vnsel vm4, $0xC7, v18  }
0x543: {  	v21 =	vshll.u32 v18, $0x3;
	v4 =	vnsel vm5, $0x0, v4  }
0x544: {  	[tilespmem:v20+s10+$0x0] =	vst.idx.msk $0xffff, v4;
	v4 =	vand.u32 $0xFFFFFC00, v21  }
0x545: {  	v18 =	vand.u32 $0x7F, v18;
	v0 =	vld.idx.msk [tilespmem:v0+s2+$0x0], $0xffff;
	v4 =	vadd.s32 v12, v4  }
0x546: {  	v20 =	vor.u32 v3, v12;
	v4 =	vor.u32 v18, v4  }
0x547: {  	v18 =	vadd.s32 v17, v2;
	v4 =	vor.u32 $0x280, v4  }
0x548: {  	v3 =	vld [tilespmem:$0x1FBE0];
	vm6 =	vlt.s32 v18, $0xC7  }
0x549: {  	vm7 =	vgt.s32 v14, v13;
	v18 =	vnsel vm6, $0xC7, v18  }
0x54a: {  	v21 =	vshll.u32 v18, $0x3;
	v0 =	vnsel vm7, $0x0, v0  }
0x54b: {  	[tilespmem:v20+s10+$0x0] =	vst.idx.msk $0xffff, v0;
	v0 =	vand.u32 $0xFFFFFC00, v21  }
0x54c: {  	v18 =	vand.u32 $0x7F, v18;
	v4 =	vld.idx.msk [tilespmem:v4+s2+$0x0], $0xffff;
	v0 =	vadd.s32 v12, v0  }
0x54d: {  	v16 =	vor.u32 v3, v12;
	v0 =	vor.u32 v18, v0  }
0x54e: {  	v2 =	vadd.s32 v19, v2;
	v0 =	vor.u32 $0x280, v0  }
0x54f: {  	vm8 =	vlt.s32 v2, $0xC7  }
0x550: {  	vm9 =	vgt.s32 v14, v15;
	v2 =	vnsel vm8, $0xC7, v2  }
0x551: {  	v18 =	vshll.u32 v2, $0x3;
	v4 =	vnsel vm9, $0x0, v4  }
0x552: {  	v54 =	vimm.s32 $0xE;
	v22 =	vld [tilespmem:$0x1FDC0];
	[tilespmem:v16+s10+$0x0] =	vst.idx.msk $0xffff, v4;
	v4 =	vand.u32 $0xFFFFFC00, v18  }
0x553: {  	v16 =	vand.u32 $0x7F, v2;
	v2 =	vperm.xlane v47, v54;
	v0 =	vld.idx.msk [tilespmem:v0+s2+$0x0], $0xffff;
	v4 =	vadd.s32 v12, v4  }
0x554: {  	s31 =	sadd.s32 $0xFFFFFFFF, s16;
	v18 =	vor.u32 v24, v12;
	v4 =	vor.u32 v16, v4  }
0x555: {  	v16 =	vmov s31;
	v20 =	vadd.s32 v1, v2;
	v4 =	vor.u32 $0x280, v4  }
0x556: {  	vm10 =	vlt.s32 v20, $0xC7;
	v16 =	vshrl.u32 v16, $0x3  }
0x557: {  	vm11 =	vgt.s32 v14, v17;
	v3 =	vld [tilespmem:$0x1FFF0];
	v20 =	vnsel vm10, $0xC7, v20;
	v16 =	vshll.u32 v16, v22  }
0x558: {  	v21 =	vnsel vm11, $0x0, v0;
	v0 =	vbroadcast v16, $0x0;
	v16 =	vshll.u32 v20, $0x3  }
0x559: {  	[tilespmem:v18+s10+$0x0] =	vst.idx.msk $0xffff, v21;
	v16 =	vand.u32 $0xFFFFFC00, v16  }
0x55a: {  	v18 =	vand.u32 $0x7F, v20;
	v4 =	vld.idx.msk [tilespmem:v4+s2+$0x0], $0xffff;
	v16 =	vadd.s32 v0, v16  }
0x55b: {  	v12 =	vor.u32 v31, v12;
	v16 =	vor.u32 v18, v16  }
0x55c: {  	v18 =	vadd.s32 v3, v2;
	v16 =	vor.u32 $0x300, v16  }
0x55d: {  	v3 =	vld [tilespmem:$0x1FBF0];
	vm12 =	vlt.s32 v18, $0xC7  }
0x55e: {  	vm13 =	vgt.s32 v14, v19;
	v18 =	vnsel vm12, $0xC7, v18  }
0x55f: {  	v14 =	vshll.u32 v18, $0x3;
	v4 =	vnsel vm13, $0x0, v4  }
0x560: {  	[tilespmem:v12+s10+$0x0] =	vst.idx.msk $0xff, v4;
	v4 =	vand.u32 $0xFFFFFC00, v14  }
0x561: {  	v14 =	vand.u32 $0x7F, v18;
	v12 =	vld.idx.msk [tilespmem:v16+s2+$0x0], $0xffff;
	v4 =	vadd.s32 v0, v4  }
0x562: {  	v16 =	vor.u32 v3, v0;
	v3 =	vld [tilespmem:$0x1FC00];
	v4 =	vor.u32 v14, v4  }
0x563: {  	v18 =	vadd.s32 v5, v2;
	v14 =	vperm.xlane v52, v54;
	v4 =	vor.u32 $0x300, v4  }
0x564: {  	vm14 =	vlt.s32 v18, $0xC7  }
0x565: {  	v18 =	vnsel vm14, $0xC7, v18;
	vm15 =	vgt.s32 v14, v1  }
0x566: {  	v20 =	vshll.u32 v18, $0x3;
	v12 =	vnsel vm15, $0x0, v12  }
0x567: {  	[tilespmem:v16+s10+$0x0] =	vst.idx.msk $0xffff, v12;
	v12 =	vand.u32 $0xFFFFFC00, v20;
	v16 =	vand.u32 $0x7F, v18;
	v18 =	vor.u32 v3, v0;
	v3 =	vld [tilespmem:$0x1FFF0]  }
0x568: {  	v4 =	vld.idx.msk [tilespmem:v4+s2+$0x0], $0xffff;
	v12 =	vadd.s32 v0, v12  }
0x569: {  	v12 =	vor.u32 v16, v12  }
0x56a: {  	v16 =	vadd.s32 v6, v2;
	v12 =	vor.u32 $0x300, v12  }
0x56b: {  	vm4 =	vlt.s32 v16, $0xC7  }
0x56c: {  	v16 =	vnsel vm4, $0xC7, v16;
	vm5 =	vgt.s32 v14, v3  }
0x56d: {  	v20 =	vshll.u32 v16, $0x3;
	v4 =	vnsel vm5, $0x0, v4  }
0x56e: {  	[tilespmem:v18+s10+$0x0] =	vst.idx.msk $0xffff, v4;
	v4 =	vand.u32 $0xFFFFFC00, v20  }
0x56f: {  	v16 =	vand.u32 $0x7F, v16;
	v12 =	vld.idx.msk [tilespmem:v12+s2+$0x0], $0xffff;
	v4 =	vadd.s32 v0, v4  }
0x570: {  	v18 =	vor.u32 v37, v0;
	v4 =	vor.u32 v16, v4  }
0x571: {  	v16 =	vadd.s32 v7, v2;
	v4 =	vor.u32 $0x300, v4  }
0x572: {  	v3 =	vld [tilespmem:$0x1FC10];
	vm6 =	vlt.s32 v16, $0xC7  }
0x573: {  	vm7 =	vgt.s32 v14, v5;
	v16 =	vnsel vm6, $0xC7, v16  }
0x574: {  	v20 =	vshll.u32 v16, $0x3;
	v12 =	vnsel vm7, $0x0, v12  }
0x575: {  	[tilespmem:v18+s10+$0x0] =	vst.idx.msk $0xffff, v12;
	v12 =	vand.u32 $0xFFFFFC00, v20  }
0x576: {  	v16 =	vand.u32 $0x7F, v16;
	v4 =	vld.idx.msk [tilespmem:v4+s2+$0x0], $0xffff;
	v12 =	vadd.s32 v0, v12  }
0x577: {  	v18 =	vor.u32 v3, v0;
	v12 =	vor.u32 v16, v12  }
0x578: {  	v16 =	vadd.s32 v8, v2;
	v12 =	vor.u32 $0x300, v12  }
0x579: {  	v3 =	vld [tilespmem:$0x1FC20];
	vm8 =	vlt.s32 v16, $0xC7  }
0x57a: {  	vm9 =	vgt.s32 v14, v6;
	v16 =	vnsel vm8, $0xC7, v16  }
0x57b: {  	v20 =	vshll.u32 v16, $0x3;
	v4 =	vnsel vm9, $0x0, v4  }
0x57c: {  	[tilespmem:v18+s10+$0x0] =	vst.idx.msk $0xffff, v4;
	v4 =	vand.u32 $0xFFFFFC00, v20  }
0x57d: {  	v16 =	vand.u32 $0x7F, v16;
	v12 =	vld.idx.msk [tilespmem:v12+s2+$0x0], $0xffff;
	v4 =	vadd.s32 v0, v4  }
0x57e: {  	v18 =	vor.u32 v3, v0;
	v4 =	vor.u32 v16, v4  }
0x57f: {  	v16 =	vadd.s32 v9, v2;
	v4 =	vor.u32 $0x300, v4  }
0x580: {  	v3 =	vld [tilespmem:$0x1FC30];
	vm10 =	vlt.s32 v16, $0xC7  }
0x581: {  	vm11 =	vgt.s32 v14, v7;
	v16 =	vnsel vm10, $0xC7, v16  }
0x582: {  	v20 =	vshll.u32 v16, $0x3;
	v12 =	vnsel vm11, $0x0, v12  }
0x583: {  	[tilespmem:v18+s10+$0x0] =	vst.idx.msk $0xffff, v12;
	v12 =	vand.u32 $0xFFFFFC00, v20  }
0x584: {  	v16 =	vand.u32 $0x7F, v16;
	v4 =	vld.idx.msk [tilespmem:v4+s2+$0x0], $0xffff;
	v12 =	vadd.s32 v0, v12  }
0x585: {  	v18 =	vor.u32 v3, v0;
	v12 =	vor.u32 v16, v12  }
0x586: {  	v16 =	vadd.s32 v10, v2;
	v12 =	vor.u32 $0x300, v12  }
0x587: {  	v3 =	vld [tilespmem:$0x1FC40];
	vm12 =	vlt.s32 v16, $0xC7  }
0x588: {  	vm13 =	vgt.s32 v14, v8;
	v16 =	vnsel vm12, $0xC7, v16  }
0x589: {  	v20 =	vshll.u32 v16, $0x3;
	v4 =	vnsel vm13, $0x0, v4  }
0x58a: {  	[tilespmem:v18+s10+$0x0] =	vst.idx.msk $0xffff, v4;
	v4 =	vand.u32 $0xFFFFFC00, v20  }
0x58b: {  	v16 =	vand.u32 $0x7F, v16;
	v12 =	vld.idx.msk [tilespmem:v12+s2+$0x0], $0xffff;
	v4 =	vadd.s32 v0, v4  }
0x58c: {  	v18 =	vor.u32 v3, v0;
	v4 =	vor.u32 v16, v4  }
0x58d: {  	v16 =	vadd.s32 v23, v2;
	v4 =	vor.u32 $0x300, v4  }
0x58e: {  	v3 =	vld [tilespmem:$0x1FC50];
	vm14 =	vlt.s32 v16, $0xC7  }
0x58f: {  	vm15 =	vgt.s32 v14, v9;
	v16 =	vnsel vm14, $0xC7, v16  }
0x590: {  	v20 =	vshll.u32 v16, $0x3;
	v12 =	vnsel vm15, $0x0, v12  }
0x591: {  	[tilespmem:v18+s10+$0x0] =	vst.idx.msk $0xffff, v12;
	v12 =	vand.u32 $0xFFFFFC00, v20  }
0x592: {  	v16 =	vand.u32 $0x7F, v16;
	v4 =	vld.idx.msk [tilespmem:v4+s2+$0x0], $0xffff;
	v12 =	vadd.s32 v0, v12  }
0x593: {  	v18 =	vor.u32 v3, v0;
	v12 =	vor.u32 v16, v12  }
0x594: {  	v16 =	vadd.s32 v13, v2;
	v12 =	vor.u32 $0x300, v12  }
0x595: {  	v3 =	vld [tilespmem:$0x1FC60];
	vm4 =	vlt.s32 v16, $0xC7  }
0x596: {  	vm5 =	vgt.s32 v14, v10;
	v16 =	vnsel vm4, $0xC7, v16  }
0x597: {  	v20 =	vshll.u32 v16, $0x3;
	v4 =	vnsel vm5, $0x0, v4  }
0x598: {  	[tilespmem:v18+s10+$0x0] =	vst.idx.msk $0xffff, v4;
	v4 =	vand.u32 $0xFFFFFC00, v20  }
0x599: {  	v16 =	vand.u32 $0x7F, v16;
	v12 =	vld.idx.msk [tilespmem:v12+s2+$0x0], $0xffff;
	v4 =	vadd.s32 v0, v4  }
0x59a: {  	v18 =	vor.u32 v3, v0;
	v4 =	vor.u32 v16, v4  }
0x59b: {  	v16 =	vadd.s32 v15, v2;
	v4 =	vor.u32 $0x300, v4  }
0x59c: {  	v3 =	vld [tilespmem:$0x1FC70];
	vm6 =	vlt.s32 v16, $0xC7  }
0x59d: {  	vm7 =	vgt.s32 v14, v23;
	v16 =	vnsel vm6, $0xC7, v16  }
0x59e: {  	v20 =	vshll.u32 v16, $0x3;
	v12 =	vnsel vm7, $0x0, v12  }
0x59f: {  	[tilespmem:v18+s10+$0x0] =	vst.idx.msk $0xffff, v12;
	v12 =	vand.u32 $0xFFFFFC00, v20  }
0x5a0: {  	v16 =	vand.u32 $0x7F, v16;
	v4 =	vld.idx.msk [tilespmem:v4+s2+$0x0], $0xffff;
	v12 =	vadd.s32 v0, v12  }
0x5a1: {  	v18 =	vor.u32 v3, v0;
	v12 =	vor.u32 v16, v12  }
0x5a2: {  	v16 =	vadd.s32 v17, v2;
	v12 =	vor.u32 $0x300, v12  }
0x5a3: {  	v3 =	vld [tilespmem:$0x1FC80];
	vm8 =	vlt.s32 v16, $0xC7  }
0x5a4: {  	vm9 =	vgt.s32 v14, v13;
	v16 =	vnsel vm8, $0xC7, v16  }
0x5a5: {  	v20 =	vshll.u32 v16, $0x3;
	v4 =	vnsel vm9, $0x0, v4  }
0x5a6: {  	[tilespmem:v18+s10+$0x0] =	vst.idx.msk $0xffff, v4;
	v4 =	vand.u32 $0xFFFFFC00, v20  }
0x5a7: {  	v16 =	vand.u32 $0x7F, v16;
	v12 =	vld.idx.msk [tilespmem:v12+s2+$0x0], $0xffff;
	v4 =	vadd.s32 v0, v4  }
0x5a8: {  	v18 =	vor.u32 v3, v0;
	v4 =	vor.u32 v16, v4  }
0x5a9: {  	v4 =	vor.u32 $0x300, v4  }
0x5aa: {  	v2 =	vadd.s32 v19, v2;
	v3 =	vld [tilespmem:$0x1FC90]  }
0x5ab: {  	vm11 =	vgt.s32 v14, v15;
	vm10 =	vlt.s32 v2, $0xC7  }
0x5ac: {  	v2 =	vnsel vm10, $0xC7, v2;
	v12 =	vnsel vm11, $0x0, v12  }
0x5ad: {  	v16 =	vshll.u32 v2, $0x3;
	[tilespmem:v18+s10+$0x0] =	vst.idx.msk $0xffff, v12  }
0x5ae: {  	v55 =	vimm.s32 $0xF;
	v12 =	vand.u32 $0xFFFFFC00, v16;
	v4 =	vld.idx.msk [tilespmem:v4+s2+$0x0], $0xffff  }
0x5af: {  	v16 =	vand.u32 $0x7F, v2;
	v2 =	vperm.xlane v47, v55;
	v18 =	vor.u32 v3, v0  }
0x5b0: {  	v12 =	vadd.s32 v0, v12  }
0x5b1: {  	vm13 =	vgt.s32 v14, v17;
	v12 =	vor.u32 v16, v12;
	v20 =	vadd.s32 v1, v2  }
0x5b2: {  	v16 =	vor.u32 $0x300, v12;
	v12 =	vmov s16;
	vm12 =	vlt.s32 v20, $0xC7  }
0x5b3: {  	v3 =	vld [tilespmem:$0x1FCA0];
	v12 =	vshrl.u32 v12, $0x3;
	v20 =	vnsel vm12, $0xC7, v20;
	v4 =	vnsel vm13, $0x0, v4  }
0x5b4: {  	v12 =	vshll.u32 v12, v22;
	v21 =	vshll.u32 v20, $0x3;
	[tilespmem:v18+s10+$0x0] =	vst.idx.msk $0xffff, v4;
	v18 =	vand.u32 $0x7F, v20;
	v20 =	vld [tilespmem:$0x1FFF0]  }
0x5b5: {  	v12 =	vbroadcast v12, $0x0  }
0x5b6: {  	v4 =	vand.u32 $0xFFFFFC00, v21  }
0x5b7: {  	v16 =	vld.idx.msk [tilespmem:v16+s2+$0x0], $0xffff;
	v4 =	vadd.s32 v12, v4  }
0x5b8: {  	v0 =	vor.u32 v3, v0;
	v4 =	vor.u32 v18, v4  }
0x5b9: {  	v4 =	vor.u32 $0x380, v4;
	v18 =	vadd.s32 v20, v2  }
0x5ba: {  	vm14 =	vlt.s32 v18, $0xC7  }
0x5bb: {  	vm15 =	vgt.s32 v14, v19;
	v18 =	vnsel vm14, $0xC7, v18  }
0x5bc: {  	v14 =	vnsel vm15, $0x0, v16;
	v16 =	vshll.u32 v18, $0x3  }
0x5bd: {  	[tilespmem:v0+s10+$0x0] =	vst.idx.msk $0xff, v14;
	v0 =	vand.u32 $0xFFFFFC00, v16  }
0x5be: {  	v4 =	vld.idx.msk [tilespmem:v4+s2+$0x0], $0xffff;
	v14 =	vand.u32 $0x7F, v18;
	v0 =	vadd.s32 v12, v0  }
0x5bf: {  	v16 =	vor.u32 v29, v12;
	v14 =	vor.u32 v14, v0  }
0x5c0: {  	v0 =	vperm.xlane v52, v55;
	v3 =	vor.u32 $0x380, v14;
	v14 =	vadd.s32 v5, v2  }
0x5c1: {  	v11 =	vld [tilespmem:$0x1FCB0];
	vm4 =	vlt.s32 v14, $0xC7  }
0x5c2: {  	vm5 =	vgt.s32 v0, v1;
	v14 =	vnsel vm4, $0xC7, v14  }
0x5c3: {  	v4 =	vnsel vm5, $0x0, v4;
	v18 =	vshll.u32 v14, $0x3  }
0x5c4: {  	[tilespmem:v16+s10+$0x0] =	vst.idx.msk $0xffff, v4;
	v4 =	vand.u32 $0xFFFFFC00, v18  }
0x5c5: {  	v14 =	vand.u32 $0x7F, v14;
	v3 =	vld.idx.msk [tilespmem:v3+s2+$0x0], $0xffff;
	v4 =	vadd.s32 v12, v4  }
0x5c6: {  	v16 =	vor.u32 v11, v12;
	v4 =	vor.u32 v14, v4  }
0x5c7: {  	v14 =	vadd.s32 v6, v2;
	v4 =	vor.u32 $0x380, v4  }
0x5c8: {  	v11 =	vld [tilespmem:$0x1FCC0];
	vm6 =	vlt.s32 v14, $0xC7  }
0x5c9: {  	vm7 =	vgt.s32 v0, v20;
	v14 =	vnsel vm6, $0xC7, v14  }
0x5ca: {  	v18 =	vshll.u32 v14, $0x3;
	v3 =	vnsel vm7, $0x0, v3  }
0x5cb: {  	[tilespmem:v16+s10+$0x0] =	vst.idx.msk $0xffff, v3;
	v3 =	vand.u32 $0xFFFFFC00, v18  }
0x5cc: {  	v14 =	vand.u32 $0x7F, v14;
	v4 =	vld.idx.msk [tilespmem:v4+s2+$0x0], $0xffff;
	v3 =	vadd.s32 v12, v3  }
0x5cd: {  	v16 =	vor.u32 v11, v12;
	v3 =	vor.u32 v14, v3  }
0x5ce: {  	v14 =	vadd.s32 v7, v2;
	v3 =	vor.u32 $0x380, v3  }
0x5cf: {  	v11 =	vld [tilespmem:$0x1FCD0];
	vm8 =	vlt.s32 v14, $0xC7  }
0x5d0: {  	vm9 =	vgt.s32 v0, v5;
	v14 =	vnsel vm8, $0xC7, v14  }
0x5d1: {  	v18 =	vshll.u32 v14, $0x3;
	v4 =	vnsel vm9, $0x0, v4  }
0x5d2: {  	[tilespmem:v16+s10+$0x0] =	vst.idx.msk $0xffff, v4;
	v4 =	vand.u32 $0xFFFFFC00, v18  }
0x5d3: {  	v14 =	vand.u32 $0x7F, v14;
	v3 =	vld.idx.msk [tilespmem:v3+s2+$0x0], $0xffff;
	v4 =	vadd.s32 v12, v4  }
0x5d4: {  	v16 =	vor.u32 v11, v12;
	v4 =	vor.u32 v14, v4  }
0x5d5: {  	v14 =	vadd.s32 v8, v2;
	v4 =	vor.u32 $0x380, v4  }
0x5d6: {  	v11 =	vld [tilespmem:$0x1FCE0];
	vm10 =	vlt.s32 v14, $0xC7  }
0x5d7: {  	vm11 =	vgt.s32 v0, v6;
	v14 =	vnsel vm10, $0xC7, v14  }
0x5d8: {  	v18 =	vshll.u32 v14, $0x3;
	v3 =	vnsel vm11, $0x0, v3  }
0x5d9: {  	[tilespmem:v16+s10+$0x0] =	vst.idx.msk $0xffff, v3;
	v3 =	vand.u32 $0xFFFFFC00, v18  }
0x5da: {  	v14 =	vand.u32 $0x7F, v14;
	v4 =	vld.idx.msk [tilespmem:v4+s2+$0x0], $0xffff;
	v3 =	vadd.s32 v12, v3  }
0x5db: {  	v16 =	vor.u32 v11, v12;
	v3 =	vor.u32 v14, v3  }
0x5dc: {  	v14 =	vadd.s32 v9, v2;
	v3 =	vor.u32 $0x380, v3  }
0x5dd: {  	v11 =	vld [tilespmem:$0x1FCF0];
	vm12 =	vlt.s32 v14, $0xC7  }
0x5de: {  	vm13 =	vgt.s32 v0, v7;
	v14 =	vnsel vm12, $0xC7, v14  }
0x5df: {  	v18 =	vshll.u32 v14, $0x3;
	v4 =	vnsel vm13, $0x0, v4  }
0x5e0: {  	[tilespmem:v16+s10+$0x0] =	vst.idx.msk $0xffff, v4;
	v4 =	vand.u32 $0xFFFFFC00, v18  }
0x5e1: {  	v14 =	vand.u32 $0x7F, v14;
	v3 =	vld.idx.msk [tilespmem:v3+s2+$0x0], $0xffff;
	v4 =	vadd.s32 v12, v4  }
0x5e2: {  	v16 =	vor.u32 v11, v12;
	v4 =	vor.u32 v14, v4  }
0x5e3: {  	v14 =	vadd.s32 v10, v2;
	v4 =	vor.u32 $0x380, v4  }
0x5e4: {  	v11 =	vld [tilespmem:$0x1FD00];
	vm14 =	vlt.s32 v14, $0xC7  }
0x5e5: {  	vm15 =	vgt.s32 v0, v8;
	v14 =	vnsel vm14, $0xC7, v14  }
0x5e6: {  	v18 =	vshll.u32 v14, $0x3;
	v3 =	vnsel vm15, $0x0, v3  }
0x5e7: {  	[tilespmem:v16+s10+$0x0] =	vst.idx.msk $0xffff, v3;
	v3 =	vand.u32 $0xFFFFFC00, v18  }
0x5e8: {  	v14 =	vand.u32 $0x7F, v14;
	v4 =	vld.idx.msk [tilespmem:v4+s2+$0x0], $0xffff;
	v3 =	vadd.s32 v12, v3  }
0x5e9: {  	v16 =	vor.u32 v11, v12;
	v3 =	vor.u32 v14, v3  }
0x5ea: {  	v14 =	vadd.s32 v23, v2;
	v3 =	vor.u32 $0x380, v3  }
0x5eb: {  	vm4 =	vlt.s32 v14, $0xC7  }
0x5ec: {  	vm5 =	vgt.s32 v0, v9;
	v14 =	vnsel vm4, $0xC7, v14  }
0x5ed: {  	v18 =	vshll.u32 v14, $0x3;
	v4 =	vnsel vm5, $0x0, v4  }
0x5ee: {  	[tilespmem:v16+s10+$0x0] =	vst.idx.msk $0xffff, v4;
	v4 =	vand.u32 $0xFFFFFC00, v18  }
0x5ef: {  	v14 =	vand.u32 $0x7F, v14;
	v3 =	vld.idx.msk [tilespmem:v3+s2+$0x0], $0xffff;
	v4 =	vadd.s32 v12, v4  }
0x5f0: {  	v16 =	vor.u32 v25, v12;
	v4 =	vor.u32 v14, v4  }
0x5f1: {  	v14 =	vadd.s32 v13, v2;
	v4 =	vor.u32 $0x380, v4  }
0x5f2: {  	v26 =	vld [tilespmem:$0x1FDF0];
	vm6 =	vlt.s32 v14, $0xC7  }
0x5f3: {  	v38 =	vld [tilespmem:$0x1FE30];
	vm7 =	vgt.s32 v0, v10;
	v14 =	vnsel vm6, $0xC7, v14  }
0x5f4: {  	v39 =	vld [tilespmem:$0x1FE80];
	v18 =	vshll.u32 v14, $0x3;
	v3 =	vnsel vm7, $0x0, v3  }
0x5f5: {  	v49 =	vld [tilespmem:$0x1FDE0];
	[tilespmem:v16+s10+$0x0] =	vst.idx.msk $0xffff, v3;
	v3 =	vand.u32 $0xFFFFFC00, v18  }
0x5f6: {  	v14 =	vand.u32 $0x7F, v14;
	v4 =	vld.idx.msk [tilespmem:v4+s2+$0x0], $0xffff;
	v3 =	vadd.s32 v12, v3  }
0x5f7: {  	v50 =	vld [tilespmem:$0x1FED0];
	v16 =	vor.u32 v32, v12;
	v3 =	vor.u32 v14, v3  }
0x5f8: {  	v48 =	vld [tilespmem:$0x1FF00];
	v14 =	vadd.s32 v15, v2;
	v3 =	vor.u32 $0x380, v3  }
0x5f9: {  	v51 =	vld [tilespmem:$0x1FF30];
	vm8 =	vlt.s32 v14, $0xC7  }
0x5fa: {  	v56 =	vld [tilespmem:$0x1FF80];
	vm9 =	vgt.s32 v0, v23;
	v14 =	vnsel vm8, $0xC7, v14  }
0x5fb: {  	v57 =	vld [tilespmem:$0x1FEF0];
	v18 =	vshll.u32 v14, $0x3;
	v4 =	vnsel vm9, $0x0, v4  }
0x5fc: {  	v58 =	vld [tilespmem:$0x1FF90];
	[tilespmem:v16+s10+$0x0] =	vst.idx.msk $0xffff, v4;
	v4 =	vand.u32 $0xFFFFFC00, v18  }
0x5fd: {  	v14 =	vand.u32 $0x7F, v14;
	v3 =	vld.idx.msk [tilespmem:v3+s2+$0x0], $0xffff;
	v4 =	vadd.s32 v12, v4  }
0x5fe: {  	v59 =	vld [tilespmem:$0x1FE00];
	v16 =	vor.u32 v35, v12;
	v4 =	vor.u32 v14, v4  }
0x5ff: {  	v61 =	vld [tilespmem:$0x1FE20];
	v14 =	vadd.s32 v17, v2;
	v4 =	vor.u32 $0x380, v4  }
0x600: {  	v33 =	vld [tilespmem:$0x1FDD0];
	vm10 =	vlt.s32 v14, $0xC7  }
0x601: {  	v62 =	vld [tilespmem:$0x1FE10];
	vm11 =	vgt.s32 v0, v13;
	v14 =	vnsel vm10, $0xC7, v14  }
0x602: {  	v40 =	vld [tilespmem:$0x1FE90];
	v18 =	vshll.u32 v14, $0x3;
	v3 =	vnsel vm11, $0x0, v3  }
0x603: {  	v41 =	vld [tilespmem:$0x1FEA0];
	[tilespmem:v16+s10+$0x0] =	vst.idx.msk $0xffff, v3;
	v3 =	vand.u32 $0xFFFFFC00, v18  }
0x604: {  	v14 =	vand.u32 $0x7F, v14;
	v4 =	vld.idx.msk [tilespmem:v4+s2+$0x0], $0xffff;
	v3 =	vadd.s32 v12, v3  }
0x605: {  	v42 =	vld [tilespmem:$0x1FEB0];
	v16 =	vor.u32 v60, v12;
	v3 =	vor.u32 v14, v3  }
0x606: {  	v44 =	vld [tilespmem:$0x1FE50];
	v2 =	vadd.s32 v19, v2;
	v3 =	vor.u32 $0x380, v3  }
0x607: {  	v43 =	vld [tilespmem:$0x1FEC0];
	vm12 =	vlt.s32 v2, $0xC7  }
0x608: {  	v53 =	vld [tilespmem:$0x1FF50];
	vm13 =	vgt.s32 v0, v15;
	v2 =	vnsel vm12, $0xC7, v2  }
0x609: {  	v63 =	vld [tilespmem:$0x1FE70];
	v14 =	vshll.u32 v2, $0x3;
	v4 =	vnsel vm13, $0x0, v4  }
0x60a: {  	v45 =	vld [tilespmem:$0x1FE60];
	[tilespmem:v16+s10+$0x0] =	vst.idx.msk $0xffff, v4;
	v4 =	vand.u32 $0xFFFFFC00, v14  }
0x60b: {  	v2 =	vand.u32 $0x7F, v2;
	v3 =	vld.idx.msk [tilespmem:v3+s2+$0x0], $0xffff;
	v4 =	vadd.s32 v12, v4  }
0x60c: {  	v24 =	vld [tilespmem:$0x1FE40];
	v2 =	vor.u32 v2, v4;
	v4 =	vor.u32 v27, v12  }
0x60d: {  	v31 =	vld [tilespmem:$0x1FF20];
	v2 =	vor.u32 $0x380, v2  }
0x60e: {  	v54 =	vld [tilespmem:$0x1FF60]  }
0x60f: {  	v47 =	vld [tilespmem:$0x1FEE0];
	vm14 =	vgt.s32 v0, v17  }
0x610: {  	v29 =	vld [tilespmem:$0x1FF10];
	v3 =	vnsel vm14, $0x0, v3  }
0x611: {  	v52 =	vld [tilespmem:$0x1FF40];
	[tilespmem:v4+s10+$0x0] =	vst.idx.msk $0xffff, v3  }
0x612: {  	v2 =	vld.idx.msk [tilespmem:v2+s2+$0x0], $0xffff  }
0x613: {  	p0 =	sne.s32 s16, $0x7F;
	v55 =	vld [tilespmem:$0x1FF70];
	v3 =	vor.u32 v46, v12  }
.Ltmp0:
0x614: {  	v25 =	vld [tilespmem:$0x1FFA0];
	(pc) =	sbr.rel @p0 .LBB2_3-.Ltmp0, $4  }
0x615: {  	v36 =	vmov v13;
	v13 =	vld [tilespmem:$0x1FFC0]  }
0x616: {  	vm15 =	vgt.s32 v0, v19;
	v32 =	vld [tilespmem:$0x1FFE0]  }
0x617: {  	v30 =	vmov v15;
	v28 =	vimm.s32 $0x1;
	v35 =	vld [tilespmem:$0x1FFB0];
	v0 =	vnsel vm15, $0x0, v2  }
0x618: {  	s18 =	sadd.s32 $0x10, s18;
	s17 =	sadd.s32 $0x10, s17;
	v37 =	vimm.s32 $0x2;
	s16 =	sadd.s32 $0x10, s16;
	v21 =	vimm.s32 $0x3;
	v11 =	vmovc v23;
	v23 =	vmovc v19;
	v14 =	vld [tilespmem:$0x1FFD0];
	v4 =	vimm.s32 $0x0;
	[tilespmem:v3+s10+$0x0] =	vst.idx.msk $0xff, v0  }
0x619: {  	s14 =	sadd.s32 $0x1, s14  }
0x61a: {  	p0 =	sne.s32 s14, $0x4  }
.Ltmp1:
0x61b: {  	s15 =	sadd.s32 s4, s15;
	(pc) =	sbr.rel @p0 .LBB2_2-.Ltmp1, $4  }
0x61c: {  	[hbm4b:s15+s2] =	stream.linear.scatter [tilespmem:s10], [sflag:$0x1], $0x8000, $0x38;
	[tilespmem:$0x10400] =	vst v63  }
0x61d: {  	_ =	swait.ge [sflag:s8], $0x8000  }
0x61e: {  	[sflag:s8] =	ssyncset.done $0x0  }
0x61f: {  	s12 =	sadd.s32 $0x80, s12;
	s13 =	sadd.s32 $0x80, s13;
	[sflag:s8] =	ssyncadd.s32 $0xFFFF8000  }
0x620: {  	s11 =	sadd.s32 $0x1, s11  }
0x621: {  	p0 =	sne.s32 s11, s7  }
.Ltmp2:
0x622: {  	_ = 	snop;
	(pc) =	sbr.rel @p0 .LBB2_1-.Ltmp2, $1  }
0x623: {  	_ =	sdelay $0x3  }
0x624: {  	_ =	sfence.sel $0x180000  }
0x625: {  	[bflag:$0x0] =	sbarrier.arrive $0xFFFF  }
0x626: {  	p0 =	sne.s32 s1, $0x0;
	_ =	strace $0x90000047  }
0x627: {  	s0 =	sadd.s32 @!p0 $0x100000, s0;
	[bflag:$0x2] =	sbarrier.arrive $0xFFFF  }
0x628: {  	[sflag:s0] =	ssyncadd.tile.s32 @!p0 $0x1;
	_ =	shalt  }
.Lfunc_end2:
_tile_overlayer_lowered:
.L_overlay_start_2:
0x629: {  	(tag) =	ssettag $0x2  }
0x62a: {  	s0 =	rddreg [dreg:$0x0];
	s2 =	stileid.u32  }
0x62b: {  	s1 =	rddreg [dreg:$0x1];
	p0 =	sne.s32 s2, $0x0  }
0x62c: {  	s3 =	rddreg [dreg:$0x2];
	[bflag:$0x3] =	sbarrier.arrive $0xFFFF;
	s2 =	simm.s32 @!p0 $0x1C01  }
0x62d: {  	[timem:s3], [sflag:s2] =	dma.local @!p0 [hbm:s0], s1  }
0x62e: {  	s0 =	simm.s32 @!p0 $0x1  }
0x62f: {  	_ =	swait.ge @!p0 [sflag:s0], s1  }
0x630: {  	s1 =	ssub.s32 @!p0 $0x0, s1;
	[sflag:s0] =	ssyncset.done @!p0 $0x0  }
0x631: {  	[sflag:s0] =	ssyncadd.s32 @!p0 s1  }
0x632: {  	[bflag:$0x3] =	sbarrier.arrive $0xFFFF  }
0x633: {  	_ =	shalt  }

</sc_bundles>
